<compile_context>
chip_gen: v7x
topology: tpu7x:2x2x1
jax: 0.10.2.dev20260603
libtpu: 0.0.44.dev20260713+nightly
codegen_flags: <defaults>
</compile_context>

<pallas_src>
import functools

import numpy as np
import jax
import jax.numpy as jnp
from jax import lax
from jax.experimental import pallas as pl
from jax.experimental.pallas import tpu as pltpu
from jax.experimental.pallas import tpu_sc as plsc

NC = 2
NS = 16
NW = NC * NS
B = 128
NQ = 4


def _cdiv(a, b):
    return (a + b - 1) // b


def _pack_perm(d):
    perm = np.empty((d,), np.int32)
    for m in range(d // 32):
        for i in range(16):
            perm[32 * m + 2 * i] = 32 * m + i
            perm[32 * m + 2 * i + 1] = 32 * m + 16 + i
    return perm


def _zero_vmem(ref, rows, cols):
    z = jnp.zeros((16,), jnp.float32)

    def body(r, carry):
        for m in range(cols // 16):
            ref[r, pl.ds(16 * m, 16)] = z
        return carry

    lax.fori_loop(0, rows, body, 0)


def _sc_degrees(edx, n_pad):
    nb = edx.shape[1]
    rpt = n_pad // NS
    hpt = rpt // 2
    mesh = plsc.VectorSubcoreMesh(core_axis_name="c", subcore_axis_name="s")

    @functools.partial(
        pl.kernel,
        out_type=jax.ShapeDtypeStruct((NC * 2 * n_pad,), jnp.float32),
        mesh=mesh,
        scratch_types=[
            pltpu.VMEM((nb, 2, B), jnp.int32),
            pltpu.VMEM((B,), jnp.float32),
            pltpu.VMEM((hpt,), jnp.float32),
            pltpu.VMEM_SHARED((n_pad,), jnp.float32),
            pltpu.VMEM_SHARED((n_pad,), jnp.float32),
        ],
        compiler_params=pltpu.CompilerParams(use_tc_tiling_on_sc=False),
    )
    def k(edx_h, out_h, exv, ones_v, dr_v, dego_sh, degi_sh):
        c = lax.axis_index("c")
        s = lax.axis_index("s")
        wid = s * NC + c
        r0 = s * rpt
        def zb(r, carry):
            dr_v[pl.ds(16 * r, 16)] = jnp.zeros((16,), jnp.float32)
            return carry

        lax.fori_loop(0, hpt // 16, zb, 0)
        for i in range(B // 16):
            ones_v[pl.ds(i * 16, 16)] = jnp.ones((16,), jnp.float32)
        for sh in (dego_sh, degi_sh):
            for half in range(2):
                pltpu.sync_copy(dr_v, sh.at[pl.ds(r0 + half * hpt, hpt)])
        pltpu.sync_copy(edx_h.at[wid], exv)
        plsc.subcore_barrier()

        def body(j, carry):
            pltpu.sync_copy(ones_v, dego_sh.at[exv.at[j, 0]], add=True)
            pltpu.sync_copy(ones_v, degi_sh.at[exv.at[j, 1]], add=True)
            return carry

        lax.fori_loop(0, nb, body, 0)
        plsc.subcore_barrier()
        for t, sh in enumerate((dego_sh, degi_sh)):
            base = (c * 2 + t) * n_pad + r0
            for half in range(2):
                pltpu.sync_copy(sh.at[pl.ds(r0 + half * hpt, hpt)], dr_v)
                pltpu.sync_copy(dr_v, out_h.at[pl.ds(base + half * hpt, hpt)])

    return k(edx)


def _sc_aggregate(h_bf, edx, n_pad, d):
    nb = edx.shape[1]
    rpt = n_pad // NS
    qpt = rpt // NQ
    mesh = plsc.VectorSubcoreMesh(core_axis_name="c", subcore_axis_name="s")

    @functools.partial(
        pl.kernel,
        out_type=jax.ShapeDtypeStruct((NC, n_pad, d), jnp.bfloat16),
        mesh=mesh,
        scratch_types=[
            pltpu.VMEM((nb, 2, B), jnp.int32),
            pltpu.VMEM((B, d), jnp.bfloat16),
            pltpu.VMEM((B, d), jnp.float32),
            pltpu.VMEM((B, d), jnp.float32),
            pltpu.VMEM((qpt, d), jnp.float32),
            pltpu.VMEM((qpt, d), jnp.bfloat16),
            pltpu.VMEM_SHARED((n_pad, d), jnp.bfloat16),
            pltpu.VMEM_SHARED((n_pad, d), jnp.float32),
            pltpu.SemaphoreType.DMA,
        ],
        compiler_params=pltpu.CompilerParams(
            use_tc_tiling_on_sc=False,
            needs_layout_passes=False,
        ),
    )
    def k(h_h, edx_h, out_h, exv, rbf_v, rows0_v, rows1_v, dr_v, drb_v,
          tab_sh, acc_sh, sem):
        c = lax.axis_index("c")
        s = lax.axis_index("s")
        wid = s * NC + c
        r0 = s * rpt
        for q in range(NQ):
            rq = r0 + q * qpt
            pltpu.sync_copy(h_h.at[pl.ds(rq, qpt)], drb_v)
            pltpu.sync_copy(drb_v, tab_sh.at[pl.ds(rq, qpt)])
        _zero_vmem(dr_v, qpt, d)
        for q in range(NQ):
            pltpu.sync_copy(dr_v, acc_sh.at[pl.ds(r0 + q * qpt, qpt)])
        pltpu.sync_copy(edx_h.at[wid], exv)
        plsc.subcore_barrier()

        def gather_unpack(j, rows_v):
            pltpu.sync_copy(tab_sh.at[exv.at[j, 0]], rbf_v)

            @plsc.parallel_loop(0, B, unroll=8)
            def conv(r):
                for m in range(d // 32):
                    u = rbf_v[r, pl.ds(32 * m, 32)]
                    a, b = plsc.unpack(u, format=plsc.PackFormat.INTERLEAVED)
                    rows_v[r, pl.ds(32 * m, 16)] = a
                    rows_v[r, pl.ds(32 * m + 16, 16)] = b

        gather_unpack(0, rows0_v)
        pltpu.async_copy(rows0_v, acc_sh.at[exv.at[0, 1]], sem, add=True)

        def body(jj, carry):
            j = jj * 2 + 1
            gather_unpack(j, rows1_v)
            pltpu.make_async_copy(
                rows0_v, acc_sh.at[exv.at[j - 1, 1]], sem).wait()
            pltpu.async_copy(rows1_v, acc_sh.at[exv.at[j, 1]], sem, add=True)
            gather_unpack(j + 1, rows0_v)
            pltpu.make_async_copy(
                rows1_v, acc_sh.at[exv.at[j, 1]], sem).wait()
            pltpu.async_copy(rows0_v, acc_sh.at[exv.at[j + 1, 1]], sem,
                             add=True)
            return carry

        lax.fori_loop(0, (nb - 1) // 2, body, 0)
        last = ((nb - 1) // 2) * 2
        if nb % 2 == 0:
            j = nb - 1
            gather_unpack(j, rows1_v)
            pltpu.make_async_copy(
                rows0_v, acc_sh.at[exv.at[last, 1]], sem).wait()
            pltpu.async_copy(rows1_v, acc_sh.at[exv.at[j, 1]], sem, add=True)
            pltpu.make_async_copy(
                rows1_v, acc_sh.at[exv.at[j, 1]], sem).wait()
        else:
            pltpu.make_async_copy(
                rows0_v, acc_sh.at[exv.at[last, 1]], sem).wait()
        plsc.subcore_barrier()
        for q in range(NQ):
            rq = r0 + q * qpt
            pltpu.sync_copy(acc_sh.at[pl.ds(rq, qpt)], dr_v)

            def conv(r, carry):
                for m in range(d // 32):
                    a = dr_v[r, pl.ds(32 * m, 16)]
                    b = dr_v[r, pl.ds(32 * m + 16, 16)]
                    drb_v[r, pl.ds(32 * m, 32)] = plsc.pack(
                        a, b, format=plsc.PackFormat.INTERLEAVED)
                return carry

            lax.fori_loop(0, qpt, conv, 0)
            pltpu.sync_copy(drb_v, out_h.at[c, pl.ds(rq, qpt)])

    return k(h_bf, edx)


def _tc_matmul1(x_pad, w1p, n_pad, hid):

    def body(x_ref, w_ref, p_ref):
        p_ref[...] = jnp.dot(x_ref[...], w_ref[...],
                             preferred_element_type=jnp.float32)

    return pl.pallas_call(
        body,
        out_shape=jax.ShapeDtypeStruct((n_pad, hid), jnp.float32),
    )(x_pad, w1p)


def _tc_stage1(p1, dp4, n_pad, hid):

    def body(p_ref, dp_ref, ha_ref, hb_ref, dego_ref, degi_ref):
        do_ = jnp.maximum(dp_ref[0, 0] + dp_ref[1, 0], 1.0)
        di_ = jnp.maximum(dp_ref[0, 1] + dp_ref[1, 1], 1.0)
        dego = lax.rsqrt(do_)
        degi = lax.rsqrt(di_)
        dego_ref[...] = dego
        degi_ref[...] = degi
        h = p_ref[...] * dego
        ha_ref[...] = h[:, : hid // 2].astype(jnp.bfloat16)
        hb_ref[...] = h[:, hid // 2:].astype(jnp.bfloat16)

    return pl.pallas_call(
        body,
        out_shape=(
            jax.ShapeDtypeStruct((n_pad, hid // 2), jnp.bfloat16),
            jax.ShapeDtypeStruct((n_pad, hid // 2), jnp.bfloat16),
            jax.ShapeDtypeStruct((n_pad, 1), jnp.float32),
            jax.ShapeDtypeStruct((n_pad, 1), jnp.float32),
        ),
    )(p1, dp4)


def _tc_stage2(a1a, a1b, dego, degi, w2p, n_pad, hid, hid2):

    def body(aa_ref, ab_ref, dego_ref, degi_ref, w_ref, m_ref):
        def half(ref):
            a = ref[0].astype(jnp.float32) + ref[1].astype(jnp.float32)
            h = a * degi_ref[...]
            h = jnp.where(h >= 0, h, 0.01 * h)
            return h * dego_ref[...]

        ha = half(aa_ref)
        hb = half(ab_ref)
        m_ref[...] = (
            jnp.dot(ha, w_ref[: hid // 2], preferred_element_type=jnp.float32)
            + jnp.dot(hb, w_ref[hid // 2:], preferred_element_type=jnp.float32)
        ).astype(jnp.bfloat16)

    return pl.pallas_call(
        body,
        out_shape=jax.ShapeDtypeStruct((n_pad, hid2), jnp.bfloat16),
    )(a1a, a1b, dego, degi, w2p)


def _tc_stage3(a2, degi, wlp, bl, wc, n):

    def body(a_ref, degi_ref, wl_ref, bl_ref, wc_ref, o_ref):
        a = a_ref[0].astype(jnp.float32) + a_ref[1].astype(jnp.float32)
        h = a * degi_ref[...]
        h = jnp.where(h >= 0, h, 0.01 * h)
        s = jnp.sum(h, axis=0, keepdims=True) * jnp.float32(1.0 / n)
        p = lax.dot_general(s, wl_ref[...], (((1,), (1,)), ((), ())),
                            preferred_element_type=jnp.float32) + bl_ref[...]
        o_ref[...] = lax.dot_general(p, wc_ref[...], (((1,), (1,)), ((), ())),
                                     preferred_element_type=jnp.float32)

    return pl.pallas_call(
        body,
        out_shape=jax.ShapeDtypeStruct((1, wc.shape[0]), jnp.float32),
    )(a2, degi, wlp, bl, wc)


def kernel(features, edge_index, W1, W2, Wl, bl, Wc):
    n, din = features.shape
    e = edge_index.shape[1]
    hid = W1.shape[1]
    hid2 = W2.shape[1]
    n_pad = _cdiv(n, NS * 16) * NS * 16
    nb = _cdiv(e, NW * B)
    e_pad = NW * nb * B

    src = edge_index[0].astype(jnp.int32)
    dst = edge_index[1].astype(jnp.int32)
    padi = jnp.full((e_pad - e,), n, jnp.int32)
    src3 = jnp.concatenate([src, padi]).reshape(NW, nb, B)
    dst3 = jnp.concatenate([dst, padi]).reshape(NW, nb, B)
    edx = jnp.stack([src3, dst3], axis=2)
    x_pad = jnp.concatenate(
        [features, jnp.zeros((n_pad - n, din), jnp.float32)])
    p64 = jnp.asarray(_pack_perm(hid2))
    p128 = jnp.concatenate([p64, hid2 + p64])
    w1p = W1[:, p128]
    w2p = W2[p128][:, p64]
    wlp = Wl[:, p64]

    dp = _sc_degrees(edx, n_pad).reshape(NC, 2, n_pad, 1)
    p1 = _tc_matmul1(x_pad, w1p, n_pad, hid)
    h1a, h1b, dego, degi = _tc_stage1(p1, dp, n_pad, hid)
    a1a = _sc_aggregate(h1a, edx, n_pad, hid2)
    a1b = _sc_aggregate(h1b, edx, n_pad, hid2)
    m2 = _tc_stage2(a1a, a1b, dego, degi, w2p, n_pad, hid, hid2)
    a2 = _sc_aggregate(m2, edx, n_pad, hid2)
    return _tc_stage3(a2, degi, wlp, bl, Wc, n)

# --- scband reference (transcript-rebuilt; emitter-appended) ---
"""Pipeline reference for scband-graph-mesh2-conv-classifier-8117488190083 (READ-ONLY COPY).

The authoritative reference and input builder live on the scoring server;
editing this copy changes nothing except your own understanding.
"""

import jax, jax.numpy as jnp
import numpy as np

N_NODES = 10000
N_EDGES = 320000
IN_DIM = 128
HIDDEN = 128
OUT_DIM = 16


def setup_inputs(seed: int = 0) -> dict:
    key = jax.random.key(seed)
    k1, k2, k3, k4, k5, k6, k7 = jax.random.split(key, 7)
    features = jax.random.normal(k1, (N_NODES, IN_DIM), dtype=jnp.float32)
    edge_index = jax.random.randint(k2, (2, N_EDGES), 0, N_NODES, dtype=jnp.int64)
    # GraphConv weights are shape (in, out), applied as x @ W (kaiming-uniform style)
    def kaiming_u(k, fan_in, shape):
        gain = np.sqrt(2.0 / (1.0 + 0.01 ** 2))
        bound = gain * np.sqrt(3.0 / fan_in)
        return jax.random.uniform(k, shape, dtype=jnp.float32, minval=-bound, maxval=bound)
    def xavier_u(k, fan_in, fan_out, shape):
        bound = np.sqrt(6.0 / (fan_in + fan_out))
        return jax.random.uniform(k, shape, dtype=jnp.float32, minval=-bound, maxval=bound)
    W1 = kaiming_u(k3, IN_DIM, (IN_DIM, HIDDEN))
    W2 = kaiming_u(k4, HIDDEN, (HIDDEN, HIDDEN // 2))
    # nn.Linear weight shape (out, in)
    Wl = xavier_u(k5, HIDDEN // 2, HIDDEN // 4, (HIDDEN // 4, HIDDEN // 2))
    bl = jnp.zeros((HIDDEN // 4,), dtype=jnp.float32)
    Wc = xavier_u(k6, HIDDEN // 4, OUT_DIM, (OUT_DIM, HIDDEN // 4))
    return {"features": features, "edge_index": edge_index, "W1": W1, "W2": W2, "Wl": Wl, "bl": bl, "Wc": Wc}


def _leaky_relu(x):
    return jnp.where(x >= 0, x, 0.01 * x)


def _graph_conv(x, W, src, dst, deg_out_isqrt, deg_in_isqrt, n_nodes):
    # DGL GraphConv with norm='both', bias=False
    h = x * deg_out_isqrt[:, None]
    h = h @ W
    agg = jax.ops.segment_sum(h[src], dst, num_segments=n_nodes)
    return agg * deg_in_isqrt[:, None]


def reference(features, edge_index, W1, W2, Wl, bl, Wc):
    src = edge_index[0]
    dst = edge_index[1]
    n = features.shape[0]
    ones = jnp.ones((edge_index.shape[1],), dtype=jnp.float32)
    deg_out = jnp.clip(jax.ops.segment_sum(ones, src, num_segments=n), 1.0, None)
    deg_in = jnp.clip(jax.ops.segment_sum(ones, dst, num_segments=n), 1.0, None)
    deg_out_isqrt = deg_out ** -0.5
    deg_in_isqrt = deg_in ** -0.5

    h = _graph_conv(features, W1, src, dst, deg_out_isqrt, deg_in_isqrt, n)
    h = _leaky_relu(h)
    h = _graph_conv(h, W2, src, dst, deg_out_isqrt, deg_in_isqrt, n)
    h = _leaky_relu(h)
    h = h @ Wl.T + bl
    # dropout is identity in eval mode
    pooled = jnp.mean(h, axis=0, keepdims=True)  # dgl.mean_nodes over single graph
    out = pooled @ Wc.T
    return out

if __name__ == "__main__":
    import jax
    _d = setup_inputs()
    print(jax.jit(kernel)(*tuple(_d.values())))

</pallas_src>

<mosaic_0001>
#map = affine_map<(d0, d1) -> (0, 0, 0, 0)>
#map1 = affine_map<(d0, d1) -> (0)>
module attributes {stable_mosaic.version = 14 : i64} {
  func.func @k(%arg0: i32, %arg1: i32, %arg2: memref<32x79x2x128xi32, #tpu.memory_space<hbm>>, %arg3: memref<40960xf32, #tpu.memory_space<hbm>>, %arg4: memref<79x2x128xi32, #tpu.memory_space<vmem>>, %arg5: memref<128xf32, #tpu.memory_space<vmem>>, %arg6: memref<320xf32, #tpu.memory_space<vmem>>, %arg7: memref<10240xf32, #tpu.memory_space<vmem_shared>>, %arg8: memref<10240xf32, #tpu.memory_space<vmem_shared>>) attributes {dimension_semantics = [#tpu.dimension_semantics<core_parallel>, #tpu.dimension_semantics<subcore_parallel>], iteration_bounds = array<i64: 2, 16>, scalar_prefetch = 0 : i64, scratch_operands = 5 : i64, tpu.core_type = #tpu.core_type<sc_vector_subcore>, window_params = [{transform_indices = #map}, {transform_indices = #map1}]} {
    %mul3A = arith.constant 2 : i32
    %mul3A_0 = arith.muli %arg1, %mul3A : i32
    %add3A = arith.addi %mul3A_0, %arg0 : i32
    %mul3A_1 = arith.constant 640 : i32
    %mul3A_2 = arith.muli %arg1, %mul3A_1 : i32
    %scan3A = arith.constant 0 : i32
    %scan3A_3 = arith.constant 0 : i32
    %scan3A_4 = arith.constant 20 : i32
    %scan3A_5 = arith.addi %scan3A_3, %scan3A_4 : i32
    %scan3A_6 = arith.constant 1 : i32
    scf.for %scan3A_99 = %scan3A_3 to %scan3A_5 step %scan3A_6  : i32 {
      %broadcast_in_dim3A_100 = arith.constant 0.000000e+00 : f32
      %broadcast_in_dim3A_101 = vector.broadcast %broadcast_in_dim3A_100 : f32 to vector<16xf32>
      %mul3A_102 = arith.constant 16 : i32
      %mul3A_103 = arith.muli %mul3A_102, %scan3A_99 : i32
      %swap3A_104 = arith.index_cast %mul3A_103 : i32 to index
      %swap3A_105 = tpu.vector_load %arg6[%swap3A_104] {strides = array<i32>} : memref<320xf32, #tpu.memory_space<vmem>>, vector<16xf32>,
      %swap3A_106 = vector.shape_cast %swap3A_105 : vector<16xf32> to vector<16xf32>
      %swap3A_107 = vector.shape_cast %broadcast_in_dim3A_101 : vector<16xf32> to vector<16xf32>
      tpu.vector_store %arg6[%swap3A_104], %swap3A_107 {strides = array<i32>} : memref<320xf32, #tpu.memory_space<vmem>>, vector<16xf32>,
    }
    %scan3A_7 = arith.constant 20 : i32
    %broadcast_in_dim3A = arith.constant 1.000000e+00 : f32
    %broadcast_in_dim3A_8 = vector.broadcast %broadcast_in_dim3A : f32 to vector<16xf32>
    %swap3A = arith.constant 0 : index
    %swap3A_9 = tpu.vector_load %arg5[%swap3A] {strides = array<i32>} : memref<128xf32, #tpu.memory_space<vmem>>, vector<16xf32>,
    %swap3A_10 = vector.shape_cast %swap3A_9 : vector<16xf32> to vector<16xf32>
    %swap3A_11 = vector.shape_cast %broadcast_in_dim3A_8 : vector<16xf32> to vector<16xf32>
    tpu.vector_store %arg5[%swap3A], %swap3A_11 {strides = array<i32>} : memref<128xf32, #tpu.memory_space<vmem>>, vector<16xf32>,
    %broadcast_in_dim3A_12 = arith.constant 1.000000e+00 : f32
    %broadcast_in_dim3A_13 = vector.broadcast %broadcast_in_dim3A_12 : f32 to vector<16xf32>
    %swap3A_14 = arith.constant 16 : index
    %swap3A_15 = tpu.vector_load %arg5[%swap3A_14] {strides = array<i32>} : memref<128xf32, #tpu.memory_space<vmem>>, vector<16xf32>,
    %swap3A_16 = vector.shape_cast %swap3A_15 : vector<16xf32> to vector<16xf32>
    %swap3A_17 = vector.shape_cast %broadcast_in_dim3A_13 : vector<16xf32> to vector<16xf32>
    tpu.vector_store %arg5[%swap3A_14], %swap3A_17 {strides = array<i32>} : memref<128xf32, #tpu.memory_space<vmem>>, vector<16xf32>,
    %broadcast_in_dim3A_18 = arith.constant 1.000000e+00 : f32
    %broadcast_in_dim3A_19 = vector.broadcast %broadcast_in_dim3A_18 : f32 to vector<16xf32>
    %swap3A_20 = arith.constant 32 : index
    %swap3A_21 = tpu.vector_load %arg5[%swap3A_20] {strides = array<i32>} : memref<128xf32, #tpu.memory_space<vmem>>, vector<16xf32>,
    %swap3A_22 = vector.shape_cast %swap3A_21 : vector<16xf32> to vector<16xf32>
    %swap3A_23 = vector.shape_cast %broadcast_in_dim3A_19 : vector<16xf32> to vector<16xf32>
    tpu.vector_store %arg5[%swap3A_20], %swap3A_23 {strides = array<i32>} : memref<128xf32, #tpu.memory_space<vmem>>, vector<16xf32>,
    %broadcast_in_dim3A_24 = arith.constant 1.000000e+00 : f32
    %broadcast_in_dim3A_25 = vector.broadcast %broadcast_in_dim3A_24 : f32 to vector<16xf32>
    %swap3A_26 = arith.constant 48 : index
    %swap3A_27 = tpu.vector_load %arg5[%swap3A_26] {strides = array<i32>} : memref<128xf32, #tpu.memory_space<vmem>>, vector<16xf32>,
    %swap3A_28 = vector.shape_cast %swap3A_27 : vector<16xf32> to vector<16xf32>
    %swap3A_29 = vector.shape_cast %broadcast_in_dim3A_25 : vector<16xf32> to vector<16xf32>
    tpu.vector_store %arg5[%swap3A_26], %swap3A_29 {strides = array<i32>} : memref<128xf32, #tpu.memory_space<vmem>>, vector<16xf32>,
    %broadcast_in_dim3A_30 = arith.constant 1.000000e+00 : f32
    %broadcast_in_dim3A_31 = vector.broadcast %broadcast_in_dim3A_30 : f32 to vector<16xf32>
    %swap3A_32 = arith.constant 64 : index
    %swap3A_33 = tpu.vector_load %arg5[%swap3A_32] {strides = array<i32>} : memref<128xf32, #tpu.memory_space<vmem>>, vector<16xf32>,
    %swap3A_34 = vector.shape_cast %swap3A_33 : vector<16xf32> to vector<16xf32>
    %swap3A_35 = vector.shape_cast %broadcast_in_dim3A_31 : vector<16xf32> to vector<16xf32>
    tpu.vector_store %arg5[%swap3A_32], %swap3A_35 {strides = array<i32>} : memref<128xf32, #tpu.memory_space<vmem>>, vector<16xf32>,
    %broadcast_in_dim3A_36 = arith.constant 1.000000e+00 : f32
    %broadcast_in_dim3A_37 = vector.broadcast %broadcast_in_dim3A_36 : f32 to vector<16xf32>
    %swap3A_38 = arith.constant 80 : index
    %swap3A_39 = tpu.vector_load %arg5[%swap3A_38] {strides = array<i32>} : memref<128xf32, #tpu.memory_space<vmem>>, vector<16xf32>,
    %swap3A_40 = vector.shape_cast %swap3A_39 : vector<16xf32> to vector<16xf32>
    %swap3A_41 = vector.shape_cast %broadcast_in_dim3A_37 : vector<16xf32> to vector<16xf32>
    tpu.vector_store %arg5[%swap3A_38], %swap3A_41 {strides = array<i32>} : memref<128xf32, #tpu.memory_space<vmem>>, vector<16xf32>,
    %broadcast_in_dim3A_42 = arith.constant 1.000000e+00 : f32
    %broadcast_in_dim3A_43 = vector.broadcast %broadcast_in_dim3A_42 : f32 to vector<16xf32>
    %swap3A_44 = arith.constant 96 : index
    %swap3A_45 = tpu.vector_load %arg5[%swap3A_44] {strides = array<i32>} : memref<128xf32, #tpu.memory_space<vmem>>, vector<16xf32>,
    %swap3A_46 = vector.shape_cast %swap3A_45 : vector<16xf32> to vector<16xf32>
    %swap3A_47 = vector.shape_cast %broadcast_in_dim3A_43 : vector<16xf32> to vector<16xf32>
    tpu.vector_store %arg5[%swap3A_44], %swap3A_47 {strides = array<i32>} : memref<128xf32, #tpu.memory_space<vmem>>, vector<16xf32>,
    %broadcast_in_dim3A_48 = arith.constant 1.000000e+00 : f32
    %broadcast_in_dim3A_49 = vector.broadcast %broadcast_in_dim3A_48 : f32 to vector<16xf32>
    %swap3A_50 = arith.constant 112 : index
    %swap3A_51 = tpu.vector_load %arg5[%swap3A_50] {strides = array<i32>} : memref<128xf32, #tpu.memory_space<vmem>>, vector<16xf32>,
    %swap3A_52 = vector.shape_cast %swap3A_51 : vector<16xf32> to vector<16xf32>
    %swap3A_53 = vector.shape_cast %broadcast_in_dim3A_49 : vector<16xf32> to vector<16xf32>
    tpu.vector_store %arg5[%swap3A_50], %swap3A_53 {strides = array<i32>} : memref<128xf32, #tpu.memory_space<vmem>>, vector<16xf32>,
    %add3A_54 = arith.constant 0 : i32
    %add3A_55 = arith.addi %mul3A_2, %add3A_54 : i32
    "tpu.region"() ({
      %run_scoped3A = tpu.sem_alloc : memref<!tpu.dma_semaphore, #tpu.memory_space<semaphore_mem>>
      %dma_start3A = tpu.memref_slice %arg7[%add3A_55] : memref<10240xf32, #tpu.memory_space<vmem_shared>> -> memref<320xf32, #tpu.memory_space<vmem_shared>>
      %dma_start3A_99 = tpu.memref_slice %arg7[%add3A_55] : memref<10240xf32, #tpu.memory_space<vmem_shared>> -> memref<320xf32, #tpu.memory_space<vmem_shared>>
      tpu.enqueue_dma source(%arg6 : memref<320xf32, #tpu.memory_space<vmem>>) target(%dma_start3A_99 : memref<320xf32, #tpu.memory_space<vmem_shared>>) target_semaphore(%run_scoped3A : memref<!tpu.dma_semaphore, #tpu.memory_space<semaphore_mem>>)
      %dma_wait3A = tpu.memref_slice %arg7[%add3A_55] : memref<10240xf32, #tpu.memory_space<vmem_shared>> -> memref<320xf32, #tpu.memory_space<vmem_shared>>
      %dma_wait3A_100 = tpu.memref_slice %arg7[%add3A_55] : memref<10240xf32, #tpu.memory_space<vmem_shared>> -> memref<320xf32, #tpu.memory_space<vmem_shared>>
      tpu.wait_dma2 semaphore(%run_scoped3A : memref<!tpu.dma_semaphore, #tpu.memory_space<semaphore_mem>>) src(%arg6 : memref<320xf32, #tpu.memory_space<vmem>>) dst(%dma_wait3A_100 : memref<320xf32, #tpu.memory_space<vmem_shared>>)
      tpu.yield
    }) : () -> ()
    %add3A_56 = arith.constant 320 : i32
    %add3A_57 = arith.addi %mul3A_2, %add3A_56 : i32
    "tpu.region"() ({
      %run_scoped3A = tpu.sem_alloc : memref<!tpu.dma_semaphore, #tpu.memory_space<semaphore_mem>>
      %dma_start3A = tpu.memref_slice %arg7[%add3A_57] : memref<10240xf32, #tpu.memory_space<vmem_shared>> -> memref<320xf32, #tpu.memory_space<vmem_shared>>
      %dma_start3A_99 = tpu.memref_slice %arg7[%add3A_57] : memref<10240xf32, #tpu.memory_space<vmem_shared>> -> memref<320xf32, #tpu.memory_space<vmem_shared>>
      tpu.enqueue_dma source(%arg6 : memref<320xf32, #tpu.memory_space<vmem>>) target(%dma_start3A_99 : memref<320xf32, #tpu.memory_space<vmem_shared>>) target_semaphore(%run_scoped3A : memref<!tpu.dma_semaphore, #tpu.memory_space<semaphore_mem>>)
      %dma_wait3A = tpu.memref_slice %arg7[%add3A_57] : memref<10240xf32, #tpu.memory_space<vmem_shared>> -> memref<320xf32, #tpu.memory_space<vmem_shared>>
      %dma_wait3A_100 = tpu.memref_slice %arg7[%add3A_57] : memref<10240xf32, #tpu.memory_space<vmem_shared>> -> memref<320xf32, #tpu.memory_space<vmem_shared>>
      tpu.wait_dma2 semaphore(%run_scoped3A : memref<!tpu.dma_semaphore, #tpu.memory_space<semaphore_mem>>) src(%arg6 : memref<320xf32, #tpu.memory_space<vmem>>) dst(%dma_wait3A_100 : memref<320xf32, #tpu.memory_space<vmem_shared>>)
      tpu.yield
    }) : () -> ()
    %add3A_58 = arith.constant 0 : i32
    %add3A_59 = arith.addi %mul3A_2, %add3A_58 : i32
    "tpu.region"() ({
      %run_scoped3A = tpu.sem_alloc : memref<!tpu.dma_semaphore, #tpu.memory_space<semaphore_mem>>
      %dma_start3A = tpu.memref_slice %arg8[%add3A_59] : memref<10240xf32, #tpu.memory_space<vmem_shared>> -> memref<320xf32, #tpu.memory_space<vmem_shared>>
      %dma_start3A_99 = tpu.memref_slice %arg8[%add3A_59] : memref<10240xf32, #tpu.memory_space<vmem_shared>> -> memref<320xf32, #tpu.memory_space<vmem_shared>>
      tpu.enqueue_dma source(%arg6 : memref<320xf32, #tpu.memory_space<vmem>>) target(%dma_start3A_99 : memref<320xf32, #tpu.memory_space<vmem_shared>>) target_semaphore(%run_scoped3A : memref<!tpu.dma_semaphore, #tpu.memory_space<semaphore_mem>>)
      %dma_wait3A = tpu.memref_slice %arg8[%add3A_59] : memref<10240xf32, #tpu.memory_space<vmem_shared>> -> memref<320xf32, #tpu.memory_space<vmem_shared>>
      %dma_wait3A_100 = tpu.memref_slice %arg8[%add3A_59] : memref<10240xf32, #tpu.memory_space<vmem_shared>> -> memref<320xf32, #tpu.memory_space<vmem_shared>>
      tpu.wait_dma2 semaphore(%run_scoped3A : memref<!tpu.dma_semaphore, #tpu.memory_space<semaphore_mem>>) src(%arg6 : memref<320xf32, #tpu.memory_space<vmem>>) dst(%dma_wait3A_100 : memref<320xf32, #tpu.memory_space<vmem_shared>>)
      tpu.yield
    }) : () -> ()
    %add3A_60 = arith.constant 320 : i32
    %add3A_61 = arith.addi %mul3A_2, %add3A_60 : i32
    "tpu.region"() ({
      %run_scoped3A = tpu.sem_alloc : memref<!tpu.dma_semaphore, #tpu.memory_space<semaphore_mem>>
      %dma_start3A = tpu.memref_slice %arg8[%add3A_61] : memref<10240xf32, #tpu.memory_space<vmem_shared>> -> memref<320xf32, #tpu.memory_space<vmem_shared>>
      %dma_start3A_99 = tpu.memref_slice %arg8[%add3A_61] : memref<10240xf32, #tpu.memory_space<vmem_shared>> -> memref<320xf32, #tpu.memory_space<vmem_shared>>
      tpu.enqueue_dma source(%arg6 : memref<320xf32, #tpu.memory_space<vmem>>) target(%dma_start3A_99 : memref<320xf32, #tpu.memory_space<vmem_shared>>) target_semaphore(%run_scoped3A : memref<!tpu.dma_semaphore, #tpu.memory_space<semaphore_mem>>)
      %dma_wait3A = tpu.memref_slice %arg8[%add3A_61] : memref<10240xf32, #tpu.memory_space<vmem_shared>> -> memref<320xf32, #tpu.memory_space<vmem_shared>>
      %dma_wait3A_100 = tpu.memref_slice %arg8[%add3A_61] : memref<10240xf32, #tpu.memory_space<vmem_shared>> -> memref<320xf32, #tpu.memory_space<vmem_shared>>
      tpu.wait_dma2 semaphore(%run_scoped3A : memref<!tpu.dma_semaphore, #tpu.memory_space<semaphore_mem>>) src(%arg6 : memref<320xf32, #tpu.memory_space<vmem>>) dst(%dma_wait3A_100 : memref<320xf32, #tpu.memory_space<vmem_shared>>)
      tpu.yield
    }) : () -> ()
    "tpu.region"() ({
      %run_scoped3A = tpu.sem_alloc : memref<!tpu.dma_semaphore, #tpu.memory_space<semaphore_mem>>
      %dma_start3A = arith.constant 0 : i32
      %dma_start3A_99 = arith.constant 0 : i32
      %dma_start3A_100 = arith.constant 0 : i32
      %dma_start3A_101 = tpu.memref_slice %arg2[%add3A, %dma_start3A, %dma_start3A_99, %dma_start3A_100] : memref<32x79x2x128xi32, #tpu.memory_space<hbm>> -> memref<1x79x2x128xi32, #tpu.memory_space<hbm>>
      %dma_start3A_102 = tpu.memref_squeeze %dma_start3A_101 : memref<1x79x2x128xi32, #tpu.memory_space<hbm>> -> memref<79x2x128xi32, #tpu.memory_space<hbm>>
      %dma_start3A_103 = arith.constant 0 : i32
      %dma_start3A_104 = arith.constant 0 : i32
      %dma_start3A_105 = arith.constant 0 : i32
      %dma_start3A_106 = tpu.memref_slice %arg2[%add3A, %dma_start3A_103, %dma_start3A_104, %dma_start3A_105] : memref<32x79x2x128xi32, #tpu.memory_space<hbm>> -> memref<1x79x2x128xi32, #tpu.memory_space<hbm>>
      %dma_start3A_107 = tpu.memref_squeeze %dma_start3A_106 : memref<1x79x2x128xi32, #tpu.memory_space<hbm>> -> memref<79x2x128xi32, #tpu.memory_space<hbm>>
      tpu.enqueue_dma source(%dma_start3A_107 : memref<79x2x128xi32, #tpu.memory_space<hbm>>) target(%arg4 : memref<79x2x128xi32, #tpu.memory_space<vmem>>) target_semaphore(%run_scoped3A : memref<!tpu.dma_semaphore, #tpu.memory_space<semaphore_mem>>)
      %dma_wait3A = arith.constant 0 : i32
      %dma_wait3A_108 = arith.constant 0 : i32
      %dma_wait3A_109 = arith.constant 0 : i32
      %dma_wait3A_110 = tpu.memref_slice %arg2[%add3A, %dma_wait3A, %dma_wait3A_108, %dma_wait3A_109] : memref<32x79x2x128xi32, #tpu.memory_space<hbm>> -> memref<1x79x2x128xi32, #tpu.memory_space<hbm>>
      %dma_wait3A_111 = tpu.memref_squeeze %dma_wait3A_110 : memref<1x79x2x128xi32, #tpu.memory_space<hbm>> -> memref<79x2x128xi32, #tpu.memory_space<hbm>>
      %dma_wait3A_112 = arith.constant 0 : i32
      %dma_wait3A_113 = arith.constant 0 : i32
      %dma_wait3A_114 = arith.constant 0 : i32
      %dma_wait3A_115 = tpu.memref_slice %arg2[%add3A, %dma_wait3A_112, %dma_wait3A_113, %dma_wait3A_114] : memref<32x79x2x128xi32, #tpu.memory_space<hbm>> -> memref<1x79x2x128xi32, #tpu.memory_space<hbm>>
      %dma_wait3A_116 = tpu.memref_squeeze %dma_wait3A_115 : memref<1x79x2x128xi32, #tpu.memory_space<hbm>> -> memref<79x2x128xi32, #tpu.memory_space<hbm>>
      tpu.wait_dma2 semaphore(%run_scoped3A : memref<!tpu.dma_semaphore, #tpu.memory_space<semaphore_mem>>) src(%dma_wait3A_116 : memref<79x2x128xi32, #tpu.memory_space<hbm>>) dst(%arg4 : memref<79x2x128xi32, #tpu.memory_space<vmem>>)
      tpu.yield
    }) : () -> ()
    %barrier3A = arith.constant 0 : index
    tpu.barrier barrier_id(%barrier3A)
    %scan3A_62 = arith.constant 0 : i32
    %scan3A_63 = arith.constant 0 : i32
    %scan3A_64 = arith.constant 79 : i32
    %scan3A_65 = arith.addi %scan3A_63, %scan3A_64 : i32
    %scan3A_66 = arith.constant 1 : i32
    scf.for %scan3A_99 = %scan3A_63 to %scan3A_65 step %scan3A_66  : i32 {
      %run_scoped3A = arith.constant 0 : i32
      "tpu.region"() ({
        %run_scoped3A_101 = tpu.sem_alloc : memref<!tpu.dma_semaphore, #tpu.memory_space<semaphore_mem>>
        %dma_start3A = arith.constant 0 : i32
        %dma_start3A_102 = tpu.memref_slice %arg4[%scan3A_99, %run_scoped3A, %dma_start3A] : memref<79x2x128xi32, #tpu.memory_space<vmem>> -> memref<1x1x128xi32, #tpu.memory_space<vmem>>
        %dma_start3A_103 = tpu.memref_squeeze %dma_start3A_102 : memref<1x1x128xi32, #tpu.memory_space<vmem>> -> memref<128xi32, #tpu.memory_space<vmem>>
        %dma_start3A_104 = arith.constant 0 : i32
        %dma_start3A_105 = tpu.memref_slice %arg7[%dma_start3A_104] : memref<10240xf32, #tpu.memory_space<vmem_shared>> -> memref<10240xf32, #tpu.memory_space<vmem_shared>>
        tpu.enqueue_indirect_dma source(%arg5 : memref<128xf32, #tpu.memory_space<vmem>>) target(%dma_start3A_105 : memref<10240xf32, #tpu.memory_space<vmem_shared>>) offsets(%dma_start3A_103 : memref<128xi32, #tpu.memory_space<vmem>>) semaphore(%run_scoped3A_101 : memref<!tpu.dma_semaphore, #tpu.memory_space<semaphore_mem>>) {add = true}
        %dma_wait3A = arith.constant 0 : i32
        %dma_wait3A_106 = tpu.memref_slice %arg4[%scan3A_99, %run_scoped3A, %dma_wait3A] : memref<79x2x128xi32, #tpu.memory_space<vmem>> -> memref<1x1x128xi32, #tpu.memory_space<vmem>>
        %dma_wait3A_107 = tpu.memref_squeeze %dma_wait3A_106 : memref<1x1x128xi32, #tpu.memory_space<vmem>> -> memref<128xi32, #tpu.memory_space<vmem>>
        %dma_wait3A_108 = arith.constant 0 : i32
        %dma_wait3A_109 = tpu.memref_slice %arg7[%dma_wait3A_108] : memref<10240xf32, #tpu.memory_space<vmem_shared>> -> memref<10240xf32, #tpu.memory_space<vmem_shared>>
        tpu.wait_indirect_dma semaphore(%run_scoped3A_101 : memref<!tpu.dma_semaphore, #tpu.memory_space<semaphore_mem>>) src(%arg5 : memref<128xf32, #tpu.memory_space<vmem>>) dst(%dma_wait3A_109 : memref<10240xf32, #tpu.memory_space<vmem_shared>>)
        tpu.yield
      }) : () -> ()
      %run_scoped3A_100 = arith.constant 1 : i32
      "tpu.region"() ({
        %run_scoped3A_101 = tpu.sem_alloc : memref<!tpu.dma_semaphore, #tpu.memory_space<semaphore_mem>>
        %dma_start3A = arith.constant 0 : i32
        %dma_start3A_102 = tpu.memref_slice %arg4[%scan3A_99, %run_scoped3A_100, %dma_start3A] : memref<79x2x128xi32, #tpu.memory_space<vmem>> -> memref<1x1x128xi32, #tpu.memory_space<vmem>>
        %dma_start3A_103 = tpu.memref_squeeze %dma_start3A_102 : memref<1x1x128xi32, #tpu.memory_space<vmem>> -> memref<128xi32, #tpu.memory_space<vmem>>
        %dma_start3A_104 = arith.constant 0 : i32
        %dma_start3A_105 = tpu.memref_slice %arg8[%dma_start3A_104] : memref<10240xf32, #tpu.memory_space<vmem_shared>> -> memref<10240xf32, #tpu.memory_space<vmem_shared>>
        tpu.enqueue_indirect_dma source(%arg5 : memref<128xf32, #tpu.memory_space<vmem>>) target(%dma_start3A_105 : memref<10240xf32, #tpu.memory_space<vmem_shared>>) offsets(%dma_start3A_103 : memref<128xi32, #tpu.memory_space<vmem>>) semaphore(%run_scoped3A_101 : memref<!tpu.dma_semaphore, #tpu.memory_space<semaphore_mem>>) {add = true}
        %dma_wait3A = arith.constant 0 : i32
        %dma_wait3A_106 = tpu.memref_slice %arg4[%scan3A_99, %run_scoped3A_100, %dma_wait3A] : memref<79x2x128xi32, #tpu.memory_space<vmem>> -> memref<1x1x128xi32, #tpu.memory_space<vmem>>
        %dma_wait3A_107 = tpu.memref_squeeze %dma_wait3A_106 : memref<1x1x128xi32, #tpu.memory_space<vmem>> -> memref<128xi32, #tpu.memory_space<vmem>>
        %dma_wait3A_108 = arith.constant 0 : i32
        %dma_wait3A_109 = tpu.memref_slice %arg8[%dma_wait3A_108] : memref<10240xf32, #tpu.memory_space<vmem_shared>> -> memref<10240xf32, #tpu.memory_space<vmem_shared>>
        tpu.wait_indirect_dma semaphore(%run_scoped3A_101 : memref<!tpu.dma_semaphore, #tpu.memory_space<semaphore_mem>>) src(%arg5 : memref<128xf32, #tpu.memory_space<vmem>>) dst(%dma_wait3A_109 : memref<10240xf32, #tpu.memory_space<vmem_shared>>)
        tpu.yield
      }) : () -> ()
    }
    %scan3A_67 = arith.constant 79 : i32
    %barrier3A_68 = arith.constant 0 : index
    tpu.barrier barrier_id(%barrier3A_68)
    %mul3A_69 = arith.constant 2 : i32
    %mul3A_70 = arith.muli %arg0, %mul3A_69 : i32
    %add3A_71 = arith.constant 0 : i32
    %add3A_72 = arith.addi %mul3A_70, %add3A_71 : i32
    %mul3A_73 = arith.constant 10240 : i32
    %mul3A_74 = arith.muli %add3A_72, %mul3A_73 : i32
    %add3A_75 = arith.addi %mul3A_74, %mul3A_2 : i32
    %add3A_76 = arith.constant 0 : i32
    %add3A_77 = arith.addi %mul3A_2, %add3A_76 : i32
    "tpu.region"() ({
      %run_scoped3A = tpu.sem_alloc : memref<!tpu.dma_semaphore, #tpu.memory_space<semaphore_mem>>
      %dma_start3A = tpu.memref_slice %arg7[%add3A_77] : memref<10240xf32, #tpu.memory_space<vmem_shared>> -> memref<320xf32, #tpu.memory_space<vmem_shared>>
      %dma_start3A_99 = tpu.memref_slice %arg7[%add3A_77] : memref<10240xf32, #tpu.memory_space<vmem_shared>> -> memref<320xf32, #tpu.memory_space<vmem_shared>>
      tpu.enqueue_dma source(%dma_start3A_99 : memref<320xf32, #tpu.memory_space<vmem_shared>>) target(%arg6 : memref<320xf32, #tpu.memory_space<vmem>>) target_semaphore(%run_scoped3A : memref<!tpu.dma_semaphore, #tpu.memory_space<semaphore_mem>>)
      %dma_wait3A = tpu.memref_slice %arg7[%add3A_77] : memref<10240xf32, #tpu.memory_space<vmem_shared>> -> memref<320xf32, #tpu.memory_space<vmem_shared>>
      %dma_wait3A_100 = tpu.memref_slice %arg7[%add3A_77] : memref<10240xf32, #tpu.memory_space<vmem_shared>> -> memref<320xf32, #tpu.memory_space<vmem_shared>>
      tpu.wait_dma2 semaphore(%run_scoped3A : memref<!tpu.dma_semaphore, #tpu.memory_space<semaphore_mem>>) src(%dma_wait3A_100 : memref<320xf32, #tpu.memory_space<vmem_shared>>) dst(%arg6 : memref<320xf32, #tpu.memory_space<vmem>>)
      tpu.yield
    }) : () -> ()
    %add3A_78 = arith.constant 0 : i32
    %add3A_79 = arith.addi %add3A_75, %add3A_78 : i32
    "tpu.region"() ({
      %run_scoped3A = tpu.sem_alloc : memref<!tpu.dma_semaphore, #tpu.memory_space<semaphore_mem>>
      %dma_start3A = tpu.memref_slice %arg3[%add3A_79] : memref<40960xf32, #tpu.memory_space<hbm>> -> memref<320xf32, #tpu.memory_space<hbm>>
      %dma_start3A_99 = tpu.memref_slice %arg3[%add3A_79] : memref<40960xf32, #tpu.memory_space<hbm>> -> memref<320xf32, #tpu.memory_space<hbm>>
      tpu.enqueue_dma source(%arg6 : memref<320xf32, #tpu.memory_space<vmem>>) target(%dma_start3A_99 : memref<320xf32, #tpu.memory_space<hbm>>) target_semaphore(%run_scoped3A : memref<!tpu.dma_semaphore, #tpu.memory_space<semaphore_mem>>)
      %dma_wait3A = tpu.memref_slice %arg3[%add3A_79] : memref<40960xf32, #tpu.memory_space<hbm>> -> memref<320xf32, #tpu.memory_space<hbm>>
      %dma_wait3A_100 = tpu.memref_slice %arg3[%add3A_79] : memref<40960xf32, #tpu.memory_space<hbm>> -> memref<320xf32, #tpu.memory_space<hbm>>
      tpu.wait_dma2 semaphore(%run_scoped3A : memref<!tpu.dma_semaphore, #tpu.memory_space<semaphore_mem>>) src(%arg6 : memref<320xf32, #tpu.memory_space<vmem>>) dst(%dma_wait3A_100 : memref<320xf32, #tpu.memory_space<hbm>>)
      tpu.yield
    }) : () -> ()
    %add3A_80 = arith.constant 320 : i32
    %add3A_81 = arith.addi %mul3A_2, %add3A_80 : i32
    "tpu.region"() ({
      %run_scoped3A = tpu.sem_alloc : memref<!tpu.dma_semaphore, #tpu.memory_space<semaphore_mem>>
      %dma_start3A = tpu.memref_slice %arg7[%add3A_81] : memref<10240xf32, #tpu.memory_space<vmem_shared>> -> memref<320xf32, #tpu.memory_space<vmem_shared>>
      %dma_start3A_99 = tpu.memref_slice %arg7[%add3A_81] : memref<10240xf32, #tpu.memory_space<vmem_shared>> -> memref<320xf32, #tpu.memory_space<vmem_shared>>
      tpu.enqueue_dma source(%dma_start3A_99 : memref<320xf32, #tpu.memory_space<vmem_shared>>) target(%arg6 : memref<320xf32, #tpu.memory_space<vmem>>) target_semaphore(%run_scoped3A : memref<!tpu.dma_semaphore, #tpu.memory_space<semaphore_mem>>)
      %dma_wait3A = tpu.memref_slice %arg7[%add3A_81] : memref<10240xf32, #tpu.memory_space<vmem_shared>> -> memref<320xf32, #tpu.memory_space<vmem_shared>>
      %dma_wait3A_100 = tpu.memref_slice %arg7[%add3A_81] : memref<10240xf32, #tpu.memory_space<vmem_shared>> -> memref<320xf32, #tpu.memory_space<vmem_shared>>
      tpu.wait_dma2 semaphore(%run_scoped3A : memref<!tpu.dma_semaphore, #tpu.memory_space<semaphore_mem>>) src(%dma_wait3A_100 : memref<320xf32, #tpu.memory_space<vmem_shared>>) dst(%arg6 : memref<320xf32, #tpu.memory_space<vmem>>)
      tpu.yield
    }) : () -> ()
    %add3A_82 = arith.constant 320 : i32
    %add3A_83 = arith.addi %add3A_75, %add3A_82 : i32
    "tpu.region"() ({
      %run_scoped3A = tpu.sem_alloc : memref<!tpu.dma_semaphore, #tpu.memory_space<semaphore_mem>>
      %dma_start3A = tpu.memref_slice %arg3[%add3A_83] : memref<40960xf32, #tpu.memory_space<hbm>> -> memref<320xf32, #tpu.memory_space<hbm>>
      %dma_start3A_99 = tpu.memref_slice %arg3[%add3A_83] : memref<40960xf32, #tpu.memory_space<hbm>> -> memref<320xf32, #tpu.memory_space<hbm>>
      tpu.enqueue_dma source(%arg6 : memref<320xf32, #tpu.memory_space<vmem>>) target(%dma_start3A_99 : memref<320xf32, #tpu.memory_space<hbm>>) target_semaphore(%run_scoped3A : memref<!tpu.dma_semaphore, #tpu.memory_space<semaphore_mem>>)
      %dma_wait3A = tpu.memref_slice %arg3[%add3A_83] : memref<40960xf32, #tpu.memory_space<hbm>> -> memref<320xf32, #tpu.memory_space<hbm>>
      %dma_wait3A_100 = tpu.memref_slice %arg3[%add3A_83] : memref<40960xf32, #tpu.memory_space<hbm>> -> memref<320xf32, #tpu.memory_space<hbm>>
      tpu.wait_dma2 semaphore(%run_scoped3A : memref<!tpu.dma_semaphore, #tpu.memory_space<semaphore_mem>>) src(%arg6 : memref<320xf32, #tpu.memory_space<vmem>>) dst(%dma_wait3A_100 : memref<320xf32, #tpu.memory_space<hbm>>)
      tpu.yield
    }) : () -> ()
    %mul3A_84 = arith.constant 2 : i32
    %mul3A_85 = arith.muli %arg0, %mul3A_84 : i32
    %add3A_86 = arith.constant 1 : i32
    %add3A_87 = arith.addi %mul3A_85, %add3A_86 : i32
    %mul3A_88 = arith.constant 10240 : i32
    %mul3A_89 = arith.muli %add3A_87, %mul3A_88 : i32
    %add3A_90 = arith.addi %mul3A_89, %mul3A_2 : i32
    %add3A_91 = arith.constant 0 : i32
    %add3A_92 = arith.addi %mul3A_2, %add3A_91 : i32
    "tpu.region"() ({
      %run_scoped3A = tpu.sem_alloc : memref<!tpu.dma_semaphore, #tpu.memory_space<semaphore_mem>>
      %dma_start3A = tpu.memref_slice %arg8[%add3A_92] : memref<10240xf32, #tpu.memory_space<vmem_shared>> -> memref<320xf32, #tpu.memory_space<vmem_shared>>
      %dma_start3A_99 = tpu.memref_slice %arg8[%add3A_92] : memref<10240xf32, #tpu.memory_space<vmem_shared>> -> memref<320xf32, #tpu.memory_space<vmem_shared>>
      tpu.enqueue_dma source(%dma_start3A_99 : memref<320xf32, #tpu.memory_space<vmem_shared>>) target(%arg6 : memref<320xf32, #tpu.memory_space<vmem>>) target_semaphore(%run_scoped3A : memref<!tpu.dma_semaphore, #tpu.memory_space<semaphore_mem>>)
      %dma_wait3A = tpu.memref_slice %arg8[%add3A_92] : memref<10240xf32, #tpu.memory_space<vmem_shared>> -> memref<320xf32, #tpu.memory_space<vmem_shared>>
      %dma_wait3A_100 = tpu.memref_slice %arg8[%add3A_92] : memref<10240xf32, #tpu.memory_space<vmem_shared>> -> memref<320xf32, #tpu.memory_space<vmem_shared>>
      tpu.wait_dma2 semaphore(%run_scoped3A : memref<!tpu.dma_semaphore, #tpu.memory_space<semaphore_mem>>) src(%dma_wait3A_100 : memref<320xf32, #tpu.memory_space<vmem_shared>>) dst(%arg6 : memref<320xf32, #tpu.memory_space<vmem>>)
      tpu.yield
    }) : () -> ()
    %add3A_93 = arith.constant 0 : i32
    %add3A_94 = arith.addi %add3A_90, %add3A_93 : i32
    "tpu.region"() ({
      %run_scoped3A = tpu.sem_alloc : memref<!tpu.dma_semaphore, #tpu.memory_space<semaphore_mem>>
      %dma_start3A = tpu.memref_slice %arg3[%add3A_94] : memref<40960xf32, #tpu.memory_space<hbm>> -> memref<320xf32, #tpu.memory_space<hbm>>
      %dma_start3A_99 = tpu.memref_slice %arg3[%add3A_94] : memref<40960xf32, #tpu.memory_space<hbm>> -> memref<320xf32, #tpu.memory_space<hbm>>
      tpu.enqueue_dma source(%arg6 : memref<320xf32, #tpu.memory_space<vmem>>) target(%dma_start3A_99 : memref<320xf32, #tpu.memory_space<hbm>>) target_semaphore(%run_scoped3A : memref<!tpu.dma_semaphore, #tpu.memory_space<semaphore_mem>>)
      %dma_wait3A = tpu.memref_slice %arg3[%add3A_94] : memref<40960xf32, #tpu.memory_space<hbm>> -> memref<320xf32, #tpu.memory_space<hbm>>
      %dma_wait3A_100 = tpu.memref_slice %arg3[%add3A_94] : memref<40960xf32, #tpu.memory_space<hbm>> -> memref<320xf32, #tpu.memory_space<hbm>>
      tpu.wait_dma2 semaphore(%run_scoped3A : memref<!tpu.dma_semaphore, #tpu.memory_space<semaphore_mem>>) src(%arg6 : memref<320xf32, #tpu.memory_space<vmem>>) dst(%dma_wait3A_100 : memref<320xf32, #tpu.memory_space<hbm>>)
      tpu.yield
    }) : () -> ()
    %add3A_95 = arith.constant 320 : i32
    %add3A_96 = arith.addi %mul3A_2, %add3A_95 : i32
    "tpu.region"() ({
      %run_scoped3A = tpu.sem_alloc : memref<!tpu.dma_semaphore, #tpu.memory_space<semaphore_mem>>
      %dma_start3A = tpu.memref_slice %arg8[%add3A_96] : memref<10240xf32, #tpu.memory_space<vmem_shared>> -> memref<320xf32, #tpu.memory_space<vmem_shared>>
      %dma_start3A_99 = tpu.memref_slice %arg8[%add3A_96] : memref<10240xf32, #tpu.memory_space<vmem_shared>> -> memref<320xf32, #tpu.memory_space<vmem_shared>>
      tpu.enqueue_dma source(%dma_start3A_99 : memref<320xf32, #tpu.memory_space<vmem_shared>>) target(%arg6 : memref<320xf32, #tpu.memory_space<vmem>>) target_semaphore(%run_scoped3A : memref<!tpu.dma_semaphore, #tpu.memory_space<semaphore_mem>>)
      %dma_wait3A = tpu.memref_slice %arg8[%add3A_96] : memref<10240xf32, #tpu.memory_space<vmem_shared>> -> memref<320xf32, #tpu.memory_space<vmem_shared>>
      %dma_wait3A_100 = tpu.memref_slice %arg8[%add3A_96] : memref<10240xf32, #tpu.memory_space<vmem_shared>> -> memref<320xf32, #tpu.memory_space<vmem_shared>>
      tpu.wait_dma2 semaphore(%run_scoped3A : memref<!tpu.dma_semaphore, #tpu.memory_space<semaphore_mem>>) src(%dma_wait3A_100 : memref<320xf32, #tpu.memory_space<vmem_shared>>) dst(%arg6 : memref<320xf32, #tpu.memory_space<vmem>>)
      tpu.yield
    }) : () -> ()
    %add3A_97 = arith.constant 320 : i32
    %add3A_98 = arith.addi %add3A_90, %add3A_97 : i32
    "tpu.region"() ({
      %run_scoped3A = tpu.sem_alloc : memref<!tpu.dma_semaphore, #tpu.memory_space<semaphore_mem>>
      %dma_start3A = tpu.memref_slice %arg3[%add3A_98] : memref<40960xf32, #tpu.memory_space<hbm>> -> memref<320xf32, #tpu.memory_space<hbm>>
      %dma_start3A_99 = tpu.memref_slice %arg3[%add3A_98] : memref<40960xf32, #tpu.memory_space<hbm>> -> memref<320xf32, #tpu.memory_space<hbm>>
      tpu.enqueue_dma source(%arg6 : memref<320xf32, #tpu.memory_space<vmem>>) target(%dma_start3A_99 : memref<320xf32, #tpu.memory_space<hbm>>) target_semaphore(%run_scoped3A : memref<!tpu.dma_semaphore, #tpu.memory_space<semaphore_mem>>)
      %dma_wait3A = tpu.memref_slice %arg3[%add3A_98] : memref<40960xf32, #tpu.memory_space<hbm>> -> memref<320xf32, #tpu.memory_space<hbm>>
      %dma_wait3A_100 = tpu.memref_slice %arg3[%add3A_98] : memref<40960xf32, #tpu.memory_space<hbm>> -> memref<320xf32, #tpu.memory_space<hbm>>
      tpu.wait_dma2 semaphore(%run_scoped3A : memref<!tpu.dma_semaphore, #tpu.memory_space<semaphore_mem>>) src(%arg6 : memref<320xf32, #tpu.memory_space<vmem>>) dst(%dma_wait3A_100 : memref<320xf32, #tpu.memory_space<hbm>>)
      tpu.yield
    }) : () -> ()
    return
  }
}

#map = affine_map<(d0, d1) -> (0, 0)>
#map1 = affine_map<(d0, d1) -> (0, 0, 0, 0)>
#map2 = affine_map<(d0, d1) -> (0, 0, 0)>
module attributes {stable_mosaic.version = 14 : i64} {
  func.func @k(%arg0: i32, %arg1: i32, %arg2: memref<10240x64xbf16, #tpu.memory_space<hbm>>, %arg3: memref<32x79x2x128xi32, #tpu.memory_space<hbm>>, %arg4: memref<2x10240x64xbf16, #tpu.memory_space<hbm>>, %arg5: memref<79x2x128xi32, #tpu.memory_space<vmem>>, %arg6: memref<128x64xbf16, #tpu.memory_space<vmem>>, %arg7: memref<128x64xf32, #tpu.memory_space<vmem>>, %arg8: memref<128x64xf32, #tpu.memory_space<vmem>>, %arg9: memref<160x64xf32, #tpu.memory_space<vmem>>, %arg10: memref<160x64xbf16, #tpu.memory_space<vmem>>, %arg11: memref<10240x64xbf16, #tpu.memory_space<vmem_shared>>, %arg12: memref<10240x64xf32, #tpu.memory_space<vmem_shared>>, %arg13: memref<!tpu.dma_semaphore, #tpu.memory_space<semaphore_mem>>) attributes {dimension_semantics = [#tpu.dimension_semantics<core_parallel>, #tpu.dimension_semantics<subcore_parallel>], iteration_bounds = array<i64: 2, 16>, scalar_prefetch = 0 : i64, scratch_operands = 9 : i64, tpu.core_type = #tpu.core_type<sc_vector_subcore>, window_params = [{transform_indices = #map}, {transform_indices = #map1}, {transform_indices = #map2}]} {
    %mul3A = arith.constant 2 : i32
    %mul3A_0 = arith.muli %arg1, %mul3A : i32
    %add3A = arith.addi %mul3A_0, %arg0 : i32
    %mul3A_1 = arith.constant 640 : i32
    %mul3A_2 = arith.muli %arg1, %mul3A_1 : i32
    %add3A_3 = arith.constant 0 : i32
    %add3A_4 = arith.addi %mul3A_2, %add3A_3 : i32
    "tpu.region"() ({
      %run_scoped3A_81 = tpu.sem_alloc : memref<!tpu.dma_semaphore, #tpu.memory_space<semaphore_mem>>
      %dma_start3A_82 = arith.constant 0 : i32
      %dma_start3A_83 = tpu.memref_slice %arg2[%add3A_4, %dma_start3A_82] : memref<10240x64xbf16, #tpu.memory_space<hbm>> -> memref<160x64xbf16, #tpu.memory_space<hbm>>
      %dma_start3A_84 = arith.constant 0 : i32
      %dma_start3A_85 = tpu.memref_slice %arg2[%add3A_4, %dma_start3A_84] : memref<10240x64xbf16, #tpu.memory_space<hbm>> -> memref<160x64xbf16, #tpu.memory_space<hbm>>
      tpu.enqueue_dma source(%dma_start3A_85 : memref<160x64xbf16, #tpu.memory_space<hbm>>) target(%arg10 : memref<160x64xbf16, #tpu.memory_space<vmem>>) target_semaphore(%run_scoped3A_81 : memref<!tpu.dma_semaphore, #tpu.memory_space<semaphore_mem>>)
      %dma_wait3A_86 = arith.constant 0 : i32
      %dma_wait3A_87 = tpu.memref_slice %arg2[%add3A_4, %dma_wait3A_86] : memref<10240x64xbf16, #tpu.memory_space<hbm>> -> memref<160x64xbf16, #tpu.memory_space<hbm>>
      %dma_wait3A_88 = arith.constant 0 : i32
      %dma_wait3A_89 = tpu.memref_slice %arg2[%add3A_4, %dma_wait3A_88] : memref<10240x64xbf16, #tpu.memory_space<hbm>> -> memref<160x64xbf16, #tpu.memory_space<hbm>>
      tpu.wait_dma2 semaphore(%run_scoped3A_81 : memref<!tpu.dma_semaphore, #tpu.memory_space<semaphore_mem>>) src(%dma_wait3A_89 : memref<160x64xbf16, #tpu.memory_space<hbm>>) dst(%arg10 : memref<160x64xbf16, #tpu.memory_space<vmem>>)
      tpu.yield
    }) : () -> ()
    "tpu.region"() ({
      %run_scoped3A_81 = tpu.sem_alloc : memref<!tpu.dma_semaphore, #tpu.memory_space<semaphore_mem>>
      %dma_start3A_82 = arith.constant 0 : i32
      %dma_start3A_83 = tpu.memref_slice %arg11[%add3A_4, %dma_start3A_82] : memref<10240x64xbf16, #tpu.memory_space<vmem_shared>> -> memref<160x64xbf16, #tpu.memory_space<vmem_shared>>
      %dma_start3A_84 = arith.constant 0 : i32
      %dma_start3A_85 = tpu.memref_slice %arg11[%add3A_4, %dma_start3A_84] : memref<10240x64xbf16, #tpu.memory_space<vmem_shared>> -> memref<160x64xbf16, #tpu.memory_space<vmem_shared>>
      tpu.enqueue_dma source(%arg10 : memref<160x64xbf16, #tpu.memory_space<vmem>>) target(%dma_start3A_85 : memref<160x64xbf16, #tpu.memory_space<vmem_shared>>) target_semaphore(%run_scoped3A_81 : memref<!tpu.dma_semaphore, #tpu.memory_space<semaphore_mem>>)
      %dma_wait3A_86 = arith.constant 0 : i32
      %dma_wait3A_87 = tpu.memref_slice %arg11[%add3A_4, %dma_wait3A_86] : memref<10240x64xbf16, #tpu.memory_space<vmem_shared>> -> memref<160x64xbf16, #tpu.memory_space<vmem_shared>>
      %dma_wait3A_88 = arith.constant 0 : i32
      %dma_wait3A_89 = tpu.memref_slice %arg11[%add3A_4, %dma_wait3A_88] : memref<10240x64xbf16, #tpu.memory_space<vmem_shared>> -> memref<160x64xbf16, #tpu.memory_space<vmem_shared>>
      tpu.wait_dma2 semaphore(%run_scoped3A_81 : memref<!tpu.dma_semaphore, #tpu.memory_space<semaphore_mem>>) src(%arg10 : memref<160x64xbf16, #tpu.memory_space<vmem>>) dst(%dma_wait3A_89 : memref<160x64xbf16, #tpu.memory_space<vmem_shared>>)
      tpu.yield
    }) : () -> ()
    %add3A_5 = arith.constant 160 : i32
    %add3A_6 = arith.addi %mul3A_2, %add3A_5 : i32
    "tpu.region"() ({
      %run_scoped3A_81 = tpu.sem_alloc : memref<!tpu.dma_semaphore, #tpu.memory_space<semaphore_mem>>
      %dma_start3A_82 = arith.constant 0 : i32
      %dma_start3A_83 = tpu.memref_slice %arg2[%add3A_6, %dma_start3A_82] : memref<10240x64xbf16, #tpu.memory_space<hbm>> -> memref<160x64xbf16, #tpu.memory_space<hbm>>
      %dma_start3A_84 = arith.constant 0 : i32
      %dma_start3A_85 = tpu.memref_slice %arg2[%add3A_6, %dma_start3A_84] : memref<10240x64xbf16, #tpu.memory_space<hbm>> -> memref<160x64xbf16, #tpu.memory_space<hbm>>
      tpu.enqueue_dma source(%dma_start3A_85 : memref<160x64xbf16, #tpu.memory_space<hbm>>) target(%arg10 : memref<160x64xbf16, #tpu.memory_space<vmem>>) target_semaphore(%run_scoped3A_81 : memref<!tpu.dma_semaphore, #tpu.memory_space<semaphore_mem>>)
      %dma_wait3A_86 = arith.constant 0 : i32
      %dma_wait3A_87 = tpu.memref_slice %arg2[%add3A_6, %dma_wait3A_86] : memref<10240x64xbf16, #tpu.memory_space<hbm>> -> memref<160x64xbf16, #tpu.memory_space<hbm>>
      %dma_wait3A_88 = arith.constant 0 : i32
      %dma_wait3A_89 = tpu.memref_slice %arg2[%add3A_6, %dma_wait3A_88] : memref<10240x64xbf16, #tpu.memory_space<hbm>> -> memref<160x64xbf16, #tpu.memory_space<hbm>>
      tpu.wait_dma2 semaphore(%run_scoped3A_81 : memref<!tpu.dma_semaphore, #tpu.memory_space<semaphore_mem>>) src(%dma_wait3A_89 : memref<160x64xbf16, #tpu.memory_space<hbm>>) dst(%arg10 : memref<160x64xbf16, #tpu.memory_space<vmem>>)
      tpu.yield
    }) : () -> ()
    "tpu.region"() ({
      %run_scoped3A_81 = tpu.sem_alloc : memref<!tpu.dma_semaphore, #tpu.memory_space<semaphore_mem>>
      %dma_start3A_82 = arith.constant 0 : i32
      %dma_start3A_83 = tpu.memref_slice %arg11[%add3A_6, %dma_start3A_82] : memref<10240x64xbf16, #tpu.memory_space<vmem_shared>> -> memref<160x64xbf16, #tpu.memory_space<vmem_shared>>
      %dma_start3A_84 = arith.constant 0 : i32
      %dma_start3A_85 = tpu.memref_slice %arg11[%add3A_6, %dma_start3A_84] : memref<10240x64xbf16, #tpu.memory_space<vmem_shared>> -> memref<160x64xbf16, #tpu.memory_space<vmem_shared>>
      tpu.enqueue_dma source(%arg10 : memref<160x64xbf16, #tpu.memory_space<vmem>>) target(%dma_start3A_85 : memref<160x64xbf16, #tpu.memory_space<vmem_shared>>) target_semaphore(%run_scoped3A_81 : memref<!tpu.dma_semaphore, #tpu.memory_space<semaphore_mem>>)
      %dma_wait3A_86 = arith.constant 0 : i32
      %dma_wait3A_87 = tpu.memref_slice %arg11[%add3A_6, %dma_wait3A_86] : memref<10240x64xbf16, #tpu.memory_space<vmem_shared>> -> memref<160x64xbf16, #tpu.memory_space<vmem_shared>>
      %dma_wait3A_88 = arith.constant 0 : i32
      %dma_wait3A_89 = tpu.memref_slice %arg11[%add3A_6, %dma_wait3A_88] : memref<10240x64xbf16, #tpu.memory_space<vmem_shared>> -> memref<160x64xbf16, #tpu.memory_space<vmem_shared>>
      tpu.wait_dma2 semaphore(%run_scoped3A_81 : memref<!tpu.dma_semaphore, #tpu.memory_space<semaphore_mem>>) src(%arg10 : memref<160x64xbf16, #tpu.memory_space<vmem>>) dst(%dma_wait3A_89 : memref<160x64xbf16, #tpu.memory_space<vmem_shared>>)
      tpu.yield
    }) : () -> ()
    %add3A_7 = arith.constant 320 : i32
    %add3A_8 = arith.addi %mul3A_2, %add3A_7 : i32
    "tpu.region"() ({
      %run_scoped3A_81 = tpu.sem_alloc : memref<!tpu.dma_semaphore, #tpu.memory_space<semaphore_mem>>
      %dma_start3A_82 = arith.constant 0 : i32
      %dma_start3A_83 = tpu.memref_slice %arg2[%add3A_8, %dma_start3A_82] : memref<10240x64xbf16, #tpu.memory_space<hbm>> -> memref<160x64xbf16, #tpu.memory_space<hbm>>
      %dma_start3A_84 = arith.constant 0 : i32
      %dma_start3A_85 = tpu.memref_slice %arg2[%add3A_8, %dma_start3A_84] : memref<10240x64xbf16, #tpu.memory_space<hbm>> -> memref<160x64xbf16, #tpu.memory_space<hbm>>
      tpu.enqueue_dma source(%dma_start3A_85 : memref<160x64xbf16, #tpu.memory_space<hbm>>) target(%arg10 : memref<160x64xbf16, #tpu.memory_space<vmem>>) target_semaphore(%run_scoped3A_81 : memref<!tpu.dma_semaphore, #tpu.memory_space<semaphore_mem>>)
      %dma_wait3A_86 = arith.constant 0 : i32
      %dma_wait3A_87 = tpu.memref_slice %arg2[%add3A_8, %dma_wait3A_86] : memref<10240x64xbf16, #tpu.memory_space<hbm>> -> memref<160x64xbf16, #tpu.memory_space<hbm>>
      %dma_wait3A_88 = arith.constant 0 : i32
      %dma_wait3A_89 = tpu.memref_slice %arg2[%add3A_8, %dma_wait3A_88] : memref<10240x64xbf16, #tpu.memory_space<hbm>> -> memref<160x64xbf16, #tpu.memory_space<hbm>>
      tpu.wait_dma2 semaphore(%run_scoped3A_81 : memref<!tpu.dma_semaphore, #tpu.memory_space<semaphore_mem>>) src(%dma_wait3A_89 : memref<160x64xbf16, #tpu.memory_space<hbm>>) dst(%arg10 : memref<160x64xbf16, #tpu.memory_space<vmem>>)
      tpu.yield
    }) : () -> ()
    "tpu.region"() ({
      %run_scoped3A_81 = tpu.sem_alloc : memref<!tpu.dma_semaphore, #tpu.memory_space<semaphore_mem>>
      %dma_start3A_82 = arith.constant 0 : i32
      %dma_start3A_83 = tpu.memref_slice %arg11[%add3A_8, %dma_start3A_82] : memref<10240x64xbf16, #tpu.memory_space<vmem_shared>> -> memref<160x64xbf16, #tpu.memory_space<vmem_shared>>
      %dma_start3A_84 = arith.constant 0 : i32
      %dma_start3A_85 = tpu.memref_slice %arg11[%add3A_8, %dma_start3A_84] : memref<10240x64xbf16, #tpu.memory_space<vmem_shared>> -> memref<160x64xbf16, #tpu.memory_space<vmem_shared>>
      tpu.enqueue_dma source(%arg10 : memref<160x64xbf16, #tpu.memory_space<vmem>>) target(%dma_start3A_85 : memref<160x64xbf16, #tpu.memory_space<vmem_shared>>) target_semaphore(%run_scoped3A_81 : memref<!tpu.dma_semaphore, #tpu.memory_space<semaphore_mem>>)
      %dma_wait3A_86 = arith.constant 0 : i32
      %dma_wait3A_87 = tpu.memref_slice %arg11[%add3A_8, %dma_wait3A_86] : memref<10240x64xbf16, #tpu.memory_space<vmem_shared>> -> memref<160x64xbf16, #tpu.memory_space<vmem_shared>>
      %dma_wait3A_88 = arith.constant 0 : i32
      %dma_wait3A_89 = tpu.memref_slice %arg11[%add3A_8, %dma_wait3A_88] : memref<10240x64xbf16, #tpu.memory_space<vmem_shared>> -> memref<160x64xbf16, #tpu.memory_space<vmem_shared>>
      tpu.wait_dma2 semaphore(%run_scoped3A_81 : memref<!tpu.dma_semaphore, #tpu.memory_space<semaphore_mem>>) src(%arg10 : memref<160x64xbf16, #tpu.memory_space<vmem>>) dst(%dma_wait3A_89 : memref<160x64xbf16, #tpu.memory_space<vmem_shared>>)
      tpu.yield
    }) : () -> ()
    %add3A_9 = arith.constant 480 : i32
    %add3A_10 = arith.addi %mul3A_2, %add3A_9 : i32
    "tpu.region"() ({
      %run_scoped3A_81 = tpu.sem_alloc : memref<!tpu.dma_semaphore, #tpu.memory_space<semaphore_mem>>
      %dma_start3A_82 = arith.constant 0 : i32
      %dma_start3A_83 = tpu.memref_slice %arg2[%add3A_10, %dma_start3A_82] : memref<10240x64xbf16, #tpu.memory_space<hbm>> -> memref<160x64xbf16, #tpu.memory_space<hbm>>
      %dma_start3A_84 = arith.constant 0 : i32
      %dma_start3A_85 = tpu.memref_slice %arg2[%add3A_10, %dma_start3A_84] : memref<10240x64xbf16, #tpu.memory_space<hbm>> -> memref<160x64xbf16, #tpu.memory_space<hbm>>
      tpu.enqueue_dma source(%dma_start3A_85 : memref<160x64xbf16, #tpu.memory_space<hbm>>) target(%arg10 : memref<160x64xbf16, #tpu.memory_space<vmem>>) target_semaphore(%run_scoped3A_81 : memref<!tpu.dma_semaphore, #tpu.memory_space<semaphore_mem>>)
      %dma_wait3A_86 = arith.constant 0 : i32
      %dma_wait3A_87 = tpu.memref_slice %arg2[%add3A_10, %dma_wait3A_86] : memref<10240x64xbf16, #tpu.memory_space<hbm>> -> memref<160x64xbf16, #tpu.memory_space<hbm>>
      %dma_wait3A_88 = arith.constant 0 : i32
      %dma_wait3A_89 = tpu.memref_slice %arg2[%add3A_10, %dma_wait3A_88] : memref<10240x64xbf16, #tpu.memory_space<hbm>> -> memref<160x64xbf16, #tpu.memory_space<hbm>>
      tpu.wait_dma2 semaphore(%run_scoped3A_81 : memref<!tpu.dma_semaphore, #tpu.memory_space<semaphore_mem>>) src(%dma_wait3A_89 : memref<160x64xbf16, #tpu.memory_space<hbm>>) dst(%arg10 : memref<160x64xbf16, #tpu.memory_space<vmem>>)
      tpu.yield
    }) : () -> ()
    "tpu.region"() ({
      %run_scoped3A_81 = tpu.sem_alloc : memref<!tpu.dma_semaphore, #tpu.memory_space<semaphore_mem>>
      %dma_start3A_82 = arith.constant 0 : i32
      %dma_start3A_83 = tpu.memref_slice %arg11[%add3A_10, %dma_start3A_82] : memref<10240x64xbf16, #tpu.memory_space<vmem_shared>> -> memref<160x64xbf16, #tpu.memory_space<vmem_shared>>
      %dma_start3A_84 = arith.constant 0 : i32
      %dma_start3A_85 = tpu.memref_slice %arg11[%add3A_10, %dma_start3A_84] : memref<10240x64xbf16, #tpu.memory_space<vmem_shared>> -> memref<160x64xbf16, #tpu.memory_space<vmem_shared>>
      tpu.enqueue_dma source(%arg10 : memref<160x64xbf16, #tpu.memory_space<vmem>>) target(%dma_start3A_85 : memref<160x64xbf16, #tpu.memory_space<vmem_shared>>) target_semaphore(%run_scoped3A_81 : memref<!tpu.dma_semaphore, #tpu.memory_space<semaphore_mem>>)
      %dma_wait3A_86 = arith.constant 0 : i32
      %dma_wait3A_87 = tpu.memref_slice %arg11[%add3A_10, %dma_wait3A_86] : memref<10240x64xbf16, #tpu.memory_space<vmem_shared>> -> memref<160x64xbf16, #tpu.memory_space<vmem_shared>>
      %dma_wait3A_88 = arith.constant 0 : i32
      %dma_wait3A_89 = tpu.memref_slice %arg11[%add3A_10, %dma_wait3A_88] : memref<10240x64xbf16, #tpu.memory_space<vmem_shared>> -> memref<160x64xbf16, #tpu.memory_space<vmem_shared>>
      tpu.wait_dma2 semaphore(%run_scoped3A_81 : memref<!tpu.dma_semaphore, #tpu.memory_space<semaphore_mem>>) src(%arg10 : memref<160x64xbf16, #tpu.memory_space<vmem>>) dst(%dma_wait3A_89 : memref<160x64xbf16, #tpu.memory_space<vmem_shared>>)
      tpu.yield
    }) : () -> ()
    %broadcast_in_dim3A = arith.constant 0.000000e+00 : f32
    %broadcast_in_dim3A_11 = vector.broadcast %broadcast_in_dim3A : f32 to vector<16xf32>
    %scan3A = arith.constant 0 : i32
    %scan3A_12 = arith.constant 0 : i32
    %scan3A_13 = arith.constant 160 : i32
    %scan3A_14 = arith.addi %scan3A_12, %scan3A_13 : i32
    %scan3A_15 = arith.constant 1 : i32
    scf.for %scan3A_81 = %scan3A_12 to %scan3A_14 step %scan3A_15  : i32 {
      %swap3A = arith.index_cast %scan3A_81 : i32 to index
      %swap3A_82 = arith.constant 0 : index
      %swap3A_83 = tpu.vector_load %arg9[%swap3A, %swap3A_82] {strides = array<i32>} : memref<160x64xf32, #tpu.memory_space<vmem>>, vector<16xf32>,
      tpu.vector_store %arg9[%swap3A, %swap3A_82], %broadcast_in_dim3A_11 {strides = array<i32>} : memref<160x64xf32, #tpu.memory_space<vmem>>, vector<16xf32>,
      %swap3A_84 = arith.index_cast %scan3A_81 : i32 to index
      %swap3A_85 = arith.constant 16 : index
      %swap3A_86 = tpu.vector_load %arg9[%swap3A_84, %swap3A_85] {strides = array<i32>} : memref<160x64xf32, #tpu.memory_space<vmem>>, vector<16xf32>,
      tpu.vector_store %arg9[%swap3A_84, %swap3A_85], %broadcast_in_dim3A_11 {strides = array<i32>} : memref<160x64xf32, #tpu.memory_space<vmem>>, vector<16xf32>,
      %swap3A_87 = arith.index_cast %scan3A_81 : i32 to index
      %swap3A_88 = arith.constant 32 : index
      %swap3A_89 = tpu.vector_load %arg9[%swap3A_87, %swap3A_88] {strides = array<i32>} : memref<160x64xf32, #tpu.memory_space<vmem>>, vector<16xf32>,
      tpu.vector_store %arg9[%swap3A_87, %swap3A_88], %broadcast_in_dim3A_11 {strides = array<i32>} : memref<160x64xf32, #tpu.memory_space<vmem>>, vector<16xf32>,
      %swap3A_90 = arith.index_cast %scan3A_81 : i32 to index
      %swap3A_91 = arith.constant 48 : index
      %swap3A_92 = tpu.vector_load %arg9[%swap3A_90, %swap3A_91] {strides = array<i32>} : memref<160x64xf32, #tpu.memory_space<vmem>>, vector<16xf32>,
      tpu.vector_store %arg9[%swap3A_90, %swap3A_91], %broadcast_in_dim3A_11 {strides = array<i32>} : memref<160x64xf32, #tpu.memory_space<vmem>>, vector<16xf32>,
    }
    %scan3A_16 = arith.constant 160 : i32
    %add3A_17 = arith.constant 0 : i32
    %add3A_18 = arith.addi %mul3A_2, %add3A_17 : i32
    "tpu.region"() ({
      %run_scoped3A_81 = tpu.sem_alloc : memref<!tpu.dma_semaphore, #tpu.memory_space<semaphore_mem>>
      %dma_start3A_82 = arith.constant 0 : i32
      %dma_start3A_83 = tpu.memref_slice %arg12[%add3A_18, %dma_start3A_82] : memref<10240x64xf32, #tpu.memory_space<vmem_shared>> -> memref<160x64xf32, #tpu.memory_space<vmem_shared>>
      %dma_start3A_84 = arith.constant 0 : i32
      %dma_start3A_85 = tpu.memref_slice %arg12[%add3A_18, %dma_start3A_84] : memref<10240x64xf32, #tpu.memory_space<vmem_shared>> -> memref<160x64xf32, #tpu.memory_space<vmem_shared>>
      tpu.enqueue_dma source(%arg9 : memref<160x64xf32, #tpu.memory_space<vmem>>) target(%dma_start3A_85 : memref<160x64xf32, #tpu.memory_space<vmem_shared>>) target_semaphore(%run_scoped3A_81 : memref<!tpu.dma_semaphore, #tpu.memory_space<semaphore_mem>>)
      %dma_wait3A_86 = arith.constant 0 : i32
      %dma_wait3A_87 = tpu.memref_slice %arg12[%add3A_18, %dma_wait3A_86] : memref<10240x64xf32, #tpu.memory_space<vmem_shared>> -> memref<160x64xf32, #tpu.memory_space<vmem_shared>>
      %dma_wait3A_88 = arith.constant 0 : i32
      %dma_wait3A_89 = tpu.memref_slice %arg12[%add3A_18, %dma_wait3A_88] : memref<10240x64xf32, #tpu.memory_space<vmem_shared>> -> memref<160x64xf32, #tpu.memory_space<vmem_shared>>
      tpu.wait_dma2 semaphore(%run_scoped3A_81 : memref<!tpu.dma_semaphore, #tpu.memory_space<semaphore_mem>>) src(%arg9 : memref<160x64xf32, #tpu.memory_space<vmem>>) dst(%dma_wait3A_89 : memref<160x64xf32, #tpu.memory_space<vmem_shared>>)
      tpu.yield
    }) : () -> ()
    %add3A_19 = arith.constant 160 : i32
    %add3A_20 = arith.addi %mul3A_2, %add3A_19 : i32
    "tpu.region"() ({
      %run_scoped3A_81 = tpu.sem_alloc : memref<!tpu.dma_semaphore, #tpu.memory_space<semaphore_mem>>
      %dma_start3A_82 = arith.constant 0 : i32
      %dma_start3A_83 = tpu.memref_slice %arg12[%add3A_20, %dma_start3A_82] : memref<10240x64xf32, #tpu.memory_space<vmem_shared>> -> memref<160x64xf32, #tpu.memory_space<vmem_shared>>
      %dma_start3A_84 = arith.constant 0 : i32
      %dma_start3A_85 = tpu.memref_slice %arg12[%add3A_20, %dma_start3A_84] : memref<10240x64xf32, #tpu.memory_space<vmem_shared>> -> memref<160x64xf32, #tpu.memory_space<vmem_shared>>
      tpu.enqueue_dma source(%arg9 : memref<160x64xf32, #tpu.memory_space<vmem>>) target(%dma_start3A_85 : memref<160x64xf32, #tpu.memory_space<vmem_shared>>) target_semaphore(%run_scoped3A_81 : memref<!tpu.dma_semaphore, #tpu.memory_space<semaphore_mem>>)
      %dma_wait3A_86 = arith.constant 0 : i32
      %dma_wait3A_87 = tpu.memref_slice %arg12[%add3A_20, %dma_wait3A_86] : memref<10240x64xf32, #tpu.memory_space<vmem_shared>> -> memref<160x64xf32, #tpu.memory_space<vmem_shared>>
      %dma_wait3A_88 = arith.constant 0 : i32
      %dma_wait3A_89 = tpu.memref_slice %arg12[%add3A_20, %dma_wait3A_88] : memref<10240x64xf32, #tpu.memory_space<vmem_shared>> -> memref<160x64xf32, #tpu.memory_space<vmem_shared>>
      tpu.wait_dma2 semaphore(%run_scoped3A_81 : memref<!tpu.dma_semaphore, #tpu.memory_space<semaphore_mem>>) src(%arg9 : memref<160x64xf32, #tpu.memory_space<vmem>>) dst(%dma_wait3A_89 : memref<160x64xf32, #tpu.memory_space<vmem_shared>>)
      tpu.yield
    }) : () -> ()
    %add3A_21 = arith.constant 320 : i32
    %add3A_22 = arith.addi %mul3A_2, %add3A_21 : i32
    "tpu.region"() ({
      %run_scoped3A_81 = tpu.sem_alloc : memref<!tpu.dma_semaphore, #tpu.memory_space<semaphore_mem>>
      %dma_start3A_82 = arith.constant 0 : i32
      %dma_start3A_83 = tpu.memref_slice %arg12[%add3A_22, %dma_start3A_82] : memref<10240x64xf32, #tpu.memory_space<vmem_shared>> -> memref<160x64xf32, #tpu.memory_space<vmem_shared>>
      %dma_start3A_84 = arith.constant 0 : i32
      %dma_start3A_85 = tpu.memref_slice %arg12[%add3A_22, %dma_start3A_84] : memref<10240x64xf32, #tpu.memory_space<vmem_shared>> -> memref<160x64xf32, #tpu.memory_space<vmem_shared>>
      tpu.enqueue_dma source(%arg9 : memref<160x64xf32, #tpu.memory_space<vmem>>) target(%dma_start3A_85 : memref<160x64xf32, #tpu.memory_space<vmem_shared>>) target_semaphore(%run_scoped3A_81 : memref<!tpu.dma_semaphore, #tpu.memory_space<semaphore_mem>>)
      %dma_wait3A_86 = arith.constant 0 : i32
      %dma_wait3A_87 = tpu.memref_slice %arg12[%add3A_22, %dma_wait3A_86] : memref<10240x64xf32, #tpu.memory_space<vmem_shared>> -> memref<160x64xf32, #tpu.memory_space<vmem_shared>>
      %dma_wait3A_88 = arith.constant 0 : i32
      %dma_wait3A_89 = tpu.memref_slice %arg12[%add3A_22, %dma_wait3A_88] : memref<10240x64xf32, #tpu.memory_space<vmem_shared>> -> memref<160x64xf32, #tpu.memory_space<vmem_shared>>
      tpu.wait_dma2 semaphore(%run_scoped3A_81 : memref<!tpu.dma_semaphore, #tpu.memory_space<semaphore_mem>>) src(%arg9 : memref<160x64xf32, #tpu.memory_space<vmem>>) dst(%dma_wait3A_89 : memref<160x64xf32, #tpu.memory_space<vmem_shared>>)
      tpu.yield
    }) : () -> ()
    %add3A_23 = arith.constant 480 : i32
    %add3A_24 = arith.addi %mul3A_2, %add3A_23 : i32
    "tpu.region"() ({
      %run_scoped3A_81 = tpu.sem_alloc : memref<!tpu.dma_semaphore, #tpu.memory_space<semaphore_mem>>
      %dma_start3A_82 = arith.constant 0 : i32
      %dma_start3A_83 = tpu.memref_slice %arg12[%add3A_24, %dma_start3A_82] : memref<10240x64xf32, #tpu.memory_space<vmem_shared>> -> memref<160x64xf32, #tpu.memory_space<vmem_shared>>
      %dma_start3A_84 = arith.constant 0 : i32
      %dma_start3A_85 = tpu.memref_slice %arg12[%add3A_24, %dma_start3A_84] : memref<10240x64xf32, #tpu.memory_space<vmem_shared>> -> memref<160x64xf32, #tpu.memory_space<vmem_shared>>
      tpu.enqueue_dma source(%arg9 : memref<160x64xf32, #tpu.memory_space<vmem>>) target(%dma_start3A_85 : memref<160x64xf32, #tpu.memory_space<vmem_shared>>) target_semaphore(%run_scoped3A_81 : memref<!tpu.dma_semaphore, #tpu.memory_space<semaphore_mem>>)
      %dma_wait3A_86 = arith.constant 0 : i32
      %dma_wait3A_87 = tpu.memref_slice %arg12[%add3A_24, %dma_wait3A_86] : memref<10240x64xf32, #tpu.memory_space<vmem_shared>> -> memref<160x64xf32, #tpu.memory_space<vmem_shared>>
      %dma_wait3A_88 = arith.constant 0 : i32
      %dma_wait3A_89 = tpu.memref_slice %arg12[%add3A_24, %dma_wait3A_88] : memref<10240x64xf32, #tpu.memory_space<vmem_shared>> -> memref<160x64xf32, #tpu.memory_space<vmem_shared>>
      tpu.wait_dma2 semaphore(%run_scoped3A_81 : memref<!tpu.dma_semaphore, #tpu.memory_space<semaphore_mem>>) src(%arg9 : memref<160x64xf32, #tpu.memory_space<vmem>>) dst(%dma_wait3A_89 : memref<160x64xf32, #tpu.memory_space<vmem_shared>>)
      tpu.yield
    }) : () -> ()
    "tpu.region"() ({
      %run_scoped3A_81 = tpu.sem_alloc : memref<!tpu.dma_semaphore, #tpu.memory_space<semaphore_mem>>
      %dma_start3A_82 = arith.constant 0 : i32
      %dma_start3A_83 = arith.constant 0 : i32
      %dma_start3A_84 = arith.constant 0 : i32
      %dma_start3A_85 = tpu.memref_slice %arg3[%add3A, %dma_start3A_82, %dma_start3A_83, %dma_start3A_84] : memref<32x79x2x128xi32, #tpu.memory_space<hbm>> -> memref<1x79x2x128xi32, #tpu.memory_space<hbm>>
      %dma_start3A_86 = tpu.memref_squeeze %dma_start3A_85 : memref<1x79x2x128xi32, #tpu.memory_space<hbm>> -> memref<79x2x128xi32, #tpu.memory_space<hbm>>
      %dma_start3A_87 = arith.constant 0 : i32
      %dma_start3A_88 = arith.constant 0 : i32
      %dma_start3A_89 = arith.constant 0 : i32
      %dma_start3A_90 = tpu.memref_slice %arg3[%add3A, %dma_start3A_87, %dma_start3A_88, %dma_start3A_89] : memref<32x79x2x128xi32, #tpu.memory_space<hbm>> -> memref<1x79x2x128xi32, #tpu.memory_space<hbm>>
      %dma_start3A_91 = tpu.memref_squeeze %dma_start3A_90 : memref<1x79x2x128xi32, #tpu.memory_space<hbm>> -> memref<79x2x128xi32, #tpu.memory_space<hbm>>
      tpu.enqueue_dma source(%dma_start3A_91 : memref<79x2x128xi32, #tpu.memory_space<hbm>>) target(%arg5 : memref<79x2x128xi32, #tpu.memory_space<vmem>>) target_semaphore(%run_scoped3A_81 : memref<!tpu.dma_semaphore, #tpu.memory_space<semaphore_mem>>)
      %dma_wait3A_92 = arith.constant 0 : i32
      %dma_wait3A_93 = arith.constant 0 : i32
      %dma_wait3A_94 = arith.constant 0 : i32
      %dma_wait3A_95 = tpu.memref_slice %arg3[%add3A, %dma_wait3A_92, %dma_wait3A_93, %dma_wait3A_94] : memref<32x79x2x128xi32, #tpu.memory_space<hbm>> -> memref<1x79x2x128xi32, #tpu.memory_space<hbm>>
      %dma_wait3A_96 = tpu.memref_squeeze %dma_wait3A_95 : memref<1x79x2x128xi32, #tpu.memory_space<hbm>> -> memref<79x2x128xi32, #tpu.memory_space<hbm>>
      %dma_wait3A_97 = arith.constant 0 : i32
      %dma_wait3A_98 = arith.constant 0 : i32
      %dma_wait3A_99 = arith.constant 0 : i32
      %dma_wait3A_100 = tpu.memref_slice %arg3[%add3A, %dma_wait3A_97, %dma_wait3A_98, %dma_wait3A_99] : memref<32x79x2x128xi32, #tpu.memory_space<hbm>> -> memref<1x79x2x128xi32, #tpu.memory_space<hbm>>
      %dma_wait3A_101 = tpu.memref_squeeze %dma_wait3A_100 : memref<1x79x2x128xi32, #tpu.memory_space<hbm>> -> memref<79x2x128xi32, #tpu.memory_space<hbm>>
      tpu.wait_dma2 semaphore(%run_scoped3A_81 : memref<!tpu.dma_semaphore, #tpu.memory_space<semaphore_mem>>) src(%dma_wait3A_101 : memref<79x2x128xi32, #tpu.memory_space<hbm>>) dst(%arg5 : memref<79x2x128xi32, #tpu.memory_space<vmem>>)
      tpu.yield
    }) : () -> ()
    %barrier3A = arith.constant 0 : index
    tpu.barrier barrier_id(%barrier3A)
    %run_scoped3A = arith.constant 0 : i32
    %run_scoped3A_25 = arith.constant 0 : i32
    "tpu.region"() ({
      %run_scoped3A_81 = tpu.sem_alloc : memref<!tpu.dma_semaphore, #tpu.memory_space<semaphore_mem>>
      %dma_start3A_82 = arith.constant 0 : i32
      %dma_start3A_83 = tpu.memref_slice %arg5[%run_scoped3A, %run_scoped3A_25, %dma_start3A_82] : memref<79x2x128xi32, #tpu.memory_space<vmem>> -> memref<1x1x128xi32, #tpu.memory_space<vmem>>
      %dma_start3A_84 = tpu.memref_squeeze %dma_start3A_83 : memref<1x1x128xi32, #tpu.memory_space<vmem>> -> memref<128xi32, #tpu.memory_space<vmem>>
      %dma_start3A_85 = arith.constant 0 : i32
      %dma_start3A_86 = arith.constant 0 : i32
      %dma_start3A_87 = tpu.memref_slice %arg11[%dma_start3A_85, %dma_start3A_86] : memref<10240x64xbf16, #tpu.memory_space<vmem_shared>> -> memref<10240x64xbf16, #tpu.memory_space<vmem_shared>>
      tpu.enqueue_indirect_dma source(%dma_start3A_87 : memref<10240x64xbf16, #tpu.memory_space<vmem_shared>>) target(%arg6 : memref<128x64xbf16, #tpu.memory_space<vmem>>) offsets(%dma_start3A_84 : memref<128xi32, #tpu.memory_space<vmem>>) semaphore(%run_scoped3A_81 : memref<!tpu.dma_semaphore, #tpu.memory_space<semaphore_mem>>)
      %dma_wait3A_88 = arith.constant 0 : i32
      %dma_wait3A_89 = tpu.memref_slice %arg5[%run_scoped3A, %run_scoped3A_25, %dma_wait3A_88] : memref<79x2x128xi32, #tpu.memory_space<vmem>> -> memref<1x1x128xi32, #tpu.memory_space<vmem>>
      %dma_wait3A_90 = tpu.memref_squeeze %dma_wait3A_89 : memref<1x1x128xi32, #tpu.memory_space<vmem>> -> memref<128xi32, #tpu.memory_space<vmem>>
      %dma_wait3A_91 = arith.constant 0 : i32
      %dma_wait3A_92 = arith.constant 0 : i32
      %dma_wait3A_93 = tpu.memref_slice %arg11[%dma_wait3A_91, %dma_wait3A_92] : memref<10240x64xbf16, #tpu.memory_space<vmem_shared>> -> memref<10240x64xbf16, #tpu.memory_space<vmem_shared>>
      tpu.wait_indirect_dma semaphore(%run_scoped3A_81 : memref<!tpu.dma_semaphore, #tpu.memory_space<semaphore_mem>>) src(%dma_wait3A_93 : memref<10240x64xbf16, #tpu.memory_space<vmem_shared>>) dst(%arg6 : memref<128x64xbf16, #tpu.memory_space<vmem>>)
      tpu.yield
    }) : () -> ()
    %parallel_loop3A = arith.constant 0 : i32
    %parallel_loop3A_26 = arith.constant 128 : i32
    %parallel_loop3A_27 = arith.constant 1 : i32
    scf.for %parallel_loop3A_81 = %parallel_loop3A to %parallel_loop3A_26 step %parallel_loop3A_27  : i32 {
      %parallel_loop3A_82 = arith.index_cast %parallel_loop3A_81 : i32 to index
      %parallel_loop3A_83 = arith.constant 0 : index
      %parallel_loop3A_84 = tpu.vector_load %arg6[%parallel_loop3A_82, %parallel_loop3A_83] {strides = array<i32>} : memref<128x64xbf16, #tpu.memory_space<vmem>>, vector<32xbf16>,
      %parallel_loop3A_85 = tpu.unpack_subelements %parallel_loop3A_84, 0 {pack_format = #tpu.pack_format<interleaved>} : vector<32xbf16> -> vector<16xf32>
      %parallel_loop3A_86 = tpu.unpack_subelements %parallel_loop3A_84, 1 {pack_format = #tpu.pack_format<interleaved>} : vector<32xbf16> -> vector<16xf32>
      %parallel_loop3A_87 = arith.index_cast %parallel_loop3A_81 : i32 to index
      %parallel_loop3A_88 = arith.constant 0 : index
      %parallel_loop3A_89 = tpu.vector_load %arg7[%parallel_loop3A_87, %parallel_loop3A_88] {strides = array<i32>} : memref<128x64xf32, #tpu.memory_space<vmem>>, vector<16xf32>,
      tpu.vector_store %arg7[%parallel_loop3A_87, %parallel_loop3A_88], %parallel_loop3A_85 {strides = array<i32>} : memref<128x64xf32, #tpu.memory_space<vmem>>, vector<16xf32>,
      %parallel_loop3A_90 = arith.index_cast %parallel_loop3A_81 : i32 to index
      %parallel_loop3A_91 = arith.constant 16 : index
      %parallel_loop3A_92 = tpu.vector_load %arg7[%parallel_loop3A_90, %parallel_loop3A_91] {strides = array<i32>} : memref<128x64xf32, #tpu.memory_space<vmem>>, vector<16xf32>,
      tpu.vector_store %arg7[%parallel_loop3A_90, %parallel_loop3A_91], %parallel_loop3A_86 {strides = array<i32>} : memref<128x64xf32, #tpu.memory_space<vmem>>, vector<16xf32>,
      %parallel_loop3A_93 = arith.index_cast %parallel_loop3A_81 : i32 to index
      %parallel_loop3A_94 = arith.constant 32 : index
      %parallel_loop3A_95 = tpu.vector_load %arg6[%parallel_loop3A_93, %parallel_loop3A_94] {strides = array<i32>} : memref<128x64xbf16, #tpu.memory_space<vmem>>, vector<32xbf16>,
      %parallel_loop3A_96 = tpu.unpack_subelements %parallel_loop3A_95, 0 {pack_format = #tpu.pack_format<interleaved>} : vector<32xbf16> -> vector<16xf32>
      %parallel_loop3A_97 = tpu.unpack_subelements %parallel_loop3A_95, 1 {pack_format = #tpu.pack_format<interleaved>} : vector<32xbf16> -> vector<16xf32>
      %parallel_loop3A_98 = arith.index_cast %parallel_loop3A_81 : i32 to index
      %parallel_loop3A_99 = arith.constant 32 : index
      %parallel_loop3A_100 = tpu.vector_load %arg7[%parallel_loop3A_98, %parallel_loop3A_99] {strides = array<i32>} : memref<128x64xf32, #tpu.memory_space<vmem>>, vector<16xf32>,
      tpu.vector_store %arg7[%parallel_loop3A_98, %parallel_loop3A_99], %parallel_loop3A_96 {strides = array<i32>} : memref<128x64xf32, #tpu.memory_space<vmem>>, vector<16xf32>,
      %parallel_loop3A_101 = arith.index_cast %parallel_loop3A_81 : i32 to index
      %parallel_loop3A_102 = arith.constant 48 : index
      %parallel_loop3A_103 = tpu.vector_load %arg7[%parallel_loop3A_101, %parallel_loop3A_102] {strides = array<i32>} : memref<128x64xf32, #tpu.memory_space<vmem>>, vector<16xf32>,
      tpu.vector_store %arg7[%parallel_loop3A_101, %parallel_loop3A_102], %parallel_loop3A_97 {strides = array<i32>} : memref<128x64xf32, #tpu.memory_space<vmem>>, vector<16xf32>,
    } {sc.loop_unroll_factor = 8 : i64, sc.parallel_access}
    %dma_start3A = arith.constant 0 : i32
    %dma_start3A_28 = arith.constant 1 : i32
    %dma_start3A_29 = arith.constant 0 : i32
    %dma_start3A_30 = tpu.memref_slice %arg5[%dma_start3A, %dma_start3A_28, %dma_start3A_29] : memref<79x2x128xi32, #tpu.memory_space<vmem>> -> memref<1x1x128xi32, #tpu.memory_space<vmem>>
    %dma_start3A_31 = tpu.memref_squeeze %dma_start3A_30 : memref<1x1x128xi32, #tpu.memory_space<vmem>> -> memref<128xi32, #tpu.memory_space<vmem>>
    %dma_start3A_32 = arith.constant 0 : i32
    %dma_start3A_33 = arith.constant 0 : i32
    %dma_start3A_34 = tpu.memref_slice %arg12[%dma_start3A_32, %dma_start3A_33] : memref<10240x64xf32, #tpu.memory_space<vmem_shared>> -> memref<10240x64xf32, #tpu.memory_space<vmem_shared>>
    tpu.enqueue_indirect_dma source(%arg7 : memref<128x64xf32, #tpu.memory_space<vmem>>) target(%dma_start3A_34 : memref<10240x64xf32, #tpu.memory_space<vmem_shared>>) offsets(%dma_start3A_31 : memref<128xi32, #tpu.memory_space<vmem>>) semaphore(%arg13 : memref<!tpu.dma_semaphore, #tpu.memory_space<semaphore_mem>>) {add = true}
    %scan3A_35 = arith.constant 0 : i32
    %scan3A_36 = arith.constant 0 : i32
    %scan3A_37 = arith.constant 39 : i32
    %scan3A_38 = arith.addi %scan3A_36, %scan3A_37 : i32
    %scan3A_39 = arith.constant 1 : i32
    scf.for %scan3A_81 = %scan3A_36 to %scan3A_38 step %scan3A_39  : i32 {
      %mul3A_82 = arith.constant 2 : i32
      %mul3A_83 = arith.muli %scan3A_81, %mul3A_82 : i32
      %add3A_84 = arith.constant 1 : i32
      %add3A_85 = arith.addi %mul3A_83, %add3A_84 : i32
      %run_scoped3A_86 = arith.constant 0 : i32
      "tpu.region"() ({
        %run_scoped3A_127 = tpu.sem_alloc : memref<!tpu.dma_semaphore, #tpu.memory_space<semaphore_mem>>
        %dma_start3A_128 = arith.constant 0 : i32
        %dma_start3A_129 = tpu.memref_slice %arg5[%add3A_85, %run_scoped3A_86, %dma_start3A_128] : memref<79x2x128xi32, #tpu.memory_space<vmem>> -> memref<1x1x128xi32, #tpu.memory_space<vmem>>
        %dma_start3A_130 = tpu.memref_squeeze %dma_start3A_129 : memref<1x1x128xi32, #tpu.memory_space<vmem>> -> memref<128xi32, #tpu.memory_space<vmem>>
        %dma_start3A_131 = arith.constant 0 : i32
        %dma_start3A_132 = arith.constant 0 : i32
        %dma_start3A_133 = tpu.memref_slice %arg11[%dma_start3A_131, %dma_start3A_132] : memref<10240x64xbf16, #tpu.memory_space<vmem_shared>> -> memref<10240x64xbf16, #tpu.memory_space<vmem_shared>>
        tpu.enqueue_indirect_dma source(%dma_start3A_133 : memref<10240x64xbf16, #tpu.memory_space<vmem_shared>>) target(%arg6 : memref<128x64xbf16, #tpu.memory_space<vmem>>) offsets(%dma_start3A_130 : memref<128xi32, #tpu.memory_space<vmem>>) semaphore(%run_scoped3A_127 : memref<!tpu.dma_semaphore, #tpu.memory_space<semaphore_mem>>)
        %dma_wait3A_134 = arith.constant 0 : i32
        %dma_wait3A_135 = tpu.memref_slice %arg5[%add3A_85, %run_scoped3A_86, %dma_wait3A_134] : memref<79x2x128xi32, #tpu.memory_space<vmem>> -> memref<1x1x128xi32, #tpu.memory_space<vmem>>
        %dma_wait3A_136 = tpu.memref_squeeze %dma_wait3A_135 : memref<1x1x128xi32, #tpu.memory_space<vmem>> -> memref<128xi32, #tpu.memory_space<vmem>>
        %dma_wait3A_137 = arith.constant 0 : i32
        %dma_wait3A_138 = arith.constant 0 : i32
        %dma_wait3A_139 = tpu.memref_slice %arg11[%dma_wait3A_137, %dma_wait3A_138] : memref<10240x64xbf16, #tpu.memory_space<vmem_shared>> -> memref<10240x64xbf16, #tpu.memory_space<vmem_shared>>
        tpu.wait_indirect_dma semaphore(%run_scoped3A_127 : memref<!tpu.dma_semaphore, #tpu.memory_space<semaphore_mem>>) src(%dma_wait3A_139 : memref<10240x64xbf16, #tpu.memory_space<vmem_shared>>) dst(%arg6 : memref<128x64xbf16, #tpu.memory_space<vmem>>)
        tpu.yield
      }) : () -> ()
      %parallel_loop3A_87 = arith.constant 0 : i32
      %parallel_loop3A_88 = arith.constant 128 : i32
      %parallel_loop3A_89 = arith.constant 1 : i32
      scf.for %parallel_loop3A_127 = %parallel_loop3A_87 to %parallel_loop3A_88 step %parallel_loop3A_89  : i32 {
        %parallel_loop3A_128 = arith.index_cast %parallel_loop3A_127 : i32 to index
        %parallel_loop3A_129 = arith.constant 0 : index
        %parallel_loop3A_130 = tpu.vector_load %arg6[%parallel_loop3A_128, %parallel_loop3A_129] {strides = array<i32>} : memref<128x64xbf16, #tpu.memory_space<vmem>>, vector<32xbf16>,
        %parallel_loop3A_131 = tpu.unpack_subelements %parallel_loop3A_130, 0 {pack_format = #tpu.pack_format<interleaved>} : vector<32xbf16> -> vector<16xf32>
        %parallel_loop3A_132 = tpu.unpack_subelements %parallel_loop3A_130, 1 {pack_format = #tpu.pack_format<interleaved>} : vector<32xbf16> -> vector<16xf32>
        %parallel_loop3A_133 = arith.index_cast %parallel_loop3A_127 : i32 to index
        %parallel_loop3A_134 = arith.constant 0 : index
        %parallel_loop3A_135 = tpu.vector_load %arg8[%parallel_loop3A_133, %parallel_loop3A_134] {strides = array<i32>} : memref<128x64xf32, #tpu.memory_space<vmem>>, vector<16xf32>,
        tpu.vector_store %arg8[%parallel_loop3A_133, %parallel_loop3A_134], %parallel_loop3A_131 {strides = array<i32>} : memref<128x64xf32, #tpu.memory_space<vmem>>, vector<16xf32>,
        %parallel_loop3A_136 = arith.index_cast %parallel_loop3A_127 : i32 to index
        %parallel_loop3A_137 = arith.constant 16 : index
        %parallel_loop3A_138 = tpu.vector_load %arg8[%parallel_loop3A_136, %parallel_loop3A_137] {strides = array<i32>} : memref<128x64xf32, #tpu.memory_space<vmem>>, vector<16xf32>,
        tpu.vector_store %arg8[%parallel_loop3A_136, %parallel_loop3A_137], %parallel_loop3A_132 {strides = array<i32>} : memref<128x64xf32, #tpu.memory_space<vmem>>, vector<16xf32>,
        %parallel_loop3A_139 = arith.index_cast %parallel_loop3A_127 : i32 to index
        %parallel_loop3A_140 = arith.constant 32 : index
        %parallel_loop3A_141 = tpu.vector_load %arg6[%parallel_loop3A_139, %parallel_loop3A_140] {strides = array<i32>} : memref<128x64xbf16, #tpu.memory_space<vmem>>, vector<32xbf16>,
        %parallel_loop3A_142 = tpu.unpack_subelements %parallel_loop3A_141, 0 {pack_format = #tpu.pack_format<interleaved>} : vector<32xbf16> -> vector<16xf32>
        %parallel_loop3A_143 = tpu.unpack_subelements %parallel_loop3A_141, 1 {pack_format = #tpu.pack_format<interleaved>} : vector<32xbf16> -> vector<16xf32>
        %parallel_loop3A_144 = arith.index_cast %parallel_loop3A_127 : i32 to index
        %parallel_loop3A_145 = arith.constant 32 : index
        %parallel_loop3A_146 = tpu.vector_load %arg8[%parallel_loop3A_144, %parallel_loop3A_145] {strides = array<i32>} : memref<128x64xf32, #tpu.memory_space<vmem>>, vector<16xf32>,
        tpu.vector_store %arg8[%parallel_loop3A_144, %parallel_loop3A_145], %parallel_loop3A_142 {strides = array<i32>} : memref<128x64xf32, #tpu.memory_space<vmem>>, vector<16xf32>,
        %parallel_loop3A_147 = arith.index_cast %parallel_loop3A_127 : i32 to index
        %parallel_loop3A_148 = arith.constant 48 : index
        %parallel_loop3A_149 = tpu.vector_load %arg8[%parallel_loop3A_147, %parallel_loop3A_148] {strides = array<i32>} : memref<128x64xf32, #tpu.memory_space<vmem>>, vector<16xf32>,
        tpu.vector_store %arg8[%parallel_loop3A_147, %parallel_loop3A_148], %parallel_loop3A_143 {strides = array<i32>} : memref<128x64xf32, #tpu.memory_space<vmem>>, vector<16xf32>,
      } {sc.loop_unroll_factor = 8 : i64, sc.parallel_access}
      %sub3A = arith.constant 1 : i32
      %sub3A_90 = arith.subi %add3A_85, %sub3A : i32
      %dma_wait3A_91 = arith.constant 1 : i32
      %dma_wait3A_92 = arith.constant 0 : i32
      %dma_wait3A_93 = tpu.memref_slice %arg5[%sub3A_90, %dma_wait3A_91, %dma_wait3A_92] : memref<79x2x128xi32, #tpu.memory_space<vmem>> -> memref<1x1x128xi32, #tpu.memory_space<vmem>>
      %dma_wait3A_94 = tpu.memref_squeeze %dma_wait3A_93 : memref<1x1x128xi32, #tpu.memory_space<vmem>> -> memref<128xi32, #tpu.memory_space<vmem>>
      %dma_wait3A_95 = arith.constant 0 : i32
      %dma_wait3A_96 = arith.constant 0 : i32
      %dma_wait3A_97 = tpu.memref_slice %arg12[%dma_wait3A_95, %dma_wait3A_96] : memref<10240x64xf32, #tpu.memory_space<vmem_shared>> -> memref<10240x64xf32, #tpu.memory_space<vmem_shared>>
      tpu.wait_indirect_dma semaphore(%arg13 : memref<!tpu.dma_semaphore, #tpu.memory_space<semaphore_mem>>) src(%arg7 : memref<128x64xf32, #tpu.memory_space<vmem>>) dst(%dma_wait3A_97 : memref<10240x64xf32, #tpu.memory_space<vmem_shared>>)
      %dma_start3A_98 = arith.constant 1 : i32
      %dma_start3A_99 = arith.constant 0 : i32
      %dma_start3A_100 = tpu.memref_slice %arg5[%add3A_85, %dma_start3A_98, %dma_start3A_99] : memref<79x2x128xi32, #tpu.memory_space<vmem>> -> memref<1x1x128xi32, #tpu.memory_space<vmem>>
      %dma_start3A_101 = tpu.memref_squeeze %dma_start3A_100 : memref<1x1x128xi32, #tpu.memory_space<vmem>> -> memref<128xi32, #tpu.memory_space<vmem>>
      %dma_start3A_102 = arith.constant 0 : i32
      %dma_start3A_103 = arith.constant 0 : i32
      %dma_start3A_104 = tpu.memref_slice %arg12[%dma_start3A_102, %dma_start3A_103] : memref<10240x64xf32, #tpu.memory_space<vmem_shared>> -> memref<10240x64xf32, #tpu.memory_space<vmem_shared>>
      tpu.enqueue_indirect_dma source(%arg8 : memref<128x64xf32, #tpu.memory_space<vmem>>) target(%dma_start3A_104 : memref<10240x64xf32, #tpu.memory_space<vmem_shared>>) offsets(%dma_start3A_101 : memref<128xi32, #tpu.memory_space<vmem>>) semaphore(%arg13 : memref<!tpu.dma_semaphore, #tpu.memory_space<semaphore_mem>>) {add = true}
      %add3A_105 = arith.constant 1 : i32
      %add3A_106 = arith.addi %add3A_85, %add3A_105 : i32
      %run_scoped3A_107 = arith.constant 0 : i32
      "tpu.region"() ({
        %run_scoped3A_127 = tpu.sem_alloc : memref<!tpu.dma_semaphore, #tpu.memory_space<semaphore_mem>>
        %dma_start3A_128 = arith.constant 0 : i32
        %dma_start3A_129 = tpu.memref_slice %arg5[%add3A_106, %run_scoped3A_107, %dma_start3A_128] : memref<79x2x128xi32, #tpu.memory_space<vmem>> -> memref<1x1x128xi32, #tpu.memory_space<vmem>>
        %dma_start3A_130 = tpu.memref_squeeze %dma_start3A_129 : memref<1x1x128xi32, #tpu.memory_space<vmem>> -> memref<128xi32, #tpu.memory_space<vmem>>
        %dma_start3A_131 = arith.constant 0 : i32
        %dma_start3A_132 = arith.constant 0 : i32
        %dma_start3A_133 = tpu.memref_slice %arg11[%dma_start3A_131, %dma_start3A_132] : memref<10240x64xbf16, #tpu.memory_space<vmem_shared>> -> memref<10240x64xbf16, #tpu.memory_space<vmem_shared>>
        tpu.enqueue_indirect_dma source(%dma_start3A_133 : memref<10240x64xbf16, #tpu.memory_space<vmem_shared>>) target(%arg6 : memref<128x64xbf16, #tpu.memory_space<vmem>>) offsets(%dma_start3A_130 : memref<128xi32, #tpu.memory_space<vmem>>) semaphore(%run_scoped3A_127 : memref<!tpu.dma_semaphore, #tpu.memory_space<semaphore_mem>>)
        %dma_wait3A_134 = arith.constant 0 : i32
        %dma_wait3A_135 = tpu.memref_slice %arg5[%add3A_106, %run_scoped3A_107, %dma_wait3A_134] : memref<79x2x128xi32, #tpu.memory_space<vmem>> -> memref<1x1x128xi32, #tpu.memory_space<vmem>>
        %dma_wait3A_136 = tpu.memref_squeeze %dma_wait3A_135 : memref<1x1x128xi32, #tpu.memory_space<vmem>> -> memref<128xi32, #tpu.memory_space<vmem>>
        %dma_wait3A_137 = arith.constant 0 : i32
        %dma_wait3A_138 = arith.constant 0 : i32
        %dma_wait3A_139 = tpu.memref_slice %arg11[%dma_wait3A_137, %dma_wait3A_138] : memref<10240x64xbf16, #tpu.memory_space<vmem_shared>> -> memref<10240x64xbf16, #tpu.memory_space<vmem_shared>>
        tpu.wait_indirect_dma semaphore(%run_scoped3A_127 : memref<!tpu.dma_semaphore, #tpu.memory_space<semaphore_mem>>) src(%dma_wait3A_139 : memref<10240x64xbf16, #tpu.memory_space<vmem_shared>>) dst(%arg6 : memref<128x64xbf16, #tpu.memory_space<vmem>>)
        tpu.yield
      }) : () -> ()
      %parallel_loop3A_108 = arith.constant 0 : i32
      %parallel_loop3A_109 = arith.constant 128 : i32
      %parallel_loop3A_110 = arith.constant 1 : i32
      scf.for %parallel_loop3A_127 = %parallel_loop3A_108 to %parallel_loop3A_109 step %parallel_loop3A_110  : i32 {
        %parallel_loop3A_128 = arith.index_cast %parallel_loop3A_127 : i32 to index
        %parallel_loop3A_129 = arith.constant 0 : index
        %parallel_loop3A_130 = tpu.vector_load %arg6[%parallel_loop3A_128, %parallel_loop3A_129] {strides = array<i32>} : memref<128x64xbf16, #tpu.memory_space<vmem>>, vector<32xbf16>,
        %parallel_loop3A_131 = tpu.unpack_subelements %parallel_loop3A_130, 0 {pack_format = #tpu.pack_format<interleaved>} : vector<32xbf16> -> vector<16xf32>
        %parallel_loop3A_132 = tpu.unpack_subelements %parallel_loop3A_130, 1 {pack_format = #tpu.pack_format<interleaved>} : vector<32xbf16> -> vector<16xf32>
        %parallel_loop3A_133 = arith.index_cast %parallel_loop3A_127 : i32 to index
        %parallel_loop3A_134 = arith.constant 0 : index
        %parallel_loop3A_135 = tpu.vector_load %arg7[%parallel_loop3A_133, %parallel_loop3A_134] {strides = array<i32>} : memref<128x64xf32, #tpu.memory_space<vmem>>, vector<16xf32>,
        tpu.vector_store %arg7[%parallel_loop3A_133, %parallel_loop3A_134], %parallel_loop3A_131 {strides = array<i32>} : memref<128x64xf32, #tpu.memory_space<vmem>>, vector<16xf32>,
        %parallel_loop3A_136 = arith.index_cast %parallel_loop3A_127 : i32 to index
        %parallel_loop3A_137 = arith.constant 16 : index
        %parallel_loop3A_138 = tpu.vector_load %arg7[%parallel_loop3A_136, %parallel_loop3A_137] {strides = array<i32>} : memref<128x64xf32, #tpu.memory_space<vmem>>, vector<16xf32>,
        tpu.vector_store %arg7[%parallel_loop3A_136, %parallel_loop3A_137], %parallel_loop3A_132 {strides = array<i32>} : memref<128x64xf32, #tpu.memory_space<vmem>>, vector<16xf32>,
        %parallel_loop3A_139 = arith.index_cast %parallel_loop3A_127 : i32 to index
        %parallel_loop3A_140 = arith.constant 32 : index
        %parallel_loop3A_141 = tpu.vector_load %arg6[%parallel_loop3A_139, %parallel_loop3A_140] {strides = array<i32>} : memref<128x64xbf16, #tpu.memory_space<vmem>>, vector<32xbf16>,
        %parallel_loop3A_142 = tpu.unpack_subelements %parallel_loop3A_141, 0 {pack_format = #tpu.pack_format<interleaved>} : vector<32xbf16> -> vector<16xf32>
        %parallel_loop3A_143 = tpu.unpack_subelements %parallel_loop3A_141, 1 {pack_format = #tpu.pack_format<interleaved>} : vector<32xbf16> -> vector<16xf32>
        %parallel_loop3A_144 = arith.index_cast %parallel_loop3A_127 : i32 to index
        %parallel_loop3A_145 = arith.constant 32 : index
        %parallel_loop3A_146 = tpu.vector_load %arg7[%parallel_loop3A_144, %parallel_loop3A_145] {strides = array<i32>} : memref<128x64xf32, #tpu.memory_space<vmem>>, vector<16xf32>,
        tpu.vector_store %arg7[%parallel_loop3A_144, %parallel_loop3A_145], %parallel_loop3A_142 {strides = array<i32>} : memref<128x64xf32, #tpu.memory_space<vmem>>, vector<16xf32>,
        %parallel_loop3A_147 = arith.index_cast %parallel_loop3A_127 : i32 to index
        %parallel_loop3A_148 = arith.constant 48 : index
        %parallel_loop3A_149 = tpu.vector_load %arg7[%parallel_loop3A_147, %parallel_loop3A_148] {strides = array<i32>} : memref<128x64xf32, #tpu.memory_space<vmem>>, vector<16xf32>,
        tpu.vector_store %arg7[%parallel_loop3A_147, %parallel_loop3A_148], %parallel_loop3A_143 {strides = array<i32>} : memref<128x64xf32, #tpu.memory_space<vmem>>, vector<16xf32>,
      } {sc.loop_unroll_factor = 8 : i64, sc.parallel_access}
      %dma_wait3A_111 = arith.constant 1 : i32
      %dma_wait3A_112 = arith.constant 0 : i32
      %dma_wait3A_113 = tpu.memref_slice %arg5[%add3A_85, %dma_wait3A_111, %dma_wait3A_112] : memref<79x2x128xi32, #tpu.memory_space<vmem>> -> memref<1x1x128xi32, #tpu.memory_space<vmem>>
      %dma_wait3A_114 = tpu.memref_squeeze %dma_wait3A_113 : memref<1x1x128xi32, #tpu.memory_space<vmem>> -> memref<128xi32, #tpu.memory_space<vmem>>
      %dma_wait3A_115 = arith.constant 0 : i32
      %dma_wait3A_116 = arith.constant 0 : i32
      %dma_wait3A_117 = tpu.memref_slice %arg12[%dma_wait3A_115, %dma_wait3A_116] : memref<10240x64xf32, #tpu.memory_space<vmem_shared>> -> memref<10240x64xf32, #tpu.memory_space<vmem_shared>>
      tpu.wait_indirect_dma semaphore(%arg13 : memref<!tpu.dma_semaphore, #tpu.memory_space<semaphore_mem>>) src(%arg8 : memref<128x64xf32, #tpu.memory_space<vmem>>) dst(%dma_wait3A_117 : memref<10240x64xf32, #tpu.memory_space<vmem_shared>>)
      %add3A_118 = arith.constant 1 : i32
      %add3A_119 = arith.addi %add3A_85, %add3A_118 : i32
      %dma_start3A_120 = arith.constant 1 : i32
      %dma_start3A_121 = arith.constant 0 : i32
      %dma_start3A_122 = tpu.memref_slice %arg5[%add3A_119, %dma_start3A_120, %dma_start3A_121] : memref<79x2x128xi32, #tpu.memory_space<vmem>> -> memref<1x1x128xi32, #tpu.memory_space<vmem>>
      %dma_start3A_123 = tpu.memref_squeeze %dma_start3A_122 : memref<1x1x128xi32, #tpu.memory_space<vmem>> -> memref<128xi32, #tpu.memory_space<vmem>>
      %dma_start3A_124 = arith.constant 0 : i32
      %dma_start3A_125 = arith.constant 0 : i32
      %dma_start3A_126 = tpu.memref_slice %arg12[%dma_start3A_124, %dma_start3A_125] : memref<10240x64xf32, #tpu.memory_space<vmem_shared>> -> memref<10240x64xf32, #tpu.memory_space<vmem_shared>>
      tpu.enqueue_indirect_dma source(%arg7 : memref<128x64xf32, #tpu.memory_space<vmem>>) target(%dma_start3A_126 : memref<10240x64xf32, #tpu.memory_space<vmem_shared>>) offsets(%dma_start3A_123 : memref<128xi32, #tpu.memory_space<vmem>>) semaphore(%arg13 : memref<!tpu.dma_semaphore, #tpu.memory_space<semaphore_mem>>) {add = true}
    }
    %scan3A_40 = arith.constant 39 : i32
    %dma_wait3A = arith.constant 78 : i32
    %dma_wait3A_41 = arith.constant 1 : i32
    %dma_wait3A_42 = arith.constant 0 : i32
    %dma_wait3A_43 = tpu.memref_slice %arg5[%dma_wait3A, %dma_wait3A_41, %dma_wait3A_42] : memref<79x2x128xi32, #tpu.memory_space<vmem>> -> memref<1x1x128xi32, #tpu.memory_space<vmem>>
    %dma_wait3A_44 = tpu.memref_squeeze %dma_wait3A_43 : memref<1x1x128xi32, #tpu.memory_space<vmem>> -> memref<128xi32, #tpu.memory_space<vmem>>
    %dma_wait3A_45 = arith.constant 0 : i32
    %dma_wait3A_46 = arith.constant 0 : i32
    %dma_wait3A_47 = tpu.memref_slice %arg12[%dma_wait3A_45, %dma_wait3A_46] : memref<10240x64xf32, #tpu.memory_space<vmem_shared>> -> memref<10240x64xf32, #tpu.memory_space<vmem_shared>>
    tpu.wait_indirect_dma semaphore(%arg13 : memref<!tpu.dma_semaphore, #tpu.memory_space<semaphore_mem>>) src(%arg7 : memref<128x64xf32, #tpu.memory_space<vmem>>) dst(%dma_wait3A_47 : memref<10240x64xf32, #tpu.memory_space<vmem_shared>>)
    %barrier3A_48 = arith.constant 0 : index
    tpu.barrier barrier_id(%barrier3A_48)
    %add3A_49 = arith.constant 0 : i32
    %add3A_50 = arith.addi %mul3A_2, %add3A_49 : i32
    "tpu.region"() ({
      %run_scoped3A_81 = tpu.sem_alloc : memref<!tpu.dma_semaphore, #tpu.memory_space<semaphore_mem>>
      %dma_start3A_82 = arith.constant 0 : i32
      %dma_start3A_83 = tpu.memref_slice %arg12[%add3A_50, %dma_start3A_82] : memref<10240x64xf32, #tpu.memory_space<vmem_shared>> -> memref<160x64xf32, #tpu.memory_space<vmem_shared>>
      %dma_start3A_84 = arith.constant 0 : i32
      %dma_start3A_85 = tpu.memref_slice %arg12[%add3A_50, %dma_start3A_84] : memref<10240x64xf32, #tpu.memory_space<vmem_shared>> -> memref<160x64xf32, #tpu.memory_space<vmem_shared>>
      tpu.enqueue_dma source(%dma_start3A_85 : memref<160x64xf32, #tpu.memory_space<vmem_shared>>) target(%arg9 : memref<160x64xf32, #tpu.memory_space<vmem>>) target_semaphore(%run_scoped3A_81 : memref<!tpu.dma_semaphore, #tpu.memory_space<semaphore_mem>>)
      %dma_wait3A_86 = arith.constant 0 : i32
      %dma_wait3A_87 = tpu.memref_slice %arg12[%add3A_50, %dma_wait3A_86] : memref<10240x64xf32, #tpu.memory_space<vmem_shared>> -> memref<160x64xf32, #tpu.memory_space<vmem_shared>>
      %dma_wait3A_88 = arith.constant 0 : i32
      %dma_wait3A_89 = tpu.memref_slice %arg12[%add3A_50, %dma_wait3A_88] : memref<10240x64xf32, #tpu.memory_space<vmem_shared>> -> memref<160x64xf32, #tpu.memory_space<vmem_shared>>
      tpu.wait_dma2 semaphore(%run_scoped3A_81 : memref<!tpu.dma_semaphore, #tpu.memory_space<semaphore_mem>>) src(%dma_wait3A_89 : memref<160x64xf32, #tpu.memory_space<vmem_shared>>) dst(%arg9 : memref<160x64xf32, #tpu.memory_space<vmem>>)
      tpu.yield
    }) : () -> ()
    %scan3A_51 = arith.constant 0 : i32
    %scan3A_52 = arith.constant 0 : i32
    %scan3A_53 = arith.constant 160 : i32
    %scan3A_54 = arith.addi %scan3A_52, %scan3A_53 : i32
    %scan3A_55 = arith.constant 1 : i32
    scf.for %scan3A_81 = %scan3A_52 to %scan3A_54 step %scan3A_55  : i32 {
      %get3A = arith.index_cast %scan3A_81 : i32 to index
      %get3A_82 = arith.constant 0 : index
      %get3A_83 = tpu.vector_load %arg9[%get3A, %get3A_82] {strides = array<i32>} : memref<160x64xf32, #tpu.memory_space<vmem>>, vector<16xf32>,
      %get3A_84 = arith.index_cast %scan3A_81 : i32 to index
      %get3A_85 = arith.constant 16 : index
      %get3A_86 = tpu.vector_load %arg9[%get3A_84, %get3A_85] {strides = array<i32>} : memref<160x64xf32, #tpu.memory_space<vmem>>, vector<16xf32>,
      %pack3A = tpu.pack_subelements %get3A_83, %get3A_86 {pack_format = #tpu.pack_format<interleaved>, positions = array<i32: 0, 1>} : vector<16xf32>, vector<16xf32> -> vector<32xbf16>
      %swap3A = arith.index_cast %scan3A_81 : i32 to index
      %swap3A_87 = arith.constant 0 : index
      %swap3A_88 = tpu.vector_load %arg10[%swap3A, %swap3A_87] {strides = array<i32>} : memref<160x64xbf16, #tpu.memory_space<vmem>>, vector<32xbf16>,
      tpu.vector_store %arg10[%swap3A, %swap3A_87], %pack3A {strides = array<i32>} : memref<160x64xbf16, #tpu.memory_space<vmem>>, vector<32xbf16>,
      %get3A_89 = arith.index_cast %scan3A_81 : i32 to index
      %get3A_90 = arith.constant 32 : index
      %get3A_91 = tpu.vector_load %arg9[%get3A_89, %get3A_90] {strides = array<i32>} : memref<160x64xf32, #tpu.memory_space<vmem>>, vector<16xf32>,
      %get3A_92 = arith.index_cast %scan3A_81 : i32 to index
      %get3A_93 = arith.constant 48 : index
      %get3A_94 = tpu.vector_load %arg9[%get3A_92, %get3A_93] {strides = array<i32>} : memref<160x64xf32, #tpu.memory_space<vmem>>, vector<16xf32>,
      %pack3A_95 = tpu.pack_subelements %get3A_91, %get3A_94 {pack_format = #tpu.pack_format<interleaved>, positions = array<i32: 0, 1>} : vector<16xf32>, vector<16xf32> -> vector<32xbf16>
      %swap3A_96 = arith.index_cast %scan3A_81 : i32 to index
      %swap3A_97 = arith.constant 32 : index
      %swap3A_98 = tpu.vector_load %arg10[%swap3A_96, %swap3A_97] {strides = array<i32>} : memref<160x64xbf16, #tpu.memory_space<vmem>>, vector<32xbf16>,
      tpu.vector_store %arg10[%swap3A_96, %swap3A_97], %pack3A_95 {strides = array<i32>} : memref<160x64xbf16, #tpu.memory_space<vmem>>, vector<32xbf16>,
    }
    %scan3A_56 = arith.constant 160 : i32
    "tpu.region"() ({
      %run_scoped3A_81 = tpu.sem_alloc : memref<!tpu.dma_semaphore, #tpu.memory_space<semaphore_mem>>
      %dma_start3A_82 = arith.constant 0 : i32
      %dma_start3A_83 = tpu.memref_slice %arg4[%arg0, %add3A_50, %dma_start3A_82] : memref<2x10240x64xbf16, #tpu.memory_space<hbm>> -> memref<1x160x64xbf16, #tpu.memory_space<hbm>>
      %dma_start3A_84 = tpu.memref_squeeze %dma_start3A_83 : memref<1x160x64xbf16, #tpu.memory_space<hbm>> -> memref<160x64xbf16, #tpu.memory_space<hbm>>
      %dma_start3A_85 = arith.constant 0 : i32
      %dma_start3A_86 = tpu.memref_slice %arg4[%arg0, %add3A_50, %dma_start3A_85] : memref<2x10240x64xbf16, #tpu.memory_space<hbm>> -> memref<1x160x64xbf16, #tpu.memory_space<hbm>>
      %dma_start3A_87 = tpu.memref_squeeze %dma_start3A_86 : memref<1x160x64xbf16, #tpu.memory_space<hbm>> -> memref<160x64xbf16, #tpu.memory_space<hbm>>
      tpu.enqueue_dma source(%arg10 : memref<160x64xbf16, #tpu.memory_space<vmem>>) target(%dma_start3A_87 : memref<160x64xbf16, #tpu.memory_space<hbm>>) target_semaphore(%run_scoped3A_81 : memref<!tpu.dma_semaphore, #tpu.memory_space<semaphore_mem>>)
      %dma_wait3A_88 = arith.constant 0 : i32
      %dma_wait3A_89 = tpu.memref_slice %arg4[%arg0, %add3A_50, %dma_wait3A_88] : memref<2x10240x64xbf16, #tpu.memory_space<hbm>> -> memref<1x160x64xbf16, #tpu.memory_space<hbm>>
      %dma_wait3A_90 = tpu.memref_squeeze %dma_wait3A_89 : memref<1x160x64xbf16, #tpu.memory_space<hbm>> -> memref<160x64xbf16, #tpu.memory_space<hbm>>
      %dma_wait3A_91 = arith.constant 0 : i32
      %dma_wait3A_92 = tpu.memref_slice %arg4[%arg0, %add3A_50, %dma_wait3A_91] : memref<2x10240x64xbf16, #tpu.memory_space<hbm>> -> memref<1x160x64xbf16, #tpu.memory_space<hbm>>
      %dma_wait3A_93 = tpu.memref_squeeze %dma_wait3A_92 : memref<1x160x64xbf16, #tpu.memory_space<hbm>> -> memref<160x64xbf16, #tpu.memory_space<hbm>>
      tpu.wait_dma2 semaphore(%run_scoped3A_81 : memref<!tpu.dma_semaphore, #tpu.memory_space<semaphore_mem>>) src(%arg10 : memref<160x64xbf16, #tpu.memory_space<vmem>>) dst(%dma_wait3A_93 : memref<160x64xbf16, #tpu.memory_space<hbm>>)
      tpu.yield
    }) : () -> ()
    %add3A_57 = arith.constant 160 : i32
    %add3A_58 = arith.addi %mul3A_2, %add3A_57 : i32
    "tpu.region"() ({
      %run_scoped3A_81 = tpu.sem_alloc : memref<!tpu.dma_semaphore, #tpu.memory_space<semaphore_mem>>
      %dma_start3A_82 = arith.constant 0 : i32
      %dma_start3A_83 = tpu.memref_slice %arg12[%add3A_58, %dma_start3A_82] : memref<10240x64xf32, #tpu.memory_space<vmem_shared>> -> memref<160x64xf32, #tpu.memory_space<vmem_shared>>
      %dma_start3A_84 = arith.constant 0 : i32
      %dma_start3A_85 = tpu.memref_slice %arg12[%add3A_58, %dma_start3A_84] : memref<10240x64xf32, #tpu.memory_space<vmem_shared>> -> memref<160x64xf32, #tpu.memory_space<vmem_shared>>
      tpu.enqueue_dma source(%dma_start3A_85 : memref<160x64xf32, #tpu.memory_space<vmem_shared>>) target(%arg9 : memref<160x64xf32, #tpu.memory_space<vmem>>) target_semaphore(%run_scoped3A_81 : memref<!tpu.dma_semaphore, #tpu.memory_space<semaphore_mem>>)
      %dma_wait3A_86 = arith.constant 0 : i32
      %dma_wait3A_87 = tpu.memref_slice %arg12[%add3A_58, %dma_wait3A_86] : memref<10240x64xf32, #tpu.memory_space<vmem_shared>> -> memref<160x64xf32, #tpu.memory_space<vmem_shared>>
      %dma_wait3A_88 = arith.constant 0 : i32
      %dma_wait3A_89 = tpu.memref_slice %arg12[%add3A_58, %dma_wait3A_88] : memref<10240x64xf32, #tpu.memory_space<vmem_shared>> -> memref<160x64xf32, #tpu.memory_space<vmem_shared>>
      tpu.wait_dma2 semaphore(%run_scoped3A_81 : memref<!tpu.dma_semaphore, #tpu.memory_space<semaphore_mem>>) src(%dma_wait3A_89 : memref<160x64xf32, #tpu.memory_space<vmem_shared>>) dst(%arg9 : memref<160x64xf32, #tpu.memory_space<vmem>>)
      tpu.yield
    }) : () -> ()
    %scan3A_59 = arith.constant 0 : i32
    %scan3A_60 = arith.constant 0 : i32
    %scan3A_61 = arith.constant 160 : i32
    %scan3A_62 = arith.addi %scan3A_60, %scan3A_61 : i32
    %scan3A_63 = arith.constant 1 : i32
    scf.for %scan3A_81 = %scan3A_60 to %scan3A_62 step %scan3A_63  : i32 {
      %get3A = arith.index_cast %scan3A_81 : i32 to index
      %get3A_82 = arith.constant 0 : index
      %get3A_83 = tpu.vector_load %arg9[%get3A, %get3A_82] {strides = array<i32>} : memref<160x64xf32, #tpu.memory_space<vmem>>, vector<16xf32>,
      %get3A_84 = arith.index_cast %scan3A_81 : i32 to index
      %get3A_85 = arith.constant 16 : index
      %get3A_86 = tpu.vector_load %arg9[%get3A_84, %get3A_85] {strides = array<i32>} : memref<160x64xf32, #tpu.memory_space<vmem>>, vector<16xf32>,
      %pack3A = tpu.pack_subelements %get3A_83, %get3A_86 {pack_format = #tpu.pack_format<interleaved>, positions = array<i32: 0, 1>} : vector<16xf32>, vector<16xf32> -> vector<32xbf16>
      %swap3A = arith.index_cast %scan3A_81 : i32 to index
      %swap3A_87 = arith.constant 0 : index
      %swap3A_88 = tpu.vector_load %arg10[%swap3A, %swap3A_87] {strides = array<i32>} : memref<160x64xbf16, #tpu.memory_space<vmem>>, vector<32xbf16>,
      tpu.vector_store %arg10[%swap3A, %swap3A_87], %pack3A {strides = array<i32>} : memref<160x64xbf16, #tpu.memory_space<vmem>>, vector<32xbf16>,
      %get3A_89 = arith.index_cast %scan3A_81 : i32 to index
      %get3A_90 = arith.constant 32 : index
      %get3A_91 = tpu.vector_load %arg9[%get3A_89, %get3A_90] {strides = array<i32>} : memref<160x64xf32, #tpu.memory_space<vmem>>, vector<16xf32>,
      %get3A_92 = arith.index_cast %scan3A_81 : i32 to index
      %get3A_93 = arith.constant 48 : index
      %get3A_94 = tpu.vector_load %arg9[%get3A_92, %get3A_93] {strides = array<i32>} : memref<160x64xf32, #tpu.memory_space<vmem>>, vector<16xf32>,
      %pack3A_95 = tpu.pack_subelements %get3A_91, %get3A_94 {pack_format = #tpu.pack_format<interleaved>, positions = array<i32: 0, 1>} : vector<16xf32>, vector<16xf32> -> vector<32xbf16>
      %swap3A_96 = arith.index_cast %scan3A_81 : i32 to index
      %swap3A_97 = arith.constant 32 : index
      %swap3A_98 = tpu.vector_load %arg10[%swap3A_96, %swap3A_97] {strides = array<i32>} : memref<160x64xbf16, #tpu.memory_space<vmem>>, vector<32xbf16>,
      tpu.vector_store %arg10[%swap3A_96, %swap3A_97], %pack3A_95 {strides = array<i32>} : memref<160x64xbf16, #tpu.memory_space<vmem>>, vector<32xbf16>,
    }
    %scan3A_64 = arith.constant 160 : i32
    "tpu.region"() ({
      %run_scoped3A_81 = tpu.sem_alloc : memref<!tpu.dma_semaphore, #tpu.memory_space<semaphore_mem>>
      %dma_start3A_82 = arith.constant 0 : i32
      %dma_start3A_83 = tpu.memref_slice %arg4[%arg0, %add3A_58, %dma_start3A_82] : memref<2x10240x64xbf16, #tpu.memory_space<hbm>> -> memref<1x160x64xbf16, #tpu.memory_space<hbm>>
      %dma_start3A_84 = tpu.memref_squeeze %dma_start3A_83 : memref<1x160x64xbf16, #tpu.memory_space<hbm>> -> memref<160x64xbf16, #tpu.memory_space<hbm>>
      %dma_start3A_85 = arith.constant 0 : i32
      %dma_start3A_86 = tpu.memref_slice %arg4[%arg0, %add3A_58, %dma_start3A_85] : memref<2x10240x64xbf16, #tpu.memory_space<hbm>> -> memref<1x160x64xbf16, #tpu.memory_space<hbm>>
      %dma_start3A_87 = tpu.memref_squeeze %dma_start3A_86 : memref<1x160x64xbf16, #tpu.memory_space<hbm>> -> memref<160x64xbf16, #tpu.memory_space<hbm>>
      tpu.enqueue_dma source(%arg10 : memref<160x64xbf16, #tpu.memory_space<vmem>>) target(%dma_start3A_87 : memref<160x64xbf16, #tpu.memory_space<hbm>>) target_semaphore(%run_scoped3A_81 : memref<!tpu.dma_semaphore, #tpu.memory_space<semaphore_mem>>)
      %dma_wait3A_88 = arith.constant 0 : i32
      %dma_wait3A_89 = tpu.memref_slice %arg4[%arg0, %add3A_58, %dma_wait3A_88] : memref<2x10240x64xbf16, #tpu.memory_space<hbm>> -> memref<1x160x64xbf16, #tpu.memory_space<hbm>>
      %dma_wait3A_90 = tpu.memref_squeeze %dma_wait3A_89 : memref<1x160x64xbf16, #tpu.memory_space<hbm>> -> memref<160x64xbf16, #tpu.memory_space<hbm>>
      %dma_wait3A_91 = arith.constant 0 : i32
      %dma_wait3A_92 = tpu.memref_slice %arg4[%arg0, %add3A_58, %dma_wait3A_91] : memref<2x10240x64xbf16, #tpu.memory_space<hbm>> -> memref<1x160x64xbf16, #tpu.memory_space<hbm>>
      %dma_wait3A_93 = tpu.memref_squeeze %dma_wait3A_92 : memref<1x160x64xbf16, #tpu.memory_space<hbm>> -> memref<160x64xbf16, #tpu.memory_space<hbm>>
      tpu.wait_dma2 semaphore(%run_scoped3A_81 : memref<!tpu.dma_semaphore, #tpu.memory_space<semaphore_mem>>) src(%arg10 : memref<160x64xbf16, #tpu.memory_space<vmem>>) dst(%dma_wait3A_93 : memref<160x64xbf16, #tpu.memory_space<hbm>>)
      tpu.yield
    }) : () -> ()
    %add3A_65 = arith.constant 320 : i32
    %add3A_66 = arith.addi %mul3A_2, %add3A_65 : i32
    "tpu.region"() ({
      %run_scoped3A_81 = tpu.sem_alloc : memref<!tpu.dma_semaphore, #tpu.memory_space<semaphore_mem>>
      %dma_start3A_82 = arith.constant 0 : i32
      %dma_start3A_83 = tpu.memref_slice %arg12[%add3A_66, %dma_start3A_82] : memref<10240x64xf32, #tpu.memory_space<vmem_shared>> -> memref<160x64xf32, #tpu.memory_space<vmem_shared>>
      %dma_start3A_84 = arith.constant 0 : i32
      %dma_start3A_85 = tpu.memref_slice %arg12[%add3A_66, %dma_start3A_84] : memref<10240x64xf32, #tpu.memory_space<vmem_shared>> -> memref<160x64xf32, #tpu.memory_space<vmem_shared>>
      tpu.enqueue_dma source(%dma_start3A_85 : memref<160x64xf32, #tpu.memory_space<vmem_shared>>) target(%arg9 : memref<160x64xf32, #tpu.memory_space<vmem>>) target_semaphore(%run_scoped3A_81 : memref<!tpu.dma_semaphore, #tpu.memory_space<semaphore_mem>>)
      %dma_wait3A_86 = arith.constant 0 : i32
      %dma_wait3A_87 = tpu.memref_slice %arg12[%add3A_66, %dma_wait3A_86] : memref<10240x64xf32, #tpu.memory_space<vmem_shared>> -> memref<160x64xf32, #tpu.memory_space<vmem_shared>>
      %dma_wait3A_88 = arith.constant 0 : i32
      %dma_wait3A_89 = tpu.memref_slice %arg12[%add3A_66, %dma_wait3A_88] : memref<10240x64xf32, #tpu.memory_space<vmem_shared>> -> memref<160x64xf32, #tpu.memory_space<vmem_shared>>
      tpu.wait_dma2 semaphore(%run_scoped3A_81 : memref<!tpu.dma_semaphore, #tpu.memory_space<semaphore_mem>>) src(%dma_wait3A_89 : memref<160x64xf32, #tpu.memory_space<vmem_shared>>) dst(%arg9 : memref<160x64xf32, #tpu.memory_space<vmem>>)
      tpu.yield
    }) : () -> ()
    %scan3A_67 = arith.constant 0 : i32
    %scan3A_68 = arith.constant 0 : i32
    %scan3A_69 = arith.constant 160 : i32
    %scan3A_70 = arith.addi %scan3A_68, %scan3A_69 : i32
    %scan3A_71 = arith.constant 1 : i32
    scf.for %scan3A_81 = %scan3A_68 to %scan3A_70 step %scan3A_71  : i32 {
      %get3A = arith.index_cast %scan3A_81 : i32 to index
      %get3A_82 = arith.constant 0 : index
      %get3A_83 = tpu.vector_load %arg9[%get3A, %get3A_82] {strides = array<i32>} : memref<160x64xf32, #tpu.memory_space<vmem>>, vector<16xf32>,
      %get3A_84 = arith.index_cast %scan3A_81 : i32 to index
      %get3A_85 = arith.constant 16 : index
      %get3A_86 = tpu.vector_load %arg9[%get3A_84, %get3A_85] {strides = array<i32>} : memref<160x64xf32, #tpu.memory_space<vmem>>, vector<16xf32>,
      %pack3A = tpu.pack_subelements %get3A_83, %get3A_86 {pack_format = #tpu.pack_format<interleaved>, positions = array<i32: 0, 1>} : vector<16xf32>, vector<16xf32> -> vector<32xbf16>
      %swap3A = arith.index_cast %scan3A_81 : i32 to index
      %swap3A_87 = arith.constant 0 : index
      %swap3A_88 = tpu.vector_load %arg10[%swap3A, %swap3A_87] {strides = array<i32>} : memref<160x64xbf16, #tpu.memory_space<vmem>>, vector<32xbf16>,
      tpu.vector_store %arg10[%swap3A, %swap3A_87], %pack3A {strides = array<i32>} : memref<160x64xbf16, #tpu.memory_space<vmem>>, vector<32xbf16>,
      %get3A_89 = arith.index_cast %scan3A_81 : i32 to index
      %get3A_90 = arith.constant 32 : index
      %get3A_91 = tpu.vector_load %arg9[%get3A_89, %get3A_90] {strides = array<i32>} : memref<160x64xf32, #tpu.memory_space<vmem>>, vector<16xf32>,
      %get3A_92 = arith.index_cast %scan3A_81 : i32 to index
      %get3A_93 = arith.constant 48 : index
      %get3A_94 = tpu.vector_load %arg9[%get3A_92, %get3A_93] {strides = array<i32>} : memref<160x64xf32, #tpu.memory_space<vmem>>, vector<16xf32>,
      %pack3A_95 = tpu.pack_subelements %get3A_91, %get3A_94 {pack_format = #tpu.pack_format<interleaved>, positions = array<i32: 0, 1>} : vector<16xf32>, vector<16xf32> -> vector<32xbf16>
      %swap3A_96 = arith.index_cast %scan3A_81 : i32 to index
      %swap3A_97 = arith.constant 32 : index
      %swap3A_98 = tpu.vector_load %arg10[%swap3A_96, %swap3A_97] {strides = array<i32>} : memref<160x64xbf16, #tpu.memory_space<vmem>>, vector<32xbf16>,
      tpu.vector_store %arg10[%swap3A_96, %swap3A_97], %pack3A_95 {strides = array<i32>} : memref<160x64xbf16, #tpu.memory_space<vmem>>, vector<32xbf16>,
    }
    %scan3A_72 = arith.constant 160 : i32
    "tpu.region"() ({
      %run_scoped3A_81 = tpu.sem_alloc : memref<!tpu.dma_semaphore, #tpu.memory_space<semaphore_mem>>
      %dma_start3A_82 = arith.constant 0 : i32
      %dma_start3A_83 = tpu.memref_slice %arg4[%arg0, %add3A_66, %dma_start3A_82] : memref<2x10240x64xbf16, #tpu.memory_space<hbm>> -> memref<1x160x64xbf16, #tpu.memory_space<hbm>>
      %dma_start3A_84 = tpu.memref_squeeze %dma_start3A_83 : memref<1x160x64xbf16, #tpu.memory_space<hbm>> -> memref<160x64xbf16, #tpu.memory_space<hbm>>
      %dma_start3A_85 = arith.constant 0 : i32
      %dma_start3A_86 = tpu.memref_slice %arg4[%arg0, %add3A_66, %dma_start3A_85] : memref<2x10240x64xbf16, #tpu.memory_space<hbm>> -> memref<1x160x64xbf16, #tpu.memory_space<hbm>>
      %dma_start3A_87 = tpu.memref_squeeze %dma_start3A_86 : memref<1x160x64xbf16, #tpu.memory_space<hbm>> -> memref<160x64xbf16, #tpu.memory_space<hbm>>
      tpu.enqueue_dma source(%arg10 : memref<160x64xbf16, #tpu.memory_space<vmem>>) target(%dma_start3A_87 : memref<160x64xbf16, #tpu.memory_space<hbm>>) target_semaphore(%run_scoped3A_81 : memref<!tpu.dma_semaphore, #tpu.memory_space<semaphore_mem>>)
      %dma_wait3A_88 = arith.constant 0 : i32
      %dma_wait3A_89 = tpu.memref_slice %arg4[%arg0, %add3A_66, %dma_wait3A_88] : memref<2x10240x64xbf16, #tpu.memory_space<hbm>> -> memref<1x160x64xbf16, #tpu.memory_space<hbm>>
      %dma_wait3A_90 = tpu.memref_squeeze %dma_wait3A_89 : memref<1x160x64xbf16, #tpu.memory_space<hbm>> -> memref<160x64xbf16, #tpu.memory_space<hbm>>
      %dma_wait3A_91 = arith.constant 0 : i32
      %dma_wait3A_92 = tpu.memref_slice %arg4[%arg0, %add3A_66, %dma_wait3A_91] : memref<2x10240x64xbf16, #tpu.memory_space<hbm>> -> memref<1x160x64xbf16, #tpu.memory_space<hbm>>
      %dma_wait3A_93 = tpu.memref_squeeze %dma_wait3A_92 : memref<1x160x64xbf16, #tpu.memory_space<hbm>> -> memref<160x64xbf16, #tpu.memory_space<hbm>>
      tpu.wait_dma2 semaphore(%run_scoped3A_81 : memref<!tpu.dma_semaphore, #tpu.memory_space<semaphore_mem>>) src(%arg10 : memref<160x64xbf16, #tpu.memory_space<vmem>>) dst(%dma_wait3A_93 : memref<160x64xbf16, #tpu.memory_space<hbm>>)
      tpu.yield
    }) : () -> ()
    %add3A_73 = arith.constant 480 : i32
    %add3A_74 = arith.addi %mul3A_2, %add3A_73 : i32
    "tpu.region"() ({
      %run_scoped3A_81 = tpu.sem_alloc : memref<!tpu.dma_semaphore, #tpu.memory_space<semaphore_mem>>
      %dma_start3A_82 = arith.constant 0 : i32
      %dma_start3A_83 = tpu.memref_slice %arg12[%add3A_74, %dma_start3A_82] : memref<10240x64xf32, #tpu.memory_space<vmem_shared>> -> memref<160x64xf32, #tpu.memory_space<vmem_shared>>
      %dma_start3A_84 = arith.constant 0 : i32
      %dma_start3A_85 = tpu.memref_slice %arg12[%add3A_74, %dma_start3A_84] : memref<10240x64xf32, #tpu.memory_space<vmem_shared>> -> memref<160x64xf32, #tpu.memory_space<vmem_shared>>
      tpu.enqueue_dma source(%dma_start3A_85 : memref<160x64xf32, #tpu.memory_space<vmem_shared>>) target(%arg9 : memref<160x64xf32, #tpu.memory_space<vmem>>) target_semaphore(%run_scoped3A_81 : memref<!tpu.dma_semaphore, #tpu.memory_space<semaphore_mem>>)
      %dma_wait3A_86 = arith.constant 0 : i32
      %dma_wait3A_87 = tpu.memref_slice %arg12[%add3A_74, %dma_wait3A_86] : memref<10240x64xf32, #tpu.memory_space<vmem_shared>> -> memref<160x64xf32, #tpu.memory_space<vmem_shared>>
      %dma_wait3A_88 = arith.constant 0 : i32
      %dma_wait3A_89 = tpu.memref_slice %arg12[%add3A_74, %dma_wait3A_88] : memref<10240x64xf32, #tpu.memory_space<vmem_shared>> -> memref<160x64xf32, #tpu.memory_space<vmem_shared>>
      tpu.wait_dma2 semaphore(%run_scoped3A_81 : memref<!tpu.dma_semaphore, #tpu.memory_space<semaphore_mem>>) src(%dma_wait3A_89 : memref<160x64xf32, #tpu.memory_space<vmem_shared>>) dst(%arg9 : memref<160x64xf32, #tpu.memory_space<vmem>>)
      tpu.yield
    }) : () -> ()
    %scan3A_75 = arith.constant 0 : i32
    %scan3A_76 = arith.constant 0 : i32
    %scan3A_77 = arith.constant 160 : i32
    %scan3A_78 = arith.addi %scan3A_76, %scan3A_77 : i32
    %scan3A_79 = arith.constant 1 : i32
    scf.for %scan3A_81 = %scan3A_76 to %scan3A_78 step %scan3A_79  : i32 {
      %get3A = arith.index_cast %scan3A_81 : i32 to index
      %get3A_82 = arith.constant 0 : index
      %get3A_83 = tpu.vector_load %arg9[%get3A, %get3A_82] {strides = array<i32>} : memref<160x64xf32, #tpu.memory_space<vmem>>, vector<16xf32>,
      %get3A_84 = arith.index_cast %scan3A_81 : i32 to index
      %get3A_85 = arith.constant 16 : index
      %get3A_86 = tpu.vector_load %arg9[%get3A_84, %get3A_85] {strides = array<i32>} : memref<160x64xf32, #tpu.memory_space<vmem>>, vector<16xf32>,
      %pack3A = tpu.pack_subelements %get3A_83, %get3A_86 {pack_format = #tpu.pack_format<interleaved>, positions = array<i32: 0, 1>} : vector<16xf32>, vector<16xf32> -> vector<32xbf16>
      %swap3A = arith.index_cast %scan3A_81 : i32 to index
      %swap3A_87 = arith.constant 0 : index
      %swap3A_88 = tpu.vector_load %arg10[%swap3A, %swap3A_87] {strides = array<i32>} : memref<160x64xbf16, #tpu.memory_space<vmem>>, vector<32xbf16>,
      tpu.vector_store %arg10[%swap3A, %swap3A_87], %pack3A {strides = array<i32>} : memref<160x64xbf16, #tpu.memory_space<vmem>>, vector<32xbf16>,
      %get3A_89 = arith.index_cast %scan3A_81 : i32 to index
      %get3A_90 = arith.constant 32 : index
      %get3A_91 = tpu.vector_load %arg9[%get3A_89, %get3A_90] {strides = array<i32>} : memref<160x64xf32, #tpu.memory_space<vmem>>, vector<16xf32>,
      %get3A_92 = arith.index_cast %scan3A_81 : i32 to index
      %get3A_93 = arith.constant 48 : index
      %get3A_94 = tpu.vector_load %arg9[%get3A_92, %get3A_93] {strides = array<i32>} : memref<160x64xf32, #tpu.memory_space<vmem>>, vector<16xf32>,
      %pack3A_95 = tpu.pack_subelements %get3A_91, %get3A_94 {pack_format = #tpu.pack_format<interleaved>, positions = array<i32: 0, 1>} : vector<16xf32>, vector<16xf32> -> vector<32xbf16>
      %swap3A_96 = arith.index_cast %scan3A_81 : i32 to index
      %swap3A_97 = arith.constant 32 : index
      %swap3A_98 = tpu.vector_load %arg10[%swap3A_96, %swap3A_97] {strides = array<i32>} : memref<160x64xbf16, #tpu.memory_space<vmem>>, vector<32xbf16>,
      tpu.vector_store %arg10[%swap3A_96, %swap3A_97], %pack3A_95 {strides = array<i32>} : memref<160x64xbf16, #tpu.memory_space<vmem>>, vector<32xbf16>,
    }
    %scan3A_80 = arith.constant 160 : i32
    "tpu.region"() ({
      %run_scoped3A_81 = tpu.sem_alloc : memref<!tpu.dma_semaphore, #tpu.memory_space<semaphore_mem>>
      %dma_start3A_82 = arith.constant 0 : i32
      %dma_start3A_83 = tpu.memref_slice %arg4[%arg0, %add3A_74, %dma_start3A_82] : memref<2x10240x64xbf16, #tpu.memory_space<hbm>> -> memref<1x160x64xbf16, #tpu.memory_space<hbm>>
      %dma_start3A_84 = tpu.memref_squeeze %dma_start3A_83 : memref<1x160x64xbf16, #tpu.memory_space<hbm>> -> memref<160x64xbf16, #tpu.memory_space<hbm>>
      %dma_start3A_85 = arith.constant 0 : i32
      %dma_start3A_86 = tpu.memref_slice %arg4[%arg0, %add3A_74, %dma_start3A_85] : memref<2x10240x64xbf16, #tpu.memory_space<hbm>> -> memref<1x160x64xbf16, #tpu.memory_space<hbm>>
      %dma_start3A_87 = tpu.memref_squeeze %dma_start3A_86 : memref<1x160x64xbf16, #tpu.memory_space<hbm>> -> memref<160x64xbf16, #tpu.memory_space<hbm>>
      tpu.enqueue_dma source(%arg10 : memref<160x64xbf16, #tpu.memory_space<vmem>>) target(%dma_start3A_87 : memref<160x64xbf16, #tpu.memory_space<hbm>>) target_semaphore(%run_scoped3A_81 : memref<!tpu.dma_semaphore, #tpu.memory_space<semaphore_mem>>)
      %dma_wait3A_88 = arith.constant 0 : i32
      %dma_wait3A_89 = tpu.memref_slice %arg4[%arg0, %add3A_74, %dma_wait3A_88] : memref<2x10240x64xbf16, #tpu.memory_space<hbm>> -> memref<1x160x64xbf16, #tpu.memory_space<hbm>>
      %dma_wait3A_90 = tpu.memref_squeeze %dma_wait3A_89 : memref<1x160x64xbf16, #tpu.memory_space<hbm>> -> memref<160x64xbf16, #tpu.memory_space<hbm>>
      %dma_wait3A_91 = arith.constant 0 : i32
      %dma_wait3A_92 = tpu.memref_slice %arg4[%arg0, %add3A_74, %dma_wait3A_91] : memref<2x10240x64xbf16, #tpu.memory_space<hbm>> -> memref<1x160x64xbf16, #tpu.memory_space<hbm>>
      %dma_wait3A_93 = tpu.memref_squeeze %dma_wait3A_92 : memref<1x160x64xbf16, #tpu.memory_space<hbm>> -> memref<160x64xbf16, #tpu.memory_space<hbm>>
      tpu.wait_dma2 semaphore(%run_scoped3A_81 : memref<!tpu.dma_semaphore, #tpu.memory_space<semaphore_mem>>) src(%arg10 : memref<160x64xbf16, #tpu.memory_space<vmem>>) dst(%dma_wait3A_93 : memref<160x64xbf16, #tpu.memory_space<hbm>>)
      tpu.yield
    }) : () -> ()
    return
  }
}

#map = affine_map<(d0, d1) -> (0, 0)>
#map1 = affine_map<(d0, d1) -> (0, 0, 0, 0)>
#map2 = affine_map<(d0, d1) -> (0, 0, 0)>
module attributes {stable_mosaic.version = 14 : i64} {
  func.func @k(%arg0: i32, %arg1: i32, %arg2: memref<10240x64xbf16, #tpu.memory_space<hbm>>, %arg3: memref<32x79x2x128xi32, #tpu.memory_space<hbm>>, %arg4: memref<2x10240x64xbf16, #tpu.memory_space<hbm>>, %arg5: memref<79x2x128xi32, #tpu.memory_space<vmem>>, %arg6: memref<128x64xbf16, #tpu.memory_space<vmem>>, %arg7: memref<128x64xf32, #tpu.memory_space<vmem>>, %arg8: memref<128x64xf32, #tpu.memory_space<vmem>>, %arg9: memref<160x64xf32, #tpu.memory_space<vmem>>, %arg10: memref<160x64xbf16, #tpu.memory_space<vmem>>, %arg11: memref<10240x64xbf16, #tpu.memory_space<vmem_shared>>, %arg12: memref<10240x64xf32, #tpu.memory_space<vmem_shared>>, %arg13: memref<!tpu.dma_semaphore, #tpu.memory_space<semaphore_mem>>) attributes {dimension_semantics = [#tpu.dimension_semantics<core_parallel>, #tpu.dimension_semantics<subcore_parallel>], iteration_bounds = array<i64: 2, 16>, scalar_prefetch = 0 : i64, scratch_operands = 9 : i64, tpu.core_type = #tpu.core_type<sc_vector_subcore>, window_params = [{transform_indices = #map}, {transform_indices = #map1}, {transform_indices = #map2}]} {
    %mul3A = arith.constant 2 : i32
    %mul3A_0 = arith.muli %arg1, %mul3A : i32
    %add3A = arith.addi %mul3A_0, %arg0 : i32
    %mul3A_1 = arith.constant 640 : i32
    %mul3A_2 = arith.muli %arg1, %mul3A_1 : i32
    %add3A_3 = arith.constant 0 : i32
    %add3A_4 = arith.addi %mul3A_2, %add3A_3 : i32
    "tpu.region"() ({
      %run_scoped3A_81 = tpu.sem_alloc : memref<!tpu.dma_semaphore, #tpu.memory_space<semaphore_mem>>
      %dma_start3A_82 = arith.constant 0 : i32
      %dma_start3A_83 = tpu.memref_slice %arg2[%add3A_4, %dma_start3A_82] : memref<10240x64xbf16, #tpu.memory_space<hbm>> -> memref<160x64xbf16, #tpu.memory_space<hbm>>
      %dma_start3A_84 = arith.constant 0 : i32
      %dma_start3A_85 = tpu.memref_slice %arg2[%add3A_4, %dma_start3A_84] : memref<10240x64xbf16, #tpu.memory_space<hbm>> -> memref<160x64xbf16, #tpu.memory_space<hbm>>
      tpu.enqueue_dma source(%dma_start3A_85 : memref<160x64xbf16, #tpu.memory_space<hbm>>) target(%arg10 : memref<160x64xbf16, #tpu.memory_space<vmem>>) target_semaphore(%run_scoped3A_81 : memref<!tpu.dma_semaphore, #tpu.memory_space<semaphore_mem>>)
      %dma_wait3A_86 = arith.constant 0 : i32
      %dma_wait3A_87 = tpu.memref_slice %arg2[%add3A_4, %dma_wait3A_86] : memref<10240x64xbf16, #tpu.memory_space<hbm>> -> memref<160x64xbf16, #tpu.memory_space<hbm>>
      %dma_wait3A_88 = arith.constant 0 : i32
      %dma_wait3A_89 = tpu.memref_slice %arg2[%add3A_4, %dma_wait3A_88] : memref<10240x64xbf16, #tpu.memory_space<hbm>> -> memref<160x64xbf16, #tpu.memory_space<hbm>>
      tpu.wait_dma2 semaphore(%run_scoped3A_81 : memref<!tpu.dma_semaphore, #tpu.memory_space<semaphore_mem>>) src(%dma_wait3A_89 : memref<160x64xbf16, #tpu.memory_space<hbm>>) dst(%arg10 : memref<160x64xbf16, #tpu.memory_space<vmem>>)
      tpu.yield
    }) : () -> ()
    "tpu.region"() ({
      %run_scoped3A_81 = tpu.sem_alloc : memref<!tpu.dma_semaphore, #tpu.memory_space<semaphore_mem>>
      %dma_start3A_82 = arith.constant 0 : i32
      %dma_start3A_83 = tpu.memref_slice %arg11[%add3A_4, %dma_start3A_82] : memref<10240x64xbf16, #tpu.memory_space<vmem_shared>> -> memref<160x64xbf16, #tpu.memory_space<vmem_shared>>
      %dma_start3A_84 = arith.constant 0 : i32
      %dma_start3A_85 = tpu.memref_slice %arg11[%add3A_4, %dma_start3A_84] : memref<10240x64xbf16, #tpu.memory_space<vmem_shared>> -> memref<160x64xbf16, #tpu.memory_space<vmem_shared>>
      tpu.enqueue_dma source(%arg10 : memref<160x64xbf16, #tpu.memory_space<vmem>>) target(%dma_start3A_85 : memref<160x64xbf16, #tpu.memory_space<vmem_shared>>) target_semaphore(%run_scoped3A_81 : memref<!tpu.dma_semaphore, #tpu.memory_space<semaphore_mem>>)
      %dma_wait3A_86 = arith.constant 0 : i32
      %dma_wait3A_87 = tpu.memref_slice %arg11[%add3A_4, %dma_wait3A_86] : memref<10240x64xbf16, #tpu.memory_space<vmem_shared>> -> memref<160x64xbf16, #tpu.memory_space<vmem_shared>>
      %dma_wait3A_88 = arith.constant 0 : i32
      %dma_wait3A_89 = tpu.memref_slice %arg11[%add3A_4, %dma_wait3A_88] : memref<10240x64xbf16, #tpu.memory_space<vmem_shared>> -> memref<160x64xbf16, #tpu.memory_space<vmem_shared>>
      tpu.wait_dma2 semaphore(%run_scoped3A_81 : memref<!tpu.dma_semaphore, #tpu.memory_space<semaphore_mem>>) src(%arg10 : memref<160x64xbf16, #tpu.memory_space<vmem>>) dst(%dma_wait3A_89 : memref<160x64xbf16, #tpu.memory_space<vmem_shared>>)
      tpu.yield
    }) : () -> ()
    %add3A_5 = arith.constant 160 : i32
    %add3A_6 = arith.addi %mul3A_2, %add3A_5 : i32
    "tpu.region"() ({
      %run_scoped3A_81 = tpu.sem_alloc : memref<!tpu.dma_semaphore, #tpu.memory_space<semaphore_mem>>
      %dma_start3A_82 = arith.constant 0 : i32
      %dma_start3A_83 = tpu.memref_slice %arg2[%add3A_6, %dma_start3A_82] : memref<10240x64xbf16, #tpu.memory_space<hbm>> -> memref<160x64xbf16, #tpu.memory_space<hbm>>
      %dma_start3A_84 = arith.constant 0 : i32
      %dma_start3A_85 = tpu.memref_slice %arg2[%add3A_6, %dma_start3A_84] : memref<10240x64xbf16, #tpu.memory_space<hbm>> -> memref<160x64xbf16, #tpu.memory_space<hbm>>
      tpu.enqueue_dma source(%dma_start3A_85 : memref<160x64xbf16, #tpu.memory_space<hbm>>) target(%arg10 : memref<160x64xbf16, #tpu.memory_space<vmem>>) target_semaphore(%run_scoped3A_81 : memref<!tpu.dma_semaphore, #tpu.memory_space<semaphore_mem>>)
      %dma_wait3A_86 = arith.constant 0 : i32
      %dma_wait3A_87 = tpu.memref_slice %arg2[%add3A_6, %dma_wait3A_86] : memref<10240x64xbf16, #tpu.memory_space<hbm>> -> memref<160x64xbf16, #tpu.memory_space<hbm>>
      %dma_wait3A_88 = arith.constant 0 : i32
      %dma_wait3A_89 = tpu.memref_slice %arg2[%add3A_6, %dma_wait3A_88] : memref<10240x64xbf16, #tpu.memory_space<hbm>> -> memref<160x64xbf16, #tpu.memory_space<hbm>>
      tpu.wait_dma2 semaphore(%run_scoped3A_81 : memref<!tpu.dma_semaphore, #tpu.memory_space<semaphore_mem>>) src(%dma_wait3A_89 : memref<160x64xbf16, #tpu.memory_space<hbm>>) dst(%arg10 : memref<160x64xbf16, #tpu.memory_space<vmem>>)
      tpu.yield
    }) : () -> ()
    "tpu.region"() ({
      %run_scoped3A_81 = tpu.sem_alloc : memref<!tpu.dma_semaphore, #tpu.memory_space<semaphore_mem>>
      %dma_start3A_82 = arith.constant 0 : i32
      %dma_start3A_83 = tpu.memref_slice %arg11[%add3A_6, %dma_start3A_82] : memref<10240x64xbf16, #tpu.memory_space<vmem_shared>> -> memref<160x64xbf16, #tpu.memory_space<vmem_shared>>
      %dma_start3A_84 = arith.constant 0 : i32
      %dma_start3A_85 = tpu.memref_slice %arg11[%add3A_6, %dma_start3A_84] : memref<10240x64xbf16, #tpu.memory_space<vmem_shared>> -> memref<160x64xbf16, #tpu.memory_space<vmem_shared>>
      tpu.enqueue_dma source(%arg10 : memref<160x64xbf16, #tpu.memory_space<vmem>>) target(%dma_start3A_85 : memref<160x64xbf16, #tpu.memory_space<vmem_shared>>) target_semaphore(%run_scoped3A_81 : memref<!tpu.dma_semaphore, #tpu.memory_space<semaphore_mem>>)
      %dma_wait3A_86 = arith.constant 0 : i32
      %dma_wait3A_87 = tpu.memref_slice %arg11[%add3A_6, %dma_wait3A_86] : memref<10240x64xbf16, #tpu.memory_space<vmem_shared>> -> memref<160x64xbf16, #tpu.memory_space<vmem_shared>>
      %dma_wait3A_88 = arith.constant 0 : i32
      %dma_wait3A_89 = tpu.memref_slice %arg11[%add3A_6, %dma_wait3A_88] : memref<10240x64xbf16, #tpu.memory_space<vmem_shared>> -> memref<160x64xbf16, #tpu.memory_space<vmem_shared>>
      tpu.wait_dma2 semaphore(%run_scoped3A_81 : memref<!tpu.dma_semaphore, #tpu.memory_space<semaphore_mem>>) src(%arg10 : memref<160x64xbf16, #tpu.memory_space<vmem>>) dst(%dma_wait3A_89 : memref<160x64xbf16, #tpu.memory_space<vmem_shared>>)
      tpu.yield
    }) : () -> ()
    %add3A_7 = arith.constant 320 : i32
    %add3A_8 = arith.addi %mul3A_2, %add3A_7 : i32
    "tpu.region"() ({
      %run_scoped3A_81 = tpu.sem_alloc : memref<!tpu.dma_semaphore, #tpu.memory_space<semaphore_mem>>
      %dma_start3A_82 = arith.constant 0 : i32
      %dma_start3A_83 = tpu.memref_slice %arg2[%add3A_8, %dma_start3A_82] : memref<10240x64xbf16, #tpu.memory_space<hbm>> -> memref<160x64xbf16, #tpu.memory_space<hbm>>
      %dma_start3A_84 = arith.constant 0 : i32
      %dma_start3A_85 = tpu.memref_slice %arg2[%add3A_8, %dma_start3A_84] : memref<10240x64xbf16, #tpu.memory_space<hbm>> -> memref<160x64xbf16, #tpu.memory_space<hbm>>
      tpu.enqueue_dma source(%dma_start3A_85 : memref<160x64xbf16, #tpu.memory_space<hbm>>) target(%arg10 : memref<160x64xbf16, #tpu.memory_space<vmem>>) target_semaphore(%run_scoped3A_81 : memref<!tpu.dma_semaphore, #tpu.memory_space<semaphore_mem>>)
      %dma_wait3A_86 = arith.constant 0 : i32
      %dma_wait3A_87 = tpu.memref_slice %arg2[%add3A_8, %dma_wait3A_86] : memref<10240x64xbf16, #tpu.memory_space<hbm>> -> memref<160x64xbf16, #tpu.memory_space<hbm>>
      %dma_wait3A_88 = arith.constant 0 : i32
      %dma_wait3A_89 = tpu.memref_slice %arg2[%add3A_8, %dma_wait3A_88] : memref<10240x64xbf16, #tpu.memory_space<hbm>> -> memref<160x64xbf16, #tpu.memory_space<hbm>>
      tpu.wait_dma2 semaphore(%run_scoped3A_81 : memref<!tpu.dma_semaphore, #tpu.memory_space<semaphore_mem>>) src(%dma_wait3A_89 : memref<160x64xbf16, #tpu.memory_space<hbm>>) dst(%arg10 : memref<160x64xbf16, #tpu.memory_space<vmem>>)
      tpu.yield
    }) : () -> ()
    "tpu.region"() ({
      %run_scoped3A_81 = tpu.sem_alloc : memref<!tpu.dma_semaphore, #tpu.memory_space<semaphore_mem>>
      %dma_start3A_82 = arith.constant 0 : i32
      %dma_start3A_83 = tpu.memref_slice %arg11[%add3A_8, %dma_start3A_82] : memref<10240x64xbf16, #tpu.memory_space<vmem_shared>> -> memref<160x64xbf16, #tpu.memory_space<vmem_shared>>
      %dma_start3A_84 = arith.constant 0 : i32
      %dma_start3A_85 = tpu.memref_slice %arg11[%add3A_8, %dma_start3A_84] : memref<10240x64xbf16, #tpu.memory_space<vmem_shared>> -> memref<160x64xbf16, #tpu.memory_space<vmem_shared>>
      tpu.enqueue_dma source(%arg10 : memref<160x64xbf16, #tpu.memory_space<vmem>>) target(%dma_start3A_85 : memref<160x64xbf16, #tpu.memory_space<vmem_shared>>) target_semaphore(%run_scoped3A_81 : memref<!tpu.dma_semaphore, #tpu.memory_space<semaphore_mem>>)
      %dma_wait3A_86 = arith.constant 0 : i32
      %dma_wait3A_87 = tpu.memref_slice %arg11[%add3A_8, %dma_wait3A_86] : memref<10240x64xbf16, #tpu.memory_space<vmem_shared>> -> memref<160x64xbf16, #tpu.memory_space<vmem_shared>>
      %dma_wait3A_88 = arith.constant 0 : i32
      %dma_wait3A_89 = tpu.memref_slice %arg11[%add3A_8, %dma_wait3A_88] : memref<10240x64xbf16, #tpu.memory_space<vmem_shared>> -> memref<160x64xbf16, #tpu.memory_space<vmem_shared>>
      tpu.wait_dma2 semaphore(%run_scoped3A_81 : memref<!tpu.dma_semaphore, #tpu.memory_space<semaphore_mem>>) src(%arg10 : memref<160x64xbf16, #tpu.memory_space<vmem>>) dst(%dma_wait3A_89 : memref<160x64xbf16, #tpu.memory_space<vmem_shared>>)
      tpu.yield
    }) : () -> ()
    %add3A_9 = arith.constant 480 : i32
    %add3A_10 = arith.addi %mul3A_2, %add3A_9 : i32
    "tpu.region"() ({
      %run_scoped3A_81 = tpu.sem_alloc : memref<!tpu.dma_semaphore, #tpu.memory_space<semaphore_mem>>
      %dma_start3A_82 = arith.constant 0 : i32
      %dma_start3A_83 = tpu.memref_slice %arg2[%add3A_10, %dma_start3A_82] : memref<10240x64xbf16, #tpu.memory_space<hbm>> -> memref<160x64xbf16, #tpu.memory_space<hbm>>
      %dma_start3A_84 = arith.constant 0 : i32
      %dma_start3A_85 = tpu.memref_slice %arg2[%add3A_10, %dma_start3A_84] : memref<10240x64xbf16, #tpu.memory_space<hbm>> -> memref<160x64xbf16, #tpu.memory_space<hbm>>
      tpu.enqueue_dma source(%dma_start3A_85 : memref<160x64xbf16, #tpu.memory_space<hbm>>) target(%arg10 : memref<160x64xbf16, #tpu.memory_space<vmem>>) target_semaphore(%run_scoped3A_81 : memref<!tpu.dma_semaphore, #tpu.memory_space<semaphore_mem>>)
      %dma_wait3A_86 = arith.constant 0 : i32
      %dma_wait3A_87 = tpu.memref_slice %arg2[%add3A_10, %dma_wait3A_86] : memref<10240x64xbf16, #tpu.memory_space<hbm>> -> memref<160x64xbf16, #tpu.memory_space<hbm>>
      %dma_wait3A_88 = arith.constant 0 : i32
      %dma_wait3A_89 = tpu.memref_slice %arg2[%add3A_10, %dma_wait3A_88] : memref<10240x64xbf16, #tpu.memory_space<hbm>> -> memref<160x64xbf16, #tpu.memory_space<hbm>>
      tpu.wait_dma2 semaphore(%run_scoped3A_81 : memref<!tpu.dma_semaphore, #tpu.memory_space<semaphore_mem>>) src(%dma_wait3A_89 : memref<160x64xbf16, #tpu.memory_space<hbm>>) dst(%arg10 : memref<160x64xbf16, #tpu.memory_space<vmem>>)
      tpu.yield
    }) : () -> ()
    "tpu.region"() ({
      %run_scoped3A_81 = tpu.sem_alloc : memref<!tpu.dma_semaphore, #tpu.memory_space<semaphore_mem>>
      %dma_start3A_82 = arith.constant 0 : i32
      %dma_start3A_83 = tpu.memref_slice %arg11[%add3A_10, %dma_start3A_82] : memref<10240x64xbf16, #tpu.memory_space<vmem_shared>> -> memref<160x64xbf16, #tpu.memory_space<vmem_shared>>
      %dma_start3A_84 = arith.constant 0 : i32
      %dma_start3A_85 = tpu.memref_slice %arg11[%add3A_10, %dma_start3A_84] : memref<10240x64xbf16, #tpu.memory_space<vmem_shared>> -> memref<160x64xbf16, #tpu.memory_space<vmem_shared>>
      tpu.enqueue_dma source(%arg10 : memref<160x64xbf16, #tpu.memory_space<vmem>>) target(%dma_start3A_85 : memref<160x64xbf16, #tpu.memory_space<vmem_shared>>) target_semaphore(%run_scoped3A_81 : memref<!tpu.dma_semaphore, #tpu.memory_space<semaphore_mem>>)
      %dma_wait3A_86 = arith.constant 0 : i32
      %dma_wait3A_87 = tpu.memref_slice %arg11[%add3A_10, %dma_wait3A_86] : memref<10240x64xbf16, #tpu.memory_space<vmem_shared>> -> memref<160x64xbf16, #tpu.memory_space<vmem_shared>>
      %dma_wait3A_88 = arith.constant 0 : i32
      %dma_wait3A_89 = tpu.memref_slice %arg11[%add3A_10, %dma_wait3A_88] : memref<10240x64xbf16, #tpu.memory_space<vmem_shared>> -> memref<160x64xbf16, #tpu.memory_space<vmem_shared>>
      tpu.wait_dma2 semaphore(%run_scoped3A_81 : memref<!tpu.dma_semaphore, #tpu.memory_space<semaphore_mem>>) src(%arg10 : memref<160x64xbf16, #tpu.memory_space<vmem>>) dst(%dma_wait3A_89 : memref<160x64xbf16, #tpu.memory_space<vmem_shared>>)
      tpu.yield
    }) : () -> ()
    %broadcast_in_dim3A = arith.constant 0.000000e+00 : f32
    %broadcast_in_dim3A_11 = vector.broadcast %broadcast_in_dim3A : f32 to vector<16xf32>
    %scan3A = arith.constant 0 : i32
    %scan3A_12 = arith.constant 0 : i32
    %scan3A_13 = arith.constant 160 : i32
    %scan3A_14 = arith.addi %scan3A_12, %scan3A_13 : i32
    %scan3A_15 = arith.constant 1 : i32
    scf.for %scan3A_81 = %scan3A_12 to %scan3A_14 step %scan3A_15  : i32 {
      %swap3A = arith.index_cast %scan3A_81 : i32 to index
      %swap3A_82 = arith.constant 0 : index
      %swap3A_83 = tpu.vector_load %arg9[%swap3A, %swap3A_82] {strides = array<i32>} : memref<160x64xf32, #tpu.memory_space<vmem>>, vector<16xf32>,
      tpu.vector_store %arg9[%swap3A, %swap3A_82], %broadcast_in_dim3A_11 {strides = array<i32>} : memref<160x64xf32, #tpu.memory_space<vmem>>, vector<16xf32>,
      %swap3A_84 = arith.index_cast %scan3A_81 : i32 to index
      %swap3A_85 = arith.constant 16 : index
      %swap3A_86 = tpu.vector_load %arg9[%swap3A_84, %swap3A_85] {strides = array<i32>} : memref<160x64xf32, #tpu.memory_space<vmem>>, vector<16xf32>,
      tpu.vector_store %arg9[%swap3A_84, %swap3A_85], %broadcast_in_dim3A_11 {strides = array<i32>} : memref<160x64xf32, #tpu.memory_space<vmem>>, vector<16xf32>,
      %swap3A_87 = arith.index_cast %scan3A_81 : i32 to index
      %swap3A_88 = arith.constant 32 : index
      %swap3A_89 = tpu.vector_load %arg9[%swap3A_87, %swap3A_88] {strides = array<i32>} : memref<160x64xf32, #tpu.memory_space<vmem>>, vector<16xf32>,
      tpu.vector_store %arg9[%swap3A_87, %swap3A_88], %broadcast_in_dim3A_11 {strides = array<i32>} : memref<160x64xf32, #tpu.memory_space<vmem>>, vector<16xf32>,
      %swap3A_90 = arith.index_cast %scan3A_81 : i32 to index
      %swap3A_91 = arith.constant 48 : index
      %swap3A_92 = tpu.vector_load %arg9[%swap3A_90, %swap3A_91] {strides = array<i32>} : memref<160x64xf32, #tpu.memory_space<vmem>>, vector<16xf32>,
      tpu.vector_store %arg9[%swap3A_90, %swap3A_91], %broadcast_in_dim3A_11 {strides = array<i32>} : memref<160x64xf32, #tpu.memory_space<vmem>>, vector<16xf32>,
    }
    %scan3A_16 = arith.constant 160 : i32
    %add3A_17 = arith.constant 0 : i32
    %add3A_18 = arith.addi %mul3A_2, %add3A_17 : i32
    "tpu.region"() ({
      %run_scoped3A_81 = tpu.sem_alloc : memref<!tpu.dma_semaphore, #tpu.memory_space<semaphore_mem>>
      %dma_start3A_82 = arith.constant 0 : i32
      %dma_start3A_83 = tpu.memref_slice %arg12[%add3A_18, %dma_start3A_82] : memref<10240x64xf32, #tpu.memory_space<vmem_shared>> -> memref<160x64xf32, #tpu.memory_space<vmem_shared>>
      %dma_start3A_84 = arith.constant 0 : i32
      %dma_start3A_85 = tpu.memref_slice %arg12[%add3A_18, %dma_start3A_84] : memref<10240x64xf32, #tpu.memory_space<vmem_shared>> -> memref<160x64xf32, #tpu.memory_space<vmem_shared>>
      tpu.enqueue_dma source(%arg9 : memref<160x64xf32, #tpu.memory_space<vmem>>) target(%dma_start3A_85 : memref<160x64xf32, #tpu.memory_space<vmem_shared>>) target_semaphore(%run_scoped3A_81 : memref<!tpu.dma_semaphore, #tpu.memory_space<semaphore_mem>>)
      %dma_wait3A_86 = arith.constant 0 : i32
      %dma_wait3A_87 = tpu.memref_slice %arg12[%add3A_18, %dma_wait3A_86] : memref<10240x64xf32, #tpu.memory_space<vmem_shared>> -> memref<160x64xf32, #tpu.memory_space<vmem_shared>>
      %dma_wait3A_88 = arith.constant 0 : i32
      %dma_wait3A_89 = tpu.memref_slice %arg12[%add3A_18, %dma_wait3A_88] : memref<10240x64xf32, #tpu.memory_space<vmem_shared>> -> memref<160x64xf32, #tpu.memory_space<vmem_shared>>
      tpu.wait_dma2 semaphore(%run_scoped3A_81 : memref<!tpu.dma_semaphore, #tpu.memory_space<semaphore_mem>>) src(%arg9 : memref<160x64xf32, #tpu.memory_space<vmem>>) dst(%dma_wait3A_89 : memref<160x64xf32, #tpu.memory_space<vmem_shared>>)
      tpu.yield
    }) : () -> ()
    %add3A_19 = arith.constant 160 : i32
    %add3A_20 = arith.addi %mul3A_2, %add3A_19 : i32
    "tpu.region"() ({
      %run_scoped3A_81 = tpu.sem_alloc : memref<!tpu.dma_semaphore, #tpu.memory_space<semaphore_mem>>
      %dma_start3A_82 = arith.constant 0 : i32
      %dma_start3A_83 = tpu.memref_slice %arg12[%add3A_20, %dma_start3A_82] : memref<10240x64xf32, #tpu.memory_space<vmem_shared>> -> memref<160x64xf32, #tpu.memory_space<vmem_shared>>
      %dma_start3A_84 = arith.constant 0 : i32
      %dma_start3A_85 = tpu.memref_slice %arg12[%add3A_20, %dma_start3A_84] : memref<10240x64xf32, #tpu.memory_space<vmem_shared>> -> memref<160x64xf32, #tpu.memory_space<vmem_shared>>
      tpu.enqueue_dma source(%arg9 : memref<160x64xf32, #tpu.memory_space<vmem>>) target(%dma_start3A_85 : memref<160x64xf32, #tpu.memory_space<vmem_shared>>) target_semaphore(%run_scoped3A_81 : memref<!tpu.dma_semaphore, #tpu.memory_space<semaphore_mem>>)
      %dma_wait3A_86 = arith.constant 0 : i32
      %dma_wait3A_87 = tpu.memref_slice %arg12[%add3A_20, %dma_wait3A_86] : memref<10240x64xf32, #tpu.memory_space<vmem_shared>> -> memref<160x64xf32, #tpu.memory_space<vmem_shared>>
      %dma_wait3A_88 = arith.constant 0 : i32
      %dma_wait3A_89 = tpu.memref_slice %arg12[%add3A_20, %dma_wait3A_88] : memref<10240x64xf32, #tpu.memory_space<vmem_shared>> -> memref<160x64xf32, #tpu.memory_space<vmem_shared>>
      tpu.wait_dma2 semaphore(%run_scoped3A_81 : memref<!tpu.dma_semaphore, #tpu.memory_space<semaphore_mem>>) src(%arg9 : memref<160x64xf32, #tpu.memory_space<vmem>>) dst(%dma_wait3A_89 : memref<160x64xf32, #tpu.memory_space<vmem_shared>>)
      tpu.yield
    }) : () -> ()
    %add3A_21 = arith.constant 320 : i32
    %add3A_22 = arith.addi %mul3A_2, %add3A_21 : i32
    "tpu.region"() ({
      %run_scoped3A_81 = tpu.sem_alloc : memref<!tpu.dma_semaphore, #tpu.memory_space<semaphore_mem>>
      %dma_start3A_82 = arith.constant 0 : i32
      %dma_start3A_83 = tpu.memref_slice %arg12[%add3A_22, %dma_start3A_82] : memref<10240x64xf32, #tpu.memory_space<vmem_shared>> -> memref<160x64xf32, #tpu.memory_space<vmem_shared>>
      %dma_start3A_84 = arith.constant 0 : i32
      %dma_start3A_85 = tpu.memref_slice %arg12[%add3A_22, %dma_start3A_84] : memref<10240x64xf32, #tpu.memory_space<vmem_shared>> -> memref<160x64xf32, #tpu.memory_space<vmem_shared>>
      tpu.enqueue_dma source(%arg9 : memref<160x64xf32, #tpu.memory_space<vmem>>) target(%dma_start3A_85 : memref<160x64xf32, #tpu.memory_space<vmem_shared>>) target_semaphore(%run_scoped3A_81 : memref<!tpu.dma_semaphore, #tpu.memory_space<semaphore_mem>>)
      %dma_wait3A_86 = arith.constant 0 : i32
      %dma_wait3A_87 = tpu.memref_slice %arg12[%add3A_22, %dma_wait3A_86] : memref<10240x64xf32, #tpu.memory_space<vmem_shared>> -> memref<160x64xf32, #tpu.memory_space<vmem_shared>>
      %dma_wait3A_88 = arith.constant 0 : i32
      %dma_wait3A_89 = tpu.memref_slice %arg12[%add3A_22, %dma_wait3A_88] : memref<10240x64xf32, #tpu.memory_space<vmem_shared>> -> memref<160x64xf32, #tpu.memory_space<vmem_shared>>
      tpu.wait_dma2 semaphore(%run_scoped3A_81 : memref<!tpu.dma_semaphore, #tpu.memory_space<semaphore_mem>>) src(%arg9 : memref<160x64xf32, #tpu.memory_space<vmem>>) dst(%dma_wait3A_89 : memref<160x64xf32, #tpu.memory_space<vmem_shared>>)
      tpu.yield
    }) : () -> ()
    %add3A_23 = arith.constant 480 : i32
    %add3A_24 = arith.addi %mul3A_2, %add3A_23 : i32
    "tpu.region"() ({
      %run_scoped3A_81 = tpu.sem_alloc : memref<!tpu.dma_semaphore, #tpu.memory_space<semaphore_mem>>
      %dma_start3A_82 = arith.constant 0 : i32
      %dma_start3A_83 = tpu.memref_slice %arg12[%add3A_24, %dma_start3A_82] : memref<10240x64xf32, #tpu.memory_space<vmem_shared>> -> memref<160x64xf32, #tpu.memory_space<vmem_shared>>
      %dma_start3A_84 = arith.constant 0 : i32
      %dma_start3A_85 = tpu.memref_slice %arg12[%add3A_24, %dma_start3A_84] : memref<10240x64xf32, #tpu.memory_space<vmem_shared>> -> memref<160x64xf32, #tpu.memory_space<vmem_shared>>
      tpu.enqueue_dma source(%arg9 : memref<160x64xf32, #tpu.memory_space<vmem>>) target(%dma_start3A_85 : memref<160x64xf32, #tpu.memory_space<vmem_shared>>) target_semaphore(%run_scoped3A_81 : memref<!tpu.dma_semaphore, #tpu.memory_space<semaphore_mem>>)
      %dma_wait3A_86 = arith.constant 0 : i32
      %dma_wait3A_87 = tpu.memref_slice %arg12[%add3A_24, %dma_wait3A_86] : memref<10240x64xf32, #tpu.memory_space<vmem_shared>> -> memref<160x64xf32, #tpu.memory_space<vmem_shared>>
      %dma_wait3A_88 = arith.constant 0 : i32
      %dma_wait3A_89 = tpu.memref_slice %arg12[%add3A_24, %dma_wait3A_88] : memref<10240x64xf32, #tpu.memory_space<vmem_shared>> -> memref<160x64xf32, #tpu.memory_space<vmem_shared>>
      tpu.wait_dma2 semaphore(%run_scoped3A_81 : memref<!tpu.dma_semaphore, #tpu.memory_space<semaphore_mem>>) src(%arg9 : memref<160x64xf32, #tpu.memory_space<vmem>>) dst(%dma_wait3A_89 : memref<160x64xf32, #tpu.memory_space<vmem_shared>>)
      tpu.yield
    }) : () -> ()
    "tpu.region"() ({
      %run_scoped3A_81 = tpu.sem_alloc : memref<!tpu.dma_semaphore, #tpu.memory_space<semaphore_mem>>
      %dma_start3A_82 = arith.constant 0 : i32
      %dma_start3A_83 = arith.constant 0 : i32
      %dma_start3A_84 = arith.constant 0 : i32
      %dma_start3A_85 = tpu.memref_slice %arg3[%add3A, %dma_start3A_82, %dma_start3A_83, %dma_start3A_84] : memref<32x79x2x128xi32, #tpu.memory_space<hbm>> -> memref<1x79x2x128xi32, #tpu.memory_space<hbm>>
      %dma_start3A_86 = tpu.memref_squeeze %dma_start3A_85 : memref<1x79x2x128xi32, #tpu.memory_space<hbm>> -> memref<79x2x128xi32, #tpu.memory_space<hbm>>
      %dma_start3A_87 = arith.constant 0 : i32
      %dma_start3A_88 = arith.constant 0 : i32
      %dma_start3A_89 = arith.constant 0 : i32
      %dma_start3A_90 = tpu.memref_slice %arg3[%add3A, %dma_start3A_87, %dma_start3A_88, %dma_start3A_89] : memref<32x79x2x128xi32, #tpu.memory_space<hbm>> -> memref<1x79x2x128xi32, #tpu.memory_space<hbm>>
      %dma_start3A_91 = tpu.memref_squeeze %dma_start3A_90 : memref<1x79x2x128xi32, #tpu.memory_space<hbm>> -> memref<79x2x128xi32, #tpu.memory_space<hbm>>
      tpu.enqueue_dma source(%dma_start3A_91 : memref<79x2x128xi32, #tpu.memory_space<hbm>>) target(%arg5 : memref<79x2x128xi32, #tpu.memory_space<vmem>>) target_semaphore(%run_scoped3A_81 : memref<!tpu.dma_semaphore, #tpu.memory_space<semaphore_mem>>)
      %dma_wait3A_92 = arith.constant 0 : i32
      %dma_wait3A_93 = arith.constant 0 : i32
      %dma_wait3A_94 = arith.constant 0 : i32
      %dma_wait3A_95 = tpu.memref_slice %arg3[%add3A, %dma_wait3A_92, %dma_wait3A_93, %dma_wait3A_94] : memref<32x79x2x128xi32, #tpu.memory_space<hbm>> -> memref<1x79x2x128xi32, #tpu.memory_space<hbm>>
      %dma_wait3A_96 = tpu.memref_squeeze %dma_wait3A_95 : memref<1x79x2x128xi32, #tpu.memory_space<hbm>> -> memref<79x2x128xi32, #tpu.memory_space<hbm>>
      %dma_wait3A_97 = arith.constant 0 : i32
      %dma_wait3A_98 = arith.constant 0 : i32
      %dma_wait3A_99 = arith.constant 0 : i32
      %dma_wait3A_100 = tpu.memref_slice %arg3[%add3A, %dma_wait3A_97, %dma_wait3A_98, %dma_wait3A_99] : memref<32x79x2x128xi32, #tpu.memory_space<hbm>> -> memref<1x79x2x128xi32, #tpu.memory_space<hbm>>
      %dma_wait3A_101 = tpu.memref_squeeze %dma_wait3A_100 : memref<1x79x2x128xi32, #tpu.memory_space<hbm>> -> memref<79x2x128xi32, #tpu.memory_space<hbm>>
      tpu.wait_dma2 semaphore(%run_scoped3A_81 : memref<!tpu.dma_semaphore, #tpu.memory_space<semaphore_mem>>) src(%dma_wait3A_101 : memref<79x2x128xi32, #tpu.memory_space<hbm>>) dst(%arg5 : memref<79x2x128xi32, #tpu.memory_space<vmem>>)
      tpu.yield
    }) : () -> ()
    %barrier3A = arith.constant 0 : index
    tpu.barrier barrier_id(%barrier3A)
    %run_scoped3A = arith.constant 0 : i32
    %run_scoped3A_25 = arith.constant 0 : i32
    "tpu.region"() ({
      %run_scoped3A_81 = tpu.sem_alloc : memref<!tpu.dma_semaphore, #tpu.memory_space<semaphore_mem>>
      %dma_start3A_82 = arith.constant 0 : i32
      %dma_start3A_83 = tpu.memref_slice %arg5[%run_scoped3A, %run_scoped3A_25, %dma_start3A_82] : memref<79x2x128xi32, #tpu.memory_space<vmem>> -> memref<1x1x128xi32, #tpu.memory_space<vmem>>
      %dma_start3A_84 = tpu.memref_squeeze %dma_start3A_83 : memref<1x1x128xi32, #tpu.memory_space<vmem>> -> memref<128xi32, #tpu.memory_space<vmem>>
      %dma_start3A_85 = arith.constant 0 : i32
      %dma_start3A_86 = arith.constant 0 : i32
      %dma_start3A_87 = tpu.memref_slice %arg11[%dma_start3A_85, %dma_start3A_86] : memref<10240x64xbf16, #tpu.memory_space<vmem_shared>> -> memref<10240x64xbf16, #tpu.memory_space<vmem_shared>>
      tpu.enqueue_indirect_dma source(%dma_start3A_87 : memref<10240x64xbf16, #tpu.memory_space<vmem_shared>>) target(%arg6 : memref<128x64xbf16, #tpu.memory_space<vmem>>) offsets(%dma_start3A_84 : memref<128xi32, #tpu.memory_space<vmem>>) semaphore(%run_scoped3A_81 : memref<!tpu.dma_semaphore, #tpu.memory_space<semaphore_mem>>)
      %dma_wait3A_88 = arith.constant 0 : i32
      %dma_wait3A_89 = tpu.memref_slice %arg5[%run_scoped3A, %run_scoped3A_25, %dma_wait3A_88] : memref<79x2x128xi32, #tpu.memory_space<vmem>> -> memref<1x1x128xi32, #tpu.memory_space<vmem>>
      %dma_wait3A_90 = tpu.memref_squeeze %dma_wait3A_89 : memref<1x1x128xi32, #tpu.memory_space<vmem>> -> memref<128xi32, #tpu.memory_space<vmem>>
      %dma_wait3A_91 = arith.constant 0 : i32
      %dma_wait3A_92 = arith.constant 0 : i32
      %dma_wait3A_93 = tpu.memref_slice %arg11[%dma_wait3A_91, %dma_wait3A_92] : memref<10240x64xbf16, #tpu.memory_space<vmem_shared>> -> memref<10240x64xbf16, #tpu.memory_space<vmem_shared>>
      tpu.wait_indirect_dma semaphore(%run_scoped3A_81 : memref<!tpu.dma_semaphore, #tpu.memory_space<semaphore_mem>>) src(%dma_wait3A_93 : memref<10240x64xbf16, #tpu.memory_space<vmem_shared>>) dst(%arg6 : memref<128x64xbf16, #tpu.memory_space<vmem>>)
      tpu.yield
    }) : () -> ()
    %parallel_loop3A = arith.constant 0 : i32
    %parallel_loop3A_26 = arith.constant 128 : i32
    %parallel_loop3A_27 = arith.constant 1 : i32
    scf.for %parallel_loop3A_81 = %parallel_loop3A to %parallel_loop3A_26 step %parallel_loop3A_27  : i32 {
      %parallel_loop3A_82 = arith.index_cast %parallel_loop3A_81 : i32 to index
      %parallel_loop3A_83 = arith.constant 0 : index
      %parallel_loop3A_84 = tpu.vector_load %arg6[%parallel_loop3A_82, %parallel_loop3A_83] {strides = array<i32>} : memref<128x64xbf16, #tpu.memory_space<vmem>>, vector<32xbf16>,
      %parallel_loop3A_85 = tpu.unpack_subelements %parallel_loop3A_84, 0 {pack_format = #tpu.pack_format<interleaved>} : vector<32xbf16> -> vector<16xf32>
      %parallel_loop3A_86 = tpu.unpack_subelements %parallel_loop3A_84, 1 {pack_format = #tpu.pack_format<interleaved>} : vector<32xbf16> -> vector<16xf32>
      %parallel_loop3A_87 = arith.index_cast %parallel_loop3A_81 : i32 to index
      %parallel_loop3A_88 = arith.constant 0 : index
      %parallel_loop3A_89 = tpu.vector_load %arg7[%parallel_loop3A_87, %parallel_loop3A_88] {strides = array<i32>} : memref<128x64xf32, #tpu.memory_space<vmem>>, vector<16xf32>,
      tpu.vector_store %arg7[%parallel_loop3A_87, %parallel_loop3A_88], %parallel_loop3A_85 {strides = array<i32>} : memref<128x64xf32, #tpu.memory_space<vmem>>, vector<16xf32>,
      %parallel_loop3A_90 = arith.index_cast %parallel_loop3A_81 : i32 to index
      %parallel_loop3A_91 = arith.constant 16 : index
      %parallel_loop3A_92 = tpu.vector_load %arg7[%parallel_loop3A_90, %parallel_loop3A_91] {strides = array<i32>} : memref<128x64xf32, #tpu.memory_space<vmem>>, vector<16xf32>,
      tpu.vector_store %arg7[%parallel_loop3A_90, %parallel_loop3A_91], %parallel_loop3A_86 {strides = array<i32>} : memref<128x64xf32, #tpu.memory_space<vmem>>, vector<16xf32>,
      %parallel_loop3A_93 = arith.index_cast %parallel_loop3A_81 : i32 to index
      %parallel_loop3A_94 = arith.constant 32 : index
      %parallel_loop3A_95 = tpu.vector_load %arg6[%parallel_loop3A_93, %parallel_loop3A_94] {strides = array<i32>} : memref<128x64xbf16, #tpu.memory_space<vmem>>, vector<32xbf16>,
      %parallel_loop3A_96 = tpu.unpack_subelements %parallel_loop3A_95, 0 {pack_format = #tpu.pack_format<interleaved>} : vector<32xbf16> -> vector<16xf32>
      %parallel_loop3A_97 = tpu.unpack_subelements %parallel_loop3A_95, 1 {pack_format = #tpu.pack_format<interleaved>} : vector<32xbf16> -> vector<16xf32>
      %parallel_loop3A_98 = arith.index_cast %parallel_loop3A_81 : i32 to index
      %parallel_loop3A_99 = arith.constant 32 : index
      %parallel_loop3A_100 = tpu.vector_load %arg7[%parallel_loop3A_98, %parallel_loop3A_99] {strides = array<i32>} : memref<128x64xf32, #tpu.memory_space<vmem>>, vector<16xf32>,
      tpu.vector_store %arg7[%parallel_loop3A_98, %parallel_loop3A_99], %parallel_loop3A_96 {strides = array<i32>} : memref<128x64xf32, #tpu.memory_space<vmem>>, vector<16xf32>,
      %parallel_loop3A_101 = arith.index_cast %parallel_loop3A_81 : i32 to index
      %parallel_loop3A_102 = arith.constant 48 : index
      %parallel_loop3A_103 = tpu.vector_load %arg7[%parallel_loop3A_101, %parallel_loop3A_102] {strides = array<i32>} : memref<128x64xf32, #tpu.memory_space<vmem>>, vector<16xf32>,
      tpu.vector_store %arg7[%parallel_loop3A_101, %parallel_loop3A_102], %parallel_loop3A_97 {strides = array<i32>} : memref<128x64xf32, #tpu.memory_space<vmem>>, vector<16xf32>,
    } {sc.loop_unroll_factor = 8 : i64, sc.parallel_access}
    %dma_start3A = arith.constant 0 : i32
    %dma_start3A_28 = arith.constant 1 : i32
    %dma_start3A_29 = arith.constant 0 : i32
    %dma_start3A_30 = tpu.memref_slice %arg5[%dma_start3A, %dma_start3A_28, %dma_start3A_29] : memref<79x2x128xi32, #tpu.memory_space<vmem>> -> memref<1x1x128xi32, #tpu.memory_space<vmem>>
    %dma_start3A_31 = tpu.memref_squeeze %dma_start3A_30 : memref<1x1x128xi32, #tpu.memory_space<vmem>> -> memref<128xi32, #tpu.memory_space<vmem>>
    %dma_start3A_32 = arith.constant 0 : i32
    %dma_start3A_33 = arith.constant 0 : i32
    %dma_start3A_34 = tpu.memref_slice %arg12[%dma_start3A_32, %dma_start3A_33] : memref<10240x64xf32, #tpu.memory_space<vmem_shared>> -> memref<10240x64xf32, #tpu.memory_space<vmem_shared>>
    tpu.enqueue_indirect_dma source(%arg7 : memref<128x64xf32, #tpu.memory_space<vmem>>) target(%dma_start3A_34 : memref<10240x64xf32, #tpu.memory_space<vmem_shared>>) offsets(%dma_start3A_31 : memref<128xi32, #tpu.memory_space<vmem>>) semaphore(%arg13 : memref<!tpu.dma_semaphore, #tpu.memory_space<semaphore_mem>>) {add = true}
    %scan3A_35 = arith.constant 0 : i32
    %scan3A_36 = arith.constant 0 : i32
    %scan3A_37 = arith.constant 39 : i32
    %scan3A_38 = arith.addi %scan3A_36, %scan3A_37 : i32
    %scan3A_39 = arith.constant 1 : i32
    scf.for %scan3A_81 = %scan3A_36 to %scan3A_38 step %scan3A_39  : i32 {
      %mul3A_82 = arith.constant 2 : i32
      %mul3A_83 = arith.muli %scan3A_81, %mul3A_82 : i32
      %add3A_84 = arith.constant 1 : i32
      %add3A_85 = arith.addi %mul3A_83, %add3A_84 : i32
      %run_scoped3A_86 = arith.constant 0 : i32
      "tpu.region"() ({
        %run_scoped3A_127 = tpu.sem_alloc : memref<!tpu.dma_semaphore, #tpu.memory_space<semaphore_mem>>
        %dma_start3A_128 = arith.constant 0 : i32
        %dma_start3A_129 = tpu.memref_slice %arg5[%add3A_85, %run_scoped3A_86, %dma_start3A_128] : memref<79x2x128xi32, #tpu.memory_space<vmem>> -> memref<1x1x128xi32, #tpu.memory_space<vmem>>
        %dma_start3A_130 = tpu.memref_squeeze %dma_start3A_129 : memref<1x1x128xi32, #tpu.memory_space<vmem>> -> memref<128xi32, #tpu.memory_space<vmem>>
        %dma_start3A_131 = arith.constant 0 : i32
        %dma_start3A_132 = arith.constant 0 : i32
        %dma_start3A_133 = tpu.memref_slice %arg11[%dma_start3A_131, %dma_start3A_132] : memref<10240x64xbf16, #tpu.memory_space<vmem_shared>> -> memref<10240x64xbf16, #tpu.memory_space<vmem_shared>>
        tpu.enqueue_indirect_dma source(%dma_start3A_133 : memref<10240x64xbf16, #tpu.memory_space<vmem_shared>>) target(%arg6 : memref<128x64xbf16, #tpu.memory_space<vmem>>) offsets(%dma_start3A_130 : memref<128xi32, #tpu.memory_space<vmem>>) semaphore(%run_scoped3A_127 : memref<!tpu.dma_semaphore, #tpu.memory_space<semaphore_mem>>)
        %dma_wait3A_134 = arith.constant 0 : i32
        %dma_wait3A_135 = tpu.memref_slice %arg5[%add3A_85, %run_scoped3A_86, %dma_wait3A_134] : memref<79x2x128xi32, #tpu.memory_space<vmem>> -> memref<1x1x128xi32, #tpu.memory_space<vmem>>
        %dma_wait3A_136 = tpu.memref_squeeze %dma_wait3A_135 : memref<1x1x128xi32, #tpu.memory_space<vmem>> -> memref<128xi32, #tpu.memory_space<vmem>>
        %dma_wait3A_137 = arith.constant 0 : i32
        %dma_wait3A_138 = arith.constant 0 : i32
        %dma_wait3A_139 = tpu.memref_slice %arg11[%dma_wait3A_137, %dma_wait3A_138] : memref<10240x64xbf16, #tpu.memory_space<vmem_shared>> -> memref<10240x64xbf16, #tpu.memory_space<vmem_shared>>
        tpu.wait_indirect_dma semaphore(%run_scoped3A_127 : memref<!tpu.dma_semaphore, #tpu.memory_space<semaphore_mem>>) src(%dma_wait3A_139 : memref<10240x64xbf16, #tpu.memory_space<vmem_shared>>) dst(%arg6 : memref<128x64xbf16, #tpu.memory_space<vmem>>)
        tpu.yield
      }) : () -> ()
      %parallel_loop3A_87 = arith.constant 0 : i32
      %parallel_loop3A_88 = arith.constant 128 : i32
      %parallel_loop3A_89 = arith.constant 1 : i32
      scf.for %parallel_loop3A_127 = %parallel_loop3A_87 to %parallel_loop3A_88 step %parallel_loop3A_89  : i32 {
        %parallel_loop3A_128 = arith.index_cast %parallel_loop3A_127 : i32 to index
        %parallel_loop3A_129 = arith.constant 0 : index
        %parallel_loop3A_130 = tpu.vector_load %arg6[%parallel_loop3A_128, %parallel_loop3A_129] {strides = array<i32>} : memref<128x64xbf16, #tpu.memory_space<vmem>>, vector<32xbf16>,
        %parallel_loop3A_131 = tpu.unpack_subelements %parallel_loop3A_130, 0 {pack_format = #tpu.pack_format<interleaved>} : vector<32xbf16> -> vector<16xf32>
        %parallel_loop3A_132 = tpu.unpack_subelements %parallel_loop3A_130, 1 {pack_format = #tpu.pack_format<interleaved>} : vector<32xbf16> -> vector<16xf32>
        %parallel_loop3A_133 = arith.index_cast %parallel_loop3A_127 : i32 to index
        %parallel_loop3A_134 = arith.constant 0 : index
        %parallel_loop3A_135 = tpu.vector_load %arg8[%parallel_loop3A_133, %parallel_loop3A_134] {strides = array<i32>} : memref<128x64xf32, #tpu.memory_space<vmem>>, vector<16xf32>,
        tpu.vector_store %arg8[%parallel_loop3A_133, %parallel_loop3A_134], %parallel_loop3A_131 {strides = array<i32>} : memref<128x64xf32, #tpu.memory_space<vmem>>, vector<16xf32>,
        %parallel_loop3A_136 = arith.index_cast %parallel_loop3A_127 : i32 to index
        %parallel_loop3A_137 = arith.constant 16 : index
        %parallel_loop3A_138 = tpu.vector_load %arg8[%parallel_loop3A_136, %parallel_loop3A_137] {strides = array<i32>} : memref<128x64xf32, #tpu.memory_space<vmem>>, vector<16xf32>,
        tpu.vector_store %arg8[%parallel_loop3A_136, %parallel_loop3A_137], %parallel_loop3A_132 {strides = array<i32>} : memref<128x64xf32, #tpu.memory_space<vmem>>, vector<16xf32>,
        %parallel_loop3A_139 = arith.index_cast %parallel_loop3A_127 : i32 to index
        %parallel_loop3A_140 = arith.constant 32 : index
        %parallel_loop3A_141 = tpu.vector_load %arg6[%parallel_loop3A_139, %parallel_loop3A_140] {strides = array<i32>} : memref<128x64xbf16, #tpu.memory_space<vmem>>, vector<32xbf16>,
        %parallel_loop3A_142 = tpu.unpack_subelements %parallel_loop3A_141, 0 {pack_format = #tpu.pack_format<interleaved>} : vector<32xbf16> -> vector<16xf32>
        %parallel_loop3A_143 = tpu.unpack_subelements %parallel_loop3A_141, 1 {pack_format = #tpu.pack_format<interleaved>} : vector<32xbf16> -> vector<16xf32>
        %parallel_loop3A_144 = arith.index_cast %parallel_loop3A_127 : i32 to index
        %parallel_loop3A_145 = arith.constant 32 : index
        %parallel_loop3A_146 = tpu.vector_load %arg8[%parallel_loop3A_144, %parallel_loop3A_145] {strides = array<i32>} : memref<128x64xf32, #tpu.memory_space<vmem>>, vector<16xf32>,
        tpu.vector_store %arg8[%parallel_loop3A_144, %parallel_loop3A_145], %parallel_loop3A_142 {strides = array<i32>} : memref<128x64xf32, #tpu.memory_space<vmem>>, vector<16xf32>,
        %parallel_loop3A_147 = arith.index_cast %parallel_loop3A_127 : i32 to index
        %parallel_loop3A_148 = arith.constant 48 : index
        %parallel_loop3A_149 = tpu.vector_load %arg8[%parallel_loop3A_147, %parallel_loop3A_148] {strides = array<i32>} : memref<128x64xf32, #tpu.memory_space<vmem>>, vector<16xf32>,
        tpu.vector_store %arg8[%parallel_loop3A_147, %parallel_loop3A_148], %parallel_loop3A_143 {strides = array<i32>} : memref<128x64xf32, #tpu.memory_space<vmem>>, vector<16xf32>,
      } {sc.loop_unroll_factor = 8 : i64, sc.parallel_access}
      %sub3A = arith.constant 1 : i32
      %sub3A_90 = arith.subi %add3A_85, %sub3A : i32
      %dma_wait3A_91 = arith.constant 1 : i32
      %dma_wait3A_92 = arith.constant 0 : i32
      %dma_wait3A_93 = tpu.memref_slice %arg5[%sub3A_90, %dma_wait3A_91, %dma_wait3A_92] : memref<79x2x128xi32, #tpu.memory_space<vmem>> -> memref<1x1x128xi32, #tpu.memory_space<vmem>>
      %dma_wait3A_94 = tpu.memref_squeeze %dma_wait3A_93 : memref<1x1x128xi32, #tpu.memory_space<vmem>> -> memref<128xi32, #tpu.memory_space<vmem>>
      %dma_wait3A_95 = arith.constant 0 : i32
      %dma_wait3A_96 = arith.constant 0 : i32
      %dma_wait3A_97 = tpu.memref_slice %arg12[%dma_wait3A_95, %dma_wait3A_96] : memref<10240x64xf32, #tpu.memory_space<vmem_shared>> -> memref<10240x64xf32, #tpu.memory_space<vmem_shared>>
      tpu.wait_indirect_dma semaphore(%arg13 : memref<!tpu.dma_semaphore, #tpu.memory_space<semaphore_mem>>) src(%arg7 : memref<128x64xf32, #tpu.memory_space<vmem>>) dst(%dma_wait3A_97 : memref<10240x64xf32, #tpu.memory_space<vmem_shared>>)
      %dma_start3A_98 = arith.constant 1 : i32
      %dma_start3A_99 = arith.constant 0 : i32
      %dma_start3A_100 = tpu.memref_slice %arg5[%add3A_85, %dma_start3A_98, %dma_start3A_99] : memref<79x2x128xi32, #tpu.memory_space<vmem>> -> memref<1x1x128xi32, #tpu.memory_space<vmem>>
      %dma_start3A_101 = tpu.memref_squeeze %dma_start3A_100 : memref<1x1x128xi32, #tpu.memory_space<vmem>> -> memref<128xi32, #tpu.memory_space<vmem>>
      %dma_start3A_102 = arith.constant 0 : i32
      %dma_start3A_103 = arith.constant 0 : i32
      %dma_start3A_104 = tpu.memref_slice %arg12[%dma_start3A_102, %dma_start3A_103] : memref<10240x64xf32, #tpu.memory_space<vmem_shared>> -> memref<10240x64xf32, #tpu.memory_space<vmem_shared>>
      tpu.enqueue_indirect_dma source(%arg8 : memref<128x64xf32, #tpu.memory_space<vmem>>) target(%dma_start3A_104 : memref<10240x64xf32, #tpu.memory_space<vmem_shared>>) offsets(%dma_start3A_101 : memref<128xi32, #tpu.memory_space<vmem>>) semaphore(%arg13 : memref<!tpu.dma_semaphore, #tpu.memory_space<semaphore_mem>>) {add = true}
      %add3A_105 = arith.constant 1 : i32
      %add3A_106 = arith.addi %add3A_85, %add3A_105 : i32
      %run_scoped3A_107 = arith.constant 0 : i32
      "tpu.region"() ({
        %run_scoped3A_127 = tpu.sem_alloc : memref<!tpu.dma_semaphore, #tpu.memory_space<semaphore_mem>>
        %dma_start3A_128 = arith.constant 0 : i32
        %dma_start3A_129 = tpu.memref_slice %arg5[%add3A_106, %run_scoped3A_107, %dma_start3A_128] : memref<79x2x128xi32, #tpu.memory_space<vmem>> -> memref<1x1x128xi32, #tpu.memory_space<vmem>>
        %dma_start3A_130 = tpu.memref_squeeze %dma_start3A_129 : memref<1x1x128xi32, #tpu.memory_space<vmem>> -> memref<128xi32, #tpu.memory_space<vmem>>
        %dma_start3A_131 = arith.constant 0 : i32
        %dma_start3A_132 = arith.constant 0 : i32
        %dma_start3A_133 = tpu.memref_slice %arg11[%dma_start3A_131, %dma_start3A_132] : memref<10240x64xbf16, #tpu.memory_space<vmem_shared>> -> memref<10240x64xbf16, #tpu.memory_space<vmem_shared>>
        tpu.enqueue_indirect_dma source(%dma_start3A_133 : memref<10240x64xbf16, #tpu.memory_space<vmem_shared>>) target(%arg6 : memref<128x64xbf16, #tpu.memory_space<vmem>>) offsets(%dma_start3A_130 : memref<128xi32, #tpu.memory_space<vmem>>) semaphore(%run_scoped3A_127 : memref<!tpu.dma_semaphore, #tpu.memory_space<semaphore_mem>>)
        %dma_wait3A_134 = arith.constant 0 : i32
        %dma_wait3A_135 = tpu.memref_slice %arg5[%add3A_106, %run_scoped3A_107, %dma_wait3A_134] : memref<79x2x128xi32, #tpu.memory_space<vmem>> -> memref<1x1x128xi32, #tpu.memory_space<vmem>>
        %dma_wait3A_136 = tpu.memref_squeeze %dma_wait3A_135 : memref<1x1x128xi32, #tpu.memory_space<vmem>> -> memref<128xi32, #tpu.memory_space<vmem>>
        %dma_wait3A_137 = arith.constant 0 : i32
        %dma_wait3A_138 = arith.constant 0 : i32
        %dma_wait3A_139 = tpu.memref_slice %arg11[%dma_wait3A_137, %dma_wait3A_138] : memref<10240x64xbf16, #tpu.memory_space<vmem_shared>> -> memref<10240x64xbf16, #tpu.memory_space<vmem_shared>>
        tpu.wait_indirect_dma semaphore(%run_scoped3A_127 : memref<!tpu.dma_semaphore, #tpu.memory_space<semaphore_mem>>) src(%dma_wait3A_139 : memref<10240x64xbf16, #tpu.memory_space<vmem_shared>>) dst(%arg6 : memref<128x64xbf16, #tpu.memory_space<vmem>>)
        tpu.yield
      }) : () -> ()
      %parallel_loop3A_108 = arith.constant 0 : i32
      %parallel_loop3A_109 = arith.constant 128 : i32
      %parallel_loop3A_110 = arith.constant 1 : i32
      scf.for %parallel_loop3A_127 = %parallel_loop3A_108 to %parallel_loop3A_109 step %parallel_loop3A_110  : i32 {
        %parallel_loop3A_128 = arith.index_cast %parallel_loop3A_127 : i32 to index
        %parallel_loop3A_129 = arith.constant 0 : index
        %parallel_loop3A_130 = tpu.vector_load %arg6[%parallel_loop3A_128, %parallel_loop3A_129] {strides = array<i32>} : memref<128x64xbf16, #tpu.memory_space<vmem>>, vector<32xbf16>,
        %parallel_loop3A_131 = tpu.unpack_subelements %parallel_loop3A_130, 0 {pack_format = #tpu.pack_format<interleaved>} : vector<32xbf16> -> vector<16xf32>
        %parallel_loop3A_132 = tpu.unpack_subelements %parallel_loop3A_130, 1 {pack_format = #tpu.pack_format<interleaved>} : vector<32xbf16> -> vector<16xf32>
        %parallel_loop3A_133 = arith.index_cast %parallel_loop3A_127 : i32 to index
        %parallel_loop3A_134 = arith.constant 0 : index
        %parallel_loop3A_135 = tpu.vector_load %arg7[%parallel_loop3A_133, %parallel_loop3A_134] {strides = array<i32>} : memref<128x64xf32, #tpu.memory_space<vmem>>, vector<16xf32>,
        tpu.vector_store %arg7[%parallel_loop3A_133, %parallel_loop3A_134], %parallel_loop3A_131 {strides = array<i32>} : memref<128x64xf32, #tpu.memory_space<vmem>>, vector<16xf32>,
        %parallel_loop3A_136 = arith.index_cast %parallel_loop3A_127 : i32 to index
        %parallel_loop3A_137 = arith.constant 16 : index
        %parallel_loop3A_138 = tpu.vector_load %arg7[%parallel_loop3A_136, %parallel_loop3A_137] {strides = array<i32>} : memref<128x64xf32, #tpu.memory_space<vmem>>, vector<16xf32>,
        tpu.vector_store %arg7[%parallel_loop3A_136, %parallel_loop3A_137], %parallel_loop3A_132 {strides = array<i32>} : memref<128x64xf32, #tpu.memory_space<vmem>>, vector<16xf32>,
        %parallel_loop3A_139 = arith.index_cast %parallel_loop3A_127 : i32 to index
        %parallel_loop3A_140 = arith.constant 32 : index
        %parallel_loop3A_141 = tpu.vector_load %arg6[%parallel_loop3A_139, %parallel_loop3A_140] {strides = array<i32>} : memref<128x64xbf16, #tpu.memory_space<vmem>>, vector<32xbf16>,
        %parallel_loop3A_142 = tpu.unpack_subelements %parallel_loop3A_141, 0 {pack_format = #tpu.pack_format<interleaved>} : vector<32xbf16> -> vector<16xf32>
        %parallel_loop3A_143 = tpu.unpack_subelements %parallel_loop3A_141, 1 {pack_format = #tpu.pack_format<interleaved>} : vector<32xbf16> -> vector<16xf32>
        %parallel_loop3A_144 = arith.index_cast %parallel_loop3A_127 : i32 to index
        %parallel_loop3A_145 = arith.constant 32 : index
        %parallel_loop3A_146 = tpu.vector_load %arg7[%parallel_loop3A_144, %parallel_loop3A_145] {strides = array<i32>} : memref<128x64xf32, #tpu.memory_space<vmem>>, vector<16xf32>,
        tpu.vector_store %arg7[%parallel_loop3A_144, %parallel_loop3A_145], %parallel_loop3A_142 {strides = array<i32>} : memref<128x64xf32, #tpu.memory_space<vmem>>, vector<16xf32>,
        %parallel_loop3A_147 = arith.index_cast %parallel_loop3A_127 : i32 to index
        %parallel_loop3A_148 = arith.constant 48 : index
        %parallel_loop3A_149 = tpu.vector_load %arg7[%parallel_loop3A_147, %parallel_loop3A_148] {strides = array<i32>} : memref<128x64xf32, #tpu.memory_space<vmem>>, vector<16xf32>,
        tpu.vector_store %arg7[%parallel_loop3A_147, %parallel_loop3A_148], %parallel_loop3A_143 {strides = array<i32>} : memref<128x64xf32, #tpu.memory_space<vmem>>, vector<16xf32>,
      } {sc.loop_unroll_factor = 8 : i64, sc.parallel_access}
      %dma_wait3A_111 = arith.constant 1 : i32
      %dma_wait3A_112 = arith.constant 0 : i32
      %dma_wait3A_113 = tpu.memref_slice %arg5[%add3A_85, %dma_wait3A_111, %dma_wait3A_112] : memref<79x2x128xi32, #tpu.memory_space<vmem>> -> memref<1x1x128xi32, #tpu.memory_space<vmem>>
      %dma_wait3A_114 = tpu.memref_squeeze %dma_wait3A_113 : memref<1x1x128xi32, #tpu.memory_space<vmem>> -> memref<128xi32, #tpu.memory_space<vmem>>
      %dma_wait3A_115 = arith.constant 0 : i32
      %dma_wait3A_116 = arith.constant 0 : i32
      %dma_wait3A_117 = tpu.memref_slice %arg12[%dma_wait3A_115, %dma_wait3A_116] : memref<10240x64xf32, #tpu.memory_space<vmem_shared>> -> memref<10240x64xf32, #tpu.memory_space<vmem_shared>>
      tpu.wait_indirect_dma semaphore(%arg13 : memref<!tpu.dma_semaphore, #tpu.memory_space<semaphore_mem>>) src(%arg8 : memref<128x64xf32, #tpu.memory_space<vmem>>) dst(%dma_wait3A_117 : memref<10240x64xf32, #tpu.memory_space<vmem_shared>>)
      %add3A_118 = arith.constant 1 : i32
      %add3A_119 = arith.addi %add3A_85, %add3A_118 : i32
      %dma_start3A_120 = arith.constant 1 : i32
      %dma_start3A_121 = arith.constant 0 : i32
      %dma_start3A_122 = tpu.memref_slice %arg5[%add3A_119, %dma_start3A_120, %dma_start3A_121] : memref<79x2x128xi32, #tpu.memory_space<vmem>> -> memref<1x1x128xi32, #tpu.memory_space<vmem>>
      %dma_start3A_123 = tpu.memref_squeeze %dma_start3A_122 : memref<1x1x128xi32, #tpu.memory_space<vmem>> -> memref<128xi32, #tpu.memory_space<vmem>>
      %dma_start3A_124 = arith.constant 0 : i32
      %dma_start3A_125 = arith.constant 0 : i32
      %dma_start3A_126 = tpu.memref_slice %arg12[%dma_start3A_124, %dma_start3A_125] : memref<10240x64xf32, #tpu.memory_space<vmem_shared>> -> memref<10240x64xf32, #tpu.memory_space<vmem_shared>>
      tpu.enqueue_indirect_dma source(%arg7 : memref<128x64xf32, #tpu.memory_space<vmem>>) target(%dma_start3A_126 : memref<10240x64xf32, #tpu.memory_space<vmem_shared>>) offsets(%dma_start3A_123 : memref<128xi32, #tpu.memory_space<vmem>>) semaphore(%arg13 : memref<!tpu.dma_semaphore, #tpu.memory_space<semaphore_mem>>) {add = true}
    }
    %scan3A_40 = arith.constant 39 : i32
    %dma_wait3A = arith.constant 78 : i32
    %dma_wait3A_41 = arith.constant 1 : i32
    %dma_wait3A_42 = arith.constant 0 : i32
    %dma_wait3A_43 = tpu.memref_slice %arg5[%dma_wait3A, %dma_wait3A_41, %dma_wait3A_42] : memref<79x2x128xi32, #tpu.memory_space<vmem>> -> memref<1x1x128xi32, #tpu.memory_space<vmem>>
    %dma_wait3A_44 = tpu.memref_squeeze %dma_wait3A_43 : memref<1x1x128xi32, #tpu.memory_space<vmem>> -> memref<128xi32, #tpu.memory_space<vmem>>
    %dma_wait3A_45 = arith.constant 0 : i32
    %dma_wait3A_46 = arith.constant 0 : i32
    %dma_wait3A_47 = tpu.memref_slice %arg12[%dma_wait3A_45, %dma_wait3A_46] : memref<10240x64xf32, #tpu.memory_space<vmem_shared>> -> memref<10240x64xf32, #tpu.memory_space<vmem_shared>>
    tpu.wait_indirect_dma semaphore(%arg13 : memref<!tpu.dma_semaphore, #tpu.memory_space<semaphore_mem>>) src(%arg7 : memref<128x64xf32, #tpu.memory_space<vmem>>) dst(%dma_wait3A_47 : memref<10240x64xf32, #tpu.memory_space<vmem_shared>>)
    %barrier3A_48 = arith.constant 0 : index
    tpu.barrier barrier_id(%barrier3A_48)
    %add3A_49 = arith.constant 0 : i32
    %add3A_50 = arith.addi %mul3A_2, %add3A_49 : i32
    "tpu.region"() ({
      %run_scoped3A_81 = tpu.sem_alloc : memref<!tpu.dma_semaphore, #tpu.memory_space<semaphore_mem>>
      %dma_start3A_82 = arith.constant 0 : i32
      %dma_start3A_83 = tpu.memref_slice %arg12[%add3A_50, %dma_start3A_82] : memref<10240x64xf32, #tpu.memory_space<vmem_shared>> -> memref<160x64xf32, #tpu.memory_space<vmem_shared>>
      %dma_start3A_84 = arith.constant 0 : i32
      %dma_start3A_85 = tpu.memref_slice %arg12[%add3A_50, %dma_start3A_84] : memref<10240x64xf32, #tpu.memory_space<vmem_shared>> -> memref<160x64xf32, #tpu.memory_space<vmem_shared>>
      tpu.enqueue_dma source(%dma_start3A_85 : memref<160x64xf32, #tpu.memory_space<vmem_shared>>) target(%arg9 : memref<160x64xf32, #tpu.memory_space<vmem>>) target_semaphore(%run_scoped3A_81 : memref<!tpu.dma_semaphore, #tpu.memory_space<semaphore_mem>>)
      %dma_wait3A_86 = arith.constant 0 : i32
      %dma_wait3A_87 = tpu.memref_slice %arg12[%add3A_50, %dma_wait3A_86] : memref<10240x64xf32, #tpu.memory_space<vmem_shared>> -> memref<160x64xf32, #tpu.memory_space<vmem_shared>>
      %dma_wait3A_88 = arith.constant 0 : i32
      %dma_wait3A_89 = tpu.memref_slice %arg12[%add3A_50, %dma_wait3A_88] : memref<10240x64xf32, #tpu.memory_space<vmem_shared>> -> memref<160x64xf32, #tpu.memory_space<vmem_shared>>
      tpu.wait_dma2 semaphore(%run_scoped3A_81 : memref<!tpu.dma_semaphore, #tpu.memory_space<semaphore_mem>>) src(%dma_wait3A_89 : memref<160x64xf32, #tpu.memory_space<vmem_shared>>) dst(%arg9 : memref<160x64xf32, #tpu.memory_space<vmem>>)
      tpu.yield
    }) : () -> ()
    %scan3A_51 = arith.constant 0 : i32
    %scan3A_52 = arith.constant 0 : i32
    %scan3A_53 = arith.constant 160 : i32
    %scan3A_54 = arith.addi %scan3A_52, %scan3A_53 : i32
    %scan3A_55 = arith.constant 1 : i32
    scf.for %scan3A_81 = %scan3A_52 to %scan3A_54 step %scan3A_55  : i32 {
      %get3A = arith.index_cast %scan3A_81 : i32 to index
      %get3A_82 = arith.constant 0 : index
      %get3A_83 = tpu.vector_load %arg9[%get3A, %get3A_82] {strides = array<i32>} : memref<160x64xf32, #tpu.memory_space<vmem>>, vector<16xf32>,
      %get3A_84 = arith.index_cast %scan3A_81 : i32 to index
      %get3A_85 = arith.constant 16 : index
      %get3A_86 = tpu.vector_load %arg9[%get3A_84, %get3A_85] {strides = array<i32>} : memref<160x64xf32, #tpu.memory_space<vmem>>, vector<16xf32>,
      %pack3A = tpu.pack_subelements %get3A_83, %get3A_86 {pack_format = #tpu.pack_format<interleaved>, positions = array<i32: 0, 1>} : vector<16xf32>, vector<16xf32> -> vector<32xbf16>
      %swap3A = arith.index_cast %scan3A_81 : i32 to index
      %swap3A_87 = arith.constant 0 : index
      %swap3A_88 = tpu.vector_load %arg10[%swap3A, %swap3A_87] {strides = array<i32>} : memref<160x64xbf16, #tpu.memory_space<vmem>>, vector<32xbf16>,
      tpu.vector_store %arg10[%swap3A, %swap3A_87], %pack3A {strides = array<i32>} : memref<160x64xbf16, #tpu.memory_space<vmem>>, vector<32xbf16>,
      %get3A_89 = arith.index_cast %scan3A_81 : i32 to index
      %get3A_90 = arith.constant 32 : index
      %get3A_91 = tpu.vector_load %arg9[%get3A_89, %get3A_90] {strides = array<i32>} : memref<160x64xf32, #tpu.memory_space<vmem>>, vector<16xf32>,
      %get3A_92 = arith.index_cast %scan3A_81 : i32 to index
      %get3A_93 = arith.constant 48 : index
      %get3A_94 = tpu.vector_load %arg9[%get3A_92, %get3A_93] {strides = array<i32>} : memref<160x64xf32, #tpu.memory_space<vmem>>, vector<16xf32>,
      %pack3A_95 = tpu.pack_subelements %get3A_91, %get3A_94 {pack_format = #tpu.pack_format<interleaved>, positions = array<i32: 0, 1>} : vector<16xf32>, vector<16xf32> -> vector<32xbf16>
      %swap3A_96 = arith.index_cast %scan3A_81 : i32 to index
      %swap3A_97 = arith.constant 32 : index
      %swap3A_98 = tpu.vector_load %arg10[%swap3A_96, %swap3A_97] {strides = array<i32>} : memref<160x64xbf16, #tpu.memory_space<vmem>>, vector<32xbf16>,
      tpu.vector_store %arg10[%swap3A_96, %swap3A_97], %pack3A_95 {strides = array<i32>} : memref<160x64xbf16, #tpu.memory_space<vmem>>, vector<32xbf16>,
    }
    %scan3A_56 = arith.constant 160 : i32
    "tpu.region"() ({
      %run_scoped3A_81 = tpu.sem_alloc : memref<!tpu.dma_semaphore, #tpu.memory_space<semaphore_mem>>
      %dma_start3A_82 = arith.constant 0 : i32
      %dma_start3A_83 = tpu.memref_slice %arg4[%arg0, %add3A_50, %dma_start3A_82] : memref<2x10240x64xbf16, #tpu.memory_space<hbm>> -> memref<1x160x64xbf16, #tpu.memory_space<hbm>>
      %dma_start3A_84 = tpu.memref_squeeze %dma_start3A_83 : memref<1x160x64xbf16, #tpu.memory_space<hbm>> -> memref<160x64xbf16, #tpu.memory_space<hbm>>
      %dma_start3A_85 = arith.constant 0 : i32
      %dma_start3A_86 = tpu.memref_slice %arg4[%arg0, %add3A_50, %dma_start3A_85] : memref<2x10240x64xbf16, #tpu.memory_space<hbm>> -> memref<1x160x64xbf16, #tpu.memory_space<hbm>>
      %dma_start3A_87 = tpu.memref_squeeze %dma_start3A_86 : memref<1x160x64xbf16, #tpu.memory_space<hbm>> -> memref<160x64xbf16, #tpu.memory_space<hbm>>
      tpu.enqueue_dma source(%arg10 : memref<160x64xbf16, #tpu.memory_space<vmem>>) target(%dma_start3A_87 : memref<160x64xbf16, #tpu.memory_space<hbm>>) target_semaphore(%run_scoped3A_81 : memref<!tpu.dma_semaphore, #tpu.memory_space<semaphore_mem>>)
      %dma_wait3A_88 = arith.constant 0 : i32
      %dma_wait3A_89 = tpu.memref_slice %arg4[%arg0, %add3A_50, %dma_wait3A_88] : memref<2x10240x64xbf16, #tpu.memory_space<hbm>> -> memref<1x160x64xbf16, #tpu.memory_space<hbm>>
      %dma_wait3A_90 = tpu.memref_squeeze %dma_wait3A_89 : memref<1x160x64xbf16, #tpu.memory_space<hbm>> -> memref<160x64xbf16, #tpu.memory_space<hbm>>
      %dma_wait3A_91 = arith.constant 0 : i32
      %dma_wait3A_92 = tpu.memref_slice %arg4[%arg0, %add3A_50, %dma_wait3A_91] : memref<2x10240x64xbf16, #tpu.memory_space<hbm>> -> memref<1x160x64xbf16, #tpu.memory_space<hbm>>
      %dma_wait3A_93 = tpu.memref_squeeze %dma_wait3A_92 : memref<1x160x64xbf16, #tpu.memory_space<hbm>> -> memref<160x64xbf16, #tpu.memory_space<hbm>>
      tpu.wait_dma2 semaphore(%run_scoped3A_81 : memref<!tpu.dma_semaphore, #tpu.memory_space<semaphore_mem>>) src(%arg10 : memref<160x64xbf16, #tpu.memory_space<vmem>>) dst(%dma_wait3A_93 : memref<160x64xbf16, #tpu.memory_space<hbm>>)
      tpu.yield
    }) : () -> ()
    %add3A_57 = arith.constant 160 : i32
    %add3A_58 = arith.addi %mul3A_2, %add3A_57 : i32
    "tpu.region"() ({
      %run_scoped3A_81 = tpu.sem_alloc : memref<!tpu.dma_semaphore, #tpu.memory_space<semaphore_mem>>
      %dma_start3A_82 = arith.constant 0 : i32
      %dma_start3A_83 = tpu.memref_slice %arg12[%add3A_58, %dma_start3A_82] : memref<10240x64xf32, #tpu.memory_space<vmem_shared>> -> memref<160x64xf32, #tpu.memory_space<vmem_shared>>
      %dma_start3A_84 = arith.constant 0 : i32
      %dma_start3A_85 = tpu.memref_slice %arg12[%add3A_58, %dma_start3A_84] : memref<10240x64xf32, #tpu.memory_space<vmem_shared>> -> memref<160x64xf32, #tpu.memory_space<vmem_shared>>
      tpu.enqueue_dma source(%dma_start3A_85 : memref<160x64xf32, #tpu.memory_space<vmem_shared>>) target(%arg9 : memref<160x64xf32, #tpu.memory_space<vmem>>) target_semaphore(%run_scoped3A_81 : memref<!tpu.dma_semaphore, #tpu.memory_space<semaphore_mem>>)
      %dma_wait3A_86 = arith.constant 0 : i32
      %dma_wait3A_87 = tpu.memref_slice %arg12[%add3A_58, %dma_wait3A_86] : memref<10240x64xf32, #tpu.memory_space<vmem_shared>> -> memref<160x64xf32, #tpu.memory_space<vmem_shared>>
      %dma_wait3A_88 = arith.constant 0 : i32
      %dma_wait3A_89 = tpu.memref_slice %arg12[%add3A_58, %dma_wait3A_88] : memref<10240x64xf32, #tpu.memory_space<vmem_shared>> -> memref<160x64xf32, #tpu.memory_space<vmem_shared>>
      tpu.wait_dma2 semaphore(%run_scoped3A_81 : memref<!tpu.dma_semaphore, #tpu.memory_space<semaphore_mem>>) src(%dma_wait3A_89 : memref<160x64xf32, #tpu.memory_space<vmem_shared>>) dst(%arg9 : memref<160x64xf32, #tpu.memory_space<vmem>>)
      tpu.yield
    }) : () -> ()
    %scan3A_59 = arith.constant 0 : i32
    %scan3A_60 = arith.constant 0 : i32
    %scan3A_61 = arith.constant 160 : i32
    %scan3A_62 = arith.addi %scan3A_60, %scan3A_61 : i32
    %scan3A_63 = arith.constant 1 : i32
    scf.for %scan3A_81 = %scan3A_60 to %scan3A_62 step %scan3A_63  : i32 {
      %get3A = arith.index_cast %scan3A_81 : i32 to index
      %get3A_82 = arith.constant 0 : index
      %get3A_83 = tpu.vector_load %arg9[%get3A, %get3A_82] {strides = array<i32>} : memref<160x64xf32, #tpu.memory_space<vmem>>, vector<16xf32>,
      %get3A_84 = arith.index_cast %scan3A_81 : i32 to index
      %get3A_85 = arith.constant 16 : index
      %get3A_86 = tpu.vector_load %arg9[%get3A_84, %get3A_85] {strides = array<i32>} : memref<160x64xf32, #tpu.memory_space<vmem>>, vector<16xf32>,
      %pack3A = tpu.pack_subelements %get3A_83, %get3A_86 {pack_format = #tpu.pack_format<interleaved>, positions = array<i32: 0, 1>} : vector<16xf32>, vector<16xf32> -> vector<32xbf16>
      %swap3A = arith.index_cast %scan3A_81 : i32 to index
      %swap3A_87 = arith.constant 0 : index
      %swap3A_88 = tpu.vector_load %arg10[%swap3A, %swap3A_87] {strides = array<i32>} : memref<160x64xbf16, #tpu.memory_space<vmem>>, vector<32xbf16>,
      tpu.vector_store %arg10[%swap3A, %swap3A_87], %pack3A {strides = array<i32>} : memref<160x64xbf16, #tpu.memory_space<vmem>>, vector<32xbf16>,
      %get3A_89 = arith.index_cast %scan3A_81 : i32 to index
      %get3A_90 = arith.constant 32 : index
      %get3A_91 = tpu.vector_load %arg9[%get3A_89, %get3A_90] {strides = array<i32>} : memref<160x64xf32, #tpu.memory_space<vmem>>, vector<16xf32>,
      %get3A_92 = arith.index_cast %scan3A_81 : i32 to index
      %get3A_93 = arith.constant 48 : index
      %get3A_94 = tpu.vector_load %arg9[%get3A_92, %get3A_93] {strides = array<i32>} : memref<160x64xf32, #tpu.memory_space<vmem>>, vector<16xf32>,
      %pack3A_95 = tpu.pack_subelements %get3A_91, %get3A_94 {pack_format = #tpu.pack_format<interleaved>, positions = array<i32: 0, 1>} : vector<16xf32>, vector<16xf32> -> vector<32xbf16>
      %swap3A_96 = arith.index_cast %scan3A_81 : i32 to index
      %swap3A_97 = arith.constant 32 : index
      %swap3A_98 = tpu.vector_load %arg10[%swap3A_96, %swap3A_97] {strides = array<i32>} : memref<160x64xbf16, #tpu.memory_space<vmem>>, vector<32xbf16>,
      tpu.vector_store %arg10[%swap3A_96, %swap3A_97], %pack3A_95 {strides = array<i32>} : memref<160x64xbf16, #tpu.memory_space<vmem>>, vector<32xbf16>,
    }
    %scan3A_64 = arith.constant 160 : i32
    "tpu.region"() ({
      %run_scoped3A_81 = tpu.sem_alloc : memref<!tpu.dma_semaphore, #tpu.memory_space<semaphore_mem>>
      %dma_start3A_82 = arith.constant 0 : i32
      %dma_start3A_83 = tpu.memref_slice %arg4[%arg0, %add3A_58, %dma_start3A_82] : memref<2x10240x64xbf16, #tpu.memory_space<hbm>> -> memref<1x160x64xbf16, #tpu.memory_space<hbm>>
      %dma_start3A_84 = tpu.memref_squeeze %dma_start3A_83 : memref<1x160x64xbf16, #tpu.memory_space<hbm>> -> memref<160x64xbf16, #tpu.memory_space<hbm>>
      %dma_start3A_85 = arith.constant 0 : i32
      %dma_start3A_86 = tpu.memref_slice %arg4[%arg0, %add3A_58, %dma_start3A_85] : memref<2x10240x64xbf16, #tpu.memory_space<hbm>> -> memref<1x160x64xbf16, #tpu.memory_space<hbm>>
      %dma_start3A_87 = tpu.memref_squeeze %dma_start3A_86 : memref<1x160x64xbf16, #tpu.memory_space<hbm>> -> memref<160x64xbf16, #tpu.memory_space<hbm>>
      tpu.enqueue_dma source(%arg10 : memref<160x64xbf16, #tpu.memory_space<vmem>>) target(%dma_start3A_87 : memref<160x64xbf16, #tpu.memory_space<hbm>>) target_semaphore(%run_scoped3A_81 : memref<!tpu.dma_semaphore, #tpu.memory_space<semaphore_mem>>)
      %dma_wait3A_88 = arith.constant 0 : i32
      %dma_wait3A_89 = tpu.memref_slice %arg4[%arg0, %add3A_58, %dma_wait3A_88] : memref<2x10240x64xbf16, #tpu.memory_space<hbm>> -> memref<1x160x64xbf16, #tpu.memory_space<hbm>>
      %dma_wait3A_90 = tpu.memref_squeeze %dma_wait3A_89 : memref<1x160x64xbf16, #tpu.memory_space<hbm>> -> memref<160x64xbf16, #tpu.memory_space<hbm>>
      %dma_wait3A_91 = arith.constant 0 : i32
      %dma_wait3A_92 = tpu.memref_slice %arg4[%arg0, %add3A_58, %dma_wait3A_91] : memref<2x10240x64xbf16, #tpu.memory_space<hbm>> -> memref<1x160x64xbf16, #tpu.memory_space<hbm>>
      %dma_wait3A_93 = tpu.memref_squeeze %dma_wait3A_92 : memref<1x160x64xbf16, #tpu.memory_space<hbm>> -> memref<160x64xbf16, #tpu.memory_space<hbm>>
      tpu.wait_dma2 semaphore(%run_scoped3A_81 : memref<!tpu.dma_semaphore, #tpu.memory_space<semaphore_mem>>) src(%arg10 : memref<160x64xbf16, #tpu.memory_space<vmem>>) dst(%dma_wait3A_93 : memref<160x64xbf16, #tpu.memory_space<hbm>>)
      tpu.yield
    }) : () -> ()
    %add3A_65 = arith.constant 320 : i32
    %add3A_66 = arith.addi %mul3A_2, %add3A_65 : i32
    "tpu.region"() ({
      %run_scoped3A_81 = tpu.sem_alloc : memref<!tpu.dma_semaphore, #tpu.memory_space<semaphore_mem>>
      %dma_start3A_82 = arith.constant 0 : i32
      %dma_start3A_83 = tpu.memref_slice %arg12[%add3A_66, %dma_start3A_82] : memref<10240x64xf32, #tpu.memory_space<vmem_shared>> -> memref<160x64xf32, #tpu.memory_space<vmem_shared>>
      %dma_start3A_84 = arith.constant 0 : i32
      %dma_start3A_85 = tpu.memref_slice %arg12[%add3A_66, %dma_start3A_84] : memref<10240x64xf32, #tpu.memory_space<vmem_shared>> -> memref<160x64xf32, #tpu.memory_space<vmem_shared>>
      tpu.enqueue_dma source(%dma_start3A_85 : memref<160x64xf32, #tpu.memory_space<vmem_shared>>) target(%arg9 : memref<160x64xf32, #tpu.memory_space<vmem>>) target_semaphore(%run_scoped3A_81 : memref<!tpu.dma_semaphore, #tpu.memory_space<semaphore_mem>>)
      %dma_wait3A_86 = arith.constant 0 : i32
      %dma_wait3A_87 = tpu.memref_slice %arg12[%add3A_66, %dma_wait3A_86] : memref<10240x64xf32, #tpu.memory_space<vmem_shared>> -> memref<160x64xf32, #tpu.memory_space<vmem_shared>>
      %dma_wait3A_88 = arith.constant 0 : i32
      %dma_wait3A_89 = tpu.memref_slice %arg12[%add3A_66, %dma_wait3A_88] : memref<10240x64xf32, #tpu.memory_space<vmem_shared>> -> memref<160x64xf32, #tpu.memory_space<vmem_shared>>
      tpu.wait_dma2 semaphore(%run_scoped3A_81 : memref<!tpu.dma_semaphore, #tpu.memory_space<semaphore_mem>>) src(%dma_wait3A_89 : memref<160x64xf32, #tpu.memory_space<vmem_shared>>) dst(%arg9 : memref<160x64xf32, #tpu.memory_space<vmem>>)
      tpu.yield
    }) : () -> ()
    %scan3A_67 = arith.constant 0 : i32
    %scan3A_68 = arith.constant 0 : i32
    %scan3A_69 = arith.constant 160 : i32
    %scan3A_70 = arith.addi %scan3A_68, %scan3A_69 : i32
    %scan3A_71 = arith.constant 1 : i32
    scf.for %scan3A_81 = %scan3A_68 to %scan3A_70 step %scan3A_71  : i32 {
      %get3A = arith.index_cast %scan3A_81 : i32 to index
      %get3A_82 = arith.constant 0 : index
      %get3A_83 = tpu.vector_load %arg9[%get3A, %get3A_82] {strides = array<i32>} : memref<160x64xf32, #tpu.memory_space<vmem>>, vector<16xf32>,
      %get3A_84 = arith.index_cast %scan3A_81 : i32 to index
      %get3A_85 = arith.constant 16 : index
      %get3A_86 = tpu.vector_load %arg9[%get3A_84, %get3A_85] {strides = array<i32>} : memref<160x64xf32, #tpu.memory_space<vmem>>, vector<16xf32>,
      %pack3A = tpu.pack_subelements %get3A_83, %get3A_86 {pack_format = #tpu.pack_format<interleaved>, positions = array<i32: 0, 1>} : vector<16xf32>, vector<16xf32> -> vector<32xbf16>
      %swap3A = arith.index_cast %scan3A_81 : i32 to index
      %swap3A_87 = arith.constant 0 : index
      %swap3A_88 = tpu.vector_load %arg10[%swap3A, %swap3A_87] {strides = array<i32>} : memref<160x64xbf16, #tpu.memory_space<vmem>>, vector<32xbf16>,
      tpu.vector_store %arg10[%swap3A, %swap3A_87], %pack3A {strides = array<i32>} : memref<160x64xbf16, #tpu.memory_space<vmem>>, vector<32xbf16>,
      %get3A_89 = arith.index_cast %scan3A_81 : i32 to index
      %get3A_90 = arith.constant 32 : index
      %get3A_91 = tpu.vector_load %arg9[%get3A_89, %get3A_90] {strides = array<i32>} : memref<160x64xf32, #tpu.memory_space<vmem>>, vector<16xf32>,
      %get3A_92 = arith.index_cast %scan3A_81 : i32 to index
      %get3A_93 = arith.constant 48 : index
      %get3A_94 = tpu.vector_load %arg9[%get3A_92, %get3A_93] {strides = array<i32>} : memref<160x64xf32, #tpu.memory_space<vmem>>, vector<16xf32>,
      %pack3A_95 = tpu.pack_subelements %get3A_91, %get3A_94 {pack_format = #tpu.pack_format<interleaved>, positions = array<i32: 0, 1>} : vector<16xf32>, vector<16xf32> -> vector<32xbf16>
      %swap3A_96 = arith.index_cast %scan3A_81 : i32 to index
      %swap3A_97 = arith.constant 32 : index
      %swap3A_98 = tpu.vector_load %arg10[%swap3A_96, %swap3A_97] {strides = array<i32>} : memref<160x64xbf16, #tpu.memory_space<vmem>>, vector<32xbf16>,
      tpu.vector_store %arg10[%swap3A_96, %swap3A_97], %pack3A_95 {strides = array<i32>} : memref<160x64xbf16, #tpu.memory_space<vmem>>, vector<32xbf16>,
    }
    %scan3A_72 = arith.constant 160 : i32
    "tpu.region"() ({
      %run_scoped3A_81 = tpu.sem_alloc : memref<!tpu.dma_semaphore, #tpu.memory_space<semaphore_mem>>
      %dma_start3A_82 = arith.constant 0 : i32
      %dma_start3A_83 = tpu.memref_slice %arg4[%arg0, %add3A_66, %dma_start3A_82] : memref<2x10240x64xbf16, #tpu.memory_space<hbm>> -> memref<1x160x64xbf16, #tpu.memory_space<hbm>>
      %dma_start3A_84 = tpu.memref_squeeze %dma_start3A_83 : memref<1x160x64xbf16, #tpu.memory_space<hbm>> -> memref<160x64xbf16, #tpu.memory_space<hbm>>
      %dma_start3A_85 = arith.constant 0 : i32
      %dma_start3A_86 = tpu.memref_slice %arg4[%arg0, %add3A_66, %dma_start3A_85] : memref<2x10240x64xbf16, #tpu.memory_space<hbm>> -> memref<1x160x64xbf16, #tpu.memory_space<hbm>>
      %dma_start3A_87 = tpu.memref_squeeze %dma_start3A_86 : memref<1x160x64xbf16, #tpu.memory_space<hbm>> -> memref<160x64xbf16, #tpu.memory_space<hbm>>
      tpu.enqueue_dma source(%arg10 : memref<160x64xbf16, #tpu.memory_space<vmem>>) target(%dma_start3A_87 : memref<160x64xbf16, #tpu.memory_space<hbm>>) target_semaphore(%run_scoped3A_81 : memref<!tpu.dma_semaphore, #tpu.memory_space<semaphore_mem>>)
      %dma_wait3A_88 = arith.constant 0 : i32
      %dma_wait3A_89 = tpu.memref_slice %arg4[%arg0, %add3A_66, %dma_wait3A_88] : memref<2x10240x64xbf16, #tpu.memory_space<hbm>> -> memref<1x160x64xbf16, #tpu.memory_space<hbm>>
      %dma_wait3A_90 = tpu.memref_squeeze %dma_wait3A_89 : memref<1x160x64xbf16, #tpu.memory_space<hbm>> -> memref<160x64xbf16, #tpu.memory_space<hbm>>
      %dma_wait3A_91 = arith.constant 0 : i32
      %dma_wait3A_92 = tpu.memref_slice %arg4[%arg0, %add3A_66, %dma_wait3A_91] : memref<2x10240x64xbf16, #tpu.memory_space<hbm>> -> memref<1x160x64xbf16, #tpu.memory_space<hbm>>
      %dma_wait3A_93 = tpu.memref_squeeze %dma_wait3A_92 : memref<1x160x64xbf16, #tpu.memory_space<hbm>> -> memref<160x64xbf16, #tpu.memory_space<hbm>>
      tpu.wait_dma2 semaphore(%run_scoped3A_81 : memref<!tpu.dma_semaphore, #tpu.memory_space<semaphore_mem>>) src(%arg10 : memref<160x64xbf16, #tpu.memory_space<vmem>>) dst(%dma_wait3A_93 : memref<160x64xbf16, #tpu.memory_space<hbm>>)
      tpu.yield
    }) : () -> ()
    %add3A_73 = arith.constant 480 : i32
    %add3A_74 = arith.addi %mul3A_2, %add3A_73 : i32
    "tpu.region"() ({
      %run_scoped3A_81 = tpu.sem_alloc : memref<!tpu.dma_semaphore, #tpu.memory_space<semaphore_mem>>
      %dma_start3A_82 = arith.constant 0 : i32
      %dma_start3A_83 = tpu.memref_slice %arg12[%add3A_74, %dma_start3A_82] : memref<10240x64xf32, #tpu.memory_space<vmem_shared>> -> memref<160x64xf32, #tpu.memory_space<vmem_shared>>
      %dma_start3A_84 = arith.constant 0 : i32
      %dma_start3A_85 = tpu.memref_slice %arg12[%add3A_74, %dma_start3A_84] : memref<10240x64xf32, #tpu.memory_space<vmem_shared>> -> memref<160x64xf32, #tpu.memory_space<vmem_shared>>
      tpu.enqueue_dma source(%dma_start3A_85 : memref<160x64xf32, #tpu.memory_space<vmem_shared>>) target(%arg9 : memref<160x64xf32, #tpu.memory_space<vmem>>) target_semaphore(%run_scoped3A_81 : memref<!tpu.dma_semaphore, #tpu.memory_space<semaphore_mem>>)
      %dma_wait3A_86 = arith.constant 0 : i32
      %dma_wait3A_87 = tpu.memref_slice %arg12[%add3A_74, %dma_wait3A_86] : memref<10240x64xf32, #tpu.memory_space<vmem_shared>> -> memref<160x64xf32, #tpu.memory_space<vmem_shared>>
      %dma_wait3A_88 = arith.constant 0 : i32
      %dma_wait3A_89 = tpu.memref_slice %arg12[%add3A_74, %dma_wait3A_88] : memref<10240x64xf32, #tpu.memory_space<vmem_shared>> -> memref<160x64xf32, #tpu.memory_space<vmem_shared>>
      tpu.wait_dma2 semaphore(%run_scoped3A_81 : memref<!tpu.dma_semaphore, #tpu.memory_space<semaphore_mem>>) src(%dma_wait3A_89 : memref<160x64xf32, #tpu.memory_space<vmem_shared>>) dst(%arg9 : memref<160x64xf32, #tpu.memory_space<vmem>>)
      tpu.yield
    }) : () -> ()
    %scan3A_75 = arith.constant 0 : i32
    %scan3A_76 = arith.constant 0 : i32
    %scan3A_77 = arith.constant 160 : i32
    %scan3A_78 = arith.addi %scan3A_76, %scan3A_77 : i32
    %scan3A_79 = arith.constant 1 : i32
    scf.for %scan3A_81 = %scan3A_76 to %scan3A_78 step %scan3A_79  : i32 {
      %get3A = arith.index_cast %scan3A_81 : i32 to index
      %get3A_82 = arith.constant 0 : index
      %get3A_83 = tpu.vector_load %arg9[%get3A, %get3A_82] {strides = array<i32>} : memref<160x64xf32, #tpu.memory_space<vmem>>, vector<16xf32>,
      %get3A_84 = arith.index_cast %scan3A_81 : i32 to index
      %get3A_85 = arith.constant 16 : index
      %get3A_86 = tpu.vector_load %arg9[%get3A_84, %get3A_85] {strides = array<i32>} : memref<160x64xf32, #tpu.memory_space<vmem>>, vector<16xf32>,
      %pack3A = tpu.pack_subelements %get3A_83, %get3A_86 {pack_format = #tpu.pack_format<interleaved>, positions = array<i32: 0, 1>} : vector<16xf32>, vector<16xf32> -> vector<32xbf16>
      %swap3A = arith.index_cast %scan3A_81 : i32 to index
      %swap3A_87 = arith.constant 0 : index
      %swap3A_88 = tpu.vector_load %arg10[%swap3A, %swap3A_87] {strides = array<i32>} : memref<160x64xbf16, #tpu.memory_space<vmem>>, vector<32xbf16>,
      tpu.vector_store %arg10[%swap3A, %swap3A_87], %pack3A {strides = array<i32>} : memref<160x64xbf16, #tpu.memory_space<vmem>>, vector<32xbf16>,
      %get3A_89 = arith.index_cast %scan3A_81 : i32 to index
      %get3A_90 = arith.constant 32 : index
      %get3A_91 = tpu.vector_load %arg9[%get3A_89, %get3A_90] {strides = array<i32>} : memref<160x64xf32, #tpu.memory_space<vmem>>, vector<16xf32>,
      %get3A_92 = arith.index_cast %scan3A_81 : i32 to index
      %get3A_93 = arith.constant 48 : index
      %get3A_94 = tpu.vector_load %arg9[%get3A_92, %get3A_93] {strides = array<i32>} : memref<160x64xf32, #tpu.memory_space<vmem>>, vector<16xf32>,
      %pack3A_95 = tpu.pack_subelements %get3A_91, %get3A_94 {pack_format = #tpu.pack_format<interleaved>, positions = array<i32: 0, 1>} : vector<16xf32>, vector<16xf32> -> vector<32xbf16>
      %swap3A_96 = arith.index_cast %scan3A_81 : i32 to index
      %swap3A_97 = arith.constant 32 : index
      %swap3A_98 = tpu.vector_load %arg10[%swap3A_96, %swap3A_97] {strides = array<i32>} : memref<160x64xbf16, #tpu.memory_space<vmem>>, vector<32xbf16>,
      tpu.vector_store %arg10[%swap3A_96, %swap3A_97], %pack3A_95 {strides = array<i32>} : memref<160x64xbf16, #tpu.memory_space<vmem>>, vector<32xbf16>,
    }
    %scan3A_80 = arith.constant 160 : i32
    "tpu.region"() ({
      %run_scoped3A_81 = tpu.sem_alloc : memref<!tpu.dma_semaphore, #tpu.memory_space<semaphore_mem>>
      %dma_start3A_82 = arith.constant 0 : i32
      %dma_start3A_83 = tpu.memref_slice %arg4[%arg0, %add3A_74, %dma_start3A_82] : memref<2x10240x64xbf16, #tpu.memory_space<hbm>> -> memref<1x160x64xbf16, #tpu.memory_space<hbm>>
      %dma_start3A_84 = tpu.memref_squeeze %dma_start3A_83 : memref<1x160x64xbf16, #tpu.memory_space<hbm>> -> memref<160x64xbf16, #tpu.memory_space<hbm>>
      %dma_start3A_85 = arith.constant 0 : i32
      %dma_start3A_86 = tpu.memref_slice %arg4[%arg0, %add3A_74, %dma_start3A_85] : memref<2x10240x64xbf16, #tpu.memory_space<hbm>> -> memref<1x160x64xbf16, #tpu.memory_space<hbm>>
      %dma_start3A_87 = tpu.memref_squeeze %dma_start3A_86 : memref<1x160x64xbf16, #tpu.memory_space<hbm>> -> memref<160x64xbf16, #tpu.memory_space<hbm>>
      tpu.enqueue_dma source(%arg10 : memref<160x64xbf16, #tpu.memory_space<vmem>>) target(%dma_start3A_87 : memref<160x64xbf16, #tpu.memory_space<hbm>>) target_semaphore(%run_scoped3A_81 : memref<!tpu.dma_semaphore, #tpu.memory_space<semaphore_mem>>)
      %dma_wait3A_88 = arith.constant 0 : i32
      %dma_wait3A_89 = tpu.memref_slice %arg4[%arg0, %add3A_74, %dma_wait3A_88] : memref<2x10240x64xbf16, #tpu.memory_space<hbm>> -> memref<1x160x64xbf16, #tpu.memory_space<hbm>>
      %dma_wait3A_90 = tpu.memref_squeeze %dma_wait3A_89 : memref<1x160x64xbf16, #tpu.memory_space<hbm>> -> memref<160x64xbf16, #tpu.memory_space<hbm>>
      %dma_wait3A_91 = arith.constant 0 : i32
      %dma_wait3A_92 = tpu.memref_slice %arg4[%arg0, %add3A_74, %dma_wait3A_91] : memref<2x10240x64xbf16, #tpu.memory_space<hbm>> -> memref<1x160x64xbf16, #tpu.memory_space<hbm>>
      %dma_wait3A_93 = tpu.memref_squeeze %dma_wait3A_92 : memref<1x160x64xbf16, #tpu.memory_space<hbm>> -> memref<160x64xbf16, #tpu.memory_space<hbm>>
      tpu.wait_dma2 semaphore(%run_scoped3A_81 : memref<!tpu.dma_semaphore, #tpu.memory_space<semaphore_mem>>) src(%arg10 : memref<160x64xbf16, #tpu.memory_space<vmem>>) dst(%dma_wait3A_93 : memref<160x64xbf16, #tpu.memory_space<hbm>>)
      tpu.yield
    }) : () -> ()
    return
  }
}

#map = affine_map<(d0, d1) -> (0, 0)>
#map1 = affine_map<(d0, d1) -> (0, 0, 0, 0)>
#map2 = affine_map<(d0, d1) -> (0, 0, 0)>
module attributes {stable_mosaic.version = 14 : i64} {
  func.func @k(%arg0: i32, %arg1: i32, %arg2: memref<10240x64xbf16, #tpu.memory_space<hbm>>, %arg3: memref<32x79x2x128xi32, #tpu.memory_space<hbm>>, %arg4: memref<2x10240x64xbf16, #tpu.memory_space<hbm>>, %arg5: memref<79x2x128xi32, #tpu.memory_space<vmem>>, %arg6: memref<128x64xbf16, #tpu.memory_space<vmem>>, %arg7: memref<128x64xf32, #tpu.memory_space<vmem>>, %arg8: memref<128x64xf32, #tpu.memory_space<vmem>>, %arg9: memref<160x64xf32, #tpu.memory_space<vmem>>, %arg10: memref<160x64xbf16, #tpu.memory_space<vmem>>, %arg11: memref<10240x64xbf16, #tpu.memory_space<vmem_shared>>, %arg12: memref<10240x64xf32, #tpu.memory_space<vmem_shared>>, %arg13: memref<!tpu.dma_semaphore, #tpu.memory_space<semaphore_mem>>) attributes {dimension_semantics = [#tpu.dimension_semantics<core_parallel>, #tpu.dimension_semantics<subcore_parallel>], iteration_bounds = array<i64: 2, 16>, scalar_prefetch = 0 : i64, scratch_operands = 9 : i64, tpu.core_type = #tpu.core_type<sc_vector_subcore>, window_params = [{transform_indices = #map}, {transform_indices = #map1}, {transform_indices = #map2}]} {
    %mul3A = arith.constant 2 : i32
    %mul3A_0 = arith.muli %arg1, %mul3A : i32
    %add3A = arith.addi %mul3A_0, %arg0 : i32
    %mul3A_1 = arith.constant 640 : i32
    %mul3A_2 = arith.muli %arg1, %mul3A_1 : i32
    %add3A_3 = arith.constant 0 : i32
    %add3A_4 = arith.addi %mul3A_2, %add3A_3 : i32
    "tpu.region"() ({
      %run_scoped3A_81 = tpu.sem_alloc : memref<!tpu.dma_semaphore, #tpu.memory_space<semaphore_mem>>
      %dma_start3A_82 = arith.constant 0 : i32
      %dma_start3A_83 = tpu.memref_slice %arg2[%add3A_4, %dma_start3A_82] : memref<10240x64xbf16, #tpu.memory_space<hbm>> -> memref<160x64xbf16, #tpu.memory_space<hbm>>
      %dma_start3A_84 = arith.constant 0 : i32
      %dma_start3A_85 = tpu.memref_slice %arg2[%add3A_4, %dma_start3A_84] : memref<10240x64xbf16, #tpu.memory_space<hbm>> -> memref<160x64xbf16, #tpu.memory_space<hbm>>
      tpu.enqueue_dma source(%dma_start3A_85 : memref<160x64xbf16, #tpu.memory_space<hbm>>) target(%arg10 : memref<160x64xbf16, #tpu.memory_space<vmem>>) target_semaphore(%run_scoped3A_81 : memref<!tpu.dma_semaphore, #tpu.memory_space<semaphore_mem>>)
      %dma_wait3A_86 = arith.constant 0 : i32
      %dma_wait3A_87 = tpu.memref_slice %arg2[%add3A_4, %dma_wait3A_86] : memref<10240x64xbf16, #tpu.memory_space<hbm>> -> memref<160x64xbf16, #tpu.memory_space<hbm>>
      %dma_wait3A_88 = arith.constant 0 : i32
      %dma_wait3A_89 = tpu.memref_slice %arg2[%add3A_4, %dma_wait3A_88] : memref<10240x64xbf16, #tpu.memory_space<hbm>> -> memref<160x64xbf16, #tpu.memory_space<hbm>>
      tpu.wait_dma2 semaphore(%run_scoped3A_81 : memref<!tpu.dma_semaphore, #tpu.memory_space<semaphore_mem>>) src(%dma_wait3A_89 : memref<160x64xbf16, #tpu.memory_space<hbm>>) dst(%arg10 : memref<160x64xbf16, #tpu.memory_space<vmem>>)
      tpu.yield
    }) : () -> ()
    "tpu.region"() ({
      %run_scoped3A_81 = tpu.sem_alloc : memref<!tpu.dma_semaphore, #tpu.memory_space<semaphore_mem>>
      %dma_start3A_82 = arith.constant 0 : i32
      %dma_start3A_83 = tpu.memref_slice %arg11[%add3A_4, %dma_start3A_82] : memref<10240x64xbf16, #tpu.memory_space<vmem_shared>> -> memref<160x64xbf16, #tpu.memory_space<vmem_shared>>
      %dma_start3A_84 = arith.constant 0 : i32
      %dma_start3A_85 = tpu.memref_slice %arg11[%add3A_4, %dma_start3A_84] : memref<10240x64xbf16, #tpu.memory_space<vmem_shared>> -> memref<160x64xbf16, #tpu.memory_space<vmem_shared>>
      tpu.enqueue_dma source(%arg10 : memref<160x64xbf16, #tpu.memory_space<vmem>>) target(%dma_start3A_85 : memref<160x64xbf16, #tpu.memory_space<vmem_shared>>) target_semaphore(%run_scoped3A_81 : memref<!tpu.dma_semaphore, #tpu.memory_space<semaphore_mem>>)
      %dma_wait3A_86 = arith.constant 0 : i32
      %dma_wait3A_87 = tpu.memref_slice %arg11[%add3A_4, %dma_wait3A_86] : memref<10240x64xbf16, #tpu.memory_space<vmem_shared>> -> memref<160x64xbf16, #tpu.memory_space<vmem_shared>>
      %dma_wait3A_88 = arith.constant 0 : i32
      %dma_wait3A_89 = tpu.memref_slice %arg11[%add3A_4, %dma_wait3A_88] : memref<10240x64xbf16, #tpu.memory_space<vmem_shared>> -> memref<160x64xbf16, #tpu.memory_space<vmem_shared>>
      tpu.wait_dma2 semaphore(%run_scoped3A_81 : memref<!tpu.dma_semaphore, #tpu.memory_space<semaphore_mem>>) src(%arg10 : memref<160x64xbf16, #tpu.memory_space<vmem>>) dst(%dma_wait3A_89 : memref<160x64xbf16, #tpu.memory_space<vmem_shared>>)
      tpu.yield
    }) : () -> ()
    %add3A_5 = arith.constant 160 : i32
    %add3A_6 = arith.addi %mul3A_2, %add3A_5 : i32
    "tpu.region"() ({
      %run_scoped3A_81 = tpu.sem_alloc : memref<!tpu.dma_semaphore, #tpu.memory_space<semaphore_mem>>
      %dma_start3A_82 = arith.constant 0 : i32
      %dma_start3A_83 = tpu.memref_slice %arg2[%add3A_6, %dma_start3A_82] : memref<10240x64xbf16, #tpu.memory_space<hbm>> -> memref<160x64xbf16, #tpu.memory_space<hbm>>
      %dma_start3A_84 = arith.constant 0 : i32
      %dma_start3A_85 = tpu.memref_slice %arg2[%add3A_6, %dma_start3A_84] : memref<10240x64xbf16, #tpu.memory_space<hbm>> -> memref<160x64xbf16, #tpu.memory_space<hbm>>
      tpu.enqueue_dma source(%dma_start3A_85 : memref<160x64xbf16, #tpu.memory_space<hbm>>) target(%arg10 : memref<160x64xbf16, #tpu.memory_space<vmem>>) target_semaphore(%run_scoped3A_81 : memref<!tpu.dma_semaphore, #tpu.memory_space<semaphore_mem>>)
      %dma_wait3A_86 = arith.constant 0 : i32
      %dma_wait3A_87 = tpu.memref_slice %arg2[%add3A_6, %dma_wait3A_86] : memref<10240x64xbf16, #tpu.memory_space<hbm>> -> memref<160x64xbf16, #tpu.memory_space<hbm>>
      %dma_wait3A_88 = arith.constant 0 : i32
      %dma_wait3A_89 = tpu.memref_slice %arg2[%add3A_6, %dma_wait3A_88] : memref<10240x64xbf16, #tpu.memory_space<hbm>> -> memref<160x64xbf16, #tpu.memory_space<hbm>>
      tpu.wait_dma2 semaphore(%run_scoped3A_81 : memref<!tpu.dma_semaphore, #tpu.memory_space<semaphore_mem>>) src(%dma_wait3A_89 : memref<160x64xbf16, #tpu.memory_space<hbm>>) dst(%arg10 : memref<160x64xbf16, #tpu.memory_space<vmem>>)
      tpu.yield
    }) : () -> ()
    "tpu.region"() ({
      %run_scoped3A_81 = tpu.sem_alloc : memref<!tpu.dma_semaphore, #tpu.memory_space<semaphore_mem>>
      %dma_start3A_82 = arith.constant 0 : i32
      %dma_start3A_83 = tpu.memref_slice %arg11[%add3A_6, %dma_start3A_82] : memref<10240x64xbf16, #tpu.memory_space<vmem_shared>> -> memref<160x64xbf16, #tpu.memory_space<vmem_shared>>
      %dma_start3A_84 = arith.constant 0 : i32
      %dma_start3A_85 = tpu.memref_slice %arg11[%add3A_6, %dma_start3A_84] : memref<10240x64xbf16, #tpu.memory_space<vmem_shared>> -> memref<160x64xbf16, #tpu.memory_space<vmem_shared>>
      tpu.enqueue_dma source(%arg10 : memref<160x64xbf16, #tpu.memory_space<vmem>>) target(%dma_start3A_85 : memref<160x64xbf16, #tpu.memory_space<vmem_shared>>) target_semaphore(%run_scoped3A_81 : memref<!tpu.dma_semaphore, #tpu.memory_space<semaphore_mem>>)
      %dma_wait3A_86 = arith.constant 0 : i32
      %dma_wait3A_87 = tpu.memref_slice %arg11[%add3A_6, %dma_wait3A_86] : memref<10240x64xbf16, #tpu.memory_space<vmem_shared>> -> memref<160x64xbf16, #tpu.memory_space<vmem_shared>>
      %dma_wait3A_88 = arith.constant 0 : i32
      %dma_wait3A_89 = tpu.memref_slice %arg11[%add3A_6, %dma_wait3A_88] : memref<10240x64xbf16, #tpu.memory_space<vmem_shared>> -> memref<160x64xbf16, #tpu.memory_space<vmem_shared>>
      tpu.wait_dma2 semaphore(%run_scoped3A_81 : memref<!tpu.dma_semaphore, #tpu.memory_space<semaphore_mem>>) src(%arg10 : memref<160x64xbf16, #tpu.memory_space<vmem>>) dst(%dma_wait3A_89 : memref<160x64xbf16, #tpu.memory_space<vmem_shared>>)
      tpu.yield
    }) : () -> ()
    %add3A_7 = arith.constant 320 : i32
    %add3A_8 = arith.addi %mul3A_2, %add3A_7 : i32
    "tpu.region"() ({
      %run_scoped3A_81 = tpu.sem_alloc : memref<!tpu.dma_semaphore, #tpu.memory_space<semaphore_mem>>
      %dma_start3A_82 = arith.constant 0 : i32
      %dma_start3A_83 = tpu.memref_slice %arg2[%add3A_8, %dma_start3A_82] : memref<10240x64xbf16, #tpu.memory_space<hbm>> -> memref<160x64xbf16, #tpu.memory_space<hbm>>
      %dma_start3A_84 = arith.constant 0 : i32
      %dma_start3A_85 = tpu.memref_slice %arg2[%add3A_8, %dma_start3A_84] : memref<10240x64xbf16, #tpu.memory_space<hbm>> -> memref<160x64xbf16, #tpu.memory_space<hbm>>
      tpu.enqueue_dma source(%dma_start3A_85 : memref<160x64xbf16, #tpu.memory_space<hbm>>) target(%arg10 : memref<160x64xbf16, #tpu.memory_space<vmem>>) target_semaphore(%run_scoped3A_81 : memref<!tpu.dma_semaphore, #tpu.memory_space<semaphore_mem>>)
      %dma_wait3A_86 = arith.constant 0 : i32
      %dma_wait3A_87 = tpu.memref_slice %arg2[%add3A_8, %dma_wait3A_86] : memref<10240x64xbf16, #tpu.memory_space<hbm>> -> memref<160x64xbf16, #tpu.memory_space<hbm>>
      %dma_wait3A_88 = arith.constant 0 : i32
      %dma_wait3A_89 = tpu.memref_slice %arg2[%add3A_8, %dma_wait3A_88] : memref<10240x64xbf16, #tpu.memory_space<hbm>> -> memref<160x64xbf16, #tpu.memory_space<hbm>>
      tpu.wait_dma2 semaphore(%run_scoped3A_81 : memref<!tpu.dma_semaphore, #tpu.memory_space<semaphore_mem>>) src(%dma_wait3A_89 : memref<160x64xbf16, #tpu.memory_space<hbm>>) dst(%arg10 : memref<160x64xbf16, #tpu.memory_space<vmem>>)
      tpu.yield
    }) : () -> ()
    "tpu.region"() ({
      %run_scoped3A_81 = tpu.sem_alloc : memref<!tpu.dma_semaphore, #tpu.memory_space<semaphore_mem>>
      %dma_start3A_82 = arith.constant 0 : i32
      %dma_start3A_83 = tpu.memref_slice %arg11[%add3A_8, %dma_start3A_82] : memref<10240x64xbf16, #tpu.memory_space<vmem_shared>> -> memref<160x64xbf16, #tpu.memory_space<vmem_shared>>
      %dma_start3A_84 = arith.constant 0 : i32
      %dma_start3A_85 = tpu.memref_slice %arg11[%add3A_8, %dma_start3A_84] : memref<10240x64xbf16, #tpu.memory_space<vmem_shared>> -> memref<160x64xbf16, #tpu.memory_space<vmem_shared>>
      tpu.enqueue_dma source(%arg10 : memref<160x64xbf16, #tpu.memory_space<vmem>>) target(%dma_start3A_85 : memref<160x64xbf16, #tpu.memory_space<vmem_shared>>) target_semaphore(%run_scoped3A_81 : memref<!tpu.dma_semaphore, #tpu.memory_space<semaphore_mem>>)
      %dma_wait3A_86 = arith.constant 0 : i32
      %dma_wait3A_87 = tpu.memref_slice %arg11[%add3A_8, %dma_wait3A_86] : memref<10240x64xbf16, #tpu.memory_space<vmem_shared>> -> memref<160x64xbf16, #tpu.memory_space<vmem_shared>>
      %dma_wait3A_88 = arith.constant 0 : i32
      %dma_wait3A_89 = tpu.memref_slice %arg11[%add3A_8, %dma_wait3A_88] : memref<10240x64xbf16, #tpu.memory_space<vmem_shared>> -> memref<160x64xbf16, #tpu.memory_space<vmem_shared>>
      tpu.wait_dma2 semaphore(%run_scoped3A_81 : memref<!tpu.dma_semaphore, #tpu.memory_space<semaphore_mem>>) src(%arg10 : memref<160x64xbf16, #tpu.memory_space<vmem>>) dst(%dma_wait3A_89 : memref<160x64xbf16, #tpu.memory_space<vmem_shared>>)
      tpu.yield
    }) : () -> ()
    %add3A_9 = arith.constant 480 : i32
    %add3A_10 = arith.addi %mul3A_2, %add3A_9 : i32
    "tpu.region"() ({
      %run_scoped3A_81 = tpu.sem_alloc : memref<!tpu.dma_semaphore, #tpu.memory_space<semaphore_mem>>
      %dma_start3A_82 = arith.constant 0 : i32
      %dma_start3A_83 = tpu.memref_slice %arg2[%add3A_10, %dma_start3A_82] : memref<10240x64xbf16, #tpu.memory_space<hbm>> -> memref<160x64xbf16, #tpu.memory_space<hbm>>
      %dma_start3A_84 = arith.constant 0 : i32
      %dma_start3A_85 = tpu.memref_slice %arg2[%add3A_10, %dma_start3A_84] : memref<10240x64xbf16, #tpu.memory_space<hbm>> -> memref<160x64xbf16, #tpu.memory_space<hbm>>
      tpu.enqueue_dma source(%dma_start3A_85 : memref<160x64xbf16, #tpu.memory_space<hbm>>) target(%arg10 : memref<160x64xbf16, #tpu.memory_space<vmem>>) target_semaphore(%run_scoped3A_81 : memref<!tpu.dma_semaphore, #tpu.memory_space<semaphore_mem>>)
      %dma_wait3A_86 = arith.constant 0 : i32
      %dma_wait3A_87 = tpu.memref_slice %arg2[%add3A_10, %dma_wait3A_86] : memref<10240x64xbf16, #tpu.memory_space<hbm>> -> memref<160x64xbf16, #tpu.memory_space<hbm>>
      %dma_wait3A_88 = arith.constant 0 : i32
      %dma_wait3A_89 = tpu.memref_slice %arg2[%add3A_10, %dma_wait3A_88] : memref<10240x64xbf16, #tpu.memory_space<hbm>> -> memref<160x64xbf16, #tpu.memory_space<hbm>>
      tpu.wait_dma2 semaphore(%run_scoped3A_81 : memref<!tpu.dma_semaphore, #tpu.memory_space<semaphore_mem>>) src(%dma_wait3A_89 : memref<160x64xbf16, #tpu.memory_space<hbm>>) dst(%arg10 : memref<160x64xbf16, #tpu.memory_space<vmem>>)
      tpu.yield
    }) : () -> ()
    "tpu.region"() ({
      %run_scoped3A_81 = tpu.sem_alloc : memref<!tpu.dma_semaphore, #tpu.memory_space<semaphore_mem>>
      %dma_start3A_82 = arith.constant 0 : i32
      %dma_start3A_83 = tpu.memref_slice %arg11[%add3A_10, %dma_start3A_82] : memref<10240x64xbf16, #tpu.memory_space<vmem_shared>> -> memref<160x64xbf16, #tpu.memory_space<vmem_shared>>
      %dma_start3A_84 = arith.constant 0 : i32
      %dma_start3A_85 = tpu.memref_slice %arg11[%add3A_10, %dma_start3A_84] : memref<10240x64xbf16, #tpu.memory_space<vmem_shared>> -> memref<160x64xbf16, #tpu.memory_space<vmem_shared>>
      tpu.enqueue_dma source(%arg10 : memref<160x64xbf16, #tpu.memory_space<vmem>>) target(%dma_start3A_85 : memref<160x64xbf16, #tpu.memory_space<vmem_shared>>) target_semaphore(%run_scoped3A_81 : memref<!tpu.dma_semaphore, #tpu.memory_space<semaphore_mem>>)
      %dma_wait3A_86 = arith.constant 0 : i32
      %dma_wait3A_87 = tpu.memref_slice %arg11[%add3A_10, %dma_wait3A_86] : memref<10240x64xbf16, #tpu.memory_space<vmem_shared>> -> memref<160x64xbf16, #tpu.memory_space<vmem_shared>>
      %dma_wait3A_88 = arith.constant 0 : i32
      %dma_wait3A_89 = tpu.memref_slice %arg11[%add3A_10, %dma_wait3A_88] : memref<10240x64xbf16, #tpu.memory_space<vmem_shared>> -> memref<160x64xbf16, #tpu.memory_space<vmem_shared>>
      tpu.wait_dma2 semaphore(%run_scoped3A_81 : memref<!tpu.dma_semaphore, #tpu.memory_space<semaphore_mem>>) src(%arg10 : memref<160x64xbf16, #tpu.memory_space<vmem>>) dst(%dma_wait3A_89 : memref<160x64xbf16, #tpu.memory_space<vmem_shared>>)
      tpu.yield
    }) : () -> ()
    %broadcast_in_dim3A = arith.constant 0.000000e+00 : f32
    %broadcast_in_dim3A_11 = vector.broadcast %broadcast_in_dim3A : f32 to vector<16xf32>
    %scan3A = arith.constant 0 : i32
    %scan3A_12 = arith.constant 0 : i32
    %scan3A_13 = arith.constant 160 : i32
    %scan3A_14 = arith.addi %scan3A_12, %scan3A_13 : i32
    %scan3A_15 = arith.constant 1 : i32
    scf.for %scan3A_81 = %scan3A_12 to %scan3A_14 step %scan3A_15  : i32 {
      %swap3A = arith.index_cast %scan3A_81 : i32 to index
      %swap3A_82 = arith.constant 0 : index
      %swap3A_83 = tpu.vector_load %arg9[%swap3A, %swap3A_82] {strides = array<i32>} : memref<160x64xf32, #tpu.memory_space<vmem>>, vector<16xf32>,
      tpu.vector_store %arg9[%swap3A, %swap3A_82], %broadcast_in_dim3A_11 {strides = array<i32>} : memref<160x64xf32, #tpu.memory_space<vmem>>, vector<16xf32>,
      %swap3A_84 = arith.index_cast %scan3A_81 : i32 to index
      %swap3A_85 = arith.constant 16 : index
      %swap3A_86 = tpu.vector_load %arg9[%swap3A_84, %swap3A_85] {strides = array<i32>} : memref<160x64xf32, #tpu.memory_space<vmem>>, vector<16xf32>,
      tpu.vector_store %arg9[%swap3A_84, %swap3A_85], %broadcast_in_dim3A_11 {strides = array<i32>} : memref<160x64xf32, #tpu.memory_space<vmem>>, vector<16xf32>,
      %swap3A_87 = arith.index_cast %scan3A_81 : i32 to index
      %swap3A_88 = arith.constant 32 : index
      %swap3A_89 = tpu.vector_load %arg9[%swap3A_87, %swap3A_88] {strides = array<i32>} : memref<160x64xf32, #tpu.memory_space<vmem>>, vector<16xf32>,
      tpu.vector_store %arg9[%swap3A_87, %swap3A_88], %broadcast_in_dim3A_11 {strides = array<i32>} : memref<160x64xf32, #tpu.memory_space<vmem>>, vector<16xf32>,
      %swap3A_90 = arith.index_cast %scan3A_81 : i32 to index
      %swap3A_91 = arith.constant 48 : index
      %swap3A_92 = tpu.vector_load %arg9[%swap3A_90, %swap3A_91] {strides = array<i32>} : memref<160x64xf32, #tpu.memory_space<vmem>>, vector<16xf32>,
      tpu.vector_store %arg9[%swap3A_90, %swap3A_91], %broadcast_in_dim3A_11 {strides = array<i32>} : memref<160x64xf32, #tpu.memory_space<vmem>>, vector<16xf32>,
    }
    %scan3A_16 = arith.constant 160 : i32
    %add3A_17 = arith.constant 0 : i32
    %add3A_18 = arith.addi %mul3A_2, %add3A_17 : i32
    "tpu.region"() ({
      %run_scoped3A_81 = tpu.sem_alloc : memref<!tpu.dma_semaphore, #tpu.memory_space<semaphore_mem>>
      %dma_start3A_82 = arith.constant 0 : i32
      %dma_start3A_83 = tpu.memref_slice %arg12[%add3A_18, %dma_start3A_82] : memref<10240x64xf32, #tpu.memory_space<vmem_shared>> -> memref<160x64xf32, #tpu.memory_space<vmem_shared>>
      %dma_start3A_84 = arith.constant 0 : i32
      %dma_start3A_85 = tpu.memref_slice %arg12[%add3A_18, %dma_start3A_84] : memref<10240x64xf32, #tpu.memory_space<vmem_shared>> -> memref<160x64xf32, #tpu.memory_space<vmem_shared>>
      tpu.enqueue_dma source(%arg9 : memref<160x64xf32, #tpu.memory_space<vmem>>) target(%dma_start3A_85 : memref<160x64xf32, #tpu.memory_space<vmem_shared>>) target_semaphore(%run_scoped3A_81 : memref<!tpu.dma_semaphore, #tpu.memory_space<semaphore_mem>>)
      %dma_wait3A_86 = arith.constant 0 : i32
      %dma_wait3A_87 = tpu.memref_slice %arg12[%add3A_18, %dma_wait3A_86] : memref<10240x64xf32, #tpu.memory_space<vmem_shared>> -> memref<160x64xf32, #tpu.memory_space<vmem_shared>>
      %dma_wait3A_88 = arith.constant 0 : i32
      %dma_wait3A_89 = tpu.memref_slice %arg12[%add3A_18, %dma_wait3A_88] : memref<10240x64xf32, #tpu.memory_space<vmem_shared>> -> memref<160x64xf32, #tpu.memory_space<vmem_shared>>
      tpu.wait_dma2 semaphore(%run_scoped3A_81 : memref<!tpu.dma_semaphore, #tpu.memory_space<semaphore_mem>>) src(%arg9 : memref<160x64xf32, #tpu.memory_space<vmem>>) dst(%dma_wait3A_89 : memref<160x64xf32, #tpu.memory_space<vmem_shared>>)
      tpu.yield
    }) : () -> ()
    %add3A_19 = arith.constant 160 : i32
    %add3A_20 = arith.addi %mul3A_2, %add3A_19 : i32
    "tpu.region"() ({
      %run_scoped3A_81 = tpu.sem_alloc : memref<!tpu.dma_semaphore, #tpu.memory_space<semaphore_mem>>
      %dma_start3A_82 = arith.constant 0 : i32
      %dma_start3A_83 = tpu.memref_slice %arg12[%add3A_20, %dma_start3A_82] : memref<10240x64xf32, #tpu.memory_space<vmem_shared>> -> memref<160x64xf32, #tpu.memory_space<vmem_shared>>
      %dma_start3A_84 = arith.constant 0 : i32
      %dma_start3A_85 = tpu.memref_slice %arg12[%add3A_20, %dma_start3A_84] : memref<10240x64xf32, #tpu.memory_space<vmem_shared>> -> memref<160x64xf32, #tpu.memory_space<vmem_shared>>
      tpu.enqueue_dma source(%arg9 : memref<160x64xf32, #tpu.memory_space<vmem>>) target(%dma_start3A_85 : memref<160x64xf32, #tpu.memory_space<vmem_shared>>) target_semaphore(%run_scoped3A_81 : memref<!tpu.dma_semaphore, #tpu.memory_space<semaphore_mem>>)
      %dma_wait3A_86 = arith.constant 0 : i32
      %dma_wait3A_87 = tpu.memref_slice %arg12[%add3A_20, %dma_wait3A_86] : memref<10240x64xf32, #tpu.memory_space<vmem_shared>> -> memref<160x64xf32, #tpu.memory_space<vmem_shared>>
      %dma_wait3A_88 = arith.constant 0 : i32
      %dma_wait3A_89 = tpu.memref_slice %arg12[%add3A_20, %dma_wait3A_88] : memref<10240x64xf32, #tpu.memory_space<vmem_shared>> -> memref<160x64xf32, #tpu.memory_space<vmem_shared>>
      tpu.wait_dma2 semaphore(%run_scoped3A_81 : memref<!tpu.dma_semaphore, #tpu.memory_space<semaphore_mem>>) src(%arg9 : memref<160x64xf32, #tpu.memory_space<vmem>>) dst(%dma_wait3A_89 : memref<160x64xf32, #tpu.memory_space<vmem_shared>>)
      tpu.yield
    }) : () -> ()
    %add3A_21 = arith.constant 320 : i32
    %add3A_22 = arith.addi %mul3A_2, %add3A_21 : i32
    "tpu.region"() ({
      %run_scoped3A_81 = tpu.sem_alloc : memref<!tpu.dma_semaphore, #tpu.memory_space<semaphore_mem>>
      %dma_start3A_82 = arith.constant 0 : i32
      %dma_start3A_83 = tpu.memref_slice %arg12[%add3A_22, %dma_start3A_82] : memref<10240x64xf32, #tpu.memory_space<vmem_shared>> -> memref<160x64xf32, #tpu.memory_space<vmem_shared>>
      %dma_start3A_84 = arith.constant 0 : i32
      %dma_start3A_85 = tpu.memref_slice %arg12[%add3A_22, %dma_start3A_84] : memref<10240x64xf32, #tpu.memory_space<vmem_shared>> -> memref<160x64xf32, #tpu.memory_space<vmem_shared>>
      tpu.enqueue_dma source(%arg9 : memref<160x64xf32, #tpu.memory_space<vmem>>) target(%dma_start3A_85 : memref<160x64xf32, #tpu.memory_space<vmem_shared>>) target_semaphore(%run_scoped3A_81 : memref<!tpu.dma_semaphore, #tpu.memory_space<semaphore_mem>>)
      %dma_wait3A_86 = arith.constant 0 : i32
      %dma_wait3A_87 = tpu.memref_slice %arg12[%add3A_22, %dma_wait3A_86] : memref<10240x64xf32, #tpu.memory_space<vmem_shared>> -> memref<160x64xf32, #tpu.memory_space<vmem_shared>>
      %dma_wait3A_88 = arith.constant 0 : i32
      %dma_wait3A_89 = tpu.memref_slice %arg12[%add3A_22, %dma_wait3A_88] : memref<10240x64xf32, #tpu.memory_space<vmem_shared>> -> memref<160x64xf32, #tpu.memory_space<vmem_shared>>
      tpu.wait_dma2 semaphore(%run_scoped3A_81 : memref<!tpu.dma_semaphore, #tpu.memory_space<semaphore_mem>>) src(%arg9 : memref<160x64xf32, #tpu.memory_space<vmem>>) dst(%dma_wait3A_89 : memref<160x64xf32, #tpu.memory_space<vmem_shared>>)
      tpu.yield
    }) : () -> ()
    %add3A_23 = arith.constant 480 : i32
    %add3A_24 = arith.addi %mul3A_2, %add3A_23 : i32
    "tpu.region"() ({
      %run_scoped3A_81 = tpu.sem_alloc : memref<!tpu.dma_semaphore, #tpu.memory_space<semaphore_mem>>
      %dma_start3A_82 = arith.constant 0 : i32
      %dma_start3A_83 = tpu.memref_slice %arg12[%add3A_24, %dma_start3A_82] : memref<10240x64xf32, #tpu.memory_space<vmem_shared>> -> memref<160x64xf32, #tpu.memory_space<vmem_shared>>
      %dma_start3A_84 = arith.constant 0 : i32
      %dma_start3A_85 = tpu.memref_slice %arg12[%add3A_24, %dma_start3A_84] : memref<10240x64xf32, #tpu.memory_space<vmem_shared>> -> memref<160x64xf32, #tpu.memory_space<vmem_shared>>
      tpu.enqueue_dma source(%arg9 : memref<160x64xf32, #tpu.memory_space<vmem>>) target(%dma_start3A_85 : memref<160x64xf32, #tpu.memory_space<vmem_shared>>) target_semaphore(%run_scoped3A_81 : memref<!tpu.dma_semaphore, #tpu.memory_space<semaphore_mem>>)
      %dma_wait3A_86 = arith.constant 0 : i32
      %dma_wait3A_87 = tpu.memref_slice %arg12[%add3A_24, %dma_wait3A_86] : memref<10240x64xf32, #tpu.memory_space<vmem_shared>> -> memref<160x64xf32, #tpu.memory_space<vmem_shared>>
      %dma_wait3A_88 = arith.constant 0 : i32
      %dma_wait3A_89 = tpu.memref_slice %arg12[%add3A_24, %dma_wait3A_88] : memref<10240x64xf32, #tpu.memory_space<vmem_shared>> -> memref<160x64xf32, #tpu.memory_space<vmem_shared>>
      tpu.wait_dma2 semaphore(%run_scoped3A_81 : memref<!tpu.dma_semaphore, #tpu.memory_space<semaphore_mem>>) src(%arg9 : memref<160x64xf32, #tpu.memory_space<vmem>>) dst(%dma_wait3A_89 : memref<160x64xf32, #tpu.memory_space<vmem_shared>>)
      tpu.yield
    }) : () -> ()
    "tpu.region"() ({
      %run_scoped3A_81 = tpu.sem_alloc : memref<!tpu.dma_semaphore, #tpu.memory_space<semaphore_mem>>
      %dma_start3A_82 = arith.constant 0 : i32
      %dma_start3A_83 = arith.constant 0 : i32
      %dma_start3A_84 = arith.constant 0 : i32
      %dma_start3A_85 = tpu.memref_slice %arg3[%add3A, %dma_start3A_82, %dma_start3A_83, %dma_start3A_84] : memref<32x79x2x128xi32, #tpu.memory_space<hbm>> -> memref<1x79x2x128xi32, #tpu.memory_space<hbm>>
      %dma_start3A_86 = tpu.memref_squeeze %dma_start3A_85 : memref<1x79x2x128xi32, #tpu.memory_space<hbm>> -> memref<79x2x128xi32, #tpu.memory_space<hbm>>
      %dma_start3A_87 = arith.constant 0 : i32
      %dma_start3A_88 = arith.constant 0 : i32
      %dma_start3A_89 = arith.constant 0 : i32
      %dma_start3A_90 = tpu.memref_slice %arg3[%add3A, %dma_start3A_87, %dma_start3A_88, %dma_start3A_89] : memref<32x79x2x128xi32, #tpu.memory_space<hbm>> -> memref<1x79x2x128xi32, #tpu.memory_space<hbm>>
      %dma_start3A_91 = tpu.memref_squeeze %dma_start3A_90 : memref<1x79x2x128xi32, #tpu.memory_space<hbm>> -> memref<79x2x128xi32, #tpu.memory_space<hbm>>
      tpu.enqueue_dma source(%dma_start3A_91 : memref<79x2x128xi32, #tpu.memory_space<hbm>>) target(%arg5 : memref<79x2x128xi32, #tpu.memory_space<vmem>>) target_semaphore(%run_scoped3A_81 : memref<!tpu.dma_semaphore, #tpu.memory_space<semaphore_mem>>)
      %dma_wait3A_92 = arith.constant 0 : i32
      %dma_wait3A_93 = arith.constant 0 : i32
      %dma_wait3A_94 = arith.constant 0 : i32
      %dma_wait3A_95 = tpu.memref_slice %arg3[%add3A, %dma_wait3A_92, %dma_wait3A_93, %dma_wait3A_94] : memref<32x79x2x128xi32, #tpu.memory_space<hbm>> -> memref<1x79x2x128xi32, #tpu.memory_space<hbm>>
      %dma_wait3A_96 = tpu.memref_squeeze %dma_wait3A_95 : memref<1x79x2x128xi32, #tpu.memory_space<hbm>> -> memref<79x2x128xi32, #tpu.memory_space<hbm>>
      %dma_wait3A_97 = arith.constant 0 : i32
      %dma_wait3A_98 = arith.constant 0 : i32
      %dma_wait3A_99 = arith.constant 0 : i32
      %dma_wait3A_100 = tpu.memref_slice %arg3[%add3A, %dma_wait3A_97, %dma_wait3A_98, %dma_wait3A_99] : memref<32x79x2x128xi32, #tpu.memory_space<hbm>> -> memref<1x79x2x128xi32, #tpu.memory_space<hbm>>
      %dma_wait3A_101 = tpu.memref_squeeze %dma_wait3A_100 : memref<1x79x2x128xi32, #tpu.memory_space<hbm>> -> memref<79x2x128xi32, #tpu.memory_space<hbm>>
      tpu.wait_dma2 semaphore(%run_scoped3A_81 : memref<!tpu.dma_semaphore, #tpu.memory_space<semaphore_mem>>) src(%dma_wait3A_101 : memref<79x2x128xi32, #tpu.memory_space<hbm>>) dst(%arg5 : memref<79x2x128xi32, #tpu.memory_space<vmem>>)
      tpu.yield
    }) : () -> ()
    %barrier3A = arith.constant 0 : index
    tpu.barrier barrier_id(%barrier3A)
    %run_scoped3A = arith.constant 0 : i32
    %run_scoped3A_25 = arith.constant 0 : i32
    "tpu.region"() ({
      %run_scoped3A_81 = tpu.sem_alloc : memref<!tpu.dma_semaphore, #tpu.memory_space<semaphore_mem>>
      %dma_start3A_82 = arith.constant 0 : i32
      %dma_start3A_83 = tpu.memref_slice %arg5[%run_scoped3A, %run_scoped3A_25, %dma_start3A_82] : memref<79x2x128xi32, #tpu.memory_space<vmem>> -> memref<1x1x128xi32, #tpu.memory_space<vmem>>
      %dma_start3A_84 = tpu.memref_squeeze %dma_start3A_83 : memref<1x1x128xi32, #tpu.memory_space<vmem>> -> memref<128xi32, #tpu.memory_space<vmem>>
      %dma_start3A_85 = arith.constant 0 : i32
      %dma_start3A_86 = arith.constant 0 : i32
      %dma_start3A_87 = tpu.memref_slice %arg11[%dma_start3A_85, %dma_start3A_86] : memref<10240x64xbf16, #tpu.memory_space<vmem_shared>> -> memref<10240x64xbf16, #tpu.memory_space<vmem_shared>>
      tpu.enqueue_indirect_dma source(%dma_start3A_87 : memref<10240x64xbf16, #tpu.memory_space<vmem_shared>>) target(%arg6 : memref<128x64xbf16, #tpu.memory_space<vmem>>) offsets(%dma_start3A_84 : memref<128xi32, #tpu.memory_space<vmem>>) semaphore(%run_scoped3A_81 : memref<!tpu.dma_semaphore, #tpu.memory_space<semaphore_mem>>)
      %dma_wait3A_88 = arith.constant 0 : i32
      %dma_wait3A_89 = tpu.memref_slice %arg5[%run_scoped3A, %run_scoped3A_25, %dma_wait3A_88] : memref<79x2x128xi32, #tpu.memory_space<vmem>> -> memref<1x1x128xi32, #tpu.memory_space<vmem>>
      %dma_wait3A_90 = tpu.memref_squeeze %dma_wait3A_89 : memref<1x1x128xi32, #tpu.memory_space<vmem>> -> memref<128xi32, #tpu.memory_space<vmem>>
      %dma_wait3A_91 = arith.constant 0 : i32
      %dma_wait3A_92 = arith.constant 0 : i32
      %dma_wait3A_93 = tpu.memref_slice %arg11[%dma_wait3A_91, %dma_wait3A_92] : memref<10240x64xbf16, #tpu.memory_space<vmem_shared>> -> memref<10240x64xbf16, #tpu.memory_space<vmem_shared>>
      tpu.wait_indirect_dma semaphore(%run_scoped3A_81 : memref<!tpu.dma_semaphore, #tpu.memory_space<semaphore_mem>>) src(%dma_wait3A_93 : memref<10240x64xbf16, #tpu.memory_space<vmem_shared>>) dst(%arg6 : memref<128x64xbf16, #tpu.memory_space<vmem>>)
      tpu.yield
    }) : () -> ()
    %parallel_loop3A = arith.constant 0 : i32
    %parallel_loop3A_26 = arith.constant 128 : i32
    %parallel_loop3A_27 = arith.constant 1 : i32
    scf.for %parallel_loop3A_81 = %parallel_loop3A to %parallel_loop3A_26 step %parallel_loop3A_27  : i32 {
      %parallel_loop3A_82 = arith.index_cast %parallel_loop3A_81 : i32 to index
      %parallel_loop3A_83 = arith.constant 0 : index
      %parallel_loop3A_84 = tpu.vector_load %arg6[%parallel_loop3A_82, %parallel_loop3A_83] {strides = array<i32>} : memref<128x64xbf16, #tpu.memory_space<vmem>>, vector<32xbf16>,
      %parallel_loop3A_85 = tpu.unpack_subelements %parallel_loop3A_84, 0 {pack_format = #tpu.pack_format<interleaved>} : vector<32xbf16> -> vector<16xf32>
      %parallel_loop3A_86 = tpu.unpack_subelements %parallel_loop3A_84, 1 {pack_format = #tpu.pack_format<interleaved>} : vector<32xbf16> -> vector<16xf32>
      %parallel_loop3A_87 = arith.index_cast %parallel_loop3A_81 : i32 to index
      %parallel_loop3A_88 = arith.constant 0 : index
      %parallel_loop3A_89 = tpu.vector_load %arg7[%parallel_loop3A_87, %parallel_loop3A_88] {strides = array<i32>} : memref<128x64xf32, #tpu.memory_space<vmem>>, vector<16xf32>,
      tpu.vector_store %arg7[%parallel_loop3A_87, %parallel_loop3A_88], %parallel_loop3A_85 {strides = array<i32>} : memref<128x64xf32, #tpu.memory_space<vmem>>, vector<16xf32>,
      %parallel_loop3A_90 = arith.index_cast %parallel_loop3A_81 : i32 to index
      %parallel_loop3A_91 = arith.constant 16 : index
      %parallel_loop3A_92 = tpu.vector_load %arg7[%parallel_loop3A_90, %parallel_loop3A_91] {strides = array<i32>} : memref<128x64xf32, #tpu.memory_space<vmem>>, vector<16xf32>,
      tpu.vector_store %arg7[%parallel_loop3A_90, %parallel_loop3A_91], %parallel_loop3A_86 {strides = array<i32>} : memref<128x64xf32, #tpu.memory_space<vmem>>, vector<16xf32>,
      %parallel_loop3A_93 = arith.index_cast %parallel_loop3A_81 : i32 to index
      %parallel_loop3A_94 = arith.constant 32 : index
      %parallel_loop3A_95 = tpu.vector_load %arg6[%parallel_loop3A_93, %parallel_loop3A_94] {strides = array<i32>} : memref<128x64xbf16, #tpu.memory_space<vmem>>, vector<32xbf16>,
      %parallel_loop3A_96 = tpu.unpack_subelements %parallel_loop3A_95, 0 {pack_format = #tpu.pack_format<interleaved>} : vector<32xbf16> -> vector<16xf32>
      %parallel_loop3A_97 = tpu.unpack_subelements %parallel_loop3A_95, 1 {pack_format = #tpu.pack_format<interleaved>} : vector<32xbf16> -> vector<16xf32>
      %parallel_loop3A_98 = arith.index_cast %parallel_loop3A_81 : i32 to index
      %parallel_loop3A_99 = arith.constant 32 : index
      %parallel_loop3A_100 = tpu.vector_load %arg7[%parallel_loop3A_98, %parallel_loop3A_99] {strides = array<i32>} : memref<128x64xf32, #tpu.memory_space<vmem>>, vector<16xf32>,
      tpu.vector_store %arg7[%parallel_loop3A_98, %parallel_loop3A_99], %parallel_loop3A_96 {strides = array<i32>} : memref<128x64xf32, #tpu.memory_space<vmem>>, vector<16xf32>,
      %parallel_loop3A_101 = arith.index_cast %parallel_loop3A_81 : i32 to index
      %parallel_loop3A_102 = arith.constant 48 : index
      %parallel_loop3A_103 = tpu.vector_load %arg7[%parallel_loop3A_101, %parallel_loop3A_102] {strides = array<i32>} : memref<128x64xf32, #tpu.memory_space<vmem>>, vector<16xf32>,
      tpu.vector_store %arg7[%parallel_loop3A_101, %parallel_loop3A_102], %parallel_loop3A_97 {strides = array<i32>} : memref<128x64xf32, #tpu.memory_space<vmem>>, vector<16xf32>,
    } {sc.loop_unroll_factor = 8 : i64, sc.parallel_access}
    %dma_start3A = arith.constant 0 : i32
    %dma_start3A_28 = arith.constant 1 : i32
    %dma_start3A_29 = arith.constant 0 : i32
    %dma_start3A_30 = tpu.memref_slice %arg5[%dma_start3A, %dma_start3A_28, %dma_start3A_29] : memref<79x2x128xi32, #tpu.memory_space<vmem>> -> memref<1x1x128xi32, #tpu.memory_space<vmem>>
    %dma_start3A_31 = tpu.memref_squeeze %dma_start3A_30 : memref<1x1x128xi32, #tpu.memory_space<vmem>> -> memref<128xi32, #tpu.memory_space<vmem>>
    %dma_start3A_32 = arith.constant 0 : i32
    %dma_start3A_33 = arith.constant 0 : i32
    %dma_start3A_34 = tpu.memref_slice %arg12[%dma_start3A_32, %dma_start3A_33] : memref<10240x64xf32, #tpu.memory_space<vmem_shared>> -> memref<10240x64xf32, #tpu.memory_space<vmem_shared>>
    tpu.enqueue_indirect_dma source(%arg7 : memref<128x64xf32, #tpu.memory_space<vmem>>) target(%dma_start3A_34 : memref<10240x64xf32, #tpu.memory_space<vmem_shared>>) offsets(%dma_start3A_31 : memref<128xi32, #tpu.memory_space<vmem>>) semaphore(%arg13 : memref<!tpu.dma_semaphore, #tpu.memory_space<semaphore_mem>>) {add = true}
    %scan3A_35 = arith.constant 0 : i32
    %scan3A_36 = arith.constant 0 : i32
    %scan3A_37 = arith.constant 39 : i32
    %scan3A_38 = arith.addi %scan3A_36, %scan3A_37 : i32
    %scan3A_39 = arith.constant 1 : i32
    scf.for %scan3A_81 = %scan3A_36 to %scan3A_38 step %scan3A_39  : i32 {
      %mul3A_82 = arith.constant 2 : i32
      %mul3A_83 = arith.muli %scan3A_81, %mul3A_82 : i32
      %add3A_84 = arith.constant 1 : i32
      %add3A_85 = arith.addi %mul3A_83, %add3A_84 : i32
      %run_scoped3A_86 = arith.constant 0 : i32
      "tpu.region"() ({
        %run_scoped3A_127 = tpu.sem_alloc : memref<!tpu.dma_semaphore, #tpu.memory_space<semaphore_mem>>
        %dma_start3A_128 = arith.constant 0 : i32
        %dma_start3A_129 = tpu.memref_slice %arg5[%add3A_85, %run_scoped3A_86, %dma_start3A_128] : memref<79x2x128xi32, #tpu.memory_space<vmem>> -> memref<1x1x128xi32, #tpu.memory_space<vmem>>
        %dma_start3A_130 = tpu.memref_squeeze %dma_start3A_129 : memref<1x1x128xi32, #tpu.memory_space<vmem>> -> memref<128xi32, #tpu.memory_space<vmem>>
        %dma_start3A_131 = arith.constant 0 : i32
        %dma_start3A_132 = arith.constant 0 : i32
        %dma_start3A_133 = tpu.memref_slice %arg11[%dma_start3A_131, %dma_start3A_132] : memref<10240x64xbf16, #tpu.memory_space<vmem_shared>> -> memref<10240x64xbf16, #tpu.memory_space<vmem_shared>>
        tpu.enqueue_indirect_dma source(%dma_start3A_133 : memref<10240x64xbf16, #tpu.memory_space<vmem_shared>>) target(%arg6 : memref<128x64xbf16, #tpu.memory_space<vmem>>) offsets(%dma_start3A_130 : memref<128xi32, #tpu.memory_space<vmem>>) semaphore(%run_scoped3A_127 : memref<!tpu.dma_semaphore, #tpu.memory_space<semaphore_mem>>)
        %dma_wait3A_134 = arith.constant 0 : i32
        %dma_wait3A_135 = tpu.memref_slice %arg5[%add3A_85, %run_scoped3A_86, %dma_wait3A_134] : memref<79x2x128xi32, #tpu.memory_space<vmem>> -> memref<1x1x128xi32, #tpu.memory_space<vmem>>
        %dma_wait3A_136 = tpu.memref_squeeze %dma_wait3A_135 : memref<1x1x128xi32, #tpu.memory_space<vmem>> -> memref<128xi32, #tpu.memory_space<vmem>>
        %dma_wait3A_137 = arith.constant 0 : i32
        %dma_wait3A_138 = arith.constant 0 : i32
        %dma_wait3A_139 = tpu.memref_slice %arg11[%dma_wait3A_137, %dma_wait3A_138] : memref<10240x64xbf16, #tpu.memory_space<vmem_shared>> -> memref<10240x64xbf16, #tpu.memory_space<vmem_shared>>
        tpu.wait_indirect_dma semaphore(%run_scoped3A_127 : memref<!tpu.dma_semaphore, #tpu.memory_space<semaphore_mem>>) src(%dma_wait3A_139 : memref<10240x64xbf16, #tpu.memory_space<vmem_shared>>) dst(%arg6 : memref<128x64xbf16, #tpu.memory_space<vmem>>)
        tpu.yield
      }) : () -> ()
      %parallel_loop3A_87 = arith.constant 0 : i32
      %parallel_loop3A_88 = arith.constant 128 : i32
      %parallel_loop3A_89 = arith.constant 1 : i32
      scf.for %parallel_loop3A_127 = %parallel_loop3A_87 to %parallel_loop3A_88 step %parallel_loop3A_89  : i32 {
        %parallel_loop3A_128 = arith.index_cast %parallel_loop3A_127 : i32 to index
        %parallel_loop3A_129 = arith.constant 0 : index
        %parallel_loop3A_130 = tpu.vector_load %arg6[%parallel_loop3A_128, %parallel_loop3A_129] {strides = array<i32>} : memref<128x64xbf16, #tpu.memory_space<vmem>>, vector<32xbf16>,
        %parallel_loop3A_131 = tpu.unpack_subelements %parallel_loop3A_130, 0 {pack_format = #tpu.pack_format<interleaved>} : vector<32xbf16> -> vector<16xf32>
        %parallel_loop3A_132 = tpu.unpack_subelements %parallel_loop3A_130, 1 {pack_format = #tpu.pack_format<interleaved>} : vector<32xbf16> -> vector<16xf32>
        %parallel_loop3A_133 = arith.index_cast %parallel_loop3A_127 : i32 to index
        %parallel_loop3A_134 = arith.constant 0 : index
        %parallel_loop3A_135 = tpu.vector_load %arg8[%parallel_loop3A_133, %parallel_loop3A_134] {strides = array<i32>} : memref<128x64xf32, #tpu.memory_space<vmem>>, vector<16xf32>,
        tpu.vector_store %arg8[%parallel_loop3A_133, %parallel_loop3A_134], %parallel_loop3A_131 {strides = array<i32>} : memref<128x64xf32, #tpu.memory_space<vmem>>, vector<16xf32>,
        %parallel_loop3A_136 = arith.index_cast %parallel_loop3A_127 : i32 to index
        %parallel_loop3A_137 = arith.constant 16 : index
        %parallel_loop3A_138 = tpu.vector_load %arg8[%parallel_loop3A_136, %parallel_loop3A_137] {strides = array<i32>} : memref<128x64xf32, #tpu.memory_space<vmem>>, vector<16xf32>,
        tpu.vector_store %arg8[%parallel_loop3A_136, %parallel_loop3A_137], %parallel_loop3A_132 {strides = array<i32>} : memref<128x64xf32, #tpu.memory_space<vmem>>, vector<16xf32>,
        %parallel_loop3A_139 = arith.index_cast %parallel_loop3A_127 : i32 to index
        %parallel_loop3A_140 = arith.constant 32 : index
        %parallel_loop3A_141 = tpu.vector_load %arg6[%parallel_loop3A_139, %parallel_loop3A_140] {strides = array<i32>} : memref<128x64xbf16, #tpu.memory_space<vmem>>, vector<32xbf16>,
        %parallel_loop3A_142 = tpu.unpack_subelements %parallel_loop3A_141, 0 {pack_format = #tpu.pack_format<interleaved>} : vector<32xbf16> -> vector<16xf32>
        %parallel_loop3A_143 = tpu.unpack_subelements %parallel_loop3A_141, 1 {pack_format = #tpu.pack_format<interleaved>} : vector<32xbf16> -> vector<16xf32>
        %parallel_loop3A_144 = arith.index_cast %parallel_loop3A_127 : i32 to index
        %parallel_loop3A_145 = arith.constant 32 : index
        %parallel_loop3A_146 = tpu.vector_load %arg8[%parallel_loop3A_144, %parallel_loop3A_145] {strides = array<i32>} : memref<128x64xf32, #tpu.memory_space<vmem>>, vector<16xf32>,
        tpu.vector_store %arg8[%parallel_loop3A_144, %parallel_loop3A_145], %parallel_loop3A_142 {strides = array<i32>} : memref<128x64xf32, #tpu.memory_space<vmem>>, vector<16xf32>,
        %parallel_loop3A_147 = arith.index_cast %parallel_loop3A_127 : i32 to index
        %parallel_loop3A_148 = arith.constant 48 : index
        %parallel_loop3A_149 = tpu.vector_load %arg8[%parallel_loop3A_147, %parallel_loop3A_148] {strides = array<i32>} : memref<128x64xf32, #tpu.memory_space<vmem>>, vector<16xf32>,
        tpu.vector_store %arg8[%parallel_loop3A_147, %parallel_loop3A_148], %parallel_loop3A_143 {strides = array<i32>} : memref<128x64xf32, #tpu.memory_space<vmem>>, vector<16xf32>,
      } {sc.loop_unroll_factor = 8 : i64, sc.parallel_access}
      %sub3A = arith.constant 1 : i32
      %sub3A_90 = arith.subi %add3A_85, %sub3A : i32
      %dma_wait3A_91 = arith.constant 1 : i32
      %dma_wait3A_92 = arith.constant 0 : i32
      %dma_wait3A_93 = tpu.memref_slice %arg5[%sub3A_90, %dma_wait3A_91, %dma_wait3A_92] : memref<79x2x128xi32, #tpu.memory_space<vmem>> -> memref<1x1x128xi32, #tpu.memory_space<vmem>>
      %dma_wait3A_94 = tpu.memref_squeeze %dma_wait3A_93 : memref<1x1x128xi32, #tpu.memory_space<vmem>> -> memref<128xi32, #tpu.memory_space<vmem>>
      %dma_wait3A_95 = arith.constant 0 : i32
      %dma_wait3A_96 = arith.constant 0 : i32
      %dma_wait3A_97 = tpu.memref_slice %arg12[%dma_wait3A_95, %dma_wait3A_96] : memref<10240x64xf32, #tpu.memory_space<vmem_shared>> -> memref<10240x64xf32, #tpu.memory_space<vmem_shared>>
      tpu.wait_indirect_dma semaphore(%arg13 : memref<!tpu.dma_semaphore, #tpu.memory_space<semaphore_mem>>) src(%arg7 : memref<128x64xf32, #tpu.memory_space<vmem>>) dst(%dma_wait3A_97 : memref<10240x64xf32, #tpu.memory_space<vmem_shared>>)
      %dma_start3A_98 = arith.constant 1 : i32
      %dma_start3A_99 = arith.constant 0 : i32
      %dma_start3A_100 = tpu.memref_slice %arg5[%add3A_85, %dma_start3A_98, %dma_start3A_99] : memref<79x2x128xi32, #tpu.memory_space<vmem>> -> memref<1x1x128xi32, #tpu.memory_space<vmem>>
      %dma_start3A_101 = tpu.memref_squeeze %dma_start3A_100 : memref<1x1x128xi32, #tpu.memory_space<vmem>> -> memref<128xi32, #tpu.memory_space<vmem>>
      %dma_start3A_102 = arith.constant 0 : i32
      %dma_start3A_103 = arith.constant 0 : i32
      %dma_start3A_104 = tpu.memref_slice %arg12[%dma_start3A_102, %dma_start3A_103] : memref<10240x64xf32, #tpu.memory_space<vmem_shared>> -> memref<10240x64xf32, #tpu.memory_space<vmem_shared>>
      tpu.enqueue_indirect_dma source(%arg8 : memref<128x64xf32, #tpu.memory_space<vmem>>) target(%dma_start3A_104 : memref<10240x64xf32, #tpu.memory_space<vmem_shared>>) offsets(%dma_start3A_101 : memref<128xi32, #tpu.memory_space<vmem>>) semaphore(%arg13 : memref<!tpu.dma_semaphore, #tpu.memory_space<semaphore_mem>>) {add = true}
      %add3A_105 = arith.constant 1 : i32
      %add3A_106 = arith.addi %add3A_85, %add3A_105 : i32
      %run_scoped3A_107 = arith.constant 0 : i32
      "tpu.region"() ({
        %run_scoped3A_127 = tpu.sem_alloc : memref<!tpu.dma_semaphore, #tpu.memory_space<semaphore_mem>>
        %dma_start3A_128 = arith.constant 0 : i32
        %dma_start3A_129 = tpu.memref_slice %arg5[%add3A_106, %run_scoped3A_107, %dma_start3A_128] : memref<79x2x128xi32, #tpu.memory_space<vmem>> -> memref<1x1x128xi32, #tpu.memory_space<vmem>>
        %dma_start3A_130 = tpu.memref_squeeze %dma_start3A_129 : memref<1x1x128xi32, #tpu.memory_space<vmem>> -> memref<128xi32, #tpu.memory_space<vmem>>
        %dma_start3A_131 = arith.constant 0 : i32
        %dma_start3A_132 = arith.constant 0 : i32
        %dma_start3A_133 = tpu.memref_slice %arg11[%dma_start3A_131, %dma_start3A_132] : memref<10240x64xbf16, #tpu.memory_space<vmem_shared>> -> memref<10240x64xbf16, #tpu.memory_space<vmem_shared>>
        tpu.enqueue_indirect_dma source(%dma_start3A_133 : memref<10240x64xbf16, #tpu.memory_space<vmem_shared>>) target(%arg6 : memref<128x64xbf16, #tpu.memory_space<vmem>>) offsets(%dma_start3A_130 : memref<128xi32, #tpu.memory_space<vmem>>) semaphore(%run_scoped3A_127 : memref<!tpu.dma_semaphore, #tpu.memory_space<semaphore_mem>>)
        %dma_wait3A_134 = arith.constant 0 : i32
        %dma_wait3A_135 = tpu.memref_slice %arg5[%add3A_106, %run_scoped3A_107, %dma_wait3A_134] : memref<79x2x128xi32, #tpu.memory_space<vmem>> -> memref<1x1x128xi32, #tpu.memory_space<vmem>>
        %dma_wait3A_136 = tpu.memref_squeeze %dma_wait3A_135 : memref<1x1x128xi32, #tpu.memory_space<vmem>> -> memref<128xi32, #tpu.memory_space<vmem>>
        %dma_wait3A_137 = arith.constant 0 : i32
        %dma_wait3A_138 = arith.constant 0 : i32
        %dma_wait3A_139 = tpu.memref_slice %arg11[%dma_wait3A_137, %dma_wait3A_138] : memref<10240x64xbf16, #tpu.memory_space<vmem_shared>> -> memref<10240x64xbf16, #tpu.memory_space<vmem_shared>>
        tpu.wait_indirect_dma semaphore(%run_scoped3A_127 : memref<!tpu.dma_semaphore, #tpu.memory_space<semaphore_mem>>) src(%dma_wait3A_139 : memref<10240x64xbf16, #tpu.memory_space<vmem_shared>>) dst(%arg6 : memref<128x64xbf16, #tpu.memory_space<vmem>>)
        tpu.yield
      }) : () -> ()
      %parallel_loop3A_108 = arith.constant 0 : i32
      %parallel_loop3A_109 = arith.constant 128 : i32
      %parallel_loop3A_110 = arith.constant 1 : i32
      scf.for %parallel_loop3A_127 = %parallel_loop3A_108 to %parallel_loop3A_109 step %parallel_loop3A_110  : i32 {
        %parallel_loop3A_128 = arith.index_cast %parallel_loop3A_127 : i32 to index
        %parallel_loop3A_129 = arith.constant 0 : index
        %parallel_loop3A_130 = tpu.vector_load %arg6[%parallel_loop3A_128, %parallel_loop3A_129] {strides = array<i32>} : memref<128x64xbf16, #tpu.memory_space<vmem>>, vector<32xbf16>,
        %parallel_loop3A_131 = tpu.unpack_subelements %parallel_loop3A_130, 0 {pack_format = #tpu.pack_format<interleaved>} : vector<32xbf16> -> vector<16xf32>
        %parallel_loop3A_132 = tpu.unpack_subelements %parallel_loop3A_130, 1 {pack_format = #tpu.pack_format<interleaved>} : vector<32xbf16> -> vector<16xf32>
        %parallel_loop3A_133 = arith.index_cast %parallel_loop3A_127 : i32 to index
        %parallel_loop3A_134 = arith.constant 0 : index
        %parallel_loop3A_135 = tpu.vector_load %arg7[%parallel_loop3A_133, %parallel_loop3A_134] {strides = array<i32>} : memref<128x64xf32, #tpu.memory_space<vmem>>, vector<16xf32>,
        tpu.vector_store %arg7[%parallel_loop3A_133, %parallel_loop3A_134], %parallel_loop3A_131 {strides = array<i32>} : memref<128x64xf32, #tpu.memory_space<vmem>>, vector<16xf32>,
        %parallel_loop3A_136 = arith.index_cast %parallel_loop3A_127 : i32 to index
        %parallel_loop3A_137 = arith.constant 16 : index
        %parallel_loop3A_138 = tpu.vector_load %arg7[%parallel_loop3A_136, %parallel_loop3A_137] {strides = array<i32>} : memref<128x64xf32, #tpu.memory_space<vmem>>, vector<16xf32>,
        tpu.vector_store %arg7[%parallel_loop3A_136, %parallel_loop3A_137], %parallel_loop3A_132 {strides = array<i32>} : memref<128x64xf32, #tpu.memory_space<vmem>>, vector<16xf32>,
        %parallel_loop3A_139 = arith.index_cast %parallel_loop3A_127 : i32 to index
        %parallel_loop3A_140 = arith.constant 32 : index
        %parallel_loop3A_141 = tpu.vector_load %arg6[%parallel_loop3A_139, %parallel_loop3A_140] {strides = array<i32>} : memref<128x64xbf16, #tpu.memory_space<vmem>>, vector<32xbf16>,
        %parallel_loop3A_142 = tpu.unpack_subelements %parallel_loop3A_141, 0 {pack_format = #tpu.pack_format<interleaved>} : vector<32xbf16> -> vector<16xf32>
        %parallel_loop3A_143 = tpu.unpack_subelements %parallel_loop3A_141, 1 {pack_format = #tpu.pack_format<interleaved>} : vector<32xbf16> -> vector<16xf32>
        %parallel_loop3A_144 = arith.index_cast %parallel_loop3A_127 : i32 to index
        %parallel_loop3A_145 = arith.constant 32 : index
        %parallel_loop3A_146 = tpu.vector_load %arg7[%parallel_loop3A_144, %parallel_loop3A_145] {strides = array<i32>} : memref<128x64xf32, #tpu.memory_space<vmem>>, vector<16xf32>,
        tpu.vector_store %arg7[%parallel_loop3A_144, %parallel_loop3A_145], %parallel_loop3A_142 {strides = array<i32>} : memref<128x64xf32, #tpu.memory_space<vmem>>, vector<16xf32>,
        %parallel_loop3A_147 = arith.index_cast %parallel_loop3A_127 : i32 to index
        %parallel_loop3A_148 = arith.constant 48 : index
        %parallel_loop3A_149 = tpu.vector_load %arg7[%parallel_loop3A_147, %parallel_loop3A_148] {strides = array<i32>} : memref<128x64xf32, #tpu.memory_space<vmem>>, vector<16xf32>,
        tpu.vector_store %arg7[%parallel_loop3A_147, %parallel_loop3A_148], %parallel_loop3A_143 {strides = array<i32>} : memref<128x64xf32, #tpu.memory_space<vmem>>, vector<16xf32>,
      } {sc.loop_unroll_factor = 8 : i64, sc.parallel_access}
      %dma_wait3A_111 = arith.constant 1 : i32
      %dma_wait3A_112 = arith.constant 0 : i32
      %dma_wait3A_113 = tpu.memref_slice %arg5[%add3A_85, %dma_wait3A_111, %dma_wait3A_112] : memref<79x2x128xi32, #tpu.memory_space<vmem>> -> memref<1x1x128xi32, #tpu.memory_space<vmem>>
      %dma_wait3A_114 = tpu.memref_squeeze %dma_wait3A_113 : memref<1x1x128xi32, #tpu.memory_space<vmem>> -> memref<128xi32, #tpu.memory_space<vmem>>
      %dma_wait3A_115 = arith.constant 0 : i32
      %dma_wait3A_116 = arith.constant 0 : i32
      %dma_wait3A_117 = tpu.memref_slice %arg12[%dma_wait3A_115, %dma_wait3A_116] : memref<10240x64xf32, #tpu.memory_space<vmem_shared>> -> memref<10240x64xf32, #tpu.memory_space<vmem_shared>>
      tpu.wait_indirect_dma semaphore(%arg13 : memref<!tpu.dma_semaphore, #tpu.memory_space<semaphore_mem>>) src(%arg8 : memref<128x64xf32, #tpu.memory_space<vmem>>) dst(%dma_wait3A_117 : memref<10240x64xf32, #tpu.memory_space<vmem_shared>>)
      %add3A_118 = arith.constant 1 : i32
      %add3A_119 = arith.addi %add3A_85, %add3A_118 : i32
      %dma_start3A_120 = arith.constant 1 : i32
      %dma_start3A_121 = arith.constant 0 : i32
      %dma_start3A_122 = tpu.memref_slice %arg5[%add3A_119, %dma_start3A_120, %dma_start3A_121] : memref<79x2x128xi32, #tpu.memory_space<vmem>> -> memref<1x1x128xi32, #tpu.memory_space<vmem>>
      %dma_start3A_123 = tpu.memref_squeeze %dma_start3A_122 : memref<1x1x128xi32, #tpu.memory_space<vmem>> -> memref<128xi32, #tpu.memory_space<vmem>>
      %dma_start3A_124 = arith.constant 0 : i32
      %dma_start3A_125 = arith.constant 0 : i32
      %dma_start3A_126 = tpu.memref_slice %arg12[%dma_start3A_124, %dma_start3A_125] : memref<10240x64xf32, #tpu.memory_space<vmem_shared>> -> memref<10240x64xf32, #tpu.memory_space<vmem_shared>>
      tpu.enqueue_indirect_dma source(%arg7 : memref<128x64xf32, #tpu.memory_space<vmem>>) target(%dma_start3A_126 : memref<10240x64xf32, #tpu.memory_space<vmem_shared>>) offsets(%dma_start3A_123 : memref<128xi32, #tpu.memory_space<vmem>>) semaphore(%arg13 : memref<!tpu.dma_semaphore, #tpu.memory_space<semaphore_mem>>) {add = true}
    }
    %scan3A_40 = arith.constant 39 : i32
    %dma_wait3A = arith.constant 78 : i32
    %dma_wait3A_41 = arith.constant 1 : i32
    %dma_wait3A_42 = arith.constant 0 : i32
    %dma_wait3A_43 = tpu.memref_slice %arg5[%dma_wait3A, %dma_wait3A_41, %dma_wait3A_42] : memref<79x2x128xi32, #tpu.memory_space<vmem>> -> memref<1x1x128xi32, #tpu.memory_space<vmem>>
    %dma_wait3A_44 = tpu.memref_squeeze %dma_wait3A_43 : memref<1x1x128xi32, #tpu.memory_space<vmem>> -> memref<128xi32, #tpu.memory_space<vmem>>
    %dma_wait3A_45 = arith.constant 0 : i32
    %dma_wait3A_46 = arith.constant 0 : i32
    %dma_wait3A_47 = tpu.memref_slice %arg12[%dma_wait3A_45, %dma_wait3A_46] : memref<10240x64xf32, #tpu.memory_space<vmem_shared>> -> memref<10240x64xf32, #tpu.memory_space<vmem_shared>>
    tpu.wait_indirect_dma semaphore(%arg13 : memref<!tpu.dma_semaphore, #tpu.memory_space<semaphore_mem>>) src(%arg7 : memref<128x64xf32, #tpu.memory_space<vmem>>) dst(%dma_wait3A_47 : memref<10240x64xf32, #tpu.memory_space<vmem_shared>>)
    %barrier3A_48 = arith.constant 0 : index
    tpu.barrier barrier_id(%barrier3A_48)
    %add3A_49 = arith.constant 0 : i32
    %add3A_50 = arith.addi %mul3A_2, %add3A_49 : i32
    "tpu.region"() ({
      %run_scoped3A_81 = tpu.sem_alloc : memref<!tpu.dma_semaphore, #tpu.memory_space<semaphore_mem>>
      %dma_start3A_82 = arith.constant 0 : i32
      %dma_start3A_83 = tpu.memref_slice %arg12[%add3A_50, %dma_start3A_82] : memref<10240x64xf32, #tpu.memory_space<vmem_shared>> -> memref<160x64xf32, #tpu.memory_space<vmem_shared>>
      %dma_start3A_84 = arith.constant 0 : i32
      %dma_start3A_85 = tpu.memref_slice %arg12[%add3A_50, %dma_start3A_84] : memref<10240x64xf32, #tpu.memory_space<vmem_shared>> -> memref<160x64xf32, #tpu.memory_space<vmem_shared>>
      tpu.enqueue_dma source(%dma_start3A_85 : memref<160x64xf32, #tpu.memory_space<vmem_shared>>) target(%arg9 : memref<160x64xf32, #tpu.memory_space<vmem>>) target_semaphore(%run_scoped3A_81 : memref<!tpu.dma_semaphore, #tpu.memory_space<semaphore_mem>>)
      %dma_wait3A_86 = arith.constant 0 : i32
      %dma_wait3A_87 = tpu.memref_slice %arg12[%add3A_50, %dma_wait3A_86] : memref<10240x64xf32, #tpu.memory_space<vmem_shared>> -> memref<160x64xf32, #tpu.memory_space<vmem_shared>>
      %dma_wait3A_88 = arith.constant 0 : i32
      %dma_wait3A_89 = tpu.memref_slice %arg12[%add3A_50, %dma_wait3A_88] : memref<10240x64xf32, #tpu.memory_space<vmem_shared>> -> memref<160x64xf32, #tpu.memory_space<vmem_shared>>
      tpu.wait_dma2 semaphore(%run_scoped3A_81 : memref<!tpu.dma_semaphore, #tpu.memory_space<semaphore_mem>>) src(%dma_wait3A_89 : memref<160x64xf32, #tpu.memory_space<vmem_shared>>) dst(%arg9 : memref<160x64xf32, #tpu.memory_space<vmem>>)
      tpu.yield
    }) : () -> ()
    %scan3A_51 = arith.constant 0 : i32
    %scan3A_52 = arith.constant 0 : i32
    %scan3A_53 = arith.constant 160 : i32
    %scan3A_54 = arith.addi %scan3A_52, %scan3A_53 : i32
    %scan3A_55 = arith.constant 1 : i32
    scf.for %scan3A_81 = %scan3A_52 to %scan3A_54 step %scan3A_55  : i32 {
      %get3A = arith.index_cast %scan3A_81 : i32 to index
      %get3A_82 = arith.constant 0 : index
      %get3A_83 = tpu.vector_load %arg9[%get3A, %get3A_82] {strides = array<i32>} : memref<160x64xf32, #tpu.memory_space<vmem>>, vector<16xf32>,
      %get3A_84 = arith.index_cast %scan3A_81 : i32 to index
      %get3A_85 = arith.constant 16 : index
      %get3A_86 = tpu.vector_load %arg9[%get3A_84, %get3A_85] {strides = array<i32>} : memref<160x64xf32, #tpu.memory_space<vmem>>, vector<16xf32>,
      %pack3A = tpu.pack_subelements %get3A_83, %get3A_86 {pack_format = #tpu.pack_format<interleaved>, positions = array<i32: 0, 1>} : vector<16xf32>, vector<16xf32> -> vector<32xbf16>
      %swap3A = arith.index_cast %scan3A_81 : i32 to index
      %swap3A_87 = arith.constant 0 : index
      %swap3A_88 = tpu.vector_load %arg10[%swap3A, %swap3A_87] {strides = array<i32>} : memref<160x64xbf16, #tpu.memory_space<vmem>>, vector<32xbf16>,
      tpu.vector_store %arg10[%swap3A, %swap3A_87], %pack3A {strides = array<i32>} : memref<160x64xbf16, #tpu.memory_space<vmem>>, vector<32xbf16>,
      %get3A_89 = arith.index_cast %scan3A_81 : i32 to index
      %get3A_90 = arith.constant 32 : index
      %get3A_91 = tpu.vector_load %arg9[%get3A_89, %get3A_90] {strides = array<i32>} : memref<160x64xf32, #tpu.memory_space<vmem>>, vector<16xf32>,
      %get3A_92 = arith.index_cast %scan3A_81 : i32 to index
      %get3A_93 = arith.constant 48 : index
      %get3A_94 = tpu.vector_load %arg9[%get3A_92, %get3A_93] {strides = array<i32>} : memref<160x64xf32, #tpu.memory_space<vmem>>, vector<16xf32>,
      %pack3A_95 = tpu.pack_subelements %get3A_91, %get3A_94 {pack_format = #tpu.pack_format<interleaved>, positions = array<i32: 0, 1>} : vector<16xf32>, vector<16xf32> -> vector<32xbf16>
      %swap3A_96 = arith.index_cast %scan3A_81 : i32 to index
      %swap3A_97 = arith.constant 32 : index
      %swap3A_98 = tpu.vector_load %arg10[%swap3A_96, %swap3A_97] {strides = array<i32>} : memref<160x64xbf16, #tpu.memory_space<vmem>>, vector<32xbf16>,
      tpu.vector_store %arg10[%swap3A_96, %swap3A_97], %pack3A_95 {strides = array<i32>} : memref<160x64xbf16, #tpu.memory_space<vmem>>, vector<32xbf16>,
    }
    %scan3A_56 = arith.constant 160 : i32
    "tpu.region"() ({
      %run_scoped3A_81 = tpu.sem_alloc : memref<!tpu.dma_semaphore, #tpu.memory_space<semaphore_mem>>
      %dma_start3A_82 = arith.constant 0 : i32
      %dma_start3A_83 = tpu.memref_slice %arg4[%arg0, %add3A_50, %dma_start3A_82] : memref<2x10240x64xbf16, #tpu.memory_space<hbm>> -> memref<1x160x64xbf16, #tpu.memory_space<hbm>>
      %dma_start3A_84 = tpu.memref_squeeze %dma_start3A_83 : memref<1x160x64xbf16, #tpu.memory_space<hbm>> -> memref<160x64xbf16, #tpu.memory_space<hbm>>
      %dma_start3A_85 = arith.constant 0 : i32
      %dma_start3A_86 = tpu.memref_slice %arg4[%arg0, %add3A_50, %dma_start3A_85] : memref<2x10240x64xbf16, #tpu.memory_space<hbm>> -> memref<1x160x64xbf16, #tpu.memory_space<hbm>>
      %dma_start3A_87 = tpu.memref_squeeze %dma_start3A_86 : memref<1x160x64xbf16, #tpu.memory_space<hbm>> -> memref<160x64xbf16, #tpu.memory_space<hbm>>
      tpu.enqueue_dma source(%arg10 : memref<160x64xbf16, #tpu.memory_space<vmem>>) target(%dma_start3A_87 : memref<160x64xbf16, #tpu.memory_space<hbm>>) target_semaphore(%run_scoped3A_81 : memref<!tpu.dma_semaphore, #tpu.memory_space<semaphore_mem>>)
      %dma_wait3A_88 = arith.constant 0 : i32
      %dma_wait3A_89 = tpu.memref_slice %arg4[%arg0, %add3A_50, %dma_wait3A_88] : memref<2x10240x64xbf16, #tpu.memory_space<hbm>> -> memref<1x160x64xbf16, #tpu.memory_space<hbm>>
      %dma_wait3A_90 = tpu.memref_squeeze %dma_wait3A_89 : memref<1x160x64xbf16, #tpu.memory_space<hbm>> -> memref<160x64xbf16, #tpu.memory_space<hbm>>
      %dma_wait3A_91 = arith.constant 0 : i32
      %dma_wait3A_92 = tpu.memref_slice %arg4[%arg0, %add3A_50, %dma_wait3A_91] : memref<2x10240x64xbf16, #tpu.memory_space<hbm>> -> memref<1x160x64xbf16, #tpu.memory_space<hbm>>
      %dma_wait3A_93 = tpu.memref_squeeze %dma_wait3A_92 : memref<1x160x64xbf16, #tpu.memory_space<hbm>> -> memref<160x64xbf16, #tpu.memory_space<hbm>>
      tpu.wait_dma2 semaphore(%run_scoped3A_81 : memref<!tpu.dma_semaphore, #tpu.memory_space<semaphore_mem>>) src(%arg10 : memref<160x64xbf16, #tpu.memory_space<vmem>>) dst(%dma_wait3A_93 : memref<160x64xbf16, #tpu.memory_space<hbm>>)
      tpu.yield
    }) : () -> ()
    %add3A_57 = arith.constant 160 : i32
    %add3A_58 = arith.addi %mul3A_2, %add3A_57 : i32
    "tpu.region"() ({
      %run_scoped3A_81 = tpu.sem_alloc : memref<!tpu.dma_semaphore, #tpu.memory_space<semaphore_mem>>
      %dma_start3A_82 = arith.constant 0 : i32
      %dma_start3A_83 = tpu.memref_slice %arg12[%add3A_58, %dma_start3A_82] : memref<10240x64xf32, #tpu.memory_space<vmem_shared>> -> memref<160x64xf32, #tpu.memory_space<vmem_shared>>
      %dma_start3A_84 = arith.constant 0 : i32
      %dma_start3A_85 = tpu.memref_slice %arg12[%add3A_58, %dma_start3A_84] : memref<10240x64xf32, #tpu.memory_space<vmem_shared>> -> memref<160x64xf32, #tpu.memory_space<vmem_shared>>
      tpu.enqueue_dma source(%dma_start3A_85 : memref<160x64xf32, #tpu.memory_space<vmem_shared>>) target(%arg9 : memref<160x64xf32, #tpu.memory_space<vmem>>) target_semaphore(%run_scoped3A_81 : memref<!tpu.dma_semaphore, #tpu.memory_space<semaphore_mem>>)
      %dma_wait3A_86 = arith.constant 0 : i32
      %dma_wait3A_87 = tpu.memref_slice %arg12[%add3A_58, %dma_wait3A_86] : memref<10240x64xf32, #tpu.memory_space<vmem_shared>> -> memref<160x64xf32, #tpu.memory_space<vmem_shared>>
      %dma_wait3A_88 = arith.constant 0 : i32
      %dma_wait3A_89 = tpu.memref_slice %arg12[%add3A_58, %dma_wait3A_88] : memref<10240x64xf32, #tpu.memory_space<vmem_shared>> -> memref<160x64xf32, #tpu.memory_space<vmem_shared>>
      tpu.wait_dma2 semaphore(%run_scoped3A_81 : memref<!tpu.dma_semaphore, #tpu.memory_space<semaphore_mem>>) src(%dma_wait3A_89 : memref<160x64xf32, #tpu.memory_space<vmem_shared>>) dst(%arg9 : memref<160x64xf32, #tpu.memory_space<vmem>>)
      tpu.yield
    }) : () -> ()
    %scan3A_59 = arith.constant 0 : i32
    %scan3A_60 = arith.constant 0 : i32
    %scan3A_61 = arith.constant 160 : i32
    %scan3A_62 = arith.addi %scan3A_60, %scan3A_61 : i32
    %scan3A_63 = arith.constant 1 : i32
    scf.for %scan3A_81 = %scan3A_60 to %scan3A_62 step %scan3A_63  : i32 {
      %get3A = arith.index_cast %scan3A_81 : i32 to index
      %get3A_82 = arith.constant 0 : index
      %get3A_83 = tpu.vector_load %arg9[%get3A, %get3A_82] {strides = array<i32>} : memref<160x64xf32, #tpu.memory_space<vmem>>, vector<16xf32>,
      %get3A_84 = arith.index_cast %scan3A_81 : i32 to index
      %get3A_85 = arith.constant 16 : index
      %get3A_86 = tpu.vector_load %arg9[%get3A_84, %get3A_85] {strides = array<i32>} : memref<160x64xf32, #tpu.memory_space<vmem>>, vector<16xf32>,
      %pack3A = tpu.pack_subelements %get3A_83, %get3A_86 {pack_format = #tpu.pack_format<interleaved>, positions = array<i32: 0, 1>} : vector<16xf32>, vector<16xf32> -> vector<32xbf16>
      %swap3A = arith.index_cast %scan3A_81 : i32 to index
      %swap3A_87 = arith.constant 0 : index
      %swap3A_88 = tpu.vector_load %arg10[%swap3A, %swap3A_87] {strides = array<i32>} : memref<160x64xbf16, #tpu.memory_space<vmem>>, vector<32xbf16>,
      tpu.vector_store %arg10[%swap3A, %swap3A_87], %pack3A {strides = array<i32>} : memref<160x64xbf16, #tpu.memory_space<vmem>>, vector<32xbf16>,
      %get3A_89 = arith.index_cast %scan3A_81 : i32 to index
      %get3A_90 = arith.constant 32 : index
      %get3A_91 = tpu.vector_load %arg9[%get3A_89, %get3A_90] {strides = array<i32>} : memref<160x64xf32, #tpu.memory_space<vmem>>, vector<16xf32>,
      %get3A_92 = arith.index_cast %scan3A_81 : i32 to index
      %get3A_93 = arith.constant 48 : index
      %get3A_94 = tpu.vector_load %arg9[%get3A_92, %get3A_93] {strides = array<i32>} : memref<160x64xf32, #tpu.memory_space<vmem>>, vector<16xf32>,
      %pack3A_95 = tpu.pack_subelements %get3A_91, %get3A_94 {pack_format = #tpu.pack_format<interleaved>, positions = array<i32: 0, 1>} : vector<16xf32>, vector<16xf32> -> vector<32xbf16>
      %swap3A_96 = arith.index_cast %scan3A_81 : i32 to index
      %swap3A_97 = arith.constant 32 : index
      %swap3A_98 = tpu.vector_load %arg10[%swap3A_96, %swap3A_97] {strides = array<i32>} : memref<160x64xbf16, #tpu.memory_space<vmem>>, vector<32xbf16>,
      tpu.vector_store %arg10[%swap3A_96, %swap3A_97], %pack3A_95 {strides = array<i32>} : memref<160x64xbf16, #tpu.memory_space<vmem>>, vector<32xbf16>,
    }
    %scan3A_64 = arith.constant 160 : i32
    "tpu.region"() ({
      %run_scoped3A_81 = tpu.sem_alloc : memref<!tpu.dma_semaphore, #tpu.memory_space<semaphore_mem>>
      %dma_start3A_82 = arith.constant 0 : i32
      %dma_start3A_83 = tpu.memref_slice %arg4[%arg0, %add3A_58, %dma_start3A_82] : memref<2x10240x64xbf16, #tpu.memory_space<hbm>> -> memref<1x160x64xbf16, #tpu.memory_space<hbm>>
      %dma_start3A_84 = tpu.memref_squeeze %dma_start3A_83 : memref<1x160x64xbf16, #tpu.memory_space<hbm>> -> memref<160x64xbf16, #tpu.memory_space<hbm>>
      %dma_start3A_85 = arith.constant 0 : i32
      %dma_start3A_86 = tpu.memref_slice %arg4[%arg0, %add3A_58, %dma_start3A_85] : memref<2x10240x64xbf16, #tpu.memory_space<hbm>> -> memref<1x160x64xbf16, #tpu.memory_space<hbm>>
      %dma_start3A_87 = tpu.memref_squeeze %dma_start3A_86 : memref<1x160x64xbf16, #tpu.memory_space<hbm>> -> memref<160x64xbf16, #tpu.memory_space<hbm>>
      tpu.enqueue_dma source(%arg10 : memref<160x64xbf16, #tpu.memory_space<vmem>>) target(%dma_start3A_87 : memref<160x64xbf16, #tpu.memory_space<hbm>>) target_semaphore(%run_scoped3A_81 : memref<!tpu.dma_semaphore, #tpu.memory_space<semaphore_mem>>)
      %dma_wait3A_88 = arith.constant 0 : i32
      %dma_wait3A_89 = tpu.memref_slice %arg4[%arg0, %add3A_58, %dma_wait3A_88] : memref<2x10240x64xbf16, #tpu.memory_space<hbm>> -> memref<1x160x64xbf16, #tpu.memory_space<hbm>>
      %dma_wait3A_90 = tpu.memref_squeeze %dma_wait3A_89 : memref<1x160x64xbf16, #tpu.memory_space<hbm>> -> memref<160x64xbf16, #tpu.memory_space<hbm>>
      %dma_wait3A_91 = arith.constant 0 : i32
      %dma_wait3A_92 = tpu.memref_slice %arg4[%arg0, %add3A_58, %dma_wait3A_91] : memref<2x10240x64xbf16, #tpu.memory_space<hbm>> -> memref<1x160x64xbf16, #tpu.memory_space<hbm>>
      %dma_wait3A_93 = tpu.memref_squeeze %dma_wait3A_92 : memref<1x160x64xbf16, #tpu.memory_space<hbm>> -> memref<160x64xbf16, #tpu.memory_space<hbm>>
      tpu.wait_dma2 semaphore(%run_scoped3A_81 : memref<!tpu.dma_semaphore, #tpu.memory_space<semaphore_mem>>) src(%arg10 : memref<160x64xbf16, #tpu.memory_space<vmem>>) dst(%dma_wait3A_93 : memref<160x64xbf16, #tpu.memory_space<hbm>>)
      tpu.yield
    }) : () -> ()
    %add3A_65 = arith.constant 320 : i32
    %add3A_66 = arith.addi %mul3A_2, %add3A_65 : i32
    "tpu.region"() ({
      %run_scoped3A_81 = tpu.sem_alloc : memref<!tpu.dma_semaphore, #tpu.memory_space<semaphore_mem>>
      %dma_start3A_82 = arith.constant 0 : i32
      %dma_start3A_83 = tpu.memref_slice %arg12[%add3A_66, %dma_start3A_82] : memref<10240x64xf32, #tpu.memory_space<vmem_shared>> -> memref<160x64xf32, #tpu.memory_space<vmem_shared>>
      %dma_start3A_84 = arith.constant 0 : i32
      %dma_start3A_85 = tpu.memref_slice %arg12[%add3A_66, %dma_start3A_84] : memref<10240x64xf32, #tpu.memory_space<vmem_shared>> -> memref<160x64xf32, #tpu.memory_space<vmem_shared>>
      tpu.enqueue_dma source(%dma_start3A_85 : memref<160x64xf32, #tpu.memory_space<vmem_shared>>) target(%arg9 : memref<160x64xf32, #tpu.memory_space<vmem>>) target_semaphore(%run_scoped3A_81 : memref<!tpu.dma_semaphore, #tpu.memory_space<semaphore_mem>>)
      %dma_wait3A_86 = arith.constant 0 : i32
      %dma_wait3A_87 = tpu.memref_slice %arg12[%add3A_66, %dma_wait3A_86] : memref<10240x64xf32, #tpu.memory_space<vmem_shared>> -> memref<160x64xf32, #tpu.memory_space<vmem_shared>>
      %dma_wait3A_88 = arith.constant 0 : i32
      %dma_wait3A_89 = tpu.memref_slice %arg12[%add3A_66, %dma_wait3A_88] : memref<10240x64xf32, #tpu.memory_space<vmem_shared>> -> memref<160x64xf32, #tpu.memory_space<vmem_shared>>
      tpu.wait_dma2 semaphore(%run_scoped3A_81 : memref<!tpu.dma_semaphore, #tpu.memory_space<semaphore_mem>>) src(%dma_wait3A_89 : memref<160x64xf32, #tpu.memory_space<vmem_shared>>) dst(%arg9 : memref<160x64xf32, #tpu.memory_space<vmem>>)
      tpu.yield
    }) : () -> ()
    %scan3A_67 = arith.constant 0 : i32
    %scan3A_68 = arith.constant 0 : i32
    %scan3A_69 = arith.constant 160 : i32
    %scan3A_70 = arith.addi %scan3A_68, %scan3A_69 : i32
    %scan3A_71 = arith.constant 1 : i32
    scf.for %scan3A_81 = %scan3A_68 to %scan3A_70 step %scan3A_71  : i32 {
      %get3A = arith.index_cast %scan3A_81 : i32 to index
      %get3A_82 = arith.constant 0 : index
      %get3A_83 = tpu.vector_load %arg9[%get3A, %get3A_82] {strides = array<i32>} : memref<160x64xf32, #tpu.memory_space<vmem>>, vector<16xf32>,
      %get3A_84 = arith.index_cast %scan3A_81 : i32 to index
      %get3A_85 = arith.constant 16 : index
      %get3A_86 = tpu.vector_load %arg9[%get3A_84, %get3A_85] {strides = array<i32>} : memref<160x64xf32, #tpu.memory_space<vmem>>, vector<16xf32>,
      %pack3A = tpu.pack_subelements %get3A_83, %get3A_86 {pack_format = #tpu.pack_format<interleaved>, positions = array<i32: 0, 1>} : vector<16xf32>, vector<16xf32> -> vector<32xbf16>
      %swap3A = arith.index_cast %scan3A_81 : i32 to index
      %swap3A_87 = arith.constant 0 : index
      %swap3A_88 = tpu.vector_load %arg10[%swap3A, %swap3A_87] {strides = array<i32>} : memref<160x64xbf16, #tpu.memory_space<vmem>>, vector<32xbf16>,
      tpu.vector_store %arg10[%swap3A, %swap3A_87], %pack3A {strides = array<i32>} : memref<160x64xbf16, #tpu.memory_space<vmem>>, vector<32xbf16>,
      %get3A_89 = arith.index_cast %scan3A_81 : i32 to index
      %get3A_90 = arith.constant 32 : index
      %get3A_91 = tpu.vector_load %arg9[%get3A_89, %get3A_90] {strides = array<i32>} : memref<160x64xf32, #tpu.memory_space<vmem>>, vector<16xf32>,
      %get3A_92 = arith.index_cast %scan3A_81 : i32 to index
      %get3A_93 = arith.constant 48 : index
      %get3A_94 = tpu.vector_load %arg9[%get3A_92, %get3A_93] {strides = array<i32>} : memref<160x64xf32, #tpu.memory_space<vmem>>, vector<16xf32>,
      %pack3A_95 = tpu.pack_subelements %get3A_91, %get3A_94 {pack_format = #tpu.pack_format<interleaved>, positions = array<i32: 0, 1>} : vector<16xf32>, vector<16xf32> -> vector<32xbf16>
      %swap3A_96 = arith.index_cast %scan3A_81 : i32 to index
      %swap3A_97 = arith.constant 32 : index
      %swap3A_98 = tpu.vector_load %arg10[%swap3A_96, %swap3A_97] {strides = array<i32>} : memref<160x64xbf16, #tpu.memory_space<vmem>>, vector<32xbf16>,
      tpu.vector_store %arg10[%swap3A_96, %swap3A_97], %pack3A_95 {strides = array<i32>} : memref<160x64xbf16, #tpu.memory_space<vmem>>, vector<32xbf16>,
    }
    %scan3A_72 = arith.constant 160 : i32
    "tpu.region"() ({
      %run_scoped3A_81 = tpu.sem_alloc : memref<!tpu.dma_semaphore, #tpu.memory_space<semaphore_mem>>
      %dma_start3A_82 = arith.constant 0 : i32
      %dma_start3A_83 = tpu.memref_slice %arg4[%arg0, %add3A_66, %dma_start3A_82] : memref<2x10240x64xbf16, #tpu.memory_space<hbm>> -> memref<1x160x64xbf16, #tpu.memory_space<hbm>>
      %dma_start3A_84 = tpu.memref_squeeze %dma_start3A_83 : memref<1x160x64xbf16, #tpu.memory_space<hbm>> -> memref<160x64xbf16, #tpu.memory_space<hbm>>
      %dma_start3A_85 = arith.constant 0 : i32
      %dma_start3A_86 = tpu.memref_slice %arg4[%arg0, %add3A_66, %dma_start3A_85] : memref<2x10240x64xbf16, #tpu.memory_space<hbm>> -> memref<1x160x64xbf16, #tpu.memory_space<hbm>>
      %dma_start3A_87 = tpu.memref_squeeze %dma_start3A_86 : memref<1x160x64xbf16, #tpu.memory_space<hbm>> -> memref<160x64xbf16, #tpu.memory_space<hbm>>
      tpu.enqueue_dma source(%arg10 : memref<160x64xbf16, #tpu.memory_space<vmem>>) target(%dma_start3A_87 : memref<160x64xbf16, #tpu.memory_space<hbm>>) target_semaphore(%run_scoped3A_81 : memref<!tpu.dma_semaphore, #tpu.memory_space<semaphore_mem>>)
      %dma_wait3A_88 = arith.constant 0 : i32
      %dma_wait3A_89 = tpu.memref_slice %arg4[%arg0, %add3A_66, %dma_wait3A_88] : memref<2x10240x64xbf16, #tpu.memory_space<hbm>> -> memref<1x160x64xbf16, #tpu.memory_space<hbm>>
      %dma_wait3A_90 = tpu.memref_squeeze %dma_wait3A_89 : memref<1x160x64xbf16, #tpu.memory_space<hbm>> -> memref<160x64xbf16, #tpu.memory_space<hbm>>
      %dma_wait3A_91 = arith.constant 0 : i32
      %dma_wait3A_92 = tpu.memref_slice %arg4[%arg0, %add3A_66, %dma_wait3A_91] : memref<2x10240x64xbf16, #tpu.memory_space<hbm>> -> memref<1x160x64xbf16, #tpu.memory_space<hbm>>
      %dma_wait3A_93 = tpu.memref_squeeze %dma_wait3A_92 : memref<1x160x64xbf16, #tpu.memory_space<hbm>> -> memref<160x64xbf16, #tpu.memory_space<hbm>>
      tpu.wait_dma2 semaphore(%run_scoped3A_81 : memref<!tpu.dma_semaphore, #tpu.memory_space<semaphore_mem>>) src(%arg10 : memref<160x64xbf16, #tpu.memory_space<vmem>>) dst(%dma_wait3A_93 : memref<160x64xbf16, #tpu.memory_space<hbm>>)
      tpu.yield
    }) : () -> ()
    %add3A_73 = arith.constant 480 : i32
    %add3A_74 = arith.addi %mul3A_2, %add3A_73 : i32
    "tpu.region"() ({
      %run_scoped3A_81 = tpu.sem_alloc : memref<!tpu.dma_semaphore, #tpu.memory_space<semaphore_mem>>
      %dma_start3A_82 = arith.constant 0 : i32
      %dma_start3A_83 = tpu.memref_slice %arg12[%add3A_74, %dma_start3A_82] : memref<10240x64xf32, #tpu.memory_space<vmem_shared>> -> memref<160x64xf32, #tpu.memory_space<vmem_shared>>
      %dma_start3A_84 = arith.constant 0 : i32
      %dma_start3A_85 = tpu.memref_slice %arg12[%add3A_74, %dma_start3A_84] : memref<10240x64xf32, #tpu.memory_space<vmem_shared>> -> memref<160x64xf32, #tpu.memory_space<vmem_shared>>
      tpu.enqueue_dma source(%dma_start3A_85 : memref<160x64xf32, #tpu.memory_space<vmem_shared>>) target(%arg9 : memref<160x64xf32, #tpu.memory_space<vmem>>) target_semaphore(%run_scoped3A_81 : memref<!tpu.dma_semaphore, #tpu.memory_space<semaphore_mem>>)
      %dma_wait3A_86 = arith.constant 0 : i32
      %dma_wait3A_87 = tpu.memref_slice %arg12[%add3A_74, %dma_wait3A_86] : memref<10240x64xf32, #tpu.memory_space<vmem_shared>> -> memref<160x64xf32, #tpu.memory_space<vmem_shared>>
      %dma_wait3A_88 = arith.constant 0 : i32
      %dma_wait3A_89 = tpu.memref_slice %arg12[%add3A_74, %dma_wait3A_88] : memref<10240x64xf32, #tpu.memory_space<vmem_shared>> -> memref<160x64xf32, #tpu.memory_space<vmem_shared>>
      tpu.wait_dma2 semaphore(%run_scoped3A_81 : memref<!tpu.dma_semaphore, #tpu.memory_space<semaphore_mem>>) src(%dma_wait3A_89 : memref<160x64xf32, #tpu.memory_space<vmem_shared>>) dst(%arg9 : memref<160x64xf32, #tpu.memory_space<vmem>>)
      tpu.yield
    }) : () -> ()
    %scan3A_75 = arith.constant 0 : i32
    %scan3A_76 = arith.constant 0 : i32
    %scan3A_77 = arith.constant 160 : i32
    %scan3A_78 = arith.addi %scan3A_76, %scan3A_77 : i32
    %scan3A_79 = arith.constant 1 : i32
    scf.for %scan3A_81 = %scan3A_76 to %scan3A_78 step %scan3A_79  : i32 {
      %get3A = arith.index_cast %scan3A_81 : i32 to index
      %get3A_82 = arith.constant 0 : index
      %get3A_83 = tpu.vector_load %arg9[%get3A, %get3A_82] {strides = array<i32>} : memref<160x64xf32, #tpu.memory_space<vmem>>, vector<16xf32>,
      %get3A_84 = arith.index_cast %scan3A_81 : i32 to index
      %get3A_85 = arith.constant 16 : index
      %get3A_86 = tpu.vector_load %arg9[%get3A_84, %get3A_85] {strides = array<i32>} : memref<160x64xf32, #tpu.memory_space<vmem>>, vector<16xf32>,
      %pack3A = tpu.pack_subelements %get3A_83, %get3A_86 {pack_format = #tpu.pack_format<interleaved>, positions = array<i32: 0, 1>} : vector<16xf32>, vector<16xf32> -> vector<32xbf16>
      %swap3A = arith.index_cast %scan3A_81 : i32 to index
      %swap3A_87 = arith.constant 0 : index
      %swap3A_88 = tpu.vector_load %arg10[%swap3A, %swap3A_87] {strides = array<i32>} : memref<160x64xbf16, #tpu.memory_space<vmem>>, vector<32xbf16>,
      tpu.vector_store %arg10[%swap3A, %swap3A_87], %pack3A {strides = array<i32>} : memref<160x64xbf16, #tpu.memory_space<vmem>>, vector<32xbf16>,
      %get3A_89 = arith.index_cast %scan3A_81 : i32 to index
      %get3A_90 = arith.constant 32 : index
      %get3A_91 = tpu.vector_load %arg9[%get3A_89, %get3A_90] {strides = array<i32>} : memref<160x64xf32, #tpu.memory_space<vmem>>, vector<16xf32>,
      %get3A_92 = arith.index_cast %scan3A_81 : i32 to index
      %get3A_93 = arith.constant 48 : index
      %get3A_94 = tpu.vector_load %arg9[%get3A_92, %get3A_93] {strides = array<i32>} : memref<160x64xf32, #tpu.memory_space<vmem>>, vector<16xf32>,
      %pack3A_95 = tpu.pack_subelements %get3A_91, %get3A_94 {pack_format = #tpu.pack_format<interleaved>, positions = array<i32: 0, 1>} : vector<16xf32>, vector<16xf32> -> vector<32xbf16>
      %swap3A_96 = arith.index_cast %scan3A_81 : i32 to index
      %swap3A_97 = arith.constant 32 : index
      %swap3A_98 = tpu.vector_load %arg10[%swap3A_96, %swap3A_97] {strides = array<i32>} : memref<160x64xbf16, #tpu.memory_space<vmem>>, vector<32xbf16>,
      tpu.vector_store %arg10[%swap3A_96, %swap3A_97], %pack3A_95 {strides = array<i32>} : memref<160x64xbf16, #tpu.memory_space<vmem>>, vector<32xbf16>,
    }
    %scan3A_80 = arith.constant 160 : i32
    "tpu.region"() ({
      %run_scoped3A_81 = tpu.sem_alloc : memref<!tpu.dma_semaphore, #tpu.memory_space<semaphore_mem>>
      %dma_start3A_82 = arith.constant 0 : i32
      %dma_start3A_83 = tpu.memref_slice %arg4[%arg0, %add3A_74, %dma_start3A_82] : memref<2x10240x64xbf16, #tpu.memory_space<hbm>> -> memref<1x160x64xbf16, #tpu.memory_space<hbm>>
      %dma_start3A_84 = tpu.memref_squeeze %dma_start3A_83 : memref<1x160x64xbf16, #tpu.memory_space<hbm>> -> memref<160x64xbf16, #tpu.memory_space<hbm>>
      %dma_start3A_85 = arith.constant 0 : i32
      %dma_start3A_86 = tpu.memref_slice %arg4[%arg0, %add3A_74, %dma_start3A_85] : memref<2x10240x64xbf16, #tpu.memory_space<hbm>> -> memref<1x160x64xbf16, #tpu.memory_space<hbm>>
      %dma_start3A_87 = tpu.memref_squeeze %dma_start3A_86 : memref<1x160x64xbf16, #tpu.memory_space<hbm>> -> memref<160x64xbf16, #tpu.memory_space<hbm>>
      tpu.enqueue_dma source(%arg10 : memref<160x64xbf16, #tpu.memory_space<vmem>>) target(%dma_start3A_87 : memref<160x64xbf16, #tpu.memory_space<hbm>>) target_semaphore(%run_scoped3A_81 : memref<!tpu.dma_semaphore, #tpu.memory_space<semaphore_mem>>)
      %dma_wait3A_88 = arith.constant 0 : i32
      %dma_wait3A_89 = tpu.memref_slice %arg4[%arg0, %add3A_74, %dma_wait3A_88] : memref<2x10240x64xbf16, #tpu.memory_space<hbm>> -> memref<1x160x64xbf16, #tpu.memory_space<hbm>>
      %dma_wait3A_90 = tpu.memref_squeeze %dma_wait3A_89 : memref<1x160x64xbf16, #tpu.memory_space<hbm>> -> memref<160x64xbf16, #tpu.memory_space<hbm>>
      %dma_wait3A_91 = arith.constant 0 : i32
      %dma_wait3A_92 = tpu.memref_slice %arg4[%arg0, %add3A_74, %dma_wait3A_91] : memref<2x10240x64xbf16, #tpu.memory_space<hbm>> -> memref<1x160x64xbf16, #tpu.memory_space<hbm>>
      %dma_wait3A_93 = tpu.memref_squeeze %dma_wait3A_92 : memref<1x160x64xbf16, #tpu.memory_space<hbm>> -> memref<160x64xbf16, #tpu.memory_space<hbm>>
      tpu.wait_dma2 semaphore(%run_scoped3A_81 : memref<!tpu.dma_semaphore, #tpu.memory_space<semaphore_mem>>) src(%arg10 : memref<160x64xbf16, #tpu.memory_space<vmem>>) dst(%dma_wait3A_93 : memref<160x64xbf16, #tpu.memory_space<hbm>>)
      tpu.yield
    }) : () -> ()
    return
  }
}

module attributes {stable_mosaic.version = 14 : i64} {
  func.func @body(%arg0: memref<10240x128xf32, #tpu.memory_space<vmem>>, %arg1: memref<128x128xf32, #tpu.memory_space<vmem>>, %arg2: memref<10240x128xf32, #tpu.memory_space<vmem>>) attributes {dimension_semantics = [], scalar_prefetch = 0 : i64, scratch_operands = 0 : i64, tpu.core_type = #tpu.core_type<tc>} {
    %get3A = arith.constant 0 : index
    %get3A_0 = arith.constant 0 : index
    %get3A_1 = vector.load %arg0[%get3A, %get3A_0] : memref<10240x128xf32, #tpu.memory_space<vmem>>, vector<10240x128xf32>
    %get3A_2 = arith.constant 0 : index
    %get3A_3 = arith.constant 0 : index
    %get3A_4 = vector.load %arg1[%get3A_2, %get3A_3] : memref<128x128xf32, #tpu.memory_space<vmem>>, vector<128x128xf32>
    %dot_general3A = arith.constant dense<0.000000e+00> : vector<10240x128xf32>
    %dot_general3A_5 = tpu.matmul %get3A_1, %get3A_4, %dot_general3A {dimension_numbers = #tpu.dot_dimension_numbers<[1], [0], [0], [1], [0, 0, 1, 1], [], []>, transpose_lhs_hint = false} : vector<10240x128xf32>, vector<128x128xf32>, vector<10240x128xf32> -> vector<10240x128xf32>
    %swap3A = arith.constant 0 : index
    %swap3A_6 = arith.constant 0 : index
    %swap3A_7 = vector.load %arg2[%swap3A, %swap3A_6] : memref<10240x128xf32, #tpu.memory_space<vmem>>, vector<10240x128xf32>
    tpu.vector_store %arg2[%swap3A, %swap3A_6], %dot_general3A_5 {strides = array<i32>} : memref<10240x128xf32, #tpu.memory_space<vmem>>, vector<10240x128xf32>,
    return
  }
}

module attributes {stable_mosaic.version = 14 : i64} {
  func.func @body(%arg0: memref<10240x128xf32, #tpu.memory_space<vmem>>, %arg1: memref<2x2x10240x1xf32, #tpu.memory_space<vmem>>, %arg2: memref<10240x64xbf16, #tpu.memory_space<vmem>>, %arg3: memref<10240x64xbf16, #tpu.memory_space<vmem>>, %arg4: memref<10240x1xf32, #tpu.memory_space<vmem>>, %arg5: memref<10240x1xf32, #tpu.memory_space<vmem>>) attributes {dimension_semantics = [], scalar_prefetch = 0 : i64, scratch_operands = 0 : i64, tpu.core_type = #tpu.core_type<tc>} {
    %get3A = arith.constant 0 : index
    %get3A_0 = arith.constant 0 : index
    %get3A_1 = arith.constant 0 : index
    %get3A_2 = arith.constant 0 : index
    %get3A_3 = vector.load %arg1[%get3A, %get3A_0, %get3A_1, %get3A_2] : memref<2x2x10240x1xf32, #tpu.memory_space<vmem>>, vector<1x1x10240x1xf32>
    %get3A_4 = vector.shape_cast %get3A_3 : vector<1x1x10240x1xf32> to vector<10240x1xf32>
    %get3A_5 = arith.constant 1 : index
    %get3A_6 = arith.constant 0 : index
    %get3A_7 = arith.constant 0 : index
    %get3A_8 = arith.constant 0 : index
    %get3A_9 = vector.load %arg1[%get3A_5, %get3A_6, %get3A_7, %get3A_8] : memref<2x2x10240x1xf32, #tpu.memory_space<vmem>>, vector<1x1x10240x1xf32>
    %get3A_10 = vector.shape_cast %get3A_9 : vector<1x1x10240x1xf32> to vector<10240x1xf32>
    %add3A = arith.addf %get3A_4, %get3A_10 : vector<10240x1xf32>
    %max3A = arith.constant 1.000000e+00 : f32
    %max3A_11 = vector.broadcast %max3A : f32 to vector<10240x1xf32>
    %max3A_12 = arith.maximumf %add3A, %max3A_11 : vector<10240x1xf32>
    %get3A_13 = arith.constant 0 : index
    %get3A_14 = arith.constant 1 : index
    %get3A_15 = arith.constant 0 : index
    %get3A_16 = arith.constant 0 : index
    %get3A_17 = vector.load %arg1[%get3A_13, %get3A_14, %get3A_15, %get3A_16] : memref<2x2x10240x1xf32, #tpu.memory_space<vmem>>, vector<1x1x10240x1xf32>
    %get3A_18 = vector.shape_cast %get3A_17 : vector<1x1x10240x1xf32> to vector<10240x1xf32>
    %get3A_19 = arith.constant 1 : index
    %get3A_20 = arith.constant 1 : index
    %get3A_21 = arith.constant 0 : index
    %get3A_22 = arith.constant 0 : index
    %get3A_23 = vector.load %arg1[%get3A_19, %get3A_20, %get3A_21, %get3A_22] : memref<2x2x10240x1xf32, #tpu.memory_space<vmem>>, vector<1x1x10240x1xf32>
    %get3A_24 = vector.shape_cast %get3A_23 : vector<1x1x10240x1xf32> to vector<10240x1xf32>
    %add3A_25 = arith.addf %get3A_18, %get3A_24 : vector<10240x1xf32>
    %max3A_26 = arith.constant 1.000000e+00 : f32
    %max3A_27 = vector.broadcast %max3A_26 : f32 to vector<10240x1xf32>
    %max3A_28 = arith.maximumf %add3A_25, %max3A_27 : vector<10240x1xf32>
    %rsqrt3A = math.rsqrt %max3A_12 : vector<10240x1xf32>
    %rsqrt3A_29 = math.rsqrt %max3A_28 : vector<10240x1xf32>
    %swap3A = arith.constant 0 : index
    %swap3A_30 = arith.constant 0 : index
    %swap3A_31 = vector.load %arg4[%swap3A, %swap3A_30] : memref<10240x1xf32, #tpu.memory_space<vmem>>, vector<10240x1xf32>
    tpu.vector_store %arg4[%swap3A, %swap3A_30], %rsqrt3A {strides = array<i32>} : memref<10240x1xf32, #tpu.memory_space<vmem>>, vector<10240x1xf32>,
    %swap3A_32 = arith.constant 0 : index
    %swap3A_33 = arith.constant 0 : index
    %swap3A_34 = vector.load %arg5[%swap3A_32, %swap3A_33] : memref<10240x1xf32, #tpu.memory_space<vmem>>, vector<10240x1xf32>
    tpu.vector_store %arg5[%swap3A_32, %swap3A_33], %rsqrt3A_29 {strides = array<i32>} : memref<10240x1xf32, #tpu.memory_space<vmem>>, vector<10240x1xf32>,
    %get3A_35 = arith.constant 0 : index
    %get3A_36 = arith.constant 0 : index
    %get3A_37 = vector.load %arg0[%get3A_35, %get3A_36] : memref<10240x128xf32, #tpu.memory_space<vmem>>, vector<10240x128xf32>
    %mul3A = vector.broadcast %rsqrt3A : vector<10240x1xf32> to vector<10240x128xf32>
    %mul3A_38 = arith.mulf %get3A_37, %mul3A : vector<10240x128xf32>
    %slice3A = vector.extract_strided_slice %mul3A_38 {offsets = [0, 0], sizes = [10240, 64], strides = [1, 1]} : vector<10240x128xf32> to vector<10240x64xf32>
    %convert_element_type3A = arith.truncf %slice3A : vector<10240x64xf32> to vector<10240x64xbf16>
    %swap3A_39 = arith.constant 0 : index
    %swap3A_40 = arith.constant 0 : index
    %swap3A_41 = vector.load %arg2[%swap3A_39, %swap3A_40] : memref<10240x64xbf16, #tpu.memory_space<vmem>>, vector<10240x64xbf16>
    tpu.vector_store %arg2[%swap3A_39, %swap3A_40], %convert_element_type3A {strides = array<i32>} : memref<10240x64xbf16, #tpu.memory_space<vmem>>, vector<10240x64xbf16>,
    %slice3A_42 = vector.extract_strided_slice %mul3A_38 {offsets = [0, 64], sizes = [10240, 64], strides = [1, 1]} : vector<10240x128xf32> to vector<10240x64xf32>
    %convert_element_type3A_43 = arith.truncf %slice3A_42 : vector<10240x64xf32> to vector<10240x64xbf16>
    %swap3A_44 = arith.constant 0 : index
    %swap3A_45 = arith.constant 0 : index
    %swap3A_46 = vector.load %arg3[%swap3A_44, %swap3A_45] : memref<10240x64xbf16, #tpu.memory_space<vmem>>, vector<10240x64xbf16>
    tpu.vector_store %arg3[%swap3A_44, %swap3A_45], %convert_element_type3A_43 {strides = array<i32>} : memref<10240x64xbf16, #tpu.memory_space<vmem>>, vector<10240x64xbf16>,
    return
  }
}

module attributes {stable_mosaic.version = 14 : i64} {
  func.func @body(%arg0: memref<2x10240x64xbf16, #tpu.memory_space<vmem>>, %arg1: memref<2x10240x64xbf16, #tpu.memory_space<vmem>>, %arg2: memref<10240x1xf32, #tpu.memory_space<vmem>>, %arg3: memref<10240x1xf32, #tpu.memory_space<vmem>>, %arg4: memref<128x64xf32, #tpu.memory_space<vmem>>, %arg5: memref<10240x64xbf16, #tpu.memory_space<vmem>>) attributes {dimension_semantics = [], scalar_prefetch = 0 : i64, scratch_operands = 0 : i64, tpu.core_type = #tpu.core_type<tc>} {
    %get3A = arith.constant 0 : index
    %get3A_0 = arith.constant 0 : index
    %get3A_1 = arith.constant 0 : index
    %get3A_2 = vector.load %arg0[%get3A, %get3A_0, %get3A_1] : memref<2x10240x64xbf16, #tpu.memory_space<vmem>>, vector<1x10240x64xbf16>
    %get3A_3 = vector.shape_cast %get3A_2 : vector<1x10240x64xbf16> to vector<10240x64xbf16>
    %convert_element_type3A = arith.extf %get3A_3 : vector<10240x64xbf16> to vector<10240x64xf32>
    %get3A_4 = arith.constant 1 : index
    %get3A_5 = arith.constant 0 : index
    %get3A_6 = arith.constant 0 : index
    %get3A_7 = vector.load %arg0[%get3A_4, %get3A_5, %get3A_6] : memref<2x10240x64xbf16, #tpu.memory_space<vmem>>, vector<1x10240x64xbf16>
    %get3A_8 = vector.shape_cast %get3A_7 : vector<1x10240x64xbf16> to vector<10240x64xbf16>
    %convert_element_type3A_9 = arith.extf %get3A_8 : vector<10240x64xbf16> to vector<10240x64xf32>
    %add3A = arith.addf %convert_element_type3A, %convert_element_type3A_9 : vector<10240x64xf32>
    %get3A_10 = arith.constant 0 : index
    %get3A_11 = arith.constant 0 : index
    %get3A_12 = vector.load %arg3[%get3A_10, %get3A_11] : memref<10240x1xf32, #tpu.memory_space<vmem>>, vector<10240x1xf32>
    %mul3A = vector.broadcast %get3A_12 : vector<10240x1xf32> to vector<10240x64xf32>
    %mul3A_13 = arith.mulf %add3A, %mul3A : vector<10240x64xf32>
    %ge3A = arith.constant 0.000000e+00 : f32
    %ge3A_14 = vector.broadcast %ge3A : f32 to vector<10240x64xf32>
    %ge3A_15 = arith.cmpf oge, %mul3A_13, %ge3A_14 : vector<10240x64xf32>
    %mul3A_16 = arith.constant 0.00999999977 : f32
    %mul3A_17 = vector.broadcast %mul3A_16 : f32 to vector<10240x64xf32>
    %mul3A_18 = arith.mulf %mul3A_17, %mul3A_13 : vector<10240x64xf32>
    %select_n3A = arith.select %ge3A_15, %mul3A_13, %mul3A_18 : vector<10240x64xi1>, vector<10240x64xf32>
    %get3A_19 = arith.constant 0 : index
    %get3A_20 = arith.constant 0 : index
    %get3A_21 = vector.load %arg2[%get3A_19, %get3A_20] : memref<10240x1xf32, #tpu.memory_space<vmem>>, vector<10240x1xf32>
    %mul3A_22 = vector.broadcast %get3A_21 : vector<10240x1xf32> to vector<10240x64xf32>
    %mul3A_23 = arith.mulf %select_n3A, %mul3A_22 : vector<10240x64xf32>
    %get3A_24 = arith.constant 0 : index
    %get3A_25 = arith.constant 0 : index
    %get3A_26 = arith.constant 0 : index
    %get3A_27 = vector.load %arg1[%get3A_24, %get3A_25, %get3A_26] : memref<2x10240x64xbf16, #tpu.memory_space<vmem>>, vector<1x10240x64xbf16>
    %get3A_28 = vector.shape_cast %get3A_27 : vector<1x10240x64xbf16> to vector<10240x64xbf16>
    %convert_element_type3A_29 = arith.extf %get3A_28 : vector<10240x64xbf16> to vector<10240x64xf32>
    %get3A_30 = arith.constant 1 : index
    %get3A_31 = arith.constant 0 : index
    %get3A_32 = arith.constant 0 : index
    %get3A_33 = vector.load %arg1[%get3A_30, %get3A_31, %get3A_32] : memref<2x10240x64xbf16, #tpu.memory_space<vmem>>, vector<1x10240x64xbf16>
    %get3A_34 = vector.shape_cast %get3A_33 : vector<1x10240x64xbf16> to vector<10240x64xbf16>
    %convert_element_type3A_35 = arith.extf %get3A_34 : vector<10240x64xbf16> to vector<10240x64xf32>
    %add3A_36 = arith.addf %convert_element_type3A_29, %convert_element_type3A_35 : vector<10240x64xf32>
    %get3A_37 = arith.constant 0 : index
    %get3A_38 = arith.constant 0 : index
    %get3A_39 = vector.load %arg3[%get3A_37, %get3A_38] : memref<10240x1xf32, #tpu.memory_space<vmem>>, vector<10240x1xf32>
    %mul3A_40 = vector.broadcast %get3A_39 : vector<10240x1xf32> to vector<10240x64xf32>
    %mul3A_41 = arith.mulf %add3A_36, %mul3A_40 : vector<10240x64xf32>
    %ge3A_42 = arith.constant 0.000000e+00 : f32
    %ge3A_43 = vector.broadcast %ge3A_42 : f32 to vector<10240x64xf32>
    %ge3A_44 = arith.cmpf oge, %mul3A_41, %ge3A_43 : vector<10240x64xf32>
    %mul3A_45 = arith.constant 0.00999999977 : f32
    %mul3A_46 = vector.broadcast %mul3A_45 : f32 to vector<10240x64xf32>
    %mul3A_47 = arith.mulf %mul3A_46, %mul3A_41 : vector<10240x64xf32>
    %select_n3A_48 = arith.select %ge3A_44, %mul3A_41, %mul3A_47 : vector<10240x64xi1>, vector<10240x64xf32>
    %get3A_49 = arith.constant 0 : index
    %get3A_50 = arith.constant 0 : index
    %get3A_51 = vector.load %arg2[%get3A_49, %get3A_50] : memref<10240x1xf32, #tpu.memory_space<vmem>>, vector<10240x1xf32>
    %mul3A_52 = vector.broadcast %get3A_51 : vector<10240x1xf32> to vector<10240x64xf32>
    %mul3A_53 = arith.mulf %select_n3A_48, %mul3A_52 : vector<10240x64xf32>
    %get3A_54 = arith.constant 0 : index
    %get3A_55 = arith.constant 0 : index
    %get3A_56 = vector.load %arg4[%get3A_54, %get3A_55] : memref<128x64xf32, #tpu.memory_space<vmem>>, vector<64x64xf32>
    %dot_general3A = arith.constant dense<0.000000e+00> : vector<10240x64xf32>
    %dot_general3A_57 = tpu.matmul %mul3A_23, %get3A_56, %dot_general3A {dimension_numbers = #tpu.dot_dimension_numbers<[1], [0], [0], [1], [0, 0, 1, 1], [], []>, transpose_lhs_hint = false} : vector<10240x64xf32>, vector<64x64xf32>, vector<10240x64xf32> -> vector<10240x64xf32>
    %get3A_58 = arith.constant 64 : index
    %get3A_59 = arith.constant 0 : index
    %get3A_60 = vector.load %arg4[%get3A_58, %get3A_59] : memref<128x64xf32, #tpu.memory_space<vmem>>, vector<64x64xf32>
    %dot_general3A_61 = arith.constant dense<0.000000e+00> : vector<10240x64xf32>
    %dot_general3A_62 = tpu.matmul %mul3A_53, %get3A_60, %dot_general3A_61 {dimension_numbers = #tpu.dot_dimension_numbers<[1], [0], [0], [1], [0, 0, 1, 1], [], []>, transpose_lhs_hint = false} : vector<10240x64xf32>, vector<64x64xf32>, vector<10240x64xf32> -> vector<10240x64xf32>
    %add3A_63 = arith.addf %dot_general3A_57, %dot_general3A_62 : vector<10240x64xf32>
    %convert_element_type3A_64 = arith.truncf %add3A_63 : vector<10240x64xf32> to vector<10240x64xbf16>
    %swap3A = arith.constant 0 : index
    %swap3A_65 = arith.constant 0 : index
    %swap3A_66 = vector.load %arg5[%swap3A, %swap3A_65] : memref<10240x64xbf16, #tpu.memory_space<vmem>>, vector<10240x64xbf16>
    tpu.vector_store %arg5[%swap3A, %swap3A_65], %convert_element_type3A_64 {strides = array<i32>} : memref<10240x64xbf16, #tpu.memory_space<vmem>>, vector<10240x64xbf16>,
    return
  }
}

module attributes {stable_mosaic.version = 14 : i64} {
  func.func @body(%arg0: memref<2x10240x64xbf16, #tpu.memory_space<vmem>>, %arg1: memref<10240x1xf32, #tpu.memory_space<vmem>>, %arg2: memref<32x64xf32, #tpu.memory_space<vmem>>, %arg3: memref<32xf32, #tpu.memory_space<vmem>>, %arg4: memref<16x32xf32, #tpu.memory_space<vmem>>, %arg5: memref<1x16xf32, #tpu.memory_space<vmem>>) attributes {dimension_semantics = [], scalar_prefetch = 0 : i64, scratch_operands = 0 : i64, tpu.core_type = #tpu.core_type<tc>} {
    %get3A = arith.constant 0 : index
    %get3A_0 = arith.constant 0 : index
    %get3A_1 = arith.constant 0 : index
    %get3A_2 = vector.load %arg0[%get3A, %get3A_0, %get3A_1] : memref<2x10240x64xbf16, #tpu.memory_space<vmem>>, vector<1x10240x64xbf16>
    %get3A_3 = vector.shape_cast %get3A_2 : vector<1x10240x64xbf16> to vector<10240x64xbf16>
    %convert_element_type3A = arith.extf %get3A_3 : vector<10240x64xbf16> to vector<10240x64xf32>
    %get3A_4 = arith.constant 1 : index
    %get3A_5 = arith.constant 0 : index
    %get3A_6 = arith.constant 0 : index
    %get3A_7 = vector.load %arg0[%get3A_4, %get3A_5, %get3A_6] : memref<2x10240x64xbf16, #tpu.memory_space<vmem>>, vector<1x10240x64xbf16>
    %get3A_8 = vector.shape_cast %get3A_7 : vector<1x10240x64xbf16> to vector<10240x64xbf16>
    %convert_element_type3A_9 = arith.extf %get3A_8 : vector<10240x64xbf16> to vector<10240x64xf32>
    %add3A = arith.addf %convert_element_type3A, %convert_element_type3A_9 : vector<10240x64xf32>
    %get3A_10 = arith.constant 0 : index
    %get3A_11 = arith.constant 0 : index
    %get3A_12 = vector.load %arg1[%get3A_10, %get3A_11] : memref<10240x1xf32, #tpu.memory_space<vmem>>, vector<10240x1xf32>
    %mul3A = vector.broadcast %get3A_12 : vector<10240x1xf32> to vector<10240x64xf32>
    %mul3A_13 = arith.mulf %add3A, %mul3A : vector<10240x64xf32>
    %ge3A = arith.constant 0.000000e+00 : f32
    %ge3A_14 = vector.broadcast %ge3A : f32 to vector<10240x64xf32>
    %ge3A_15 = arith.cmpf oge, %mul3A_13, %ge3A_14 : vector<10240x64xf32>
    %mul3A_16 = arith.constant 0.00999999977 : f32
    %mul3A_17 = vector.broadcast %mul3A_16 : f32 to vector<10240x64xf32>
    %mul3A_18 = arith.mulf %mul3A_17, %mul3A_13 : vector<10240x64xf32>
    %select_n3A = arith.select %ge3A_15, %mul3A_13, %mul3A_18 : vector<10240x64xi1>, vector<10240x64xf32>
    %reduce_sum3A = arith.constant dense<0.000000e+00> : vector<64xf32>
    %reduce_sum3A_19 = vector.multi_reduction <add>, %select_n3A, %reduce_sum3A [0] : vector<10240x64xf32> to vector<64xf32>
    %broadcast_in_dim3A = vector.shape_cast %reduce_sum3A_19 : vector<64xf32> to vector<1x64xf32>
    %mul3A_20 = arith.constant 9.99999974E-5 : f32
    %mul3A_21 = vector.broadcast %mul3A_20 : f32 to vector<1x64xf32>
    %mul3A_22 = arith.mulf %broadcast_in_dim3A, %mul3A_21 : vector<1x64xf32>
    %get3A_23 = arith.constant 0 : index
    %get3A_24 = arith.constant 0 : index
    %get3A_25 = vector.load %arg2[%get3A_23, %get3A_24] : memref<32x64xf32, #tpu.memory_space<vmem>>, vector<32x64xf32>
    %dot_general3A = arith.constant dense<0.000000e+00> : vector<1x32xf32>
    %dot_general3A_26 = tpu.matmul %mul3A_22, %get3A_25, %dot_general3A {dimension_numbers = #tpu.dot_dimension_numbers<[1], [1], [0], [0], [0, 0, 1, 0], [], []>, transpose_lhs_hint = false} : vector<1x64xf32>, vector<32x64xf32>, vector<1x32xf32> -> vector<1x32xf32>
    %get3A_27 = arith.constant 0 : index
    %get3A_28 = vector.load %arg3[%get3A_27] : memref<32xf32, #tpu.memory_space<vmem>>, vector<32xf32>
    %broadcast_in_dim3A_29 = vector.shape_cast %get3A_28 : vector<32xf32> to vector<1x32xf32>
    %add3A_30 = arith.addf %dot_general3A_26, %broadcast_in_dim3A_29 : vector<1x32xf32>
    %get3A_31 = arith.constant 0 : index
    %get3A_32 = arith.constant 0 : index
    %get3A_33 = vector.load %arg4[%get3A_31, %get3A_32] : memref<16x32xf32, #tpu.memory_space<vmem>>, vector<16x32xf32>
    %dot_general3A_34 = arith.constant dense<0.000000e+00> : vector<1x16xf32>
    %dot_general3A_35 = tpu.matmul %add3A_30, %get3A_33, %dot_general3A_34 {dimension_numbers = #tpu.dot_dimension_numbers<[1], [1], [0], [0], [0, 0, 1, 0], [], []>, transpose_lhs_hint = false} : vector<1x32xf32>, vector<16x32xf32>, vector<1x16xf32> -> vector<1x16xf32>
    %swap3A = arith.constant 0 : index
    %swap3A_36 = arith.constant 0 : index
    %swap3A_37 = vector.load %arg5[%swap3A, %swap3A_36] : memref<1x16xf32, #tpu.memory_space<vmem>>, vector<1x16xf32>
    tpu.vector_store %arg5[%swap3A, %swap3A_36], %dot_general3A_35 {strides = array<i32>} : memref<1x16xf32, #tpu.memory_space<vmem>>, vector<1x16xf32>,
    return
  }
}

</mosaic_0001>

<sc_bundles>
// kernel: kernel.10.cloned.1.call-start
scs
__scs_entry_jumppad:
0x0: {  	(pc) =	sbr.rel $0x88, $3  }
0x1: {  	(tag) =	ssettag $0x0;
	lr =	simm.s32 $0x1  }
0x2: {  	[smem:$0x3F9A] =	sst lr;
	_ =	strace $0xD0000000  }
0x3: {  	_ = 	snop  }
0x4: {  	_ = 	snop  }
0x5: {  	_ = 	snop  }
0x6: {  	_ = 	snop  }
0x7: {  	_ = 	snop  }
__scs_overlays_trampoline_lowered:
0x8: {  	[smem:$0x3FA9] =	sst s0  }
0x9: {  	[smem:$0x3FAA] =	sst s1  }
0xa: {  	[smem:$0x3FAB] =	sst s2  }
0xb: {  	[smem:$0x3FAC] =	sst s3  }
0xc: {  	[smem:$0x3FAD] =	sst s4  }
0xd: {  	[smem:$0x3FAE] =	sst s5  }
0xe: {  	[smem:$0x3FAF] =	sst s6  }
0xf: {  	[smem:$0x3FB0] =	sst s7  }
0x10: {  	[smem:$0x3FB1] =	sst s8  }
0x11: {  	[smem:$0x3FB2] =	sst s9;
	s0 =	simm.s32 @!p0 $0x0  }
0x12: {  	s1 =	sld [smem:$0x3F98];
	s0 =	simm.s32 @p0 $0x1  }
0x13: {  	[smem:$0x3FB3] =	sst s0;
	s0 =	simm.s32 @!p1 $0x0  }
0x14: {  	s2 =	sld [smem:$0x3F97];
	s0 =	simm.s32 @p1 $0x1  }
0x15: {  	[smem:$0x3FB4] =	sst s0;
	s0 =	simm.s32 @!p2 $0x0  }
0x16: {  	s3 =	sld [smem:$0x3FDB];
	s0 =	simm.s32 @p2 $0x1  }
0x17: {  	s4 =	simm.s32 $0x1BF5;
	[smem:$0x3FB6] =	sst s0  }
0x18: {  	s0 =	sld [smem:$0x3F99];
	_ =	swait.ge [sflag:s4], $0x0  }
0x19: {  	s7 =	sld [smem:$0x3F9A]  }
0x1a: {  	s8 =	sadd.s32 $0xFFFFE003, lr  }
0x1b: {  	s9 =	sadd.s32 $0xFFFFFEF7, lr;
	s5 =	simm.s32 $0xFFFFFFFF;
	p2 =	slt.u32 s8, $0xFFFFF086  }
0x1c: {  	p1 =	slt.u32 s9, $0xF7A;
	s5 =	simm.s32 @!p2 $0x0  }
0x1d: {  	s5 =	simm.s32 @p1 $0x1;
	p0 =	seq.s32 s7, s2  }
0x1e: {  	s7 =	smul.u32 @!p0 $0xF7A, s2;
	p2 =	seq.s32 @!p0 s5, $0x0  }
0x1f: {  	s9 =	smul.u32 $0xF7A, s1;
	s8 =	simm.s32 @!p0 $0x1BF5;
	p2 =	por !p2, p0  }
0x20: {  	[sflag:s8] =	ssyncset.s32 @!p0 $0xFFFFF086;
	s6 =	sadd.s32 @!p0 s3, s7;
	s7 =	simm.s32 @!p0 $0x108  }
0x21: {  	s3 =	sadd.s32 s3, s9;
	s6 =	sadd.s32 @!p0 $0x88, s6;
	s7 =	simm.s32 @p2 $0x1082  }
0x22: {  	[simem:s7], [sflag:s8] =	dma.local @!p0 [hbm:s6], $0xF7A  }
0x23: {  	s9 =	sor.u32 $0xD0000000, s2;
	s6 =	simm.s32 $0x108;
	_ =	swait.ge @!p0 [sflag:s8], $0x0  }
0x24: {  	s3 =	sadd.s32 $0x88, s3;
	s6 =	simm.s32 @!p1 $0x1082;
	[sflag:s4] =	ssyncset.s32 $0xFFFFF086  }
0x25: {  	[simem:s6], [sflag:s4] =	dma.local [hbm:s3], $0xF7A  }
0x26: {  	[smem:$0x3F9A] =	sst s1;
	(tag) =	ssettag s2;
	_ =	strace s9  }
0x27: {  	s1 =	sld [smem:$0x3FAA]  }
0x28: {  	s2 =	sld [smem:$0x3FAB]  }
0x29: {  	s4 =	sld [smem:$0x3FAD]  }
0x2a: {  	p0 =	seq.s32 s5, $0x0;
	s5 =	sld [smem:$0x3FAE]  }
0x2b: {  	s6 =	sld [smem:$0x3FAF]  }
0x2c: {  	s7 =	sld [smem:$0x3FB0]  }
0x2d: {  	s3 =	simm.s32 $0x108;
	s8 =	sld [smem:$0x3FB1]  }
0x2e: {  	s3 =	simm.s32 @!p0 $0x1082;
	s9 =	sld [smem:$0x3FB2]  }
0x2f: {  	lr =	sadd.s32 s0, s3;
	s0 =	sld [smem:$0x3FA9]  }
0x30: {  	s3 =	sld [smem:$0x3FAC]  }
0x31: {  	[smem:$0x3FB5] =	sst s10  }
0x32: {  	s10 =	sld [smem:$0x3FB3];
	_ =	sdelay $0x3  }
0x33: {  	p0 =	seq.s32 s10, $0x1;
	s10 =	sld [smem:$0x3FB5];
	_ =	sdelay $0x3  }
0x34: {  	[smem:$0x3FB5] =	sst s10  }
0x35: {  	s10 =	sld [smem:$0x3FB4];
	_ =	sdelay $0x3  }
0x36: {  	p1 =	seq.s32 s10, $0x1;
	s10 =	sld [smem:$0x3FB5];
	_ =	sdelay $0x3  }
0x37: {  	[smem:$0x3FB5] =	sst s10  }
0x38: {  	s10 =	sld [smem:$0x3FB6]  }
0x39: {  	_ = 	snop;
	(pc) =	sbr.ind lr, $3  }
0x3a: {  	_ = 	snop  }
0x3b: {  	_ = 	snop  }
0x3c: {  	p2 =	seq.s32 s10, $0x1;
	s10 =	sld [smem:$0x3FB5]  }
0x3d: {  	_ =	shalt  }
0x3e: {  	_ =	shalt  }
0x3f: {  	_ =	shalt  }
0x40: {  	_ =	shalt  }
0x41: {  	_ =	shalt  }
0x42: {  	_ =	shalt  }
0x43: {  	_ =	shalt  }
0x44: {  	_ =	shalt  }
0x45: {  	_ =	shalt  }
0x46: {  	_ =	shalt  }
0x47: {  	_ =	shalt  }
0x48: {  	_ =	shalt  }
0x49: {  	_ =	shalt  }
0x4a: {  	_ =	shalt  }
0x4b: {  	_ =	shalt  }
0x4c: {  	_ =	shalt  }
0x4d: {  	_ =	shalt  }
0x4e: {  	_ =	shalt  }
0x4f: {  	_ =	shalt  }
0x50: {  	_ =	shalt  }
0x51: {  	_ =	shalt  }
0x52: {  	_ =	shalt  }
0x53: {  	_ =	shalt  }
0x54: {  	_ =	shalt  }
0x55: {  	_ =	shalt  }
0x56: {  	_ =	shalt  }
0x57: {  	_ =	shalt  }
0x58: {  	_ =	shalt  }
0x59: {  	_ =	shalt  }
0x5a: {  	_ =	shalt  }
0x5b: {  	_ =	shalt  }
0x5c: {  	_ =	shalt  }
0x5d: {  	_ =	shalt  }
0x5e: {  	_ =	shalt  }
0x5f: {  	_ =	shalt  }
0x60: {  	_ =	shalt  }
0x61: {  	_ =	shalt  }
0x62: {  	_ =	shalt  }
0x63: {  	_ =	shalt  }
0x64: {  	_ =	shalt  }
0x65: {  	_ =	shalt  }
0x66: {  	_ =	shalt  }
0x67: {  	_ =	shalt  }
0x68: {  	_ =	shalt  }
0x69: {  	_ =	shalt  }
0x6a: {  	_ =	shalt  }
0x6b: {  	_ =	shalt  }
0x6c: {  	_ =	shalt  }
0x6d: {  	_ =	shalt  }
0x6e: {  	_ =	shalt  }
0x6f: {  	_ =	shalt  }
0x70: {  	_ =	shalt  }
0x71: {  	_ =	shalt  }
0x72: {  	_ =	shalt  }
0x73: {  	_ =	shalt  }
0x74: {  	_ =	shalt  }
0x75: {  	_ =	shalt  }
0x76: {  	_ =	shalt  }
0x77: {  	_ =	shalt  }
0x78: {  	_ =	shalt  }
0x79: {  	_ =	shalt  }
0x7a: {  	_ =	shalt  }
0x7b: {  	_ =	shalt  }
0x7c: {  	_ =	shalt  }
0x7d: {  	_ =	shalt  }
0x7e: {  	_ =	shalt  }
0x7f: {  	_ =	shalt  }
0x80: {  	_ =	shalt  }
0x81: {  	_ =	shalt  }
0x82: {  	_ =	shalt  }
0x83: {  	_ =	shalt  }
0x84: {  	_ =	shalt  }
0x85: {  	_ =	shalt  }
0x86: {  	_ =	shalt  }
0x87: {  	_ =	shalt  }
.Lfunc_end0:
.L_simem_size_0:
called_computation_lowered:
.L_overlay_start_0:
0x88: {  	s2 =	sld [smem:$0x3FD9]  }
0x89: {  	s3 =	sld [smem:$0x3FFE];
	_ =	sdelay $0x1  }
0x8a: {  	s1 =	srdreg.scid  }
0x8b: {  	s0 =	sand.u32 $0x1, s1  }
0x8c: {  	s16 =	sshll.u32 s0, $0xA;
	s2 =	sadd.s32 s3, s2  }
0x8d: {  	s2 =	sadd.s32 s2, s16  }
0x8e: {  	[smem:$0x3FC1] =	sst s2  }
0x8f: {  	_ = 	snop  }
0x90: {  	(tm) =	ssettm $0x1  }
0x91: {  	s17 =	sld [smem:$0x3FFB];
	_ =	sdelay $0x3  }
0x92: {  	_ =	strace s17  }
0x93: {  	s2 =	sld [smem:$0x3FFC];
	_ =	sdelay $0x3  }
0x94: {  	_ =	strace s2  }
0x95: {  	s2 =	sld [smem:$0x3FFD];
	_ =	sdelay $0x3  }
0x96: {  	_ =	strace s2  }
0x97: {  	_ =	strace $0x8FFFFFFF  }
0x98: {  	s18 =	sld [smem:$0x3FDB];
	_ =	sdelay $0x1  }
0x99: {  	s19 =	simm.s32 $_scs_section_size  }
0x9a: {  	s4 =	simm.s32 $_size__tile_overlayer_lowered;
	s5 =	simm.s32 $_tile_overlayer_lowered  }
0x9b: {  	s22 =	simm.s32 $0x1BFF;
	s21 =	sshll.u32 s5, $0x1;
	s2 =	sadd.s32 s19, s18  }
0x9c: {  	s6 =	simm.s32 $0x0;
	s20 =	sshll.u32 s4, $0x1;
	s4 =	sadd.s32 s21, s2  }
0x9d: {  	[timem:s6], [sflag:s22] =	dma.local [hbm:s4], s20  }
0x9e: {  	_ =	swait.ge [sflag:s22], s20  }
0x9f: {  	s3 =	ssub.s32 $0x0, s20;
	[sflag:s22] =	ssyncset.done $0x0  }
0xa0: {  	[sflag:s22] =	ssyncadd.s32 s3;
	_ =	sdelay $0x1  }
0xa1: {  	s23 =	simm.s32 $0x1B8B  }
0xa2: {  	_ =	swait.ge [sflag:s23], $0x1  }
0xa3: {  	[sflag:s23] =	ssyncset.done $0x0  }
0xa4: {  	s25 =	simm.s32 $0x1B8E;
	s24 =	sld [smem:$0x3FFE];
	[sflag:s23] =	ssyncadd.s32 $0xFFFFFFFF  }
0xa5: {  	s26 =	simm.s32 $execute0_lowered;
	[smem:$0x3FD2] =	sst s25  }
0xa6: {  	s4 =	sshll.u32 s26, $0x1;
	_ =	strace $0x80000046;
	[dreg:$0x1] =	wrdreg $0xFFFFFFFF  }
0xa7: {  	s28 =	simm.s32 $_size_execute0_lowered;
	s2 =	sadd.s32 s2, s4;
	[dreg:$0x0] =	wrdreg $0x0  }
0xa8: {  	s4 =	sshll.u32 s28, $0x1;
	[dreg:$0x2] =	wrdreg s2  }
0xa9: {  	[dreg:$0x3] =	wrdreg s4  }
0xaa: {  	[dreg:$0x4] =	wrdreg $0xC0  }
0xab: {  	_ =	task [dreg:s6], $0x5FFFF  }
0xac: {  	[dreg:$0x1] =	wrdreg $0xFFFFFFFF  }
0xad: {  	[dreg:$0x0] =	wrdreg $0x60  }
0xae: {  	[dreg:$0x2] =	wrdreg s24  }
0xaf: {  	[dreg:$0x3] =	wrdreg $0x50C00  }
0xb0: {  	[dreg:$0x4] =	wrdreg $0x53400  }
0xb1: {  	[dreg:$0x5] =	wrdreg $0x9  }
0xb2: {  	_ =	task.clear_ibuf [dreg:s6], $0x6FFFF;
	_ =	strace $0x90000046  }
0xb3: {  	s29 =	simm.s32 $0x9;
	_ =	strace $0x80000048  }
0xb4: {  	_ =	swait.ge [sflag:s29], $0x1  }
0xb5: {  	[sflag:s29] =	ssyncadd.s32 $0xFFFFFFFF  }
0xb6: {  	_ =	strace $0x90000048  }
0xb7: {  	_ =	sfence  }
0xb8: {  	s30 =	sld [smem:$0x0];
	_ =	sdelay $0x2  }
0xb9: {  	s31 =	sshll.u32 s1, $0xD;
	s1 =	sshrl.u32 s1, $0x2  }
0xba: {  	s3 =	sand.u32 $0x4000, s31;
	s1 =	sadd.s32 s1, s30  }
0xbb: {  	s0 =	sor.u32 s3, s0;
	s1 =	sshll.u32 s1, $0x11  }
0xbc: {  	s0 =	sor.u32 s1, s0  }
0xbd: {  	s0 =	sadd.s32 $0x8F2B, s0  }
0xbe: {  	[sflag:s0] =	ssyncadd.remote.s32 $0x1  }
0xbf: {  	_ =	sfence.sel $0xFFFF  }
0xc0: {  	[dreg:$0x0] =	wrdreg $0xFFFFFFFF;
	(pc) =	sbr.abs _section_cstart, $3  }
0xc1: {  	[dreg:$0x1] =	wrdreg $0xFFFFFFFF  }
0xc2: {  	_ =	task.clear_ibuf [dreg:s6], $0x2FFFF;
	_ =	strace $0x9FFFFFFF  }
0xc3: {  	(tm) =	ssettm $0x7FFFFFFF  }
tec
execute0_lowered:
.L_overlay_start_1:
0x0: {  	(tag) =	ssettag $0x1  }
0x1: {  	s5 =	rddreg [dreg:$0x0]  }
0x2: {  	s2 =	rddreg [dreg:$0x1]  }
0x3: {  	s3 =	rddreg [dreg:$0x2]  }
0x4: {  	s0 =	rddreg [dreg:$0x3];
	s4 =	srdreg.scid  }
0x5: {  	s1 =	stileid.u32;
	s15 =	simm.s32 $0x4F80;
	s16 =	simm.s32 $0x1  }
0x6: {  	s17 =	simm.s32 $0x80;
	s18 =	simm.s32 $0x4F00;
	s19 =	simm.s32 $0x0  }
0x7: {  	s6 =	sand.u32 $0x1, s4;
	s7 =	sshll.u32 s1, $0x1;
	s8 =	smul.u32 $0x280, s1  }
0x8: {  	s4 =	simm.s32 $0x0;
	s7 =	sor.u32 s6, s7;
	s9 =	smul.u32 $0x5000, s6  }
0x9: {  	[smem:$0x7FF] =	sst s4;
	s6 =	ssub.s32 $0x2, s6;
	s7 =	smul.u32 $0x9E0, s7  }
0xa: {  	_ =	strace $0x80000047;
	s30 =	sshrl.u32 s6, $0x1;
	s31 =	sadd.s32 $0x140, s8  }
0xb: {  	s9 =	sadd.s32 s8, s9;
	s14 =	ssub.s32 s6, s30;
	s6 =	sadd.s32 s31, s2  }
0xc: {  	s10 =	sadd.s32 s7, s5;
	s29 =	sshrl.u32 s9, $0x3;
	s7 =	sadd.s32 s8, s3  }
0xd: {  	s14 =	smax.u32 s14, $0x1;
	s13 =	sadd.s32 s29, s5;
	s5 =	sadd.s32 s8, s2  }
0xe: {  	s8 =	sadd.s32 s31, s3;
	s9 =	sadd.s32 $0x2A00, s10;
	s10 =	sadd.s32 $0x16600, s13  }
0xf: {  	v0 =	vimm.f32 $0.0e+00;
	v1 =	vimm.f32 $1.000000000e+00;
	s11 =	sadd.s32 $0x16628, s13;
	s12 =	sadd.s32 $0x16B00, s13;
	s13 =	sadd.s32 $0x16B28, s13  }
.LBB2_1:
0x10: {  	[tilespmem:$0x4F80] =	vst v0  }
0x11: {  	[tilespmem:$0x4F90] =	vst v0  }
0x12: {  	[tilespmem:$0x4FA0] =	vst v0  }
0x13: {  	[tilespmem:$0x4FB0] =	vst v0  }
0x14: {  	[tilespmem:$0x4FC0] =	vst v0  }
0x15: {  	[tilespmem:$0x4FD0] =	vst v0  }
0x16: {  	[tilespmem:$0x4FE0] =	vst v0  }
0x17: {  	[tilespmem:$0x4FF0] =	vst v0  }
0x18: {  	[tilespmem:$0x5000] =	vst v0  }
0x19: {  	[tilespmem:$0x5010] =	vst v0  }
0x1a: {  	[tilespmem:$0x5020] =	vst v0  }
0x1b: {  	[tilespmem:$0x5030] =	vst v0  }
0x1c: {  	[tilespmem:$0x5040] =	vst v0  }
0x1d: {  	[tilespmem:$0x5050] =	vst v0  }
0x1e: {  	[tilespmem:$0x5060] =	vst v0  }
0x1f: {  	[tilespmem:$0x5070] =	vst v0  }
0x20: {  	[tilespmem:$0x5080] =	vst v0  }
0x21: {  	[tilespmem:$0x5090] =	vst v0  }
0x22: {  	[tilespmem:$0x50A0] =	vst v0  }
0x23: {  	[tilespmem:$0x50B0] =	vst v0  }
0x24: {  	[tilespmem:$0x4F00] =	vst v1  }
0x25: {  	[tilespmem:$0x4F10] =	vst v1  }
0x26: {  	[tilespmem:$0x4F20] =	vst v1  }
0x27: {  	[tilespmem:$0x4F30] =	vst v1  }
0x28: {  	[tilespmem:$0x4F40] =	vst v1  }
0x29: {  	[tilespmem:$0x4F50] =	vst v1  }
0x2a: {  	[tilespmem:$0x4F60] =	vst v1  }
0x2b: {  	[tilespmem:$0x4F70] =	vst v1  }
0x2c: {  	[spmem:s5] =	stream.linear.scatter [tilespmem:s15], [sflag:$0x1], $0x140, $0x38;
	[tilespmem:$0x55C0] =	vst v63  }
0x2d: {  	_ =	swait.ge [sflag:s16], $0x140  }
0x2e: {  	[sflag:s16] =	ssyncset.done $0x0  }
0x2f: {  	[sflag:s16] =	ssyncadd.s32 $0xFFFFFEC0  }
0x30: {  	[spmem:s6] =	stream.linear.scatter [tilespmem:s15], [sflag:$0x1], $0x140, $0x38;
	[tilespmem:$0x55C0] =	vst v63  }
0x31: {  	_ =	swait.ge [sflag:s16], $0x140  }
0x32: {  	[sflag:s16] =	ssyncset.done $0x0  }
0x33: {  	[sflag:s16] =	ssyncadd.s32 $0xFFFFFEC0  }
0x34: {  	[spmem:s7] =	stream.linear.scatter [tilespmem:s15], [sflag:$0x1], $0x140, $0x38;
	[tilespmem:$0x55C0] =	vst v63  }
0x35: {  	_ =	swait.ge [sflag:s16], $0x140  }
0x36: {  	[sflag:s16] =	ssyncset.done $0x0  }
0x37: {  	[sflag:s16] =	ssyncadd.s32 $0xFFFFFEC0  }
0x38: {  	[spmem:s8] =	stream.linear.scatter [tilespmem:s15], [sflag:$0x1], $0x140, $0x38;
	[tilespmem:$0x55C0] =	vst v63  }
0x39: {  	_ =	swait.ge [sflag:s16], $0x140  }
0x3a: {  	[sflag:s16] =	ssyncset.done $0x0  }
0x3b: {  	[sflag:s16] =	ssyncadd.s32 $0xFFFFFEC0  }
0x3c: {  	[tilespmem:s4], [sflag:$0x1] =	stream.linear.gather [hbm4b:s9+s4], $0x4F00, $0x38;
	[tilespmem:$0x55C0] =	vst v63  }
0x3d: {  	_ =	swait.ge [sflag:s16], $0x4F00  }
0x3e: {  	[sflag:s16] =	ssyncset.done $0x0  }
0x3f: {  	[sflag:s16] =	ssyncadd.s32 $0xFFFFB100  }
0x40: {  	s20 =	simm.s32 $0x0;
	[bflag:$0x0] =	sbarrier.arrive $0xFFFF  }
0x41: {  	[spmem:s2] =	stream.indirect.scatter.add.f32 [tilespmem:s18], [sflag:$0x1], $0x1, s20, s17, $0xb8;
	[tilespmem:$0x55C0] =	vst v63  }
0x42: {  	_ =	swait.ge [sflag:s16], $0x80  }
0x43: {  	[sflag:s16] =	ssyncset.done $0x0  }
0x44: {  	s31 =	simm.s32 $0x80;
	[sflag:s16] =	ssyncadd.s32 $0xFFFFFF80  }
0x45: {  	[spmem:s3] =	stream.indirect.scatter.add.f32 [tilespmem:s18], [sflag:$0x1], $0x1, s31, s17, $0xb8;
	[tilespmem:$0x55C0] =	vst v63  }
0x46: {  	_ =	swait.ge [sflag:s16], $0x80  }
0x47: {  	s21 =	simm.s32 $0x800;
	s20 =	simm.s32 $0x400;
	[sflag:s16] =	ssyncset.done $0x0  }
.LBB2_2:
0x48: {  	s22 =	sshra.s32 s20, $0x2  }
0x49: {  	[sflag:s16] =	ssyncadd.s32 $0xFFFFFF80;
	s20 =	smov.u32 s21;
	s23 =	sadd.s32 $0x400, s21  }
0x4a: {  	[spmem:s2] =	stream.indirect.scatter.add.f32 [tilespmem:s18], [sflag:$0x1], $0x1, s22, s17, $0xb8;
	[tilespmem:$0x55C0] =	vst v63  }
0x4b: {  	p0 =	sne.s32 s21, $0x13800;
	_ =	swait.ge [sflag:s16], $0x80  }
.Ltmp0:
0x4c: {  	[sflag:s16] =	ssyncset.done $0x0;
	(pc) =	sbr.rel @p0 .LBB2_2-.Ltmp0, $4  }
0x4d: {  	s21 =	sadd.s32 $0x80, s22;
	[sflag:s16] =	ssyncadd.s32 $0xFFFFFF80  }
0x4e: {  	[spmem:s3] =	stream.indirect.scatter.add.f32 [tilespmem:s18], [sflag:$0x1], $0x1, s21, s17, $0xb8;
	[tilespmem:$0x55C0] =	vst v63  }
0x4f: {  	_ =	swait.ge [sflag:s16], $0x80  }
0x50: {  	s21 =	smov.u32 s23;
	[sflag:s16] =	ssyncset.done $0x0  }
0x51: {  	s20 =	sshra.s32 s20, $0x2;
	[sflag:s16] =	ssyncadd.s32 $0xFFFFFF80  }
0x52: {  	[spmem:s2] =	stream.indirect.scatter.add.f32 [tilespmem:s18], [sflag:$0x1], $0x1, s20, s17, $0xb8;
	[tilespmem:$0x55C0] =	vst v63  }
0x53: {  	_ =	swait.ge [sflag:s16], $0x80  }
0x54: {  	[sflag:s16] =	ssyncset.done $0x0  }
0x55: {  	s20 =	sadd.s32 $0x80, s20;
	[sflag:s16] =	ssyncadd.s32 $0xFFFFFF80  }
0x56: {  	[spmem:s3] =	stream.indirect.scatter.add.f32 [tilespmem:s18], [sflag:$0x1], $0x1, s20, s17, $0xb8;
	[tilespmem:$0x55C0] =	vst v63  }
0x57: {  	_ =	swait.ge [sflag:s16], $0x80  }
0x58: {  	[sflag:s16] =	ssyncset.done $0x0  }
0x59: {  	[sflag:s16] =	ssyncadd.s32 $0xFFFFFF80  }
0x5a: {  	[bflag:$0x0] =	sbarrier.arrive $0xFFFF  }
0x5b: {  	[tilespmem:s15], [sflag:$0x1] =	stream.linear.gather [spmem:s5], $0x140, $0x38;
	[tilespmem:$0x55C0] =	vst v63  }
0x5c: {  	_ =	swait.ge [sflag:s16], $0x140  }
0x5d: {  	[sflag:s16] =	ssyncset.done $0x0  }
0x5e: {  	[sflag:s16] =	ssyncadd.s32 $0xFFFFFEC0  }
0x5f: {  	[hbm4b:s10+s4] =	stream.linear.scatter [tilespmem:s15], [sflag:$0x1], $0x140, $0x38;
	[tilespmem:$0x55C0] =	vst v63  }
0x60: {  	_ =	swait.ge [sflag:s16], $0x140  }
0x61: {  	[sflag:s16] =	ssyncset.done $0x0  }
0x62: {  	[sflag:s16] =	ssyncadd.s32 $0xFFFFFEC0  }
0x63: {  	[tilespmem:s15], [sflag:$0x1] =	stream.linear.gather [spmem:s6], $0x140, $0x38;
	[tilespmem:$0x55C0] =	vst v63  }
0x64: {  	_ =	swait.ge [sflag:s16], $0x140  }
0x65: {  	[sflag:s16] =	ssyncset.done $0x0  }
0x66: {  	[sflag:s16] =	ssyncadd.s32 $0xFFFFFEC0  }
0x67: {  	[hbm4b:s11+s4] =	stream.linear.scatter [tilespmem:s15], [sflag:$0x1], $0x140, $0x38;
	[tilespmem:$0x55C0] =	vst v63  }
0x68: {  	_ =	swait.ge [sflag:s16], $0x140  }
0x69: {  	[sflag:s16] =	ssyncset.done $0x0  }
0x6a: {  	[sflag:s16] =	ssyncadd.s32 $0xFFFFFEC0  }
0x6b: {  	[tilespmem:s15], [sflag:$0x1] =	stream.linear.gather [spmem:s7], $0x140, $0x38;
	[tilespmem:$0x55C0] =	vst v63  }
0x6c: {  	_ =	swait.ge [sflag:s16], $0x140  }
0x6d: {  	[sflag:s16] =	ssyncset.done $0x0  }
0x6e: {  	[sflag:s16] =	ssyncadd.s32 $0xFFFFFEC0  }
0x6f: {  	[hbm4b:s12+s4] =	stream.linear.scatter [tilespmem:s15], [sflag:$0x1], $0x140, $0x38;
	[tilespmem:$0x55C0] =	vst v63  }
0x70: {  	_ =	swait.ge [sflag:s16], $0x140  }
0x71: {  	[sflag:s16] =	ssyncset.done $0x0  }
0x72: {  	[sflag:s16] =	ssyncadd.s32 $0xFFFFFEC0  }
0x73: {  	[tilespmem:s15], [sflag:$0x1] =	stream.linear.gather [spmem:s8], $0x140, $0x38;
	[tilespmem:$0x55C0] =	vst v63  }
0x74: {  	s19 =	sadd.s32 $0x1, s19;
	_ =	swait.ge [sflag:s16], $0x140  }
0x75: {  	p0 =	sne.s32 s19, s14;
	[sflag:s16] =	ssyncset.done $0x0  }
.Ltmp1:
0x76: {  	[sflag:s16] =	ssyncadd.s32 $0xFFFFFEC0;
	(pc) =	sbr.rel @p0 .LBB2_1-.Ltmp1, $4  }
0x77: {  	[hbm4b:s13+s4] =	stream.linear.scatter [tilespmem:s15], [sflag:$0x1], $0x140, $0x38;
	[tilespmem:$0x55C0] =	vst v63  }
0x78: {  	_ =	swait.ge [sflag:s16], $0x140  }
0x79: {  	[sflag:s16] =	ssyncset.done $0x0  }
0x7a: {  	[sflag:s16] =	ssyncadd.s32 $0xFFFFFEC0  }
0x7b: {  	_ =	sfence.sel $0x180000  }
0x7c: {  	[bflag:$0x0] =	sbarrier.arrive $0xFFFF  }
0x7d: {  	p0 =	sne.s32 s1, $0x0;
	_ =	strace $0x90000047  }
0x7e: {  	s0 =	sadd.s32 @!p0 $0x100000, s0;
	[bflag:$0x2] =	sbarrier.arrive $0xFFFF  }
0x7f: {  	[sflag:s0] =	ssyncadd.tile.s32 @!p0 $0x1;
	_ =	shalt  }
.Lfunc_end2:
_tile_overlayer_lowered:
.L_overlay_start_2:
0x80: {  	(tag) =	ssettag $0x2  }
0x81: {  	s0 =	rddreg [dreg:$0x0];
	s2 =	stileid.u32  }
0x82: {  	s1 =	rddreg [dreg:$0x1];
	p0 =	sne.s32 s2, $0x0  }
0x83: {  	s3 =	rddreg [dreg:$0x2];
	[bflag:$0x3] =	sbarrier.arrive $0xFFFF;
	s2 =	simm.s32 @!p0 $0x1C01  }
0x84: {  	[timem:s3], [sflag:s2] =	dma.local @!p0 [hbm:s0], s1  }
0x85: {  	s0 =	simm.s32 @!p0 $0x1  }
0x86: {  	_ =	swait.ge @!p0 [sflag:s0], s1  }
0x87: {  	s1 =	ssub.s32 @!p0 $0x0, s1;
	[sflag:s0] =	ssyncset.done @!p0 $0x0  }
0x88: {  	[sflag:s0] =	ssyncadd.s32 @!p0 s1  }
0x89: {  	[bflag:$0x3] =	sbarrier.arrive $0xFFFF  }
0x8a: {  	_ =	shalt  }

// kernel: kernel.13.cloned.1.call-start
scs
__scs_entry_jumppad:
0x0: {  	(pc) =	sbr.rel $0x88, $3  }
0x1: {  	(tag) =	ssettag $0x0;
	lr =	simm.s32 $0x1  }
0x2: {  	[smem:$0x3F9A] =	sst lr;
	_ =	strace $0xD0000000  }
0x3: {  	_ = 	snop  }
0x4: {  	_ = 	snop  }
0x5: {  	_ = 	snop  }
0x6: {  	_ = 	snop  }
0x7: {  	_ = 	snop  }
__scs_overlays_trampoline_lowered:
0x8: {  	[smem:$0x3FA9] =	sst s0  }
0x9: {  	[smem:$0x3FAA] =	sst s1  }
0xa: {  	[smem:$0x3FAB] =	sst s2  }
0xb: {  	[smem:$0x3FAC] =	sst s3  }
0xc: {  	[smem:$0x3FAD] =	sst s4  }
0xd: {  	[smem:$0x3FAE] =	sst s5  }
0xe: {  	[smem:$0x3FAF] =	sst s6  }
0xf: {  	[smem:$0x3FB0] =	sst s7  }
0x10: {  	[smem:$0x3FB1] =	sst s8  }
0x11: {  	[smem:$0x3FB2] =	sst s9;
	s0 =	simm.s32 @!p0 $0x0  }
0x12: {  	s1 =	sld [smem:$0x3F98];
	s0 =	simm.s32 @p0 $0x1  }
0x13: {  	[smem:$0x3FB3] =	sst s0;
	s0 =	simm.s32 @!p1 $0x0  }
0x14: {  	s2 =	sld [smem:$0x3F97];
	s0 =	simm.s32 @p1 $0x1  }
0x15: {  	[smem:$0x3FB4] =	sst s0;
	s0 =	simm.s32 @!p2 $0x0  }
0x16: {  	s3 =	sld [smem:$0x3FDB];
	s0 =	simm.s32 @p2 $0x1  }
0x17: {  	s4 =	simm.s32 $0x1BF5;
	[smem:$0x3FB6] =	sst s0  }
0x18: {  	s0 =	sld [smem:$0x3F99];
	_ =	swait.ge [sflag:s4], $0x0  }
0x19: {  	s7 =	sld [smem:$0x3F9A]  }
0x1a: {  	s8 =	sadd.s32 $0xFFFFE003, lr  }
0x1b: {  	s9 =	sadd.s32 $0xFFFFFEF7, lr;
	s5 =	simm.s32 $0xFFFFFFFF;
	p2 =	slt.u32 s8, $0xFFFFF086  }
0x1c: {  	p1 =	slt.u32 s9, $0xF7A;
	s5 =	simm.s32 @!p2 $0x0  }
0x1d: {  	s5 =	simm.s32 @p1 $0x1;
	p0 =	seq.s32 s7, s2  }
0x1e: {  	s7 =	smul.u32 @!p0 $0xF7A, s2;
	p2 =	seq.s32 @!p0 s5, $0x0  }
0x1f: {  	s9 =	smul.u32 $0xF7A, s1;
	s8 =	simm.s32 @!p0 $0x1BF5;
	p2 =	por !p2, p0  }
0x20: {  	[sflag:s8] =	ssyncset.s32 @!p0 $0xFFFFF086;
	s6 =	sadd.s32 @!p0 s3, s7;
	s7 =	simm.s32 @!p0 $0x108  }
0x21: {  	s3 =	sadd.s32 s3, s9;
	s6 =	sadd.s32 @!p0 $0x88, s6;
	s7 =	simm.s32 @p2 $0x1082  }
0x22: {  	[simem:s7], [sflag:s8] =	dma.local @!p0 [hbm:s6], $0xF7A  }
0x23: {  	s9 =	sor.u32 $0xD0000000, s2;
	s6 =	simm.s32 $0x108;
	_ =	swait.ge @!p0 [sflag:s8], $0x0  }
0x24: {  	s3 =	sadd.s32 $0x88, s3;
	s6 =	simm.s32 @!p1 $0x1082;
	[sflag:s4] =	ssyncset.s32 $0xFFFFF086  }
0x25: {  	[simem:s6], [sflag:s4] =	dma.local [hbm:s3], $0xF7A  }
0x26: {  	[smem:$0x3F9A] =	sst s1;
	(tag) =	ssettag s2;
	_ =	strace s9  }
0x27: {  	s1 =	sld [smem:$0x3FAA]  }
0x28: {  	s2 =	sld [smem:$0x3FAB]  }
0x29: {  	s4 =	sld [smem:$0x3FAD]  }
0x2a: {  	p0 =	seq.s32 s5, $0x0;
	s5 =	sld [smem:$0x3FAE]  }
0x2b: {  	s6 =	sld [smem:$0x3FAF]  }
0x2c: {  	s7 =	sld [smem:$0x3FB0]  }
0x2d: {  	s3 =	simm.s32 $0x108;
	s8 =	sld [smem:$0x3FB1]  }
0x2e: {  	s3 =	simm.s32 @!p0 $0x1082;
	s9 =	sld [smem:$0x3FB2]  }
0x2f: {  	lr =	sadd.s32 s0, s3;
	s0 =	sld [smem:$0x3FA9]  }
0x30: {  	s3 =	sld [smem:$0x3FAC]  }
0x31: {  	[smem:$0x3FB5] =	sst s10  }
0x32: {  	s10 =	sld [smem:$0x3FB3];
	_ =	sdelay $0x3  }
0x33: {  	p0 =	seq.s32 s10, $0x1;
	s10 =	sld [smem:$0x3FB5];
	_ =	sdelay $0x3  }
0x34: {  	[smem:$0x3FB5] =	sst s10  }
0x35: {  	s10 =	sld [smem:$0x3FB4];
	_ =	sdelay $0x3  }
0x36: {  	p1 =	seq.s32 s10, $0x1;
	s10 =	sld [smem:$0x3FB5];
	_ =	sdelay $0x3  }
0x37: {  	[smem:$0x3FB5] =	sst s10  }
0x38: {  	s10 =	sld [smem:$0x3FB6]  }
0x39: {  	_ = 	snop;
	(pc) =	sbr.ind lr, $3  }
0x3a: {  	_ = 	snop  }
0x3b: {  	_ = 	snop  }
0x3c: {  	p2 =	seq.s32 s10, $0x1;
	s10 =	sld [smem:$0x3FB5]  }
0x3d: {  	_ =	shalt  }
0x3e: {  	_ =	shalt  }
0x3f: {  	_ =	shalt  }
0x40: {  	_ =	shalt  }
0x41: {  	_ =	shalt  }
0x42: {  	_ =	shalt  }
0x43: {  	_ =	shalt  }
0x44: {  	_ =	shalt  }
0x45: {  	_ =	shalt  }
0x46: {  	_ =	shalt  }
0x47: {  	_ =	shalt  }
0x48: {  	_ =	shalt  }
0x49: {  	_ =	shalt  }
0x4a: {  	_ =	shalt  }
0x4b: {  	_ =	shalt  }
0x4c: {  	_ =	shalt  }
0x4d: {  	_ =	shalt  }
0x4e: {  	_ =	shalt  }
0x4f: {  	_ =	shalt  }
0x50: {  	_ =	shalt  }
0x51: {  	_ =	shalt  }
0x52: {  	_ =	shalt  }
0x53: {  	_ =	shalt  }
0x54: {  	_ =	shalt  }
0x55: {  	_ =	shalt  }
0x56: {  	_ =	shalt  }
0x57: {  	_ =	shalt  }
0x58: {  	_ =	shalt  }
0x59: {  	_ =	shalt  }
0x5a: {  	_ =	shalt  }
0x5b: {  	_ =	shalt  }
0x5c: {  	_ =	shalt  }
0x5d: {  	_ =	shalt  }
0x5e: {  	_ =	shalt  }
0x5f: {  	_ =	shalt  }
0x60: {  	_ =	shalt  }
0x61: {  	_ =	shalt  }
0x62: {  	_ =	shalt  }
0x63: {  	_ =	shalt  }
0x64: {  	_ =	shalt  }
0x65: {  	_ =	shalt  }
0x66: {  	_ =	shalt  }
0x67: {  	_ =	shalt  }
0x68: {  	_ =	shalt  }
0x69: {  	_ =	shalt  }
0x6a: {  	_ =	shalt  }
0x6b: {  	_ =	shalt  }
0x6c: {  	_ =	shalt  }
0x6d: {  	_ =	shalt  }
0x6e: {  	_ =	shalt  }
0x6f: {  	_ =	shalt  }
0x70: {  	_ =	shalt  }
0x71: {  	_ =	shalt  }
0x72: {  	_ =	shalt  }
0x73: {  	_ =	shalt  }
0x74: {  	_ =	shalt  }
0x75: {  	_ =	shalt  }
0x76: {  	_ =	shalt  }
0x77: {  	_ =	shalt  }
0x78: {  	_ =	shalt  }
0x79: {  	_ =	shalt  }
0x7a: {  	_ =	shalt  }
0x7b: {  	_ =	shalt  }
0x7c: {  	_ =	shalt  }
0x7d: {  	_ =	shalt  }
0x7e: {  	_ =	shalt  }
0x7f: {  	_ =	shalt  }
0x80: {  	_ =	shalt  }
0x81: {  	_ =	shalt  }
0x82: {  	_ =	shalt  }
0x83: {  	_ =	shalt  }
0x84: {  	_ =	shalt  }
0x85: {  	_ =	shalt  }
0x86: {  	_ =	shalt  }
0x87: {  	_ =	shalt  }
.Lfunc_end0:
.L_simem_size_0:
called_computation.1_lowered:
.L_overlay_start_0:
0x88: {  	s2 =	sld [smem:$0x3FD9]  }
0x89: {  	s3 =	sld [smem:$0x3FFE];
	_ =	sdelay $0x1  }
0x8a: {  	s1 =	srdreg.scid  }
0x8b: {  	s0 =	sand.u32 $0x1, s1  }
0x8c: {  	s17 =	sshll.u32 s0, $0xA;
	s2 =	sadd.s32 s3, s2  }
0x8d: {  	s2 =	sadd.s32 s2, s17  }
0x8e: {  	[smem:$0x3FC1] =	sst s2  }
0x8f: {  	_ = 	snop  }
0x90: {  	(tm) =	ssettm $0x1  }
0x91: {  	s18 =	sld [smem:$0x3FFB];
	_ =	sdelay $0x3  }
0x92: {  	_ =	strace s18  }
0x93: {  	s2 =	sld [smem:$0x3FFC];
	_ =	sdelay $0x3  }
0x94: {  	_ =	strace s2  }
0x95: {  	s2 =	sld [smem:$0x3FFD];
	_ =	sdelay $0x3  }
0x96: {  	_ =	strace s2  }
0x97: {  	_ =	strace $0x8FFFFFFF  }
0x98: {  	s19 =	sld [smem:$0x3FDB];
	_ =	sdelay $0x1  }
0x99: {  	s20 =	simm.s32 $_scs_section_size  }
0x9a: {  	s4 =	simm.s32 $_size__tile_overlayer_lowered;
	s5 =	simm.s32 $_tile_overlayer_lowered  }
0x9b: {  	s6 =	simm.s32 $0x1BFF;
	s21 =	sshll.u32 s5, $0x1;
	s3 =	sadd.s32 s20, s19  }
0x9c: {  	s22 =	simm.s32 $0x0;
	s4 =	sshll.u32 s4, $0x1;
	s5 =	sadd.s32 s21, s3  }
0x9d: {  	[timem:s22], [sflag:s6] =	dma.local [hbm:s5], s4  }
0x9e: {  	_ =	swait.ge [sflag:s6], s4  }
0x9f: {  	s4 =	ssub.s32 $0x0, s4;
	[sflag:s6] =	ssyncset.done $0x0  }
0xa0: {  	[sflag:s6] =	ssyncadd.s32 s4;
	_ =	sdelay $0x1  }
0xa1: {  	s23 =	simm.s32 $0x1B8B  }
0xa2: {  	_ =	swait.ge [sflag:s23], $0x1  }
0xa3: {  	[sflag:s23] =	ssyncset.done $0x0  }
0xa4: {  	[sflag:s23] =	ssyncadd.s32 $0xFFFFFFFF  }
0xa5: {  	s4 =	sld [smem:$0x0]  }
0xa6: {  	s5 =	sand.u32 $0xFFFFFFFE, s1  }
0xa7: {  	p0 =	sne.s32 s1, s5  }
0xa8: {  	s5 =	sshll.u32 @p0 s5, $0xE  }
0xa9: {  	s5 =	sadd.s32 @p0 $0x11B8D, s5;
	s6 =	sshll.u32 @p0 s4, $0x11  }
0xaa: {  	s5 =	sor.u32 @p0 s6, s5  }
0xab: {  	[sflag:s5] =	ssyncadd.remote.s32 @p0 $0x1;
	_ =	sdelay $0x1  }
0xac: {  	s5 =	simm.s32 @p0 $0x1B8D  }
0xad: {  	_ =	swait.eq @p0 [sflag:s5], $0x1  }
0xae: {  	[sflag:s5] =	ssyncadd.s32 @p0 $0xFFFFFFFF  }
0xaf: {  	s6 =	sshll.u32 @!p0 s1, $0xE  }
0xb0: {  	s6 =	sor.u32 @!p0 $0x4000, s6;
	s5 =	simm.s32 @!p0 $0x1B8D  }
0xb1: {  	s4 =	sshll.u32 @!p0 s4, $0x11;
	s6 =	sadd.s32 @!p0 $0x11B8D, s6;
	_ =	swait.eq @!p0 [sflag:s5], $0x1  }
0xb2: {  	s4 =	sor.u32 @!p0 s4, s6;
	[sflag:s5] =	ssyncadd.s32 @!p0 $0xFFFFFFFF  }
0xb3: {  	s25 =	simm.s32 $0x1B8E;
	s24 =	sld [smem:$0x3FFE];
	[sflag:s4] =	ssyncadd.remote.s32 @!p0 $0x1  }
0xb4: {  	s26 =	simm.s32 $execute0_lowered;
	[smem:$0x3FD2] =	sst s25  }
0xb5: {  	s5 =	sshll.u32 s26, $0x1;
	_ =	strace $0x8000004C;
	[dreg:$0x1] =	wrdreg $0xFFFFFFFF  }
0xb6: {  	s28 =	simm.s32 $_size_execute0_lowered;
	s3 =	sadd.s32 s3, s5;
	[dreg:$0x0] =	wrdreg $0x0  }
0xb7: {  	s5 =	sshll.u32 s28, $0x1;
	[dreg:$0x2] =	wrdreg s3  }
0xb8: {  	[dreg:$0x3] =	wrdreg s5  }
0xb9: {  	[dreg:$0x4] =	wrdreg $0xC0  }
0xba: {  	_ =	task [dreg:s22], $0x5FFFF  }
0xbb: {  	[dreg:$0x1] =	wrdreg $0xFFFFFFFF  }
0xbc: {  	[dreg:$0x0] =	wrdreg $0x60  }
0xbd: {  	[dreg:$0x2] =	wrdreg s24  }
0xbe: {  	[dreg:$0x3] =	wrdreg $0xDB000  }
0xbf: {  	[dreg:$0x4] =	wrdreg $0x12B000  }
0xc0: {  	[dreg:$0x5] =	wrdreg $0x9  }
0xc1: {  	_ =	task.clear_ibuf [dreg:s22], $0x6FFFF;
	_ =	strace $0x9000004C  }
0xc2: {  	s29 =	simm.s32 $0x9;
	_ =	strace $0x8000004E  }
0xc3: {  	_ =	swait.ge [sflag:s29], $0x1  }
0xc4: {  	[sflag:s29] =	ssyncadd.s32 $0xFFFFFFFF  }
0xc5: {  	_ =	strace $0x9000004E  }
0xc6: {  	_ =	sfence  }
0xc7: {  	s30 =	sld [smem:$0x0];
	_ =	sdelay $0x2  }
0xc8: {  	s31 =	sshll.u32 s1, $0xD;
	s1 =	sshrl.u32 s1, $0x2  }
0xc9: {  	s4 =	sand.u32 $0x4000, s31;
	s1 =	sadd.s32 s1, s30  }
0xca: {  	s0 =	sor.u32 s4, s0;
	s1 =	sshll.u32 s1, $0x11  }
0xcb: {  	s0 =	sor.u32 s1, s0  }
0xcc: {  	s0 =	sadd.s32 $0x8F2B, s0  }
0xcd: {  	[sflag:s0] =	ssyncadd.remote.s32 $0x1  }
0xce: {  	_ =	sfence.sel $0xFFFF  }
0xcf: {  	[dreg:$0x0] =	wrdreg $0xFFFFFFFF;
	(pc) =	sbr.abs _section_cstart, $3  }
0xd0: {  	[dreg:$0x1] =	wrdreg $0xFFFFFFFF  }
0xd1: {  	_ =	task.clear_ibuf [dreg:s22], $0x2FFFF;
	_ =	strace $0x9FFFFFFF  }
0xd2: {  	(tm) =	ssettm $0x7FFFFFFF  }
0xd3: {  	_ =	shalt  }
tec
execute0_lowered:
.L_overlay_start_1:
0x0: {  	(tag) =	ssettag $0x1  }
0x1: {  	s0 =	rddreg [dreg:$0x0]  }
0x2: {  	s2 =	rddreg [dreg:$0x1]  }
0x3: {  	s3 =	rddreg [dreg:$0x2];
	s1 =	srdreg.scid  }
0x4: {  	s8 =	stileid.u32;
	s4 =	simm.s32 $0x0;
	s28 =	simm.s32 $0x4F00  }
0x5: {  	s29 =	simm.s32 $0x5F00;
	s30 =	simm.s32 $0x1;
	s31 =	simm.s32 $0x7F00  }
0x6: {  	s1 =	sand.u32 $0x1, s1;
	s5 =	sshll.u32 s8, $0x1;
	[smem:$0x7FF] =	sst s4  }
0x7: {  	s6 =	sadd.s32 $0x5C600, s0;
	s8 =	smul.u32 $0xA000, s8;
	s5 =	sor.u32 s1, s5  }
0x8: {  	_ =	strace $0x8000004D;
	s7 =	ssub.s32 $0x2, s1;
	s1 =	smul.u32 $0xA0000, s1  }
0x9: {  	s5 =	smul.u32 $0x9E0, s5;
	s9 =	sshrl.u32 s7, $0x1;
	s14 =	sshrl.u32 s8, $0x4  }
0xa: {  	s10 =	sshrl.u32 s8, $0x1;
	s19 =	sadd.s32 $0x2800, s8;
	s20 =	sadd.s32 $0x5000, s8  }
0xb: {  	s13 =	sadd.s32 s8, s3;
	s7 =	ssub.s32 s7, s9;
	s9 =	sadd.s32 s6, s14  }
0xc: {  	s15 =	sadd.s32 s10, s2;
	s16 =	sshrl.u32 s19, $0x4;
	s17 =	sshrl.u32 s19, $0x1  }
0xd: {  	s21 =	sshrl.u32 s20, $0x4;
	s22 =	sshrl.u32 s20, $0x1;
	s14 =	sadd.s32 s19, s3  }
0xe: {  	s23 =	sadd.s32 s8, s1;
	s24 =	sadd.s32 s1, s19;
	s25 =	sadd.s32 s1, s20  }
0xf: {  	s5 =	sadd.s32 s5, s0;
	s0 =	sadd.s32 $0x66600, s0;
	[dreg:$0x4] =	wrdreg s9  }
0x10: {  	[dreg:$0x5] =	wrdreg s15;
	s9 =	sadd.s32 s6, s16;
	s18 =	sadd.s32 s17, s2  }
0x11: {  	s10 =	sadd.s32 s22, s2;
	s15 =	sadd.s32 s20, s3;
	s26 =	sshrl.u32 s25, $0x4  }
0x12: {  	s22 =	smax.u32 s7, $0x1;
	s25 =	simm.s32 $0x9F00;
	[dreg:$0x6] =	wrdreg s9  }
0x13: {  	[dreg:$0x7] =	wrdreg s18;
	s9 =	sadd.s32 s6, s21;
	s21 =	sadd.s32 $0x7800, s8  }
0x14: {  	s17 =	sadd.s32 $0x2A00, s5;
	s5 =	sshrl.u32 s24, $0x4;
	s20 =	sadd.s32 s0, s26  }
0x15: {  	s24 =	simm.s32 $0x2;
	s26 =	simm.s32 $0x80;
	s11 =	sshrl.u32 s21, $0x4  }
0x16: {  	s12 =	sshrl.u32 s21, $0x1;
	s16 =	sadd.s32 s21, s3;
	s1 =	sadd.s32 s1, s21  }
0x17: {  	s19 =	sadd.s32 s0, s5;
	s11 =	sadd.s32 s6, s11;
	s12 =	sadd.s32 s12, s2  }
0x18: {  	s6 =	sshrl.u32 s23, $0x4;
	s1 =	sshrl.u32 s1, $0x4;
	s23 =	simm.s32 $0xC700  }
0x19: {  	v0 =	vimm.f32 $0.0e+00;
	s18 =	sadd.s32 s0, s6;
	s21 =	sadd.s32 s0, s1;
	s0 =	simm.s32 $0x0  }
.LBB2_1:
0x1a: {  	s1 =	rddreg [dreg:$0x4]  }
0x1b: {  	[tilespmem:s23], [sflag:$0x2] =	stream.linear.gather [hbm4b:s1+s4], $0x1400, $0x38;
	[tilespmem:$0x1CB00] =	vst v63  }
0x1c: {  	_ =	swait.ge [sflag:s24], $0x1400  }
0x1d: {  	[sflag:s24] =	ssyncset.done $0x0  }
0x1e: {  	s6 =	rddreg [dreg:$0x5];
	[sflag:s24] =	ssyncadd.s32 $0xFFFFEC00  }
0x1f: {  	[spmem:s6] =	stream.linear.scatter [tilespmem:s23], [sflag:$0x2], $0x1400, $0x38;
	[tilespmem:$0x1CB00] =	vst v63  }
0x20: {  	_ =	swait.ge [sflag:s24], $0x1400  }
0x21: {  	[sflag:s24] =	ssyncset.done $0x0  }
0x22: {  	s7 =	rddreg [dreg:$0x6];
	[sflag:s24] =	ssyncadd.s32 $0xFFFFEC00  }
0x23: {  	[tilespmem:s23], [sflag:$0x2] =	stream.linear.gather [hbm4b:s7+s4], $0x1400, $0x38;
	[tilespmem:$0x1CB00] =	vst v63  }
0x24: {  	_ =	swait.ge [sflag:s24], $0x1400  }
0x25: {  	[sflag:s24] =	ssyncset.done $0x0  }
0x26: {  	s8 =	rddreg [dreg:$0x7];
	[sflag:s24] =	ssyncadd.s32 $0xFFFFEC00  }
0x27: {  	[spmem:s8] =	stream.linear.scatter [tilespmem:s23], [sflag:$0x2], $0x1400, $0x38;
	[tilespmem:$0x1CB00] =	vst v63  }
0x28: {  	_ =	swait.ge [sflag:s24], $0x1400  }
0x29: {  	[sflag:s24] =	ssyncset.done $0x0  }
0x2a: {  	[sflag:s24] =	ssyncadd.s32 $0xFFFFEC00  }
0x2b: {  	[tilespmem:s23], [sflag:$0x2] =	stream.linear.gather [hbm4b:s9+s4], $0x1400, $0x38;
	[tilespmem:$0x1CB00] =	vst v63  }
0x2c: {  	_ =	swait.ge [sflag:s24], $0x1400  }
0x2d: {  	[sflag:s24] =	ssyncset.done $0x0  }
0x2e: {  	[sflag:s24] =	ssyncadd.s32 $0xFFFFEC00  }
0x2f: {  	[spmem:s10] =	stream.linear.scatter [tilespmem:s23], [sflag:$0x2], $0x1400, $0x38;
	[tilespmem:$0x1CB00] =	vst v63  }
0x30: {  	_ =	swait.ge [sflag:s24], $0x1400  }
0x31: {  	[sflag:s24] =	ssyncset.done $0x0  }
0x32: {  	[sflag:s24] =	ssyncadd.s32 $0xFFFFEC00  }
0x33: {  	[tilespmem:s23], [sflag:$0x2] =	stream.linear.gather [hbm4b:s11+s4], $0x1400, $0x38;
	[tilespmem:$0x1CB00] =	vst v63  }
0x34: {  	_ =	swait.ge [sflag:s24], $0x1400  }
0x35: {  	[sflag:s24] =	ssyncset.done $0x0  }
0x36: {  	[sflag:s24] =	ssyncadd.s32 $0xFFFFEC00  }
0x37: {  	[spmem:s12] =	stream.linear.scatter [tilespmem:s23], [sflag:$0x2], $0x1400, $0x38;
	[tilespmem:$0x1CB00] =	vst v63  }
0x38: {  	_ =	swait.ge [sflag:s24], $0x1400  }
0x39: {  	[sflag:s24] =	ssyncset.done $0x0  }
0x3a: {  	s5 =	simm.s32 $0x100;
	s1 =	simm.s32 $0x0;
	[sflag:s24] =	ssyncadd.s32 $0xFFFFEC00  }
.LBB2_2:
0x3b: {  	p0 =	sne.s32 s5, $0x9F00;
	[tilespmem:s1+$0x9F30] =	vst v0;
	s6 =	smov.u32 s5;
	s5 =	sadd.s32 $0x100, s5  }
.Ltmp0:
0x3c: {  	[tilespmem:s1+$0x9F20] =	vst v0;
	(pc) =	sbr.rel @p0 .LBB2_2-.Ltmp0, $3  }
0x3d: {  	[tilespmem:s1+$0x9F00] =	vst v0  }
0x3e: {  	[tilespmem:s1+$0x9F10] =	vst v0;
	_ =	sdelay $0x1  }
0x3f: {  	s1 =	sshra.s32 s6, $0x2  }
0x40: {  	[tilespmem:s1+$0x9F30] =	vst v0  }
0x41: {  	[tilespmem:s1+$0x9F20] =	vst v0  }
0x42: {  	[tilespmem:s1+$0x9F00] =	vst v0  }
0x43: {  	[tilespmem:s1+$0x9F10] =	vst v0  }
0x44: {  	[spmem:s13] =	stream.linear.scatter [tilespmem:s25], [sflag:$0x2], $0x2800, $0x38;
	[tilespmem:$0x1CB00] =	vst v63  }
0x45: {  	_ =	swait.ge [sflag:s24], $0x2800  }
0x46: {  	[sflag:s24] =	ssyncset.done $0x0  }
0x47: {  	[sflag:s24] =	ssyncadd.s32 $0xFFFFD800  }
0x48: {  	[spmem:s14] =	stream.linear.scatter [tilespmem:s25], [sflag:$0x2], $0x2800, $0x38;
	[tilespmem:$0x1CB00] =	vst v63  }
0x49: {  	_ =	swait.ge [sflag:s24], $0x2800  }
0x4a: {  	[sflag:s24] =	ssyncset.done $0x0  }
0x4b: {  	[sflag:s24] =	ssyncadd.s32 $0xFFFFD800  }
0x4c: {  	[spmem:s15] =	stream.linear.scatter [tilespmem:s25], [sflag:$0x2], $0x2800, $0x38;
	[tilespmem:$0x1CB00] =	vst v63  }
0x4d: {  	_ =	swait.ge [sflag:s24], $0x2800  }
0x4e: {  	[sflag:s24] =	ssyncset.done $0x0  }
0x4f: {  	[sflag:s24] =	ssyncadd.s32 $0xFFFFD800  }
0x50: {  	[spmem:s16] =	stream.linear.scatter [tilespmem:s25], [sflag:$0x2], $0x2800, $0x38;
	[tilespmem:$0x1CB00] =	vst v63  }
0x51: {  	_ =	swait.ge [sflag:s24], $0x2800  }
0x52: {  	[sflag:s24] =	ssyncset.done $0x0  }
0x53: {  	[sflag:s24] =	ssyncadd.s32 $0xFFFFD800  }
0x54: {  	[tilespmem:s4], [sflag:$0x2] =	stream.linear.gather [hbm4b:s17+s4], $0x4F00, $0x38;
	[tilespmem:$0x1CB00] =	vst v63  }
0x55: {  	_ =	swait.ge [sflag:s24], $0x4F00  }
0x56: {  	[sflag:s24] =	ssyncset.done $0x0  }
0x57: {  	[sflag:s24] =	ssyncadd.s32 $0xFFFFB100  }
0x58: {  	[bflag:$0x0] =	sbarrier.arrive $0xFFFF  }
0x59: {  	[tilespmem:s28], [sflag:$0x2] =	stream.indirect.gather [spmem:s2], $0x20, s4, s26, $0xb8;
	[tilespmem:$0x1CB00] =	vst v63  }
0x5a: {  	_ =	swait.ge [sflag:s24], $0x1000  }
0x5b: {  	[sflag:s24] =	ssyncset.done $0x0  }
0x5c: {  	s5 =	simm.s32 $0x4F80;
	[sflag:s24] =	ssyncadd.s32 $0xFFFFF000  }
0x5d: {  	v1 =	vld [tilespmem:s5+$0x60];
	_ =	sdelay $0x1  }
0x5e: {  	v2 =	vld [tilespmem:s5+$0xFFFFFFA0];
	_ =	sdelay $0x1  }
0x5f: {  	v3 =	vld [tilespmem:s5+$0xFFFFFFC0]  }
0x60: {  	s1 =	simm.s32 $0x6000;
	v4 =	vunpack.i.l.bf16.f32 v1  }
0x61: {  	v5 =	vld [tilespmem:s5+$0xFFFFFFE0];
	v1 =	vunpack.i.u.bf16.f32 v1;
	[tilespmem:s1+$0xC0] =	vst v4  }
0x62: {  	v6 =	vld [tilespmem:s5+$0xFFFFFF80];
	v4 =	vunpack.i.l.bf16.f32 v2;
	[tilespmem:s1+$0xD0] =	vst v1  }
0x63: {  	v1 =	vunpack.i.u.bf16.f32 v2;
	[tilespmem:s1+$0xFFFFFF40] =	vst v4  }
0x64: {  	v2 =	vld [tilespmem:s5+$0x70];
	v4 =	vunpack.i.l.bf16.f32 v3;
	[tilespmem:s1+$0xFFFFFF50] =	vst v1  }
0x65: {  	v1 =	vunpack.i.u.bf16.f32 v3;
	[tilespmem:s1+$0xFFFFFF80] =	vst v4  }
0x66: {  	v3 =	vld [tilespmem:s5+$0x0];
	v4 =	vunpack.i.l.bf16.f32 v5;
	[tilespmem:s1+$0xFFFFFF90] =	vst v1  }
0x67: {  	v1 =	vunpack.i.l.bf16.f32 v6;
	[tilespmem:s1+$0xFFFFFFC0] =	vst v4  }
0x68: {  	v6 =	vunpack.i.u.bf16.f32 v6;
	v4 =	vld [tilespmem:s5+$0x20];
	[tilespmem:s1+$0xFFFFFF00] =	vst v1  }
0x69: {  	[tilespmem:s1+$0xFFFFFF10] =	vst v6;
	v1 =	vunpack.i.u.bf16.f32 v2  }
0x6a: {  	v5 =	vunpack.i.u.bf16.f32 v5;
	[tilespmem:s1+$0xF0] =	vst v1;
	v1 =	vld [tilespmem:s5+$0x40]  }
0x6b: {  	[tilespmem:s1+$0xFFFFFFD0] =	vst v5;
	v6 =	vunpack.i.l.bf16.f32 v3  }
0x6c: {  	v5 =	vld [tilespmem:s5+$0xFFFFFF90];
	v3 =	vunpack.i.u.bf16.f32 v3;
	[tilespmem:s1+$0x0] =	vst v6  }
0x6d: {  	[tilespmem:s1+$0x10] =	vst v3;
	v6 =	vunpack.i.l.bf16.f32 v4  }
0x6e: {  	v3 =	vld [tilespmem:s5+$0xFFFFFFB0];
	v4 =	vunpack.i.u.bf16.f32 v4;
	[tilespmem:s1+$0x40] =	vst v6  }
0x6f: {  	[tilespmem:s1+$0x50] =	vst v4;
	v6 =	vunpack.i.l.bf16.f32 v1  }
0x70: {  	v4 =	vld [tilespmem:s5+$0xFFFFFFD0];
	v1 =	vunpack.i.u.bf16.f32 v1;
	[tilespmem:s1+$0x80] =	vst v6  }
0x71: {  	v6 =	vunpack.i.l.bf16.f32 v5;
	[tilespmem:s1+$0x90] =	vst v1  }
0x72: {  	v7 =	vld [tilespmem:s5+$0xFFFFFFF0];
	v1 =	vunpack.i.u.bf16.f32 v5;
	[tilespmem:s1+$0xFFFFFF20] =	vst v6  }
0x73: {  	v8 =	vld [tilespmem:s5+$0x30];
	v5 =	vunpack.i.l.bf16.f32 v3;
	[tilespmem:s1+$0xFFFFFF30] =	vst v1  }
0x74: {  	v6 =	vld [tilespmem:s5+$0x10];
	v1 =	vunpack.i.u.bf16.f32 v3;
	[tilespmem:s1+$0xFFFFFF60] =	vst v5  }
0x75: {  	v3 =	vunpack.i.l.bf16.f32 v4;
	v5 =	vld [tilespmem:s5+$0x50];
	[tilespmem:s1+$0xFFFFFF70] =	vst v1  }
0x76: {  	v1 =	vunpack.i.u.bf16.f32 v4;
	[tilespmem:s1+$0xFFFFFFA0] =	vst v3  }
0x77: {  	v3 =	vunpack.i.l.bf16.f32 v7;
	[tilespmem:s1+$0xFFFFFFB0] =	vst v1  }
0x78: {  	v4 =	vunpack.i.u.bf16.f32 v7;
	v1 =	vunpack.i.l.bf16.f32 v2;
	[tilespmem:s1+$0xFFFFFFE0] =	vst v3  }
0x79: {  	v2 =	vunpack.i.u.bf16.f32 v8;
	[tilespmem:s1+$0xFFFFFFF0] =	vst v4;
	v3 =	vunpack.i.u.bf16.f32 v6;
	v7 =	vunpack.i.l.bf16.f32 v6  }
0x7a: {  	s6 =	simm.s32 $0x5080;
	s5 =	simm.s32 $0x0;
	v6 =	vunpack.i.l.bf16.f32 v8;
	v4 =	vunpack.i.u.bf16.f32 v5;
	v5 =	vunpack.i.l.bf16.f32 v5;
	[tilespmem:s1+$0x20] =	vst v7  }
.LBB2_4:
0x7b: {  	v7 =	vld [tilespmem:s6+$0x60];
	[tilespmem:s1+$0x30] =	vst v3  }
0x7c: {  	s5 =	sadd.s32 $0x8, s5;
	v3 =	vld [tilespmem:s6+$0xFFFFFFA0];
	[tilespmem:s1+$0x60] =	vst v6  }
0x7d: {  	p0 =	slt.u32 s5, $0x78;
	v6 =	vld [tilespmem:s6+$0xFFFFFFC0];
	[tilespmem:s1+$0x70] =	vst v2  }
0x7e: {  	v2 =	vld [tilespmem:s6+$0xFFFFFFE0];
	[tilespmem:s1+$0xA0] =	vst v5  }
0x7f: {  	v5 =	vld [tilespmem:s6+$0x0];
	[tilespmem:s1+$0xB0] =	vst v4  }
0x80: {  	v4 =	vld [tilespmem:s6+$0x20];
	v8 =	vunpack.i.l.bf16.f32 v7;
	[tilespmem:s1+$0xE0] =	vst v1;
	s1 =	sadd.s32 $0x200, s1  }
0x81: {  	v7 =	vunpack.i.u.bf16.f32 v7;
	v1 =	vunpack.i.u.bf16.f32 v3;
	v3 =	vunpack.i.l.bf16.f32 v3;
	v9 =	vld [tilespmem:s6+$0x40];
	[tilespmem:s1+$0xC0] =	vst v8  }
0x82: {  	v8 =	vld [tilespmem:s6+$0xFFFFFF80];
	v10 =	vunpack.i.u.bf16.f32 v6;
	v6 =	vunpack.i.l.bf16.f32 v6;
	[tilespmem:s1+$0xD0] =	vst v7  }
0x83: {  	[tilespmem:s1+$0xFFFFFF40] =	vst v3;
	v3 =	vunpack.i.u.bf16.f32 v2;
	v2 =	vunpack.i.l.bf16.f32 v2;
	v7 =	vld [tilespmem:s6+$0x70]  }
0x84: {  	[tilespmem:s1+$0xFFFFFF50] =	vst v1;
	v11 =	vunpack.i.u.bf16.f32 v5;
	v5 =	vunpack.i.l.bf16.f32 v5  }
0x85: {  	v12 =	vld [tilespmem:s6+$0xFFFFFFB0];
	[tilespmem:s1+$0xFFFFFF80] =	vst v6;
	v6 =	vunpack.i.u.bf16.f32 v4;
	v4 =	vunpack.i.l.bf16.f32 v4  }
0x86: {  	[tilespmem:s1+$0xFFFFFF90] =	vst v10;
	v10 =	vunpack.i.u.bf16.f32 v9;
	v9 =	vunpack.i.l.bf16.f32 v9  }
0x87: {  	v13 =	vunpack.i.u.bf16.f32 v8;
	v1 =	vunpack.i.l.bf16.f32 v8;
	v8 =	vld [tilespmem:s6+$0xFFFFFFD0];
	[tilespmem:s1+$0xFFFFFFC0] =	vst v2  }
0x88: {  	[tilespmem:s1+$0xFFFFFF00] =	vst v1;
	v2 =	vunpack.i.u.bf16.f32 v7;
	v1 =	vunpack.i.l.bf16.f32 v7  }
0x89: {  	[tilespmem:s1+$0xF0] =	vst v2  }
0x8a: {  	[tilespmem:s1+$0xFFFFFF10] =	vst v13;
	v2 =	vunpack.i.u.bf16.f32 v12;
	v7 =	vunpack.i.l.bf16.f32 v12  }
0x8b: {  	v12 =	vld [tilespmem:s6+$0xFFFFFF90];
	[tilespmem:s1+$0xFFFFFFD0] =	vst v3  }
0x8c: {  	v13 =	vunpack.i.u.bf16.f32 v8;
	v8 =	vunpack.i.l.bf16.f32 v8;
	v3 =	vld [tilespmem:s6+$0xFFFFFFF0];
	[tilespmem:s1+$0x0] =	vst v5  }
0x8d: {  	[tilespmem:s1+$0x10] =	vst v11  }
0x8e: {  	v5 =	vld [tilespmem:s6+$0x10];
	[tilespmem:s1+$0x40] =	vst v4  }
0x8f: {  	[tilespmem:s1+$0x50] =	vst v6  }
0x90: {  	v4 =	vunpack.i.u.bf16.f32 v12;
	v6 =	vunpack.i.l.bf16.f32 v12;
	v11 =	vld [tilespmem:s6+$0x30];
	[tilespmem:s1+$0x80] =	vst v9  }
0x91: {  	v9 =	vunpack.i.u.bf16.f32 v3;
	v12 =	vunpack.i.l.bf16.f32 v3;
	[tilespmem:s1+$0x90] =	vst v10  }
0x92: {  	[tilespmem:s1+$0xFFFFFF20] =	vst v6;
	v10 =	vld [tilespmem:s6+$0x50]  }
0x93: {  	[tilespmem:s1+$0xFFFFFF30] =	vst v4;
	v3 =	vunpack.i.u.bf16.f32 v5;
	v14 =	vunpack.i.l.bf16.f32 v5  }
0x94: {  	[tilespmem:s1+$0xFFFFFF60] =	vst v7  }
0x95: {  	[tilespmem:s1+$0xFFFFFF70] =	vst v2;
	v2 =	vunpack.i.u.bf16.f32 v11;
	v6 =	vunpack.i.l.bf16.f32 v11  }
.Ltmp1:
0x96: {  	[tilespmem:s1+$0xFFFFFFA0] =	vst v8;
	(pc) =	sbr.rel @p0 .LBB2_4-.Ltmp1, $4  }
0x97: {  	[tilespmem:s1+$0xFFFFFFB0] =	vst v13;
	v4 =	vunpack.i.u.bf16.f32 v10;
	v5 =	vunpack.i.l.bf16.f32 v10  }
0x98: {  	[tilespmem:s1+$0xFFFFFFE0] =	vst v12  }
0x99: {  	[tilespmem:s1+$0xFFFFFFF0] =	vst v9  }
0x9a: {  	s6 =	sadd.s32 $0x100, s6;
	[tilespmem:s1+$0x20] =	vst v14  }
0x9b: {  	[tilespmem:s1+$0x30] =	vst v3  }
0x9c: {  	[tilespmem:s1+$0x60] =	vst v6  }
0x9d: {  	[tilespmem:s1+$0x70] =	vst v2  }
0x9e: {  	[tilespmem:s1+$0xA0] =	vst v5  }
0x9f: {  	[tilespmem:s1+$0xB0] =	vst v4  }
0xa0: {  	[tilespmem:s1+$0xE0] =	vst v1;
	s1 =	simm.s32 $0x0  }
0xa1: {  	[spmem:s3] =	stream.indirect.scatter.add.f32 [tilespmem:s29], [sflag:$0x1], $0x40, s26, s26, $0xb8;
	[tilespmem:$0x1CB00] =	vst v63  }
.LBB2_6:
0xa2: {  	s5 =	sshll.u32 s1, $0x9  }
0xa3: {  	s5 =	sand.u32 $0x3FFFFE00, s5  }
0xa4: {  	s6 =	sor.u32 $0x100, s5  }
0xa5: {  	[tilespmem:s28], [sflag:$0x2] =	stream.indirect.gather [spmem:s2], $0x20, s6, s26, $0xb8;
	[tilespmem:$0x1CB00] =	vst v63  }
0xa6: {  	_ =	swait.ge [sflag:s24], $0x1000  }
0xa7: {  	[sflag:s24] =	ssyncset.done $0x0  }
0xa8: {  	s7 =	simm.s32 $0x4F80;
	[sflag:s24] =	ssyncadd.s32 $0xFFFFF000  }
0xa9: {  	v1 =	vld [tilespmem:s7+$0x60];
	_ =	sdelay $0x1  }
0xaa: {  	v2 =	vld [tilespmem:s7+$0xFFFFFFA0];
	_ =	sdelay $0x1  }
0xab: {  	v3 =	vld [tilespmem:s7+$0xFFFFFFC0]  }
0xac: {  	s6 =	simm.s32 $0x8000;
	v4 =	vunpack.i.l.bf16.f32 v1  }
0xad: {  	v5 =	vld [tilespmem:s7+$0xFFFFFFE0];
	v1 =	vunpack.i.u.bf16.f32 v1;
	[tilespmem:s6+$0xC0] =	vst v4  }
0xae: {  	v6 =	vld [tilespmem:s7+$0xFFFFFF80];
	v4 =	vunpack.i.l.bf16.f32 v2;
	[tilespmem:s6+$0xD0] =	vst v1  }
0xaf: {  	v1 =	vunpack.i.u.bf16.f32 v2;
	[tilespmem:s6+$0xFFFFFF40] =	vst v4  }
0xb0: {  	v2 =	vld [tilespmem:s7+$0x70];
	v4 =	vunpack.i.l.bf16.f32 v3;
	[tilespmem:s6+$0xFFFFFF50] =	vst v1  }
0xb1: {  	v1 =	vunpack.i.u.bf16.f32 v3;
	[tilespmem:s6+$0xFFFFFF80] =	vst v4  }
0xb2: {  	v3 =	vld [tilespmem:s7+$0x0];
	v4 =	vunpack.i.l.bf16.f32 v5;
	[tilespmem:s6+$0xFFFFFF90] =	vst v1  }
0xb3: {  	v1 =	vunpack.i.l.bf16.f32 v6;
	[tilespmem:s6+$0xFFFFFFC0] =	vst v4  }
0xb4: {  	v6 =	vunpack.i.u.bf16.f32 v6;
	v4 =	vld [tilespmem:s7+$0x20];
	[tilespmem:s6+$0xFFFFFF00] =	vst v1  }
0xb5: {  	[tilespmem:s6+$0xFFFFFF10] =	vst v6;
	v1 =	vunpack.i.u.bf16.f32 v2  }
0xb6: {  	v5 =	vunpack.i.u.bf16.f32 v5;
	[tilespmem:s6+$0xF0] =	vst v1;
	v1 =	vld [tilespmem:s7+$0x40]  }
0xb7: {  	[tilespmem:s6+$0xFFFFFFD0] =	vst v5;
	v6 =	vunpack.i.l.bf16.f32 v3  }
0xb8: {  	v5 =	vld [tilespmem:s7+$0xFFFFFF90];
	v3 =	vunpack.i.u.bf16.f32 v3;
	[tilespmem:s6+$0x0] =	vst v6  }
0xb9: {  	[tilespmem:s6+$0x10] =	vst v3;
	v6 =	vunpack.i.l.bf16.f32 v4  }
0xba: {  	v3 =	vld [tilespmem:s7+$0xFFFFFFB0];
	v4 =	vunpack.i.u.bf16.f32 v4;
	[tilespmem:s6+$0x40] =	vst v6  }
0xbb: {  	[tilespmem:s6+$0x50] =	vst v4;
	v6 =	vunpack.i.l.bf16.f32 v1  }
0xbc: {  	v4 =	vld [tilespmem:s7+$0xFFFFFFD0];
	v1 =	vunpack.i.u.bf16.f32 v1;
	[tilespmem:s6+$0x80] =	vst v6  }
0xbd: {  	v6 =	vunpack.i.l.bf16.f32 v5;
	[tilespmem:s6+$0x90] =	vst v1  }
0xbe: {  	v7 =	vld [tilespmem:s7+$0xFFFFFFF0];
	v1 =	vunpack.i.u.bf16.f32 v5;
	[tilespmem:s6+$0xFFFFFF20] =	vst v6  }
0xbf: {  	v8 =	vld [tilespmem:s7+$0x30];
	v5 =	vunpack.i.l.bf16.f32 v3;
	[tilespmem:s6+$0xFFFFFF30] =	vst v1  }
0xc0: {  	v6 =	vld [tilespmem:s7+$0x10];
	v1 =	vunpack.i.u.bf16.f32 v3;
	[tilespmem:s6+$0xFFFFFF60] =	vst v5  }
0xc1: {  	v3 =	vunpack.i.l.bf16.f32 v4;
	v5 =	vld [tilespmem:s7+$0x50];
	[tilespmem:s6+$0xFFFFFF70] =	vst v1  }
0xc2: {  	v1 =	vunpack.i.u.bf16.f32 v4;
	[tilespmem:s6+$0xFFFFFFA0] =	vst v3  }
0xc3: {  	v3 =	vunpack.i.l.bf16.f32 v7;
	[tilespmem:s6+$0xFFFFFFB0] =	vst v1  }
0xc4: {  	v4 =	vunpack.i.u.bf16.f32 v7;
	v1 =	vunpack.i.l.bf16.f32 v2;
	[tilespmem:s6+$0xFFFFFFE0] =	vst v3  }
0xc5: {  	v2 =	vunpack.i.u.bf16.f32 v8;
	[tilespmem:s6+$0xFFFFFFF0] =	vst v4;
	v3 =	vunpack.i.u.bf16.f32 v6;
	v7 =	vunpack.i.l.bf16.f32 v6  }
0xc6: {  	s8 =	simm.s32 $0x5080;
	s7 =	simm.s32 $0x0;
	v6 =	vunpack.i.l.bf16.f32 v8;
	v4 =	vunpack.i.u.bf16.f32 v5;
	v5 =	vunpack.i.l.bf16.f32 v5;
	[tilespmem:s6+$0x20] =	vst v7  }
.LBB2_7:
0xc7: {  	v7 =	vld [tilespmem:s8+$0x60];
	[tilespmem:s6+$0x30] =	vst v3  }
0xc8: {  	s7 =	sadd.s32 $0x8, s7;
	v3 =	vld [tilespmem:s8+$0xFFFFFFA0];
	[tilespmem:s6+$0x60] =	vst v6  }
0xc9: {  	p0 =	slt.u32 s7, $0x78;
	v6 =	vld [tilespmem:s8+$0xFFFFFFC0];
	[tilespmem:s6+$0x70] =	vst v2  }
0xca: {  	v2 =	vld [tilespmem:s8+$0xFFFFFFE0];
	[tilespmem:s6+$0xA0] =	vst v5  }
0xcb: {  	v5 =	vld [tilespmem:s8+$0x0];
	[tilespmem:s6+$0xB0] =	vst v4  }
0xcc: {  	v4 =	vld [tilespmem:s8+$0x20];
	v8 =	vunpack.i.l.bf16.f32 v7;
	[tilespmem:s6+$0xE0] =	vst v1;
	s6 =	sadd.s32 $0x200, s6  }
0xcd: {  	v7 =	vunpack.i.u.bf16.f32 v7;
	v1 =	vunpack.i.u.bf16.f32 v3;
	v3 =	vunpack.i.l.bf16.f32 v3;
	v9 =	vld [tilespmem:s8+$0x40];
	[tilespmem:s6+$0xC0] =	vst v8  }
0xce: {  	v8 =	vld [tilespmem:s8+$0xFFFFFF80];
	v10 =	vunpack.i.u.bf16.f32 v6;
	v6 =	vunpack.i.l.bf16.f32 v6;
	[tilespmem:s6+$0xD0] =	vst v7  }
0xcf: {  	[tilespmem:s6+$0xFFFFFF40] =	vst v3;
	v3 =	vunpack.i.u.bf16.f32 v2;
	v2 =	vunpack.i.l.bf16.f32 v2;
	v7 =	vld [tilespmem:s8+$0x70]  }
0xd0: {  	[tilespmem:s6+$0xFFFFFF50] =	vst v1;
	v11 =	vunpack.i.u.bf16.f32 v5;
	v5 =	vunpack.i.l.bf16.f32 v5  }
0xd1: {  	v12 =	vld [tilespmem:s8+$0xFFFFFFB0];
	[tilespmem:s6+$0xFFFFFF80] =	vst v6;
	v6 =	vunpack.i.u.bf16.f32 v4;
	v4 =	vunpack.i.l.bf16.f32 v4  }
0xd2: {  	[tilespmem:s6+$0xFFFFFF90] =	vst v10;
	v10 =	vunpack.i.u.bf16.f32 v9;
	v9 =	vunpack.i.l.bf16.f32 v9  }
0xd3: {  	v13 =	vunpack.i.u.bf16.f32 v8;
	v1 =	vunpack.i.l.bf16.f32 v8;
	v8 =	vld [tilespmem:s8+$0xFFFFFFD0];
	[tilespmem:s6+$0xFFFFFFC0] =	vst v2  }
0xd4: {  	[tilespmem:s6+$0xFFFFFF00] =	vst v1;
	v2 =	vunpack.i.u.bf16.f32 v7;
	v1 =	vunpack.i.l.bf16.f32 v7  }
0xd5: {  	[tilespmem:s6+$0xF0] =	vst v2  }
0xd6: {  	[tilespmem:s6+$0xFFFFFF10] =	vst v13;
	v2 =	vunpack.i.u.bf16.f32 v12;
	v7 =	vunpack.i.l.bf16.f32 v12  }
0xd7: {  	v12 =	vld [tilespmem:s8+$0xFFFFFF90];
	[tilespmem:s6+$0xFFFFFFD0] =	vst v3  }
0xd8: {  	v13 =	vunpack.i.u.bf16.f32 v8;
	v8 =	vunpack.i.l.bf16.f32 v8;
	v3 =	vld [tilespmem:s8+$0xFFFFFFF0];
	[tilespmem:s6+$0x0] =	vst v5  }
0xd9: {  	[tilespmem:s6+$0x10] =	vst v11  }
0xda: {  	v5 =	vld [tilespmem:s8+$0x10];
	[tilespmem:s6+$0x40] =	vst v4  }
0xdb: {  	[tilespmem:s6+$0x50] =	vst v6  }
0xdc: {  	v4 =	vunpack.i.u.bf16.f32 v12;
	v6 =	vunpack.i.l.bf16.f32 v12;
	v11 =	vld [tilespmem:s8+$0x30];
	[tilespmem:s6+$0x80] =	vst v9  }
0xdd: {  	v9 =	vunpack.i.u.bf16.f32 v3;
	v12 =	vunpack.i.l.bf16.f32 v3;
	[tilespmem:s6+$0x90] =	vst v10  }
0xde: {  	[tilespmem:s6+$0xFFFFFF20] =	vst v6;
	v10 =	vld [tilespmem:s8+$0x50]  }
0xdf: {  	[tilespmem:s6+$0xFFFFFF30] =	vst v4;
	v3 =	vunpack.i.u.bf16.f32 v5;
	v14 =	vunpack.i.l.bf16.f32 v5  }
0xe0: {  	[tilespmem:s6+$0xFFFFFF60] =	vst v7  }
0xe1: {  	[tilespmem:s6+$0xFFFFFF70] =	vst v2;
	v2 =	vunpack.i.u.bf16.f32 v11;
	v6 =	vunpack.i.l.bf16.f32 v11  }
.Ltmp2:
0xe2: {  	[tilespmem:s6+$0xFFFFFFA0] =	vst v8;
	(pc) =	sbr.rel @p0 .LBB2_7-.Ltmp2, $4  }
0xe3: {  	[tilespmem:s6+$0xFFFFFFB0] =	vst v13;
	v4 =	vunpack.i.u.bf16.f32 v10;
	v5 =	vunpack.i.l.bf16.f32 v10  }
0xe4: {  	[tilespmem:s6+$0xFFFFFFE0] =	vst v12  }
0xe5: {  	[tilespmem:s6+$0xFFFFFFF0] =	vst v9  }
0xe6: {  	s8 =	sadd.s32 $0x100, s8;
	[tilespmem:s6+$0x20] =	vst v14  }
0xe7: {  	[tilespmem:s6+$0x30] =	vst v3  }
0xe8: {  	[tilespmem:s6+$0x60] =	vst v6  }
0xe9: {  	[tilespmem:s6+$0x70] =	vst v2  }
0xea: {  	[tilespmem:s6+$0xA0] =	vst v5  }
0xeb: {  	[tilespmem:s6+$0xB0] =	vst v4  }
0xec: {  	[tilespmem:s6+$0xE0] =	vst v1  }
0xed: {  	_ =	swait.ge [sflag:s30], $0x2000  }
0xee: {  	[sflag:s30] =	ssyncset.done $0x0  }
0xef: {  	s7 =	sadd.s32 $0x180, s5;
	[sflag:s30] =	ssyncadd.s32 $0xFFFFE000  }
0xf0: {  	[spmem:s3] =	stream.indirect.scatter.add.f32 [tilespmem:s31], [sflag:$0x1], $0x40, s7, s26, $0xb8;
	[tilespmem:$0x1CB00] =	vst v63  }
0xf1: {  	s8 =	sadd.s32 $0x200, s5  }
0xf2: {  	[tilespmem:s28], [sflag:$0x2] =	stream.indirect.gather [spmem:s2], $0x20, s8, s26, $0xb8;
	[tilespmem:$0x1CB00] =	vst v63  }
0xf3: {  	_ =	swait.ge [sflag:s24], $0x1000  }
0xf4: {  	[sflag:s24] =	ssyncset.done $0x0  }
0xf5: {  	s7 =	simm.s32 $0x4F80;
	[sflag:s24] =	ssyncadd.s32 $0xFFFFF000  }
0xf6: {  	v1 =	vld [tilespmem:s7+$0x60];
	_ =	sdelay $0x1  }
0xf7: {  	v2 =	vld [tilespmem:s7+$0xFFFFFFA0];
	_ =	sdelay $0x1  }
0xf8: {  	v3 =	vld [tilespmem:s7+$0xFFFFFFC0]  }
0xf9: {  	s6 =	simm.s32 $0x6000;
	v4 =	vunpack.i.l.bf16.f32 v1  }
0xfa: {  	v5 =	vld [tilespmem:s7+$0xFFFFFFE0];
	v1 =	vunpack.i.u.bf16.f32 v1;
	[tilespmem:s6+$0xC0] =	vst v4  }
0xfb: {  	v6 =	vld [tilespmem:s7+$0xFFFFFF80];
	v4 =	vunpack.i.l.bf16.f32 v2;
	[tilespmem:s6+$0xD0] =	vst v1  }
0xfc: {  	v1 =	vunpack.i.u.bf16.f32 v2;
	[tilespmem:s6+$0xFFFFFF40] =	vst v4  }
0xfd: {  	v2 =	vld [tilespmem:s7+$0x70];
	v4 =	vunpack.i.l.bf16.f32 v3;
	[tilespmem:s6+$0xFFFFFF50] =	vst v1  }
0xfe: {  	v1 =	vunpack.i.u.bf16.f32 v3;
	[tilespmem:s6+$0xFFFFFF80] =	vst v4  }
0xff: {  	v3 =	vld [tilespmem:s7+$0x0];
	v4 =	vunpack.i.l.bf16.f32 v5;
	[tilespmem:s6+$0xFFFFFF90] =	vst v1  }
0x100: {  	v1 =	vunpack.i.l.bf16.f32 v6;
	[tilespmem:s6+$0xFFFFFFC0] =	vst v4  }
0x101: {  	v6 =	vunpack.i.u.bf16.f32 v6;
	v4 =	vld [tilespmem:s7+$0x20];
	[tilespmem:s6+$0xFFFFFF00] =	vst v1  }
0x102: {  	[tilespmem:s6+$0xFFFFFF10] =	vst v6;
	v1 =	vunpack.i.u.bf16.f32 v2  }
0x103: {  	v5 =	vunpack.i.u.bf16.f32 v5;
	[tilespmem:s6+$0xF0] =	vst v1;
	v1 =	vld [tilespmem:s7+$0x40]  }
0x104: {  	[tilespmem:s6+$0xFFFFFFD0] =	vst v5;
	v6 =	vunpack.i.l.bf16.f32 v3  }
0x105: {  	v5 =	vld [tilespmem:s7+$0xFFFFFF90];
	v3 =	vunpack.i.u.bf16.f32 v3;
	[tilespmem:s6+$0x0] =	vst v6  }
0x106: {  	[tilespmem:s6+$0x10] =	vst v3;
	v6 =	vunpack.i.l.bf16.f32 v4  }
0x107: {  	v3 =	vld [tilespmem:s7+$0xFFFFFFB0];
	v4 =	vunpack.i.u.bf16.f32 v4;
	[tilespmem:s6+$0x40] =	vst v6  }
0x108: {  	[tilespmem:s6+$0x50] =	vst v4;
	v6 =	vunpack.i.l.bf16.f32 v1  }
0x109: {  	v4 =	vld [tilespmem:s7+$0xFFFFFFD0];
	v1 =	vunpack.i.u.bf16.f32 v1;
	[tilespmem:s6+$0x80] =	vst v6  }
0x10a: {  	v6 =	vunpack.i.l.bf16.f32 v5;
	[tilespmem:s6+$0x90] =	vst v1  }
0x10b: {  	v7 =	vld [tilespmem:s7+$0xFFFFFFF0];
	v1 =	vunpack.i.u.bf16.f32 v5;
	[tilespmem:s6+$0xFFFFFF20] =	vst v6  }
0x10c: {  	v8 =	vld [tilespmem:s7+$0x30];
	v5 =	vunpack.i.l.bf16.f32 v3;
	[tilespmem:s6+$0xFFFFFF30] =	vst v1  }
0x10d: {  	v6 =	vld [tilespmem:s7+$0x10];
	v1 =	vunpack.i.u.bf16.f32 v3;
	[tilespmem:s6+$0xFFFFFF60] =	vst v5  }
0x10e: {  	v3 =	vunpack.i.l.bf16.f32 v4;
	v5 =	vld [tilespmem:s7+$0x50];
	[tilespmem:s6+$0xFFFFFF70] =	vst v1  }
0x10f: {  	v1 =	vunpack.i.u.bf16.f32 v4;
	[tilespmem:s6+$0xFFFFFFA0] =	vst v3  }
0x110: {  	v3 =	vunpack.i.l.bf16.f32 v7;
	[tilespmem:s6+$0xFFFFFFB0] =	vst v1  }
0x111: {  	v4 =	vunpack.i.u.bf16.f32 v7;
	v1 =	vunpack.i.l.bf16.f32 v2;
	[tilespmem:s6+$0xFFFFFFE0] =	vst v3  }
0x112: {  	v2 =	vunpack.i.u.bf16.f32 v8;
	[tilespmem:s6+$0xFFFFFFF0] =	vst v4;
	v3 =	vunpack.i.u.bf16.f32 v6;
	v7 =	vunpack.i.l.bf16.f32 v6  }
0x113: {  	s8 =	simm.s32 $0x5080;
	s7 =	simm.s32 $0x0;
	v6 =	vunpack.i.l.bf16.f32 v8;
	v4 =	vunpack.i.u.bf16.f32 v5;
	v5 =	vunpack.i.l.bf16.f32 v5;
	[tilespmem:s6+$0x20] =	vst v7  }
.LBB2_9:
0x114: {  	v7 =	vld [tilespmem:s8+$0x60];
	[tilespmem:s6+$0x30] =	vst v3  }
0x115: {  	s7 =	sadd.s32 $0x8, s7;
	v3 =	vld [tilespmem:s8+$0xFFFFFFA0];
	[tilespmem:s6+$0x60] =	vst v6  }
0x116: {  	p0 =	slt.u32 s7, $0x78;
	v6 =	vld [tilespmem:s8+$0xFFFFFFC0];
	[tilespmem:s6+$0x70] =	vst v2  }
0x117: {  	v2 =	vld [tilespmem:s8+$0xFFFFFFE0];
	[tilespmem:s6+$0xA0] =	vst v5  }
0x118: {  	v5 =	vld [tilespmem:s8+$0x0];
	[tilespmem:s6+$0xB0] =	vst v4  }
0x119: {  	v4 =	vld [tilespmem:s8+$0x20];
	v8 =	vunpack.i.l.bf16.f32 v7;
	[tilespmem:s6+$0xE0] =	vst v1;
	s6 =	sadd.s32 $0x200, s6  }
0x11a: {  	v7 =	vunpack.i.u.bf16.f32 v7;
	v1 =	vunpack.i.u.bf16.f32 v3;
	v3 =	vunpack.i.l.bf16.f32 v3;
	v9 =	vld [tilespmem:s8+$0x40];
	[tilespmem:s6+$0xC0] =	vst v8  }
0x11b: {  	v8 =	vld [tilespmem:s8+$0xFFFFFF80];
	v10 =	vunpack.i.u.bf16.f32 v6;
	v6 =	vunpack.i.l.bf16.f32 v6;
	[tilespmem:s6+$0xD0] =	vst v7  }
0x11c: {  	[tilespmem:s6+$0xFFFFFF40] =	vst v3;
	v3 =	vunpack.i.u.bf16.f32 v2;
	v2 =	vunpack.i.l.bf16.f32 v2;
	v7 =	vld [tilespmem:s8+$0x70]  }
0x11d: {  	[tilespmem:s6+$0xFFFFFF50] =	vst v1;
	v11 =	vunpack.i.u.bf16.f32 v5;
	v5 =	vunpack.i.l.bf16.f32 v5  }
0x11e: {  	v12 =	vld [tilespmem:s8+$0xFFFFFFB0];
	[tilespmem:s6+$0xFFFFFF80] =	vst v6;
	v6 =	vunpack.i.u.bf16.f32 v4;
	v4 =	vunpack.i.l.bf16.f32 v4  }
0x11f: {  	[tilespmem:s6+$0xFFFFFF90] =	vst v10;
	v10 =	vunpack.i.u.bf16.f32 v9;
	v9 =	vunpack.i.l.bf16.f32 v9  }
0x120: {  	v13 =	vunpack.i.u.bf16.f32 v8;
	v1 =	vunpack.i.l.bf16.f32 v8;
	v8 =	vld [tilespmem:s8+$0xFFFFFFD0];
	[tilespmem:s6+$0xFFFFFFC0] =	vst v2  }
0x121: {  	[tilespmem:s6+$0xFFFFFF00] =	vst v1;
	v2 =	vunpack.i.u.bf16.f32 v7;
	v1 =	vunpack.i.l.bf16.f32 v7  }
0x122: {  	[tilespmem:s6+$0xF0] =	vst v2  }
0x123: {  	[tilespmem:s6+$0xFFFFFF10] =	vst v13;
	v2 =	vunpack.i.u.bf16.f32 v12;
	v7 =	vunpack.i.l.bf16.f32 v12  }
0x124: {  	v12 =	vld [tilespmem:s8+$0xFFFFFF90];
	[tilespmem:s6+$0xFFFFFFD0] =	vst v3  }
0x125: {  	v13 =	vunpack.i.u.bf16.f32 v8;
	v8 =	vunpack.i.l.bf16.f32 v8;
	v3 =	vld [tilespmem:s8+$0xFFFFFFF0];
	[tilespmem:s6+$0x0] =	vst v5  }
0x126: {  	[tilespmem:s6+$0x10] =	vst v11  }
0x127: {  	v5 =	vld [tilespmem:s8+$0x10];
	[tilespmem:s6+$0x40] =	vst v4  }
0x128: {  	[tilespmem:s6+$0x50] =	vst v6  }
0x129: {  	v4 =	vunpack.i.u.bf16.f32 v12;
	v6 =	vunpack.i.l.bf16.f32 v12;
	v11 =	vld [tilespmem:s8+$0x30];
	[tilespmem:s6+$0x80] =	vst v9  }
0x12a: {  	v9 =	vunpack.i.u.bf16.f32 v3;
	v12 =	vunpack.i.l.bf16.f32 v3;
	[tilespmem:s6+$0x90] =	vst v10  }
0x12b: {  	[tilespmem:s6+$0xFFFFFF20] =	vst v6;
	v10 =	vld [tilespmem:s8+$0x50]  }
0x12c: {  	[tilespmem:s6+$0xFFFFFF30] =	vst v4;
	v3 =	vunpack.i.u.bf16.f32 v5;
	v14 =	vunpack.i.l.bf16.f32 v5  }
0x12d: {  	[tilespmem:s6+$0xFFFFFF60] =	vst v7  }
0x12e: {  	[tilespmem:s6+$0xFFFFFF70] =	vst v2;
	v2 =	vunpack.i.u.bf16.f32 v11;
	v6 =	vunpack.i.l.bf16.f32 v11  }
.Ltmp3:
0x12f: {  	[tilespmem:s6+$0xFFFFFFA0] =	vst v8;
	(pc) =	sbr.rel @p0 .LBB2_9-.Ltmp3, $4  }
0x130: {  	[tilespmem:s6+$0xFFFFFFB0] =	vst v13;
	v4 =	vunpack.i.u.bf16.f32 v10;
	v5 =	vunpack.i.l.bf16.f32 v10  }
0x131: {  	[tilespmem:s6+$0xFFFFFFE0] =	vst v12  }
0x132: {  	[tilespmem:s6+$0xFFFFFFF0] =	vst v9  }
0x133: {  	s8 =	sadd.s32 $0x100, s8;
	[tilespmem:s6+$0x20] =	vst v14  }
0x134: {  	[tilespmem:s6+$0x30] =	vst v3  }
0x135: {  	[tilespmem:s6+$0x60] =	vst v6  }
0x136: {  	[tilespmem:s6+$0x70] =	vst v2  }
0x137: {  	[tilespmem:s6+$0xA0] =	vst v5;
	s1 =	sadd.s32 $0x1, s1  }
0x138: {  	[tilespmem:s6+$0xB0] =	vst v4;
	p0 =	sne.s32 s1, $0x27  }
.Ltmp4:
0x139: {  	[tilespmem:s6+$0xE0] =	vst v1;
	(pc) =	sbr.rel @p0 .LBB2_6-.Ltmp4, $4  }
0x13a: {  	_ =	swait.ge [sflag:s30], $0x2000  }
0x13b: {  	[sflag:s30] =	ssyncset.done $0x0  }
0x13c: {  	s5 =	sadd.s32 $0x280, s5;
	[sflag:s30] =	ssyncadd.s32 $0xFFFFE000  }
0x13d: {  	[spmem:s3] =	stream.indirect.scatter.add.f32 [tilespmem:s29], [sflag:$0x1], $0x40, s5, s26, $0xb8;
	[tilespmem:$0x1CB00] =	vst v63  }
0x13e: {  	_ =	swait.ge [sflag:s30], $0x2000  }
0x13f: {  	[sflag:s30] =	ssyncset.done $0x0  }
0x140: {  	[sflag:s30] =	ssyncadd.s32 $0xFFFFE000  }
0x141: {  	[bflag:$0x0] =	sbarrier.arrive $0xFFFF  }
0x142: {  	[tilespmem:s25], [sflag:$0x2] =	stream.linear.gather [spmem:s13], $0x2800, $0x38;
	[tilespmem:$0x1CB00] =	vst v63  }
0x143: {  	_ =	swait.ge [sflag:s24], $0x2800  }
0x144: {  	[sflag:s24] =	ssyncset.done $0x0  }
0x145: {  	s1 =	simm.s32 $0x9F20;
	[sflag:s24] =	ssyncadd.s32 $0xFFFFD800  }
0x146: {  	v1 =	vld [tilespmem:s1+$0xFFFFFFE0]  }
0x147: {  	v2 =	vld [tilespmem:s1+$0xFFFFFFF0];
	_ =	sdelay $0x4  }
0x148: {  	s6 =	simm.s32 $0x10;
	v1 =	vpack.i.f32.bf16 v2, v1  }
0x149: {  	[tilespmem:s6+$0xC6F0] =	vst v1  }
0x14a: {  	v1 =	vld [tilespmem:s1+$0x0]  }
0x14b: {  	s5 =	simm.s32 $0xC0;
	v2 =	vld [tilespmem:s1+$0x10]  }
.LBB2_12:
0x14c: {  	_ =	sdelay $0x2  }
0x14d: {  	p0 =	sne.s32 s5, $0x4FC0  }
0x14e: {  	s1 =	sadd.s32 $0x40, s1;
	s7 =	smov.u32 s5;
	s5 =	sadd.s32 $0x80, s5;
	v1 =	vpack.i.f32.bf16 v2, v1  }
0x14f: {  	[tilespmem:s6+$0xC700] =	vst v1  }
0x150: {  	v1 =	vld [tilespmem:s1+$0xFFFFFFE0]  }
0x151: {  	v2 =	vld [tilespmem:s1+$0xFFFFFFF0];
	_ =	sdelay $0x3  }
.Ltmp5:
0x152: {  	(pc) =	sbr.rel @p0 .LBB2_12-.Ltmp5, $4  }
0x153: {  	s6 =	sshra.s32 s7, $0x2;
	v1 =	vpack.i.f32.bf16 v2, v1  }
0x154: {  	[tilespmem:s6+$0xC6F0] =	vst v1  }
0x155: {  	v1 =	vld [tilespmem:s1+$0x0]  }
0x156: {  	v2 =	vld [tilespmem:s1+$0x10]  }
0x157: {  	_ =	sdelay $0x3  }
0x158: {  	v1 =	vpack.i.f32.bf16 v2, v1  }
0x159: {  	[tilespmem:s6+$0xC700] =	vst v1  }
0x15a: {  	[hbm4b:s18+s4] =	stream.linear.scatter [tilespmem:s23], [sflag:$0x2], $0x1400, $0x38;
	[tilespmem:$0x1CB00] =	vst v63  }
0x15b: {  	_ =	swait.ge [sflag:s24], $0x1400  }
0x15c: {  	[sflag:s24] =	ssyncset.done $0x0  }
0x15d: {  	[sflag:s24] =	ssyncadd.s32 $0xFFFFEC00  }
0x15e: {  	[tilespmem:s25], [sflag:$0x2] =	stream.linear.gather [spmem:s14], $0x2800, $0x38;
	[tilespmem:$0x1CB00] =	vst v63  }
0x15f: {  	_ =	swait.ge [sflag:s24], $0x2800  }
0x160: {  	[sflag:s24] =	ssyncset.done $0x0  }
0x161: {  	s1 =	simm.s32 $0x9F20;
	[sflag:s24] =	ssyncadd.s32 $0xFFFFD800  }
0x162: {  	v1 =	vld [tilespmem:s1+$0xFFFFFFE0]  }
0x163: {  	v2 =	vld [tilespmem:s1+$0xFFFFFFF0];
	_ =	sdelay $0x4  }
0x164: {  	s6 =	simm.s32 $0x10;
	v1 =	vpack.i.f32.bf16 v2, v1  }
0x165: {  	[tilespmem:s6+$0xC6F0] =	vst v1  }
0x166: {  	v1 =	vld [tilespmem:s1+$0x0]  }
0x167: {  	s5 =	simm.s32 $0xC0;
	v2 =	vld [tilespmem:s1+$0x10]  }
.LBB2_14:
0x168: {  	_ =	sdelay $0x2  }
0x169: {  	p0 =	sne.s32 s5, $0x4FC0  }
0x16a: {  	s1 =	sadd.s32 $0x40, s1;
	s7 =	smov.u32 s5;
	s5 =	sadd.s32 $0x80, s5;
	v1 =	vpack.i.f32.bf16 v2, v1  }
0x16b: {  	[tilespmem:s6+$0xC700] =	vst v1  }
0x16c: {  	v1 =	vld [tilespmem:s1+$0xFFFFFFE0]  }
0x16d: {  	v2 =	vld [tilespmem:s1+$0xFFFFFFF0];
	_ =	sdelay $0x3  }
.Ltmp6:
0x16e: {  	(pc) =	sbr.rel @p0 .LBB2_14-.Ltmp6, $4  }
0x16f: {  	s6 =	sshra.s32 s7, $0x2;
	v1 =	vpack.i.f32.bf16 v2, v1  }
0x170: {  	[tilespmem:s6+$0xC6F0] =	vst v1  }
0x171: {  	v1 =	vld [tilespmem:s1+$0x0]  }
0x172: {  	v2 =	vld [tilespmem:s1+$0x10]  }
0x173: {  	_ =	sdelay $0x3  }
0x174: {  	v1 =	vpack.i.f32.bf16 v2, v1  }
0x175: {  	[tilespmem:s6+$0xC700] =	vst v1  }
0x176: {  	[hbm4b:s19+s4] =	stream.linear.scatter [tilespmem:s23], [sflag:$0x2], $0x1400, $0x38;
	[tilespmem:$0x1CB00] =	vst v63  }
0x177: {  	_ =	swait.ge [sflag:s24], $0x1400  }
0x178: {  	[sflag:s24] =	ssyncset.done $0x0  }
0x179: {  	[sflag:s24] =	ssyncadd.s32 $0xFFFFEC00  }
0x17a: {  	[tilespmem:s25], [sflag:$0x2] =	stream.linear.gather [spmem:s15], $0x2800, $0x38;
	[tilespmem:$0x1CB00] =	vst v63  }
0x17b: {  	_ =	swait.ge [sflag:s24], $0x2800  }
0x17c: {  	[sflag:s24] =	ssyncset.done $0x0  }
0x17d: {  	s1 =	simm.s32 $0x9F20;
	[sflag:s24] =	ssyncadd.s32 $0xFFFFD800  }
0x17e: {  	v1 =	vld [tilespmem:s1+$0xFFFFFFE0]  }
0x17f: {  	v2 =	vld [tilespmem:s1+$0xFFFFFFF0];
	_ =	sdelay $0x4  }
0x180: {  	s6 =	simm.s32 $0x10;
	v1 =	vpack.i.f32.bf16 v2, v1  }
0x181: {  	[tilespmem:s6+$0xC6F0] =	vst v1  }
0x182: {  	v1 =	vld [tilespmem:s1+$0x0]  }
0x183: {  	s5 =	simm.s32 $0xC0;
	v2 =	vld [tilespmem:s1+$0x10]  }
.LBB2_16:
0x184: {  	_ =	sdelay $0x2  }
0x185: {  	p0 =	sne.s32 s5, $0x4FC0  }
0x186: {  	s1 =	sadd.s32 $0x40, s1;
	s7 =	smov.u32 s5;
	s5 =	sadd.s32 $0x80, s5;
	v1 =	vpack.i.f32.bf16 v2, v1  }
0x187: {  	[tilespmem:s6+$0xC700] =	vst v1  }
0x188: {  	v1 =	vld [tilespmem:s1+$0xFFFFFFE0]  }
0x189: {  	v2 =	vld [tilespmem:s1+$0xFFFFFFF0];
	_ =	sdelay $0x3  }
.Ltmp7:
0x18a: {  	(pc) =	sbr.rel @p0 .LBB2_16-.Ltmp7, $4  }
0x18b: {  	s6 =	sshra.s32 s7, $0x2;
	v1 =	vpack.i.f32.bf16 v2, v1  }
0x18c: {  	[tilespmem:s6+$0xC6F0] =	vst v1  }
0x18d: {  	v1 =	vld [tilespmem:s1+$0x0]  }
0x18e: {  	v2 =	vld [tilespmem:s1+$0x10]  }
0x18f: {  	_ =	sdelay $0x3  }
0x190: {  	v1 =	vpack.i.f32.bf16 v2, v1  }
0x191: {  	[tilespmem:s6+$0xC700] =	vst v1  }
0x192: {  	[hbm4b:s20+s4] =	stream.linear.scatter [tilespmem:s23], [sflag:$0x2], $0x1400, $0x38;
	[tilespmem:$0x1CB00] =	vst v63  }
0x193: {  	_ =	swait.ge [sflag:s24], $0x1400  }
0x194: {  	[sflag:s24] =	ssyncset.done $0x0  }
0x195: {  	[sflag:s24] =	ssyncadd.s32 $0xFFFFEC00  }
0x196: {  	[tilespmem:s25], [sflag:$0x2] =	stream.linear.gather [spmem:s16], $0x2800, $0x38;
	[tilespmem:$0x1CB00] =	vst v63  }
0x197: {  	_ =	swait.ge [sflag:s24], $0x2800  }
0x198: {  	[sflag:s24] =	ssyncset.done $0x0  }
0x199: {  	s1 =	simm.s32 $0x9F20;
	[sflag:s24] =	ssyncadd.s32 $0xFFFFD800  }
0x19a: {  	v1 =	vld [tilespmem:s1+$0xFFFFFFE0]  }
0x19b: {  	v2 =	vld [tilespmem:s1+$0xFFFFFFF0];
	_ =	sdelay $0x4  }
0x19c: {  	s6 =	simm.s32 $0x10;
	v1 =	vpack.i.f32.bf16 v2, v1  }
0x19d: {  	[tilespmem:s6+$0xC6F0] =	vst v1  }
0x19e: {  	v1 =	vld [tilespmem:s1+$0x0]  }
0x19f: {  	s5 =	simm.s32 $0xC0;
	v2 =	vld [tilespmem:s1+$0x10]  }
.LBB2_18:
0x1a0: {  	_ =	sdelay $0x2  }
0x1a1: {  	p0 =	sne.s32 s5, $0x4FC0  }
0x1a2: {  	s1 =	sadd.s32 $0x40, s1;
	s7 =	smov.u32 s5;
	s5 =	sadd.s32 $0x80, s5;
	v1 =	vpack.i.f32.bf16 v2, v1  }
0x1a3: {  	[tilespmem:s6+$0xC700] =	vst v1  }
0x1a4: {  	v1 =	vld [tilespmem:s1+$0xFFFFFFE0]  }
0x1a5: {  	v2 =	vld [tilespmem:s1+$0xFFFFFFF0];
	_ =	sdelay $0x3  }
.Ltmp8:
0x1a6: {  	(pc) =	sbr.rel @p0 .LBB2_18-.Ltmp8, $4  }
0x1a7: {  	s6 =	sshra.s32 s7, $0x2;
	v1 =	vpack.i.f32.bf16 v2, v1  }
0x1a8: {  	[tilespmem:s6+$0xC6F0] =	vst v1  }
0x1a9: {  	v1 =	vld [tilespmem:s1+$0x0]  }
0x1aa: {  	v2 =	vld [tilespmem:s1+$0x10]  }
0x1ab: {  	_ =	sdelay $0x2  }
0x1ac: {  	s0 =	sadd.s32 $0x1, s0  }
0x1ad: {  	p0 =	sne.s32 s0, s22;
	v1 =	vpack.i.f32.bf16 v2, v1  }
.Ltmp9:
0x1ae: {  	[tilespmem:s6+$0xC700] =	vst v1;
	(pc) =	sbr.rel @p0 .LBB2_1-.Ltmp9, $4  }
0x1af: {  	[hbm4b:s21+s4] =	stream.linear.scatter [tilespmem:s23], [sflag:$0x2], $0x1400, $0x38;
	[tilespmem:$0x1CB00] =	vst v63  }
0x1b0: {  	_ =	swait.ge [sflag:s24], $0x1400  }
0x1b1: {  	[sflag:s24] =	ssyncset.done $0x0  }
0x1b2: {  	[sflag:s24] =	ssyncadd.s32 $0xFFFFEC00  }
0x1b3: {  	_ =	sfence.sel $0x180000  }
0x1b4: {  	[bflag:$0x0] =	sbarrier.arrive $0xFFFF  }
0x1b5: {  	_ =	strace $0x9000004D  }
0x1b6: {  	s0 =	stileid.u32;
	[bflag:$0x2] =	sbarrier.arrive $0xFFFF  }
0x1b7: {  	p0 =	sne.s32 s0, $0x0;
	s0 =	rddreg [dreg:$0x3]  }
0x1b8: {  	s0 =	sadd.s32 @!p0 $0x100000, s0  }
0x1b9: {  	[sflag:s0] =	ssyncadd.tile.s32 @!p0 $0x1;
	_ =	shalt  }
.Lfunc_end2:
_tile_overlayer_lowered:
.L_overlay_start_2:
0x1ba: {  	(tag) =	ssettag $0x2  }
0x1bb: {  	s0 =	rddreg [dreg:$0x0];
	s2 =	stileid.u32  }
0x1bc: {  	s1 =	rddreg [dreg:$0x1];
	p0 =	sne.s32 s2, $0x0  }
0x1bd: {  	s3 =	rddreg [dreg:$0x2];
	[bflag:$0x3] =	sbarrier.arrive $0xFFFF;
	s2 =	simm.s32 @!p0 $0x1C02  }
0x1be: {  	[timem:s3], [sflag:s2] =	dma.local @!p0 [hbm:s0], s1  }
0x1bf: {  	s0 =	simm.s32 @!p0 $0x2  }
0x1c0: {  	_ =	swait.ge @!p0 [sflag:s0], s1  }
0x1c1: {  	s1 =	ssub.s32 @!p0 $0x0, s1;
	[sflag:s0] =	ssyncset.done @!p0 $0x0  }
0x1c2: {  	[sflag:s0] =	ssyncadd.s32 @!p0 s1  }
0x1c3: {  	[bflag:$0x3] =	sbarrier.arrive $0xFFFF  }
0x1c4: {  	_ =	shalt  }

// kernel: kernel.16.cloned.1.call-start
scs
__scs_entry_jumppad:
0x0: {  	(pc) =	sbr.rel $0x88, $3  }
0x1: {  	(tag) =	ssettag $0x0;
	lr =	simm.s32 $0x1  }
0x2: {  	[smem:$0x3F9A] =	sst lr;
	_ =	strace $0xD0000000  }
0x3: {  	_ = 	snop  }
0x4: {  	_ = 	snop  }
0x5: {  	_ = 	snop  }
0x6: {  	_ = 	snop  }
0x7: {  	_ = 	snop  }
__scs_overlays_trampoline_lowered:
0x8: {  	[smem:$0x3FA9] =	sst s0  }
0x9: {  	[smem:$0x3FAA] =	sst s1  }
0xa: {  	[smem:$0x3FAB] =	sst s2  }
0xb: {  	[smem:$0x3FAC] =	sst s3  }
0xc: {  	[smem:$0x3FAD] =	sst s4  }
0xd: {  	[smem:$0x3FAE] =	sst s5  }
0xe: {  	[smem:$0x3FAF] =	sst s6  }
0xf: {  	[smem:$0x3FB0] =	sst s7  }
0x10: {  	[smem:$0x3FB1] =	sst s8  }
0x11: {  	[smem:$0x3FB2] =	sst s9;
	s0 =	simm.s32 @!p0 $0x0  }
0x12: {  	s1 =	sld [smem:$0x3F98];
	s0 =	simm.s32 @p0 $0x1  }
0x13: {  	[smem:$0x3FB3] =	sst s0;
	s0 =	simm.s32 @!p1 $0x0  }
0x14: {  	s2 =	sld [smem:$0x3F97];
	s0 =	simm.s32 @p1 $0x1  }
0x15: {  	[smem:$0x3FB4] =	sst s0;
	s0 =	simm.s32 @!p2 $0x0  }
0x16: {  	s3 =	sld [smem:$0x3FDB];
	s0 =	simm.s32 @p2 $0x1  }
0x17: {  	s4 =	simm.s32 $0x1BF5;
	[smem:$0x3FB6] =	sst s0  }
0x18: {  	s0 =	sld [smem:$0x3F99];
	_ =	swait.ge [sflag:s4], $0x0  }
0x19: {  	s7 =	sld [smem:$0x3F9A]  }
0x1a: {  	s8 =	sadd.s32 $0xFFFFE003, lr  }
0x1b: {  	s9 =	sadd.s32 $0xFFFFFEF7, lr;
	s5 =	simm.s32 $0xFFFFFFFF;
	p2 =	slt.u32 s8, $0xFFFFF086  }
0x1c: {  	p1 =	slt.u32 s9, $0xF7A;
	s5 =	simm.s32 @!p2 $0x0  }
0x1d: {  	s5 =	simm.s32 @p1 $0x1;
	p0 =	seq.s32 s7, s2  }
0x1e: {  	s7 =	smul.u32 @!p0 $0xF7A, s2;
	p2 =	seq.s32 @!p0 s5, $0x0  }
0x1f: {  	s9 =	smul.u32 $0xF7A, s1;
	s8 =	simm.s32 @!p0 $0x1BF5;
	p2 =	por !p2, p0  }
0x20: {  	[sflag:s8] =	ssyncset.s32 @!p0 $0xFFFFF086;
	s6 =	sadd.s32 @!p0 s3, s7;
	s7 =	simm.s32 @!p0 $0x108  }
0x21: {  	s3 =	sadd.s32 s3, s9;
	s6 =	sadd.s32 @!p0 $0x88, s6;
	s7 =	simm.s32 @p2 $0x1082  }
0x22: {  	[simem:s7], [sflag:s8] =	dma.local @!p0 [hbm:s6], $0xF7A  }
0x23: {  	s9 =	sor.u32 $0xD0000000, s2;
	s6 =	simm.s32 $0x108;
	_ =	swait.ge @!p0 [sflag:s8], $0x0  }
0x24: {  	s3 =	sadd.s32 $0x88, s3;
	s6 =	simm.s32 @!p1 $0x1082;
	[sflag:s4] =	ssyncset.s32 $0xFFFFF086  }
0x25: {  	[simem:s6], [sflag:s4] =	dma.local [hbm:s3], $0xF7A  }
0x26: {  	[smem:$0x3F9A] =	sst s1;
	(tag) =	ssettag s2;
	_ =	strace s9  }
0x27: {  	s1 =	sld [smem:$0x3FAA]  }
0x28: {  	s2 =	sld [smem:$0x3FAB]  }
0x29: {  	s4 =	sld [smem:$0x3FAD]  }
0x2a: {  	p0 =	seq.s32 s5, $0x0;
	s5 =	sld [smem:$0x3FAE]  }
0x2b: {  	s6 =	sld [smem:$0x3FAF]  }
0x2c: {  	s7 =	sld [smem:$0x3FB0]  }
0x2d: {  	s3 =	simm.s32 $0x108;
	s8 =	sld [smem:$0x3FB1]  }
0x2e: {  	s3 =	simm.s32 @!p0 $0x1082;
	s9 =	sld [smem:$0x3FB2]  }
0x2f: {  	lr =	sadd.s32 s0, s3;
	s0 =	sld [smem:$0x3FA9]  }
0x30: {  	s3 =	sld [smem:$0x3FAC]  }
0x31: {  	[smem:$0x3FB5] =	sst s10  }
0x32: {  	s10 =	sld [smem:$0x3FB3];
	_ =	sdelay $0x3  }
0x33: {  	p0 =	seq.s32 s10, $0x1;
	s10 =	sld [smem:$0x3FB5];
	_ =	sdelay $0x3  }
0x34: {  	[smem:$0x3FB5] =	sst s10  }
0x35: {  	s10 =	sld [smem:$0x3FB4];
	_ =	sdelay $0x3  }
0x36: {  	p1 =	seq.s32 s10, $0x1;
	s10 =	sld [smem:$0x3FB5];
	_ =	sdelay $0x3  }
0x37: {  	[smem:$0x3FB5] =	sst s10  }
0x38: {  	s10 =	sld [smem:$0x3FB6]  }
0x39: {  	_ = 	snop;
	(pc) =	sbr.ind lr, $3  }
0x3a: {  	_ = 	snop  }
0x3b: {  	_ = 	snop  }
0x3c: {  	p2 =	seq.s32 s10, $0x1;
	s10 =	sld [smem:$0x3FB5]  }
0x3d: {  	_ =	shalt  }
0x3e: {  	_ =	shalt  }
0x3f: {  	_ =	shalt  }
0x40: {  	_ =	shalt  }
0x41: {  	_ =	shalt  }
0x42: {  	_ =	shalt  }
0x43: {  	_ =	shalt  }
0x44: {  	_ =	shalt  }
0x45: {  	_ =	shalt  }
0x46: {  	_ =	shalt  }
0x47: {  	_ =	shalt  }
0x48: {  	_ =	shalt  }
0x49: {  	_ =	shalt  }
0x4a: {  	_ =	shalt  }
0x4b: {  	_ =	shalt  }
0x4c: {  	_ =	shalt  }
0x4d: {  	_ =	shalt  }
0x4e: {  	_ =	shalt  }
0x4f: {  	_ =	shalt  }
0x50: {  	_ =	shalt  }
0x51: {  	_ =	shalt  }
0x52: {  	_ =	shalt  }
0x53: {  	_ =	shalt  }
0x54: {  	_ =	shalt  }
0x55: {  	_ =	shalt  }
0x56: {  	_ =	shalt  }
0x57: {  	_ =	shalt  }
0x58: {  	_ =	shalt  }
0x59: {  	_ =	shalt  }
0x5a: {  	_ =	shalt  }
0x5b: {  	_ =	shalt  }
0x5c: {  	_ =	shalt  }
0x5d: {  	_ =	shalt  }
0x5e: {  	_ =	shalt  }
0x5f: {  	_ =	shalt  }
0x60: {  	_ =	shalt  }
0x61: {  	_ =	shalt  }
0x62: {  	_ =	shalt  }
0x63: {  	_ =	shalt  }
0x64: {  	_ =	shalt  }
0x65: {  	_ =	shalt  }
0x66: {  	_ =	shalt  }
0x67: {  	_ =	shalt  }
0x68: {  	_ =	shalt  }
0x69: {  	_ =	shalt  }
0x6a: {  	_ =	shalt  }
0x6b: {  	_ =	shalt  }
0x6c: {  	_ =	shalt  }
0x6d: {  	_ =	shalt  }
0x6e: {  	_ =	shalt  }
0x6f: {  	_ =	shalt  }
0x70: {  	_ =	shalt  }
0x71: {  	_ =	shalt  }
0x72: {  	_ =	shalt  }
0x73: {  	_ =	shalt  }
0x74: {  	_ =	shalt  }
0x75: {  	_ =	shalt  }
0x76: {  	_ =	shalt  }
0x77: {  	_ =	shalt  }
0x78: {  	_ =	shalt  }
0x79: {  	_ =	shalt  }
0x7a: {  	_ =	shalt  }
0x7b: {  	_ =	shalt  }
0x7c: {  	_ =	shalt  }
0x7d: {  	_ =	shalt  }
0x7e: {  	_ =	shalt  }
0x7f: {  	_ =	shalt  }
0x80: {  	_ =	shalt  }
0x81: {  	_ =	shalt  }
0x82: {  	_ =	shalt  }
0x83: {  	_ =	shalt  }
0x84: {  	_ =	shalt  }
0x85: {  	_ =	shalt  }
0x86: {  	_ =	shalt  }
0x87: {  	_ =	shalt  }
.Lfunc_end0:
.L_simem_size_0:
called_computation.2_lowered:
.L_overlay_start_0:
0x88: {  	s2 =	sld [smem:$0x3FD9]  }
0x89: {  	s3 =	sld [smem:$0x3FFE];
	_ =	sdelay $0x1  }
0x8a: {  	s1 =	srdreg.scid  }
0x8b: {  	s0 =	sand.u32 $0x1, s1  }
0x8c: {  	s16 =	sshll.u32 s0, $0xA;
	s2 =	sadd.s32 s3, s2  }
0x8d: {  	s2 =	sadd.s32 s2, s16  }
0x8e: {  	[smem:$0x3FC1] =	sst s2  }
0x8f: {  	_ = 	snop  }
0x90: {  	(tm) =	ssettm $0x1  }
0x91: {  	s17 =	sld [smem:$0x3FFB];
	_ =	sdelay $0x3  }
0x92: {  	_ =	strace s17  }
0x93: {  	s2 =	sld [smem:$0x3FFC];
	_ =	sdelay $0x3  }
0x94: {  	_ =	strace s2  }
0x95: {  	s2 =	sld [smem:$0x3FFD];
	_ =	sdelay $0x3  }
0x96: {  	_ =	strace s2  }
0x97: {  	_ =	strace $0x8FFFFFFF  }
0x98: {  	s18 =	sld [smem:$0x3FDB];
	_ =	sdelay $0x1  }
0x99: {  	s19 =	simm.s32 $_scs_section_size  }
0x9a: {  	s4 =	simm.s32 $_size__tile_overlayer_lowered;
	s5 =	simm.s32 $_tile_overlayer_lowered  }
0x9b: {  	s22 =	simm.s32 $0x1BFF;
	s21 =	sshll.u32 s5, $0x1;
	s2 =	sadd.s32 s19, s18  }
0x9c: {  	s6 =	simm.s32 $0x0;
	s20 =	sshll.u32 s4, $0x1;
	s4 =	sadd.s32 s21, s2  }
0x9d: {  	[timem:s6], [sflag:s22] =	dma.local [hbm:s4], s20  }
0x9e: {  	_ =	swait.ge [sflag:s22], s20  }
0x9f: {  	s3 =	ssub.s32 $0x0, s20;
	[sflag:s22] =	ssyncset.done $0x0  }
0xa0: {  	[sflag:s22] =	ssyncadd.s32 s3;
	_ =	sdelay $0x1  }
0xa1: {  	s23 =	simm.s32 $0x1B8B  }
0xa2: {  	_ =	swait.ge [sflag:s23], $0x1  }
0xa3: {  	[sflag:s23] =	ssyncset.done $0x0  }
0xa4: {  	s25 =	simm.s32 $0x1B8E;
	s24 =	sld [smem:$0x3FFE];
	[sflag:s23] =	ssyncadd.s32 $0xFFFFFFFF  }
0xa5: {  	s26 =	simm.s32 $execute0_lowered;
	[smem:$0x3FD2] =	sst s25  }
0xa6: {  	s4 =	sshll.u32 s26, $0x1;
	_ =	strace $0x80000049;
	[dreg:$0x1] =	wrdreg $0xFFFFFFFF  }
0xa7: {  	s28 =	simm.s32 $_size_execute0_lowered;
	s2 =	sadd.s32 s2, s4;
	[dreg:$0x0] =	wrdreg $0x0  }
0xa8: {  	s4 =	sshll.u32 s28, $0x1;
	[dreg:$0x2] =	wrdreg s2  }
0xa9: {  	[dreg:$0x3] =	wrdreg s4  }
0xaa: {  	[dreg:$0x4] =	wrdreg $0xC0  }
0xab: {  	_ =	task [dreg:s6], $0x5FFFF  }
0xac: {  	[dreg:$0x1] =	wrdreg $0xFFFFFFFF  }
0xad: {  	[dreg:$0x0] =	wrdreg $0x60  }
0xae: {  	[dreg:$0x2] =	wrdreg s24  }
0xaf: {  	[dreg:$0x3] =	wrdreg $0xDB000  }
0xb0: {  	[dreg:$0x4] =	wrdreg $0x12B000  }
0xb1: {  	[dreg:$0x5] =	wrdreg $0xA  }
0xb2: {  	_ =	task.clear_ibuf [dreg:s6], $0x6FFFF;
	_ =	strace $0x90000049  }
0xb3: {  	s29 =	simm.s32 $0xA;
	_ =	strace $0x8000004B  }
0xb4: {  	_ =	swait.ge [sflag:s29], $0x1  }
0xb5: {  	[sflag:s29] =	ssyncadd.s32 $0xFFFFFFFF  }
0xb6: {  	_ =	strace $0x9000004B  }
0xb7: {  	_ =	sfence  }
0xb8: {  	s30 =	sld [smem:$0x0];
	_ =	sdelay $0x2  }
0xb9: {  	s31 =	sshll.u32 s1, $0xD;
	s1 =	sshrl.u32 s1, $0x2  }
0xba: {  	s3 =	sand.u32 $0x4000, s31;
	s1 =	sadd.s32 s1, s30  }
0xbb: {  	s0 =	sor.u32 s3, s0;
	s1 =	sshll.u32 s1, $0x11  }
0xbc: {  	s0 =	sor.u32 s1, s0  }
0xbd: {  	s0 =	sadd.s32 $0x8F2B, s0  }
0xbe: {  	[sflag:s0] =	ssyncadd.remote.s32 $0x1  }
0xbf: {  	_ =	sfence.sel $0xFFFF  }
0xc0: {  	[dreg:$0x0] =	wrdreg $0xFFFFFFFF;
	(pc) =	sbr.abs _section_cstart, $3  }
0xc1: {  	[dreg:$0x1] =	wrdreg $0xFFFFFFFF  }
0xc2: {  	_ =	task.clear_ibuf [dreg:s6], $0x2FFFF;
	_ =	strace $0x9FFFFFFF  }
0xc3: {  	(tm) =	ssettm $0x7FFFFFFF  }
tec
execute0_lowered:
.L_overlay_start_1:
0x0: {  	(tag) =	ssettag $0x1  }
0x1: {  	s0 =	rddreg [dreg:$0x0]  }
0x2: {  	s2 =	rddreg [dreg:$0x1]  }
0x3: {  	s3 =	rddreg [dreg:$0x2];
	s1 =	srdreg.scid  }
0x4: {  	s8 =	stileid.u32;
	s4 =	simm.s32 $0x0;
	s28 =	simm.s32 $0x4F00  }
0x5: {  	s29 =	simm.s32 $0x5F00;
	s30 =	simm.s32 $0x1;
	s31 =	simm.s32 $0x7F00  }
0x6: {  	s1 =	sand.u32 $0x1, s1;
	s5 =	sshll.u32 s8, $0x1;
	[smem:$0x7FF] =	sst s4  }
0x7: {  	s6 =	sadd.s32 $0x3E600, s0;
	s8 =	smul.u32 $0xA000, s8;
	s5 =	sor.u32 s1, s5  }
0x8: {  	_ =	strace $0x8000004A;
	s7 =	ssub.s32 $0x2, s1;
	s1 =	smul.u32 $0xA0000, s1  }
0x9: {  	s5 =	smul.u32 $0x9E0, s5;
	s9 =	sshrl.u32 s7, $0x1;
	s14 =	sshrl.u32 s8, $0x4  }
0xa: {  	s10 =	sshrl.u32 s8, $0x1;
	s19 =	sadd.s32 $0x2800, s8;
	s20 =	sadd.s32 $0x5000, s8  }
0xb: {  	s13 =	sadd.s32 s8, s3;
	s7 =	ssub.s32 s7, s9;
	s9 =	sadd.s32 s6, s14  }
0xc: {  	s15 =	sadd.s32 s10, s2;
	s16 =	sshrl.u32 s19, $0x4;
	s17 =	sshrl.u32 s19, $0x1  }
0xd: {  	s21 =	sshrl.u32 s20, $0x4;
	s22 =	sshrl.u32 s20, $0x1;
	s14 =	sadd.s32 s19, s3  }
0xe: {  	s23 =	sadd.s32 s8, s1;
	s24 =	sadd.s32 s1, s19;
	s25 =	sadd.s32 s1, s20  }
0xf: {  	s5 =	sadd.s32 s5, s0;
	s0 =	sadd.s32 $0x48600, s0;
	[dreg:$0x4] =	wrdreg s9  }
0x10: {  	[dreg:$0x5] =	wrdreg s15;
	s9 =	sadd.s32 s6, s16;
	s18 =	sadd.s32 s17, s2  }
0x11: {  	s10 =	sadd.s32 s22, s2;
	s15 =	sadd.s32 s20, s3;
	s26 =	sshrl.u32 s25, $0x4  }
0x12: {  	s22 =	smax.u32 s7, $0x1;
	s25 =	simm.s32 $0x9F00;
	[dreg:$0x6] =	wrdreg s9  }
0x13: {  	[dreg:$0x7] =	wrdreg s18;
	s9 =	sadd.s32 s6, s21;
	s21 =	sadd.s32 $0x7800, s8  }
0x14: {  	s17 =	sadd.s32 $0x2A00, s5;
	s5 =	sshrl.u32 s24, $0x4;
	s20 =	sadd.s32 s0, s26  }
0x15: {  	s24 =	simm.s32 $0x2;
	s26 =	simm.s32 $0x80;
	s11 =	sshrl.u32 s21, $0x4  }
0x16: {  	s12 =	sshrl.u32 s21, $0x1;
	s16 =	sadd.s32 s21, s3;
	s1 =	sadd.s32 s1, s21  }
0x17: {  	s19 =	sadd.s32 s0, s5;
	s11 =	sadd.s32 s6, s11;
	s12 =	sadd.s32 s12, s2  }
0x18: {  	s6 =	sshrl.u32 s23, $0x4;
	s1 =	sshrl.u32 s1, $0x4;
	s23 =	simm.s32 $0xC700  }
0x19: {  	v0 =	vimm.f32 $0.0e+00;
	s18 =	sadd.s32 s0, s6;
	s21 =	sadd.s32 s0, s1;
	s0 =	simm.s32 $0x0  }
.LBB2_1:
0x1a: {  	s1 =	rddreg [dreg:$0x4]  }
0x1b: {  	[tilespmem:s23], [sflag:$0x2] =	stream.linear.gather [hbm4b:s1+s4], $0x1400, $0x38;
	[tilespmem:$0x1CB00] =	vst v63  }
0x1c: {  	_ =	swait.ge [sflag:s24], $0x1400  }
0x1d: {  	[sflag:s24] =	ssyncset.done $0x0  }
0x1e: {  	s6 =	rddreg [dreg:$0x5];
	[sflag:s24] =	ssyncadd.s32 $0xFFFFEC00  }
0x1f: {  	[spmem:s6] =	stream.linear.scatter [tilespmem:s23], [sflag:$0x2], $0x1400, $0x38;
	[tilespmem:$0x1CB00] =	vst v63  }
0x20: {  	_ =	swait.ge [sflag:s24], $0x1400  }
0x21: {  	[sflag:s24] =	ssyncset.done $0x0  }
0x22: {  	s7 =	rddreg [dreg:$0x6];
	[sflag:s24] =	ssyncadd.s32 $0xFFFFEC00  }
0x23: {  	[tilespmem:s23], [sflag:$0x2] =	stream.linear.gather [hbm4b:s7+s4], $0x1400, $0x38;
	[tilespmem:$0x1CB00] =	vst v63  }
0x24: {  	_ =	swait.ge [sflag:s24], $0x1400  }
0x25: {  	[sflag:s24] =	ssyncset.done $0x0  }
0x26: {  	s8 =	rddreg [dreg:$0x7];
	[sflag:s24] =	ssyncadd.s32 $0xFFFFEC00  }
0x27: {  	[spmem:s8] =	stream.linear.scatter [tilespmem:s23], [sflag:$0x2], $0x1400, $0x38;
	[tilespmem:$0x1CB00] =	vst v63  }
0x28: {  	_ =	swait.ge [sflag:s24], $0x1400  }
0x29: {  	[sflag:s24] =	ssyncset.done $0x0  }
0x2a: {  	[sflag:s24] =	ssyncadd.s32 $0xFFFFEC00  }
0x2b: {  	[tilespmem:s23], [sflag:$0x2] =	stream.linear.gather [hbm4b:s9+s4], $0x1400, $0x38;
	[tilespmem:$0x1CB00] =	vst v63  }
0x2c: {  	_ =	swait.ge [sflag:s24], $0x1400  }
0x2d: {  	[sflag:s24] =	ssyncset.done $0x0  }
0x2e: {  	[sflag:s24] =	ssyncadd.s32 $0xFFFFEC00  }
0x2f: {  	[spmem:s10] =	stream.linear.scatter [tilespmem:s23], [sflag:$0x2], $0x1400, $0x38;
	[tilespmem:$0x1CB00] =	vst v63  }
0x30: {  	_ =	swait.ge [sflag:s24], $0x1400  }
0x31: {  	[sflag:s24] =	ssyncset.done $0x0  }
0x32: {  	[sflag:s24] =	ssyncadd.s32 $0xFFFFEC00  }
0x33: {  	[tilespmem:s23], [sflag:$0x2] =	stream.linear.gather [hbm4b:s11+s4], $0x1400, $0x38;
	[tilespmem:$0x1CB00] =	vst v63  }
0x34: {  	_ =	swait.ge [sflag:s24], $0x1400  }
0x35: {  	[sflag:s24] =	ssyncset.done $0x0  }
0x36: {  	[sflag:s24] =	ssyncadd.s32 $0xFFFFEC00  }
0x37: {  	[spmem:s12] =	stream.linear.scatter [tilespmem:s23], [sflag:$0x2], $0x1400, $0x38;
	[tilespmem:$0x1CB00] =	vst v63  }
0x38: {  	_ =	swait.ge [sflag:s24], $0x1400  }
0x39: {  	[sflag:s24] =	ssyncset.done $0x0  }
0x3a: {  	s5 =	simm.s32 $0x100;
	s1 =	simm.s32 $0x0;
	[sflag:s24] =	ssyncadd.s32 $0xFFFFEC00  }
.LBB2_2:
0x3b: {  	p0 =	sne.s32 s5, $0x9F00;
	[tilespmem:s1+$0x9F30] =	vst v0;
	s6 =	smov.u32 s5;
	s5 =	sadd.s32 $0x100, s5  }
.Ltmp0:
0x3c: {  	[tilespmem:s1+$0x9F20] =	vst v0;
	(pc) =	sbr.rel @p0 .LBB2_2-.Ltmp0, $3  }
0x3d: {  	[tilespmem:s1+$0x9F00] =	vst v0  }
0x3e: {  	[tilespmem:s1+$0x9F10] =	vst v0;
	_ =	sdelay $0x1  }
0x3f: {  	s1 =	sshra.s32 s6, $0x2  }
0x40: {  	[tilespmem:s1+$0x9F30] =	vst v0  }
0x41: {  	[tilespmem:s1+$0x9F20] =	vst v0  }
0x42: {  	[tilespmem:s1+$0x9F00] =	vst v0  }
0x43: {  	[tilespmem:s1+$0x9F10] =	vst v0  }
0x44: {  	[spmem:s13] =	stream.linear.scatter [tilespmem:s25], [sflag:$0x2], $0x2800, $0x38;
	[tilespmem:$0x1CB00] =	vst v63  }
0x45: {  	_ =	swait.ge [sflag:s24], $0x2800  }
0x46: {  	[sflag:s24] =	ssyncset.done $0x0  }
0x47: {  	[sflag:s24] =	ssyncadd.s32 $0xFFFFD800  }
0x48: {  	[spmem:s14] =	stream.linear.scatter [tilespmem:s25], [sflag:$0x2], $0x2800, $0x38;
	[tilespmem:$0x1CB00] =	vst v63  }
0x49: {  	_ =	swait.ge [sflag:s24], $0x2800  }
0x4a: {  	[sflag:s24] =	ssyncset.done $0x0  }
0x4b: {  	[sflag:s24] =	ssyncadd.s32 $0xFFFFD800  }
0x4c: {  	[spmem:s15] =	stream.linear.scatter [tilespmem:s25], [sflag:$0x2], $0x2800, $0x38;
	[tilespmem:$0x1CB00] =	vst v63  }
0x4d: {  	_ =	swait.ge [sflag:s24], $0x2800  }
0x4e: {  	[sflag:s24] =	ssyncset.done $0x0  }
0x4f: {  	[sflag:s24] =	ssyncadd.s32 $0xFFFFD800  }
0x50: {  	[spmem:s16] =	stream.linear.scatter [tilespmem:s25], [sflag:$0x2], $0x2800, $0x38;
	[tilespmem:$0x1CB00] =	vst v63  }
0x51: {  	_ =	swait.ge [sflag:s24], $0x2800  }
0x52: {  	[sflag:s24] =	ssyncset.done $0x0  }
0x53: {  	[sflag:s24] =	ssyncadd.s32 $0xFFFFD800  }
0x54: {  	[tilespmem:s4], [sflag:$0x2] =	stream.linear.gather [hbm4b:s17+s4], $0x4F00, $0x38;
	[tilespmem:$0x1CB00] =	vst v63  }
0x55: {  	_ =	swait.ge [sflag:s24], $0x4F00  }
0x56: {  	[sflag:s24] =	ssyncset.done $0x0  }
0x57: {  	[sflag:s24] =	ssyncadd.s32 $0xFFFFB100  }
0x58: {  	[bflag:$0x0] =	sbarrier.arrive $0xFFFF  }
0x59: {  	[tilespmem:s28], [sflag:$0x2] =	stream.indirect.gather [spmem:s2], $0x20, s4, s26, $0xb8;
	[tilespmem:$0x1CB00] =	vst v63  }
0x5a: {  	_ =	swait.ge [sflag:s24], $0x1000  }
0x5b: {  	[sflag:s24] =	ssyncset.done $0x0  }
0x5c: {  	s5 =	simm.s32 $0x4F80;
	[sflag:s24] =	ssyncadd.s32 $0xFFFFF000  }
0x5d: {  	v1 =	vld [tilespmem:s5+$0x60];
	_ =	sdelay $0x1  }
0x5e: {  	v2 =	vld [tilespmem:s5+$0xFFFFFFA0];
	_ =	sdelay $0x1  }
0x5f: {  	v3 =	vld [tilespmem:s5+$0xFFFFFFC0]  }
0x60: {  	s1 =	simm.s32 $0x6000;
	v4 =	vunpack.i.l.bf16.f32 v1  }
0x61: {  	v5 =	vld [tilespmem:s5+$0xFFFFFFE0];
	v1 =	vunpack.i.u.bf16.f32 v1;
	[tilespmem:s1+$0xC0] =	vst v4  }
0x62: {  	v6 =	vld [tilespmem:s5+$0xFFFFFF80];
	v4 =	vunpack.i.l.bf16.f32 v2;
	[tilespmem:s1+$0xD0] =	vst v1  }
0x63: {  	v1 =	vunpack.i.u.bf16.f32 v2;
	[tilespmem:s1+$0xFFFFFF40] =	vst v4  }
0x64: {  	v2 =	vld [tilespmem:s5+$0x70];
	v4 =	vunpack.i.l.bf16.f32 v3;
	[tilespmem:s1+$0xFFFFFF50] =	vst v1  }
0x65: {  	v1 =	vunpack.i.u.bf16.f32 v3;
	[tilespmem:s1+$0xFFFFFF80] =	vst v4  }
0x66: {  	v3 =	vld [tilespmem:s5+$0x0];
	v4 =	vunpack.i.l.bf16.f32 v5;
	[tilespmem:s1+$0xFFFFFF90] =	vst v1  }
0x67: {  	v1 =	vunpack.i.l.bf16.f32 v6;
	[tilespmem:s1+$0xFFFFFFC0] =	vst v4  }
0x68: {  	v6 =	vunpack.i.u.bf16.f32 v6;
	v4 =	vld [tilespmem:s5+$0x20];
	[tilespmem:s1+$0xFFFFFF00] =	vst v1  }
0x69: {  	[tilespmem:s1+$0xFFFFFF10] =	vst v6;
	v1 =	vunpack.i.u.bf16.f32 v2  }
0x6a: {  	v5 =	vunpack.i.u.bf16.f32 v5;
	[tilespmem:s1+$0xF0] =	vst v1;
	v1 =	vld [tilespmem:s5+$0x40]  }
0x6b: {  	[tilespmem:s1+$0xFFFFFFD0] =	vst v5;
	v6 =	vunpack.i.l.bf16.f32 v3  }
0x6c: {  	v5 =	vld [tilespmem:s5+$0xFFFFFF90];
	v3 =	vunpack.i.u.bf16.f32 v3;
	[tilespmem:s1+$0x0] =	vst v6  }
0x6d: {  	[tilespmem:s1+$0x10] =	vst v3;
	v6 =	vunpack.i.l.bf16.f32 v4  }
0x6e: {  	v3 =	vld [tilespmem:s5+$0xFFFFFFB0];
	v4 =	vunpack.i.u.bf16.f32 v4;
	[tilespmem:s1+$0x40] =	vst v6  }
0x6f: {  	[tilespmem:s1+$0x50] =	vst v4;
	v6 =	vunpack.i.l.bf16.f32 v1  }
0x70: {  	v4 =	vld [tilespmem:s5+$0xFFFFFFD0];
	v1 =	vunpack.i.u.bf16.f32 v1;
	[tilespmem:s1+$0x80] =	vst v6  }
0x71: {  	v6 =	vunpack.i.l.bf16.f32 v5;
	[tilespmem:s1+$0x90] =	vst v1  }
0x72: {  	v7 =	vld [tilespmem:s5+$0xFFFFFFF0];
	v1 =	vunpack.i.u.bf16.f32 v5;
	[tilespmem:s1+$0xFFFFFF20] =	vst v6  }
0x73: {  	v8 =	vld [tilespmem:s5+$0x30];
	v5 =	vunpack.i.l.bf16.f32 v3;
	[tilespmem:s1+$0xFFFFFF30] =	vst v1  }
0x74: {  	v6 =	vld [tilespmem:s5+$0x10];
	v1 =	vunpack.i.u.bf16.f32 v3;
	[tilespmem:s1+$0xFFFFFF60] =	vst v5  }
0x75: {  	v3 =	vunpack.i.l.bf16.f32 v4;
	v5 =	vld [tilespmem:s5+$0x50];
	[tilespmem:s1+$0xFFFFFF70] =	vst v1  }
0x76: {  	v1 =	vunpack.i.u.bf16.f32 v4;
	[tilespmem:s1+$0xFFFFFFA0] =	vst v3  }
0x77: {  	v3 =	vunpack.i.l.bf16.f32 v7;
	[tilespmem:s1+$0xFFFFFFB0] =	vst v1  }
0x78: {  	v4 =	vunpack.i.u.bf16.f32 v7;
	v1 =	vunpack.i.l.bf16.f32 v2;
	[tilespmem:s1+$0xFFFFFFE0] =	vst v3  }
0x79: {  	v2 =	vunpack.i.u.bf16.f32 v8;
	[tilespmem:s1+$0xFFFFFFF0] =	vst v4;
	v3 =	vunpack.i.u.bf16.f32 v6;
	v7 =	vunpack.i.l.bf16.f32 v6  }
0x7a: {  	s6 =	simm.s32 $0x5080;
	s5 =	simm.s32 $0x0;
	v6 =	vunpack.i.l.bf16.f32 v8;
	v4 =	vunpack.i.u.bf16.f32 v5;
	v5 =	vunpack.i.l.bf16.f32 v5;
	[tilespmem:s1+$0x20] =	vst v7  }
.LBB2_4:
0x7b: {  	v7 =	vld [tilespmem:s6+$0x60];
	[tilespmem:s1+$0x30] =	vst v3  }
0x7c: {  	s5 =	sadd.s32 $0x8, s5;
	v3 =	vld [tilespmem:s6+$0xFFFFFFA0];
	[tilespmem:s1+$0x60] =	vst v6  }
0x7d: {  	p0 =	slt.u32 s5, $0x78;
	v6 =	vld [tilespmem:s6+$0xFFFFFFC0];
	[tilespmem:s1+$0x70] =	vst v2  }
0x7e: {  	v2 =	vld [tilespmem:s6+$0xFFFFFFE0];
	[tilespmem:s1+$0xA0] =	vst v5  }
0x7f: {  	v5 =	vld [tilespmem:s6+$0x0];
	[tilespmem:s1+$0xB0] =	vst v4  }
0x80: {  	v4 =	vld [tilespmem:s6+$0x20];
	v8 =	vunpack.i.l.bf16.f32 v7;
	[tilespmem:s1+$0xE0] =	vst v1;
	s1 =	sadd.s32 $0x200, s1  }
0x81: {  	v7 =	vunpack.i.u.bf16.f32 v7;
	v1 =	vunpack.i.u.bf16.f32 v3;
	v3 =	vunpack.i.l.bf16.f32 v3;
	v9 =	vld [tilespmem:s6+$0x40];
	[tilespmem:s1+$0xC0] =	vst v8  }
0x82: {  	v8 =	vld [tilespmem:s6+$0xFFFFFF80];
	v10 =	vunpack.i.u.bf16.f32 v6;
	v6 =	vunpack.i.l.bf16.f32 v6;
	[tilespmem:s1+$0xD0] =	vst v7  }
0x83: {  	[tilespmem:s1+$0xFFFFFF40] =	vst v3;
	v3 =	vunpack.i.u.bf16.f32 v2;
	v2 =	vunpack.i.l.bf16.f32 v2;
	v7 =	vld [tilespmem:s6+$0x70]  }
0x84: {  	[tilespmem:s1+$0xFFFFFF50] =	vst v1;
	v11 =	vunpack.i.u.bf16.f32 v5;
	v5 =	vunpack.i.l.bf16.f32 v5  }
0x85: {  	v12 =	vld [tilespmem:s6+$0xFFFFFFB0];
	[tilespmem:s1+$0xFFFFFF80] =	vst v6;
	v6 =	vunpack.i.u.bf16.f32 v4;
	v4 =	vunpack.i.l.bf16.f32 v4  }
0x86: {  	[tilespmem:s1+$0xFFFFFF90] =	vst v10;
	v10 =	vunpack.i.u.bf16.f32 v9;
	v9 =	vunpack.i.l.bf16.f32 v9  }
0x87: {  	v13 =	vunpack.i.u.bf16.f32 v8;
	v1 =	vunpack.i.l.bf16.f32 v8;
	v8 =	vld [tilespmem:s6+$0xFFFFFFD0];
	[tilespmem:s1+$0xFFFFFFC0] =	vst v2  }
0x88: {  	[tilespmem:s1+$0xFFFFFF00] =	vst v1;
	v2 =	vunpack.i.u.bf16.f32 v7;
	v1 =	vunpack.i.l.bf16.f32 v7  }
0x89: {  	[tilespmem:s1+$0xF0] =	vst v2  }
0x8a: {  	[tilespmem:s1+$0xFFFFFF10] =	vst v13;
	v2 =	vunpack.i.u.bf16.f32 v12;
	v7 =	vunpack.i.l.bf16.f32 v12  }
0x8b: {  	v12 =	vld [tilespmem:s6+$0xFFFFFF90];
	[tilespmem:s1+$0xFFFFFFD0] =	vst v3  }
0x8c: {  	v13 =	vunpack.i.u.bf16.f32 v8;
	v8 =	vunpack.i.l.bf16.f32 v8;
	v3 =	vld [tilespmem:s6+$0xFFFFFFF0];
	[tilespmem:s1+$0x0] =	vst v5  }
0x8d: {  	[tilespmem:s1+$0x10] =	vst v11  }
0x8e: {  	v5 =	vld [tilespmem:s6+$0x10];
	[tilespmem:s1+$0x40] =	vst v4  }
0x8f: {  	[tilespmem:s1+$0x50] =	vst v6  }
0x90: {  	v4 =	vunpack.i.u.bf16.f32 v12;
	v6 =	vunpack.i.l.bf16.f32 v12;
	v11 =	vld [tilespmem:s6+$0x30];
	[tilespmem:s1+$0x80] =	vst v9  }
0x91: {  	v9 =	vunpack.i.u.bf16.f32 v3;
	v12 =	vunpack.i.l.bf16.f32 v3;
	[tilespmem:s1+$0x90] =	vst v10  }
0x92: {  	[tilespmem:s1+$0xFFFFFF20] =	vst v6;
	v10 =	vld [tilespmem:s6+$0x50]  }
0x93: {  	[tilespmem:s1+$0xFFFFFF30] =	vst v4;
	v3 =	vunpack.i.u.bf16.f32 v5;
	v14 =	vunpack.i.l.bf16.f32 v5  }
0x94: {  	[tilespmem:s1+$0xFFFFFF60] =	vst v7  }
0x95: {  	[tilespmem:s1+$0xFFFFFF70] =	vst v2;
	v2 =	vunpack.i.u.bf16.f32 v11;
	v6 =	vunpack.i.l.bf16.f32 v11  }
.Ltmp1:
0x96: {  	[tilespmem:s1+$0xFFFFFFA0] =	vst v8;
	(pc) =	sbr.rel @p0 .LBB2_4-.Ltmp1, $4  }
0x97: {  	[tilespmem:s1+$0xFFFFFFB0] =	vst v13;
	v4 =	vunpack.i.u.bf16.f32 v10;
	v5 =	vunpack.i.l.bf16.f32 v10  }
0x98: {  	[tilespmem:s1+$0xFFFFFFE0] =	vst v12  }
0x99: {  	[tilespmem:s1+$0xFFFFFFF0] =	vst v9  }
0x9a: {  	s6 =	sadd.s32 $0x100, s6;
	[tilespmem:s1+$0x20] =	vst v14  }
0x9b: {  	[tilespmem:s1+$0x30] =	vst v3  }
0x9c: {  	[tilespmem:s1+$0x60] =	vst v6  }
0x9d: {  	[tilespmem:s1+$0x70] =	vst v2  }
0x9e: {  	[tilespmem:s1+$0xA0] =	vst v5  }
0x9f: {  	[tilespmem:s1+$0xB0] =	vst v4  }
0xa0: {  	[tilespmem:s1+$0xE0] =	vst v1;
	s1 =	simm.s32 $0x0  }
0xa1: {  	[spmem:s3] =	stream.indirect.scatter.add.f32 [tilespmem:s29], [sflag:$0x1], $0x40, s26, s26, $0xb8;
	[tilespmem:$0x1CB00] =	vst v63  }
.LBB2_6:
0xa2: {  	s5 =	sshll.u32 s1, $0x9  }
0xa3: {  	s5 =	sand.u32 $0x3FFFFE00, s5  }
0xa4: {  	s6 =	sor.u32 $0x100, s5  }
0xa5: {  	[tilespmem:s28], [sflag:$0x2] =	stream.indirect.gather [spmem:s2], $0x20, s6, s26, $0xb8;
	[tilespmem:$0x1CB00] =	vst v63  }
0xa6: {  	_ =	swait.ge [sflag:s24], $0x1000  }
0xa7: {  	[sflag:s24] =	ssyncset.done $0x0  }
0xa8: {  	s7 =	simm.s32 $0x4F80;
	[sflag:s24] =	ssyncadd.s32 $0xFFFFF000  }
0xa9: {  	v1 =	vld [tilespmem:s7+$0x60];
	_ =	sdelay $0x1  }
0xaa: {  	v2 =	vld [tilespmem:s7+$0xFFFFFFA0];
	_ =	sdelay $0x1  }
0xab: {  	v3 =	vld [tilespmem:s7+$0xFFFFFFC0]  }
0xac: {  	s6 =	simm.s32 $0x8000;
	v4 =	vunpack.i.l.bf16.f32 v1  }
0xad: {  	v5 =	vld [tilespmem:s7+$0xFFFFFFE0];
	v1 =	vunpack.i.u.bf16.f32 v1;
	[tilespmem:s6+$0xC0] =	vst v4  }
0xae: {  	v6 =	vld [tilespmem:s7+$0xFFFFFF80];
	v4 =	vunpack.i.l.bf16.f32 v2;
	[tilespmem:s6+$0xD0] =	vst v1  }
0xaf: {  	v1 =	vunpack.i.u.bf16.f32 v2;
	[tilespmem:s6+$0xFFFFFF40] =	vst v4  }
0xb0: {  	v2 =	vld [tilespmem:s7+$0x70];
	v4 =	vunpack.i.l.bf16.f32 v3;
	[tilespmem:s6+$0xFFFFFF50] =	vst v1  }
0xb1: {  	v1 =	vunpack.i.u.bf16.f32 v3;
	[tilespmem:s6+$0xFFFFFF80] =	vst v4  }
0xb2: {  	v3 =	vld [tilespmem:s7+$0x0];
	v4 =	vunpack.i.l.bf16.f32 v5;
	[tilespmem:s6+$0xFFFFFF90] =	vst v1  }
0xb3: {  	v1 =	vunpack.i.l.bf16.f32 v6;
	[tilespmem:s6+$0xFFFFFFC0] =	vst v4  }
0xb4: {  	v6 =	vunpack.i.u.bf16.f32 v6;
	v4 =	vld [tilespmem:s7+$0x20];
	[tilespmem:s6+$0xFFFFFF00] =	vst v1  }
0xb5: {  	[tilespmem:s6+$0xFFFFFF10] =	vst v6;
	v1 =	vunpack.i.u.bf16.f32 v2  }
0xb6: {  	v5 =	vunpack.i.u.bf16.f32 v5;
	[tilespmem:s6+$0xF0] =	vst v1;
	v1 =	vld [tilespmem:s7+$0x40]  }
0xb7: {  	[tilespmem:s6+$0xFFFFFFD0] =	vst v5;
	v6 =	vunpack.i.l.bf16.f32 v3  }
0xb8: {  	v5 =	vld [tilespmem:s7+$0xFFFFFF90];
	v3 =	vunpack.i.u.bf16.f32 v3;
	[tilespmem:s6+$0x0] =	vst v6  }
0xb9: {  	[tilespmem:s6+$0x10] =	vst v3;
	v6 =	vunpack.i.l.bf16.f32 v4  }
0xba: {  	v3 =	vld [tilespmem:s7+$0xFFFFFFB0];
	v4 =	vunpack.i.u.bf16.f32 v4;
	[tilespmem:s6+$0x40] =	vst v6  }
0xbb: {  	[tilespmem:s6+$0x50] =	vst v4;
	v6 =	vunpack.i.l.bf16.f32 v1  }
0xbc: {  	v4 =	vld [tilespmem:s7+$0xFFFFFFD0];
	v1 =	vunpack.i.u.bf16.f32 v1;
	[tilespmem:s6+$0x80] =	vst v6  }
0xbd: {  	v6 =	vunpack.i.l.bf16.f32 v5;
	[tilespmem:s6+$0x90] =	vst v1  }
0xbe: {  	v7 =	vld [tilespmem:s7+$0xFFFFFFF0];
	v1 =	vunpack.i.u.bf16.f32 v5;
	[tilespmem:s6+$0xFFFFFF20] =	vst v6  }
0xbf: {  	v8 =	vld [tilespmem:s7+$0x30];
	v5 =	vunpack.i.l.bf16.f32 v3;
	[tilespmem:s6+$0xFFFFFF30] =	vst v1  }
0xc0: {  	v6 =	vld [tilespmem:s7+$0x10];
	v1 =	vunpack.i.u.bf16.f32 v3;
	[tilespmem:s6+$0xFFFFFF60] =	vst v5  }
0xc1: {  	v3 =	vunpack.i.l.bf16.f32 v4;
	v5 =	vld [tilespmem:s7+$0x50];
	[tilespmem:s6+$0xFFFFFF70] =	vst v1  }
0xc2: {  	v1 =	vunpack.i.u.bf16.f32 v4;
	[tilespmem:s6+$0xFFFFFFA0] =	vst v3  }
0xc3: {  	v3 =	vunpack.i.l.bf16.f32 v7;
	[tilespmem:s6+$0xFFFFFFB0] =	vst v1  }
0xc4: {  	v4 =	vunpack.i.u.bf16.f32 v7;
	v1 =	vunpack.i.l.bf16.f32 v2;
	[tilespmem:s6+$0xFFFFFFE0] =	vst v3  }
0xc5: {  	v2 =	vunpack.i.u.bf16.f32 v8;
	[tilespmem:s6+$0xFFFFFFF0] =	vst v4;
	v3 =	vunpack.i.u.bf16.f32 v6;
	v7 =	vunpack.i.l.bf16.f32 v6  }
0xc6: {  	s8 =	simm.s32 $0x5080;
	s7 =	simm.s32 $0x0;
	v6 =	vunpack.i.l.bf16.f32 v8;
	v4 =	vunpack.i.u.bf16.f32 v5;
	v5 =	vunpack.i.l.bf16.f32 v5;
	[tilespmem:s6+$0x20] =	vst v7  }
.LBB2_7:
0xc7: {  	v7 =	vld [tilespmem:s8+$0x60];
	[tilespmem:s6+$0x30] =	vst v3  }
0xc8: {  	s7 =	sadd.s32 $0x8, s7;
	v3 =	vld [tilespmem:s8+$0xFFFFFFA0];
	[tilespmem:s6+$0x60] =	vst v6  }
0xc9: {  	p0 =	slt.u32 s7, $0x78;
	v6 =	vld [tilespmem:s8+$0xFFFFFFC0];
	[tilespmem:s6+$0x70] =	vst v2  }
0xca: {  	v2 =	vld [tilespmem:s8+$0xFFFFFFE0];
	[tilespmem:s6+$0xA0] =	vst v5  }
0xcb: {  	v5 =	vld [tilespmem:s8+$0x0];
	[tilespmem:s6+$0xB0] =	vst v4  }
0xcc: {  	v4 =	vld [tilespmem:s8+$0x20];
	v8 =	vunpack.i.l.bf16.f32 v7;
	[tilespmem:s6+$0xE0] =	vst v1;
	s6 =	sadd.s32 $0x200, s6  }
0xcd: {  	v7 =	vunpack.i.u.bf16.f32 v7;
	v1 =	vunpack.i.u.bf16.f32 v3;
	v3 =	vunpack.i.l.bf16.f32 v3;
	v9 =	vld [tilespmem:s8+$0x40];
	[tilespmem:s6+$0xC0] =	vst v8  }
0xce: {  	v8 =	vld [tilespmem:s8+$0xFFFFFF80];
	v10 =	vunpack.i.u.bf16.f32 v6;
	v6 =	vunpack.i.l.bf16.f32 v6;
	[tilespmem:s6+$0xD0] =	vst v7  }
0xcf: {  	[tilespmem:s6+$0xFFFFFF40] =	vst v3;
	v3 =	vunpack.i.u.bf16.f32 v2;
	v2 =	vunpack.i.l.bf16.f32 v2;
	v7 =	vld [tilespmem:s8+$0x70]  }
0xd0: {  	[tilespmem:s6+$0xFFFFFF50] =	vst v1;
	v11 =	vunpack.i.u.bf16.f32 v5;
	v5 =	vunpack.i.l.bf16.f32 v5  }
0xd1: {  	v12 =	vld [tilespmem:s8+$0xFFFFFFB0];
	[tilespmem:s6+$0xFFFFFF80] =	vst v6;
	v6 =	vunpack.i.u.bf16.f32 v4;
	v4 =	vunpack.i.l.bf16.f32 v4  }
0xd2: {  	[tilespmem:s6+$0xFFFFFF90] =	vst v10;
	v10 =	vunpack.i.u.bf16.f32 v9;
	v9 =	vunpack.i.l.bf16.f32 v9  }
0xd3: {  	v13 =	vunpack.i.u.bf16.f32 v8;
	v1 =	vunpack.i.l.bf16.f32 v8;
	v8 =	vld [tilespmem:s8+$0xFFFFFFD0];
	[tilespmem:s6+$0xFFFFFFC0] =	vst v2  }
0xd4: {  	[tilespmem:s6+$0xFFFFFF00] =	vst v1;
	v2 =	vunpack.i.u.bf16.f32 v7;
	v1 =	vunpack.i.l.bf16.f32 v7  }
0xd5: {  	[tilespmem:s6+$0xF0] =	vst v2  }
0xd6: {  	[tilespmem:s6+$0xFFFFFF10] =	vst v13;
	v2 =	vunpack.i.u.bf16.f32 v12;
	v7 =	vunpack.i.l.bf16.f32 v12  }
0xd7: {  	v12 =	vld [tilespmem:s8+$0xFFFFFF90];
	[tilespmem:s6+$0xFFFFFFD0] =	vst v3  }
0xd8: {  	v13 =	vunpack.i.u.bf16.f32 v8;
	v8 =	vunpack.i.l.bf16.f32 v8;
	v3 =	vld [tilespmem:s8+$0xFFFFFFF0];
	[tilespmem:s6+$0x0] =	vst v5  }
0xd9: {  	[tilespmem:s6+$0x10] =	vst v11  }
0xda: {  	v5 =	vld [tilespmem:s8+$0x10];
	[tilespmem:s6+$0x40] =	vst v4  }
0xdb: {  	[tilespmem:s6+$0x50] =	vst v6  }
0xdc: {  	v4 =	vunpack.i.u.bf16.f32 v12;
	v6 =	vunpack.i.l.bf16.f32 v12;
	v11 =	vld [tilespmem:s8+$0x30];
	[tilespmem:s6+$0x80] =	vst v9  }
0xdd: {  	v9 =	vunpack.i.u.bf16.f32 v3;
	v12 =	vunpack.i.l.bf16.f32 v3;
	[tilespmem:s6+$0x90] =	vst v10  }
0xde: {  	[tilespmem:s6+$0xFFFFFF20] =	vst v6;
	v10 =	vld [tilespmem:s8+$0x50]  }
0xdf: {  	[tilespmem:s6+$0xFFFFFF30] =	vst v4;
	v3 =	vunpack.i.u.bf16.f32 v5;
	v14 =	vunpack.i.l.bf16.f32 v5  }
0xe0: {  	[tilespmem:s6+$0xFFFFFF60] =	vst v7  }
0xe1: {  	[tilespmem:s6+$0xFFFFFF70] =	vst v2;
	v2 =	vunpack.i.u.bf16.f32 v11;
	v6 =	vunpack.i.l.bf16.f32 v11  }
.Ltmp2:
0xe2: {  	[tilespmem:s6+$0xFFFFFFA0] =	vst v8;
	(pc) =	sbr.rel @p0 .LBB2_7-.Ltmp2, $4  }
0xe3: {  	[tilespmem:s6+$0xFFFFFFB0] =	vst v13;
	v4 =	vunpack.i.u.bf16.f32 v10;
	v5 =	vunpack.i.l.bf16.f32 v10  }
0xe4: {  	[tilespmem:s6+$0xFFFFFFE0] =	vst v12  }
0xe5: {  	[tilespmem:s6+$0xFFFFFFF0] =	vst v9  }
0xe6: {  	s8 =	sadd.s32 $0x100, s8;
	[tilespmem:s6+$0x20] =	vst v14  }
0xe7: {  	[tilespmem:s6+$0x30] =	vst v3  }
0xe8: {  	[tilespmem:s6+$0x60] =	vst v6  }
0xe9: {  	[tilespmem:s6+$0x70] =	vst v2  }
0xea: {  	[tilespmem:s6+$0xA0] =	vst v5  }
0xeb: {  	[tilespmem:s6+$0xB0] =	vst v4  }
0xec: {  	[tilespmem:s6+$0xE0] =	vst v1  }
0xed: {  	_ =	swait.ge [sflag:s30], $0x2000  }
0xee: {  	[sflag:s30] =	ssyncset.done $0x0  }
0xef: {  	s7 =	sadd.s32 $0x180, s5;
	[sflag:s30] =	ssyncadd.s32 $0xFFFFE000  }
0xf0: {  	[spmem:s3] =	stream.indirect.scatter.add.f32 [tilespmem:s31], [sflag:$0x1], $0x40, s7, s26, $0xb8;
	[tilespmem:$0x1CB00] =	vst v63  }
0xf1: {  	s8 =	sadd.s32 $0x200, s5  }
0xf2: {  	[tilespmem:s28], [sflag:$0x2] =	stream.indirect.gather [spmem:s2], $0x20, s8, s26, $0xb8;
	[tilespmem:$0x1CB00] =	vst v63  }
0xf3: {  	_ =	swait.ge [sflag:s24], $0x1000  }
0xf4: {  	[sflag:s24] =	ssyncset.done $0x0  }
0xf5: {  	s7 =	simm.s32 $0x4F80;
	[sflag:s24] =	ssyncadd.s32 $0xFFFFF000  }
0xf6: {  	v1 =	vld [tilespmem:s7+$0x60];
	_ =	sdelay $0x1  }
0xf7: {  	v2 =	vld [tilespmem:s7+$0xFFFFFFA0];
	_ =	sdelay $0x1  }
0xf8: {  	v3 =	vld [tilespmem:s7+$0xFFFFFFC0]  }
0xf9: {  	s6 =	simm.s32 $0x6000;
	v4 =	vunpack.i.l.bf16.f32 v1  }
0xfa: {  	v5 =	vld [tilespmem:s7+$0xFFFFFFE0];
	v1 =	vunpack.i.u.bf16.f32 v1;
	[tilespmem:s6+$0xC0] =	vst v4  }
0xfb: {  	v6 =	vld [tilespmem:s7+$0xFFFFFF80];
	v4 =	vunpack.i.l.bf16.f32 v2;
	[tilespmem:s6+$0xD0] =	vst v1  }
0xfc: {  	v1 =	vunpack.i.u.bf16.f32 v2;
	[tilespmem:s6+$0xFFFFFF40] =	vst v4  }
0xfd: {  	v2 =	vld [tilespmem:s7+$0x70];
	v4 =	vunpack.i.l.bf16.f32 v3;
	[tilespmem:s6+$0xFFFFFF50] =	vst v1  }
0xfe: {  	v1 =	vunpack.i.u.bf16.f32 v3;
	[tilespmem:s6+$0xFFFFFF80] =	vst v4  }
0xff: {  	v3 =	vld [tilespmem:s7+$0x0];
	v4 =	vunpack.i.l.bf16.f32 v5;
	[tilespmem:s6+$0xFFFFFF90] =	vst v1  }
0x100: {  	v1 =	vunpack.i.l.bf16.f32 v6;
	[tilespmem:s6+$0xFFFFFFC0] =	vst v4  }
0x101: {  	v6 =	vunpack.i.u.bf16.f32 v6;
	v4 =	vld [tilespmem:s7+$0x20];
	[tilespmem:s6+$0xFFFFFF00] =	vst v1  }
0x102: {  	[tilespmem:s6+$0xFFFFFF10] =	vst v6;
	v1 =	vunpack.i.u.bf16.f32 v2  }
0x103: {  	v5 =	vunpack.i.u.bf16.f32 v5;
	[tilespmem:s6+$0xF0] =	vst v1;
	v1 =	vld [tilespmem:s7+$0x40]  }
0x104: {  	[tilespmem:s6+$0xFFFFFFD0] =	vst v5;
	v6 =	vunpack.i.l.bf16.f32 v3  }
0x105: {  	v5 =	vld [tilespmem:s7+$0xFFFFFF90];
	v3 =	vunpack.i.u.bf16.f32 v3;
	[tilespmem:s6+$0x0] =	vst v6  }
0x106: {  	[tilespmem:s6+$0x10] =	vst v3;
	v6 =	vunpack.i.l.bf16.f32 v4  }
0x107: {  	v3 =	vld [tilespmem:s7+$0xFFFFFFB0];
	v4 =	vunpack.i.u.bf16.f32 v4;
	[tilespmem:s6+$0x40] =	vst v6  }
0x108: {  	[tilespmem:s6+$0x50] =	vst v4;
	v6 =	vunpack.i.l.bf16.f32 v1  }
0x109: {  	v4 =	vld [tilespmem:s7+$0xFFFFFFD0];
	v1 =	vunpack.i.u.bf16.f32 v1;
	[tilespmem:s6+$0x80] =	vst v6  }
0x10a: {  	v6 =	vunpack.i.l.bf16.f32 v5;
	[tilespmem:s6+$0x90] =	vst v1  }
0x10b: {  	v7 =	vld [tilespmem:s7+$0xFFFFFFF0];
	v1 =	vunpack.i.u.bf16.f32 v5;
	[tilespmem:s6+$0xFFFFFF20] =	vst v6  }
0x10c: {  	v8 =	vld [tilespmem:s7+$0x30];
	v5 =	vunpack.i.l.bf16.f32 v3;
	[tilespmem:s6+$0xFFFFFF30] =	vst v1  }
0x10d: {  	v6 =	vld [tilespmem:s7+$0x10];
	v1 =	vunpack.i.u.bf16.f32 v3;
	[tilespmem:s6+$0xFFFFFF60] =	vst v5  }
0x10e: {  	v3 =	vunpack.i.l.bf16.f32 v4;
	v5 =	vld [tilespmem:s7+$0x50];
	[tilespmem:s6+$0xFFFFFF70] =	vst v1  }
0x10f: {  	v1 =	vunpack.i.u.bf16.f32 v4;
	[tilespmem:s6+$0xFFFFFFA0] =	vst v3  }
0x110: {  	v3 =	vunpack.i.l.bf16.f32 v7;
	[tilespmem:s6+$0xFFFFFFB0] =	vst v1  }
0x111: {  	v4 =	vunpack.i.u.bf16.f32 v7;
	v1 =	vunpack.i.l.bf16.f32 v2;
	[tilespmem:s6+$0xFFFFFFE0] =	vst v3  }
0x112: {  	v2 =	vunpack.i.u.bf16.f32 v8;
	[tilespmem:s6+$0xFFFFFFF0] =	vst v4;
	v3 =	vunpack.i.u.bf16.f32 v6;
	v7 =	vunpack.i.l.bf16.f32 v6  }
0x113: {  	s8 =	simm.s32 $0x5080;
	s7 =	simm.s32 $0x0;
	v6 =	vunpack.i.l.bf16.f32 v8;
	v4 =	vunpack.i.u.bf16.f32 v5;
	v5 =	vunpack.i.l.bf16.f32 v5;
	[tilespmem:s6+$0x20] =	vst v7  }
.LBB2_9:
0x114: {  	v7 =	vld [tilespmem:s8+$0x60];
	[tilespmem:s6+$0x30] =	vst v3  }
0x115: {  	s7 =	sadd.s32 $0x8, s7;
	v3 =	vld [tilespmem:s8+$0xFFFFFFA0];
	[tilespmem:s6+$0x60] =	vst v6  }
0x116: {  	p0 =	slt.u32 s7, $0x78;
	v6 =	vld [tilespmem:s8+$0xFFFFFFC0];
	[tilespmem:s6+$0x70] =	vst v2  }
0x117: {  	v2 =	vld [tilespmem:s8+$0xFFFFFFE0];
	[tilespmem:s6+$0xA0] =	vst v5  }
0x118: {  	v5 =	vld [tilespmem:s8+$0x0];
	[tilespmem:s6+$0xB0] =	vst v4  }
0x119: {  	v4 =	vld [tilespmem:s8+$0x20];
	v8 =	vunpack.i.l.bf16.f32 v7;
	[tilespmem:s6+$0xE0] =	vst v1;
	s6 =	sadd.s32 $0x200, s6  }
0x11a: {  	v7 =	vunpack.i.u.bf16.f32 v7;
	v1 =	vunpack.i.u.bf16.f32 v3;
	v3 =	vunpack.i.l.bf16.f32 v3;
	v9 =	vld [tilespmem:s8+$0x40];
	[tilespmem:s6+$0xC0] =	vst v8  }
0x11b: {  	v8 =	vld [tilespmem:s8+$0xFFFFFF80];
	v10 =	vunpack.i.u.bf16.f32 v6;
	v6 =	vunpack.i.l.bf16.f32 v6;
	[tilespmem:s6+$0xD0] =	vst v7  }
0x11c: {  	[tilespmem:s6+$0xFFFFFF40] =	vst v3;
	v3 =	vunpack.i.u.bf16.f32 v2;
	v2 =	vunpack.i.l.bf16.f32 v2;
	v7 =	vld [tilespmem:s8+$0x70]  }
0x11d: {  	[tilespmem:s6+$0xFFFFFF50] =	vst v1;
	v11 =	vunpack.i.u.bf16.f32 v5;
	v5 =	vunpack.i.l.bf16.f32 v5  }
0x11e: {  	v12 =	vld [tilespmem:s8+$0xFFFFFFB0];
	[tilespmem:s6+$0xFFFFFF80] =	vst v6;
	v6 =	vunpack.i.u.bf16.f32 v4;
	v4 =	vunpack.i.l.bf16.f32 v4  }
0x11f: {  	[tilespmem:s6+$0xFFFFFF90] =	vst v10;
	v10 =	vunpack.i.u.bf16.f32 v9;
	v9 =	vunpack.i.l.bf16.f32 v9  }
0x120: {  	v13 =	vunpack.i.u.bf16.f32 v8;
	v1 =	vunpack.i.l.bf16.f32 v8;
	v8 =	vld [tilespmem:s8+$0xFFFFFFD0];
	[tilespmem:s6+$0xFFFFFFC0] =	vst v2  }
0x121: {  	[tilespmem:s6+$0xFFFFFF00] =	vst v1;
	v2 =	vunpack.i.u.bf16.f32 v7;
	v1 =	vunpack.i.l.bf16.f32 v7  }
0x122: {  	[tilespmem:s6+$0xF0] =	vst v2  }
0x123: {  	[tilespmem:s6+$0xFFFFFF10] =	vst v13;
	v2 =	vunpack.i.u.bf16.f32 v12;
	v7 =	vunpack.i.l.bf16.f32 v12  }
0x124: {  	v12 =	vld [tilespmem:s8+$0xFFFFFF90];
	[tilespmem:s6+$0xFFFFFFD0] =	vst v3  }
0x125: {  	v13 =	vunpack.i.u.bf16.f32 v8;
	v8 =	vunpack.i.l.bf16.f32 v8;
	v3 =	vld [tilespmem:s8+$0xFFFFFFF0];
	[tilespmem:s6+$0x0] =	vst v5  }
0x126: {  	[tilespmem:s6+$0x10] =	vst v11  }
0x127: {  	v5 =	vld [tilespmem:s8+$0x10];
	[tilespmem:s6+$0x40] =	vst v4  }
0x128: {  	[tilespmem:s6+$0x50] =	vst v6  }
0x129: {  	v4 =	vunpack.i.u.bf16.f32 v12;
	v6 =	vunpack.i.l.bf16.f32 v12;
	v11 =	vld [tilespmem:s8+$0x30];
	[tilespmem:s6+$0x80] =	vst v9  }
0x12a: {  	v9 =	vunpack.i.u.bf16.f32 v3;
	v12 =	vunpack.i.l.bf16.f32 v3;
	[tilespmem:s6+$0x90] =	vst v10  }
0x12b: {  	[tilespmem:s6+$0xFFFFFF20] =	vst v6;
	v10 =	vld [tilespmem:s8+$0x50]  }
0x12c: {  	[tilespmem:s6+$0xFFFFFF30] =	vst v4;
	v3 =	vunpack.i.u.bf16.f32 v5;
	v14 =	vunpack.i.l.bf16.f32 v5  }
0x12d: {  	[tilespmem:s6+$0xFFFFFF60] =	vst v7  }
0x12e: {  	[tilespmem:s6+$0xFFFFFF70] =	vst v2;
	v2 =	vunpack.i.u.bf16.f32 v11;
	v6 =	vunpack.i.l.bf16.f32 v11  }
.Ltmp3:
0x12f: {  	[tilespmem:s6+$0xFFFFFFA0] =	vst v8;
	(pc) =	sbr.rel @p0 .LBB2_9-.Ltmp3, $4  }
0x130: {  	[tilespmem:s6+$0xFFFFFFB0] =	vst v13;
	v4 =	vunpack.i.u.bf16.f32 v10;
	v5 =	vunpack.i.l.bf16.f32 v10  }
0x131: {  	[tilespmem:s6+$0xFFFFFFE0] =	vst v12  }
0x132: {  	[tilespmem:s6+$0xFFFFFFF0] =	vst v9  }
0x133: {  	s8 =	sadd.s32 $0x100, s8;
	[tilespmem:s6+$0x20] =	vst v14  }
0x134: {  	[tilespmem:s6+$0x30] =	vst v3  }
0x135: {  	[tilespmem:s6+$0x60] =	vst v6  }
0x136: {  	[tilespmem:s6+$0x70] =	vst v2  }
0x137: {  	[tilespmem:s6+$0xA0] =	vst v5;
	s1 =	sadd.s32 $0x1, s1  }
0x138: {  	[tilespmem:s6+$0xB0] =	vst v4;
	p0 =	sne.s32 s1, $0x27  }
.Ltmp4:
0x139: {  	[tilespmem:s6+$0xE0] =	vst v1;
	(pc) =	sbr.rel @p0 .LBB2_6-.Ltmp4, $4  }
0x13a: {  	_ =	swait.ge [sflag:s30], $0x2000  }
0x13b: {  	[sflag:s30] =	ssyncset.done $0x0  }
0x13c: {  	s5 =	sadd.s32 $0x280, s5;
	[sflag:s30] =	ssyncadd.s32 $0xFFFFE000  }
0x13d: {  	[spmem:s3] =	stream.indirect.scatter.add.f32 [tilespmem:s29], [sflag:$0x1], $0x40, s5, s26, $0xb8;
	[tilespmem:$0x1CB00] =	vst v63  }
0x13e: {  	_ =	swait.ge [sflag:s30], $0x2000  }
0x13f: {  	[sflag:s30] =	ssyncset.done $0x0  }
0x140: {  	[sflag:s30] =	ssyncadd.s32 $0xFFFFE000  }
0x141: {  	[bflag:$0x0] =	sbarrier.arrive $0xFFFF  }
0x142: {  	[tilespmem:s25], [sflag:$0x2] =	stream.linear.gather [spmem:s13], $0x2800, $0x38;
	[tilespmem:$0x1CB00] =	vst v63  }
0x143: {  	_ =	swait.ge [sflag:s24], $0x2800  }
0x144: {  	[sflag:s24] =	ssyncset.done $0x0  }
0x145: {  	s1 =	simm.s32 $0x9F20;
	[sflag:s24] =	ssyncadd.s32 $0xFFFFD800  }
0x146: {  	v1 =	vld [tilespmem:s1+$0xFFFFFFE0]  }
0x147: {  	v2 =	vld [tilespmem:s1+$0xFFFFFFF0];
	_ =	sdelay $0x4  }
0x148: {  	s6 =	simm.s32 $0x10;
	v1 =	vpack.i.f32.bf16 v2, v1  }
0x149: {  	[tilespmem:s6+$0xC6F0] =	vst v1  }
0x14a: {  	v1 =	vld [tilespmem:s1+$0x0]  }
0x14b: {  	s5 =	simm.s32 $0xC0;
	v2 =	vld [tilespmem:s1+$0x10]  }
.LBB2_12:
0x14c: {  	_ =	sdelay $0x2  }
0x14d: {  	p0 =	sne.s32 s5, $0x4FC0  }
0x14e: {  	s1 =	sadd.s32 $0x40, s1;
	s7 =	smov.u32 s5;
	s5 =	sadd.s32 $0x80, s5;
	v1 =	vpack.i.f32.bf16 v2, v1  }
0x14f: {  	[tilespmem:s6+$0xC700] =	vst v1  }
0x150: {  	v1 =	vld [tilespmem:s1+$0xFFFFFFE0]  }
0x151: {  	v2 =	vld [tilespmem:s1+$0xFFFFFFF0];
	_ =	sdelay $0x3  }
.Ltmp5:
0x152: {  	(pc) =	sbr.rel @p0 .LBB2_12-.Ltmp5, $4  }
0x153: {  	s6 =	sshra.s32 s7, $0x2;
	v1 =	vpack.i.f32.bf16 v2, v1  }
0x154: {  	[tilespmem:s6+$0xC6F0] =	vst v1  }
0x155: {  	v1 =	vld [tilespmem:s1+$0x0]  }
0x156: {  	v2 =	vld [tilespmem:s1+$0x10]  }
0x157: {  	_ =	sdelay $0x3  }
0x158: {  	v1 =	vpack.i.f32.bf16 v2, v1  }
0x159: {  	[tilespmem:s6+$0xC700] =	vst v1  }
0x15a: {  	[hbm4b:s18+s4] =	stream.linear.scatter [tilespmem:s23], [sflag:$0x2], $0x1400, $0x38;
	[tilespmem:$0x1CB00] =	vst v63  }
0x15b: {  	_ =	swait.ge [sflag:s24], $0x1400  }
0x15c: {  	[sflag:s24] =	ssyncset.done $0x0  }
0x15d: {  	[sflag:s24] =	ssyncadd.s32 $0xFFFFEC00  }
0x15e: {  	[tilespmem:s25], [sflag:$0x2] =	stream.linear.gather [spmem:s14], $0x2800, $0x38;
	[tilespmem:$0x1CB00] =	vst v63  }
0x15f: {  	_ =	swait.ge [sflag:s24], $0x2800  }
0x160: {  	[sflag:s24] =	ssyncset.done $0x0  }
0x161: {  	s1 =	simm.s32 $0x9F20;
	[sflag:s24] =	ssyncadd.s32 $0xFFFFD800  }
0x162: {  	v1 =	vld [tilespmem:s1+$0xFFFFFFE0]  }
0x163: {  	v2 =	vld [tilespmem:s1+$0xFFFFFFF0];
	_ =	sdelay $0x4  }
0x164: {  	s6 =	simm.s32 $0x10;
	v1 =	vpack.i.f32.bf16 v2, v1  }
0x165: {  	[tilespmem:s6+$0xC6F0] =	vst v1  }
0x166: {  	v1 =	vld [tilespmem:s1+$0x0]  }
0x167: {  	s5 =	simm.s32 $0xC0;
	v2 =	vld [tilespmem:s1+$0x10]  }
.LBB2_14:
0x168: {  	_ =	sdelay $0x2  }
0x169: {  	p0 =	sne.s32 s5, $0x4FC0  }
0x16a: {  	s1 =	sadd.s32 $0x40, s1;
	s7 =	smov.u32 s5;
	s5 =	sadd.s32 $0x80, s5;
	v1 =	vpack.i.f32.bf16 v2, v1  }
0x16b: {  	[tilespmem:s6+$0xC700] =	vst v1  }
0x16c: {  	v1 =	vld [tilespmem:s1+$0xFFFFFFE0]  }
0x16d: {  	v2 =	vld [tilespmem:s1+$0xFFFFFFF0];
	_ =	sdelay $0x3  }
.Ltmp6:
0x16e: {  	(pc) =	sbr.rel @p0 .LBB2_14-.Ltmp6, $4  }
0x16f: {  	s6 =	sshra.s32 s7, $0x2;
	v1 =	vpack.i.f32.bf16 v2, v1  }
0x170: {  	[tilespmem:s6+$0xC6F0] =	vst v1  }
0x171: {  	v1 =	vld [tilespmem:s1+$0x0]  }
0x172: {  	v2 =	vld [tilespmem:s1+$0x10]  }
0x173: {  	_ =	sdelay $0x3  }
0x174: {  	v1 =	vpack.i.f32.bf16 v2, v1  }
0x175: {  	[tilespmem:s6+$0xC700] =	vst v1  }
0x176: {  	[hbm4b:s19+s4] =	stream.linear.scatter [tilespmem:s23], [sflag:$0x2], $0x1400, $0x38;
	[tilespmem:$0x1CB00] =	vst v63  }
0x177: {  	_ =	swait.ge [sflag:s24], $0x1400  }
0x178: {  	[sflag:s24] =	ssyncset.done $0x0  }
0x179: {  	[sflag:s24] =	ssyncadd.s32 $0xFFFFEC00  }
0x17a: {  	[tilespmem:s25], [sflag:$0x2] =	stream.linear.gather [spmem:s15], $0x2800, $0x38;
	[tilespmem:$0x1CB00] =	vst v63  }
0x17b: {  	_ =	swait.ge [sflag:s24], $0x2800  }
0x17c: {  	[sflag:s24] =	ssyncset.done $0x0  }
0x17d: {  	s1 =	simm.s32 $0x9F20;
	[sflag:s24] =	ssyncadd.s32 $0xFFFFD800  }
0x17e: {  	v1 =	vld [tilespmem:s1+$0xFFFFFFE0]  }
0x17f: {  	v2 =	vld [tilespmem:s1+$0xFFFFFFF0];
	_ =	sdelay $0x4  }
0x180: {  	s6 =	simm.s32 $0x10;
	v1 =	vpack.i.f32.bf16 v2, v1  }
0x181: {  	[tilespmem:s6+$0xC6F0] =	vst v1  }
0x182: {  	v1 =	vld [tilespmem:s1+$0x0]  }
0x183: {  	s5 =	simm.s32 $0xC0;
	v2 =	vld [tilespmem:s1+$0x10]  }
.LBB2_16:
0x184: {  	_ =	sdelay $0x2  }
0x185: {  	p0 =	sne.s32 s5, $0x4FC0  }
0x186: {  	s1 =	sadd.s32 $0x40, s1;
	s7 =	smov.u32 s5;
	s5 =	sadd.s32 $0x80, s5;
	v1 =	vpack.i.f32.bf16 v2, v1  }
0x187: {  	[tilespmem:s6+$0xC700] =	vst v1  }
0x188: {  	v1 =	vld [tilespmem:s1+$0xFFFFFFE0]  }
0x189: {  	v2 =	vld [tilespmem:s1+$0xFFFFFFF0];
	_ =	sdelay $0x3  }
.Ltmp7:
0x18a: {  	(pc) =	sbr.rel @p0 .LBB2_16-.Ltmp7, $4  }
0x18b: {  	s6 =	sshra.s32 s7, $0x2;
	v1 =	vpack.i.f32.bf16 v2, v1  }
0x18c: {  	[tilespmem:s6+$0xC6F0] =	vst v1  }
0x18d: {  	v1 =	vld [tilespmem:s1+$0x0]  }
0x18e: {  	v2 =	vld [tilespmem:s1+$0x10]  }
0x18f: {  	_ =	sdelay $0x3  }
0x190: {  	v1 =	vpack.i.f32.bf16 v2, v1  }
0x191: {  	[tilespmem:s6+$0xC700] =	vst v1  }
0x192: {  	[hbm4b:s20+s4] =	stream.linear.scatter [tilespmem:s23], [sflag:$0x2], $0x1400, $0x38;
	[tilespmem:$0x1CB00] =	vst v63  }
0x193: {  	_ =	swait.ge [sflag:s24], $0x1400  }
0x194: {  	[sflag:s24] =	ssyncset.done $0x0  }
0x195: {  	[sflag:s24] =	ssyncadd.s32 $0xFFFFEC00  }
0x196: {  	[tilespmem:s25], [sflag:$0x2] =	stream.linear.gather [spmem:s16], $0x2800, $0x38;
	[tilespmem:$0x1CB00] =	vst v63  }
0x197: {  	_ =	swait.ge [sflag:s24], $0x2800  }
0x198: {  	[sflag:s24] =	ssyncset.done $0x0  }
0x199: {  	s1 =	simm.s32 $0x9F20;
	[sflag:s24] =	ssyncadd.s32 $0xFFFFD800  }
0x19a: {  	v1 =	vld [tilespmem:s1+$0xFFFFFFE0]  }
0x19b: {  	v2 =	vld [tilespmem:s1+$0xFFFFFFF0];
	_ =	sdelay $0x4  }
0x19c: {  	s6 =	simm.s32 $0x10;
	v1 =	vpack.i.f32.bf16 v2, v1  }
0x19d: {  	[tilespmem:s6+$0xC6F0] =	vst v1  }
0x19e: {  	v1 =	vld [tilespmem:s1+$0x0]  }
0x19f: {  	s5 =	simm.s32 $0xC0;
	v2 =	vld [tilespmem:s1+$0x10]  }
.LBB2_18:
0x1a0: {  	_ =	sdelay $0x2  }
0x1a1: {  	p0 =	sne.s32 s5, $0x4FC0  }
0x1a2: {  	s1 =	sadd.s32 $0x40, s1;
	s7 =	smov.u32 s5;
	s5 =	sadd.s32 $0x80, s5;
	v1 =	vpack.i.f32.bf16 v2, v1  }
0x1a3: {  	[tilespmem:s6+$0xC700] =	vst v1  }
0x1a4: {  	v1 =	vld [tilespmem:s1+$0xFFFFFFE0]  }
0x1a5: {  	v2 =	vld [tilespmem:s1+$0xFFFFFFF0];
	_ =	sdelay $0x3  }
.Ltmp8:
0x1a6: {  	(pc) =	sbr.rel @p0 .LBB2_18-.Ltmp8, $4  }
0x1a7: {  	s6 =	sshra.s32 s7, $0x2;
	v1 =	vpack.i.f32.bf16 v2, v1  }
0x1a8: {  	[tilespmem:s6+$0xC6F0] =	vst v1  }
0x1a9: {  	v1 =	vld [tilespmem:s1+$0x0]  }
0x1aa: {  	v2 =	vld [tilespmem:s1+$0x10]  }
0x1ab: {  	_ =	sdelay $0x2  }
0x1ac: {  	s0 =	sadd.s32 $0x1, s0  }
0x1ad: {  	p0 =	sne.s32 s0, s22;
	v1 =	vpack.i.f32.bf16 v2, v1  }
.Ltmp9:
0x1ae: {  	[tilespmem:s6+$0xC700] =	vst v1;
	(pc) =	sbr.rel @p0 .LBB2_1-.Ltmp9, $4  }
0x1af: {  	[hbm4b:s21+s4] =	stream.linear.scatter [tilespmem:s23], [sflag:$0x2], $0x1400, $0x38;
	[tilespmem:$0x1CB00] =	vst v63  }
0x1b0: {  	_ =	swait.ge [sflag:s24], $0x1400  }
0x1b1: {  	[sflag:s24] =	ssyncset.done $0x0  }
0x1b2: {  	[sflag:s24] =	ssyncadd.s32 $0xFFFFEC00  }
0x1b3: {  	_ =	sfence.sel $0x180000  }
0x1b4: {  	[bflag:$0x0] =	sbarrier.arrive $0xFFFF  }
0x1b5: {  	_ =	strace $0x9000004A  }
0x1b6: {  	s0 =	stileid.u32;
	[bflag:$0x2] =	sbarrier.arrive $0xFFFF  }
0x1b7: {  	p0 =	sne.s32 s0, $0x0;
	s0 =	rddreg [dreg:$0x3]  }
0x1b8: {  	s0 =	sadd.s32 @!p0 $0x100000, s0  }
0x1b9: {  	[sflag:s0] =	ssyncadd.tile.s32 @!p0 $0x1;
	_ =	shalt  }
.Lfunc_end2:
_tile_overlayer_lowered:
.L_overlay_start_2:
0x1ba: {  	(tag) =	ssettag $0x2  }
0x1bb: {  	s0 =	rddreg [dreg:$0x0];
	s2 =	stileid.u32  }
0x1bc: {  	s1 =	rddreg [dreg:$0x1];
	p0 =	sne.s32 s2, $0x0  }
0x1bd: {  	s3 =	rddreg [dreg:$0x2];
	[bflag:$0x3] =	sbarrier.arrive $0xFFFF;
	s2 =	simm.s32 @!p0 $0x1C02  }
0x1be: {  	[timem:s3], [sflag:s2] =	dma.local @!p0 [hbm:s0], s1  }
0x1bf: {  	s0 =	simm.s32 @!p0 $0x2  }
0x1c0: {  	_ =	swait.ge @!p0 [sflag:s0], s1  }
0x1c1: {  	s1 =	ssub.s32 @!p0 $0x0, s1;
	[sflag:s0] =	ssyncset.done @!p0 $0x0  }
0x1c2: {  	[sflag:s0] =	ssyncadd.s32 @!p0 s1  }
0x1c3: {  	[bflag:$0x3] =	sbarrier.arrive $0xFFFF  }
0x1c4: {  	_ =	shalt  }

// kernel: kernel.19.cloned.1.call-start
scs
__scs_entry_jumppad:
0x0: {  	(pc) =	sbr.rel $0x88, $3  }
0x1: {  	(tag) =	ssettag $0x0;
	lr =	simm.s32 $0x1  }
0x2: {  	[smem:$0x3F9A] =	sst lr;
	_ =	strace $0xD0000000  }
0x3: {  	_ = 	snop  }
0x4: {  	_ = 	snop  }
0x5: {  	_ = 	snop  }
0x6: {  	_ = 	snop  }
0x7: {  	_ = 	snop  }
__scs_overlays_trampoline_lowered:
0x8: {  	[smem:$0x3FA9] =	sst s0  }
0x9: {  	[smem:$0x3FAA] =	sst s1  }
0xa: {  	[smem:$0x3FAB] =	sst s2  }
0xb: {  	[smem:$0x3FAC] =	sst s3  }
0xc: {  	[smem:$0x3FAD] =	sst s4  }
0xd: {  	[smem:$0x3FAE] =	sst s5  }
0xe: {  	[smem:$0x3FAF] =	sst s6  }
0xf: {  	[smem:$0x3FB0] =	sst s7  }
0x10: {  	[smem:$0x3FB1] =	sst s8  }
0x11: {  	[smem:$0x3FB2] =	sst s9;
	s0 =	simm.s32 @!p0 $0x0  }
0x12: {  	s1 =	sld [smem:$0x3F98];
	s0 =	simm.s32 @p0 $0x1  }
0x13: {  	[smem:$0x3FB3] =	sst s0;
	s0 =	simm.s32 @!p1 $0x0  }
0x14: {  	s2 =	sld [smem:$0x3F97];
	s0 =	simm.s32 @p1 $0x1  }
0x15: {  	[smem:$0x3FB4] =	sst s0;
	s0 =	simm.s32 @!p2 $0x0  }
0x16: {  	s3 =	sld [smem:$0x3FDB];
	s0 =	simm.s32 @p2 $0x1  }
0x17: {  	s4 =	simm.s32 $0x1BF5;
	[smem:$0x3FB6] =	sst s0  }
0x18: {  	s0 =	sld [smem:$0x3F99];
	_ =	swait.ge [sflag:s4], $0x0  }
0x19: {  	s7 =	sld [smem:$0x3F9A]  }
0x1a: {  	s8 =	sadd.s32 $0xFFFFE003, lr  }
0x1b: {  	s9 =	sadd.s32 $0xFFFFFEF7, lr;
	s5 =	simm.s32 $0xFFFFFFFF;
	p2 =	slt.u32 s8, $0xFFFFF086  }
0x1c: {  	p1 =	slt.u32 s9, $0xF7A;
	s5 =	simm.s32 @!p2 $0x0  }
0x1d: {  	s5 =	simm.s32 @p1 $0x1;
	p0 =	seq.s32 s7, s2  }
0x1e: {  	s7 =	smul.u32 @!p0 $0xF7A, s2;
	p2 =	seq.s32 @!p0 s5, $0x0  }
0x1f: {  	s9 =	smul.u32 $0xF7A, s1;
	s8 =	simm.s32 @!p0 $0x1BF5;
	p2 =	por !p2, p0  }
0x20: {  	[sflag:s8] =	ssyncset.s32 @!p0 $0xFFFFF086;
	s6 =	sadd.s32 @!p0 s3, s7;
	s7 =	simm.s32 @!p0 $0x108  }
0x21: {  	s3 =	sadd.s32 s3, s9;
	s6 =	sadd.s32 @!p0 $0x88, s6;
	s7 =	simm.s32 @p2 $0x1082  }
0x22: {  	[simem:s7], [sflag:s8] =	dma.local @!p0 [hbm:s6], $0xF7A  }
0x23: {  	s9 =	sor.u32 $0xD0000000, s2;
	s6 =	simm.s32 $0x108;
	_ =	swait.ge @!p0 [sflag:s8], $0x0  }
0x24: {  	s3 =	sadd.s32 $0x88, s3;
	s6 =	simm.s32 @!p1 $0x1082;
	[sflag:s4] =	ssyncset.s32 $0xFFFFF086  }
0x25: {  	[simem:s6], [sflag:s4] =	dma.local [hbm:s3], $0xF7A  }
0x26: {  	[smem:$0x3F9A] =	sst s1;
	(tag) =	ssettag s2;
	_ =	strace s9  }
0x27: {  	s1 =	sld [smem:$0x3FAA]  }
0x28: {  	s2 =	sld [smem:$0x3FAB]  }
0x29: {  	s4 =	sld [smem:$0x3FAD]  }
0x2a: {  	p0 =	seq.s32 s5, $0x0;
	s5 =	sld [smem:$0x3FAE]  }
0x2b: {  	s6 =	sld [smem:$0x3FAF]  }
0x2c: {  	s7 =	sld [smem:$0x3FB0]  }
0x2d: {  	s3 =	simm.s32 $0x108;
	s8 =	sld [smem:$0x3FB1]  }
0x2e: {  	s3 =	simm.s32 @!p0 $0x1082;
	s9 =	sld [smem:$0x3FB2]  }
0x2f: {  	lr =	sadd.s32 s0, s3;
	s0 =	sld [smem:$0x3FA9]  }
0x30: {  	s3 =	sld [smem:$0x3FAC]  }
0x31: {  	[smem:$0x3FB5] =	sst s10  }
0x32: {  	s10 =	sld [smem:$0x3FB3];
	_ =	sdelay $0x3  }
0x33: {  	p0 =	seq.s32 s10, $0x1;
	s10 =	sld [smem:$0x3FB5];
	_ =	sdelay $0x3  }
0x34: {  	[smem:$0x3FB5] =	sst s10  }
0x35: {  	s10 =	sld [smem:$0x3FB4];
	_ =	sdelay $0x3  }
0x36: {  	p1 =	seq.s32 s10, $0x1;
	s10 =	sld [smem:$0x3FB5];
	_ =	sdelay $0x3  }
0x37: {  	[smem:$0x3FB5] =	sst s10  }
0x38: {  	s10 =	sld [smem:$0x3FB6]  }
0x39: {  	_ = 	snop;
	(pc) =	sbr.ind lr, $3  }
0x3a: {  	_ = 	snop  }
0x3b: {  	_ = 	snop  }
0x3c: {  	p2 =	seq.s32 s10, $0x1;
	s10 =	sld [smem:$0x3FB5]  }
0x3d: {  	_ =	shalt  }
0x3e: {  	_ =	shalt  }
0x3f: {  	_ =	shalt  }
0x40: {  	_ =	shalt  }
0x41: {  	_ =	shalt  }
0x42: {  	_ =	shalt  }
0x43: {  	_ =	shalt  }
0x44: {  	_ =	shalt  }
0x45: {  	_ =	shalt  }
0x46: {  	_ =	shalt  }
0x47: {  	_ =	shalt  }
0x48: {  	_ =	shalt  }
0x49: {  	_ =	shalt  }
0x4a: {  	_ =	shalt  }
0x4b: {  	_ =	shalt  }
0x4c: {  	_ =	shalt  }
0x4d: {  	_ =	shalt  }
0x4e: {  	_ =	shalt  }
0x4f: {  	_ =	shalt  }
0x50: {  	_ =	shalt  }
0x51: {  	_ =	shalt  }
0x52: {  	_ =	shalt  }
0x53: {  	_ =	shalt  }
0x54: {  	_ =	shalt  }
0x55: {  	_ =	shalt  }
0x56: {  	_ =	shalt  }
0x57: {  	_ =	shalt  }
0x58: {  	_ =	shalt  }
0x59: {  	_ =	shalt  }
0x5a: {  	_ =	shalt  }
0x5b: {  	_ =	shalt  }
0x5c: {  	_ =	shalt  }
0x5d: {  	_ =	shalt  }
0x5e: {  	_ =	shalt  }
0x5f: {  	_ =	shalt  }
0x60: {  	_ =	shalt  }
0x61: {  	_ =	shalt  }
0x62: {  	_ =	shalt  }
0x63: {  	_ =	shalt  }
0x64: {  	_ =	shalt  }
0x65: {  	_ =	shalt  }
0x66: {  	_ =	shalt  }
0x67: {  	_ =	shalt  }
0x68: {  	_ =	shalt  }
0x69: {  	_ =	shalt  }
0x6a: {  	_ =	shalt  }
0x6b: {  	_ =	shalt  }
0x6c: {  	_ =	shalt  }
0x6d: {  	_ =	shalt  }
0x6e: {  	_ =	shalt  }
0x6f: {  	_ =	shalt  }
0x70: {  	_ =	shalt  }
0x71: {  	_ =	shalt  }
0x72: {  	_ =	shalt  }
0x73: {  	_ =	shalt  }
0x74: {  	_ =	shalt  }
0x75: {  	_ =	shalt  }
0x76: {  	_ =	shalt  }
0x77: {  	_ =	shalt  }
0x78: {  	_ =	shalt  }
0x79: {  	_ =	shalt  }
0x7a: {  	_ =	shalt  }
0x7b: {  	_ =	shalt  }
0x7c: {  	_ =	shalt  }
0x7d: {  	_ =	shalt  }
0x7e: {  	_ =	shalt  }
0x7f: {  	_ =	shalt  }
0x80: {  	_ =	shalt  }
0x81: {  	_ =	shalt  }
0x82: {  	_ =	shalt  }
0x83: {  	_ =	shalt  }
0x84: {  	_ =	shalt  }
0x85: {  	_ =	shalt  }
0x86: {  	_ =	shalt  }
0x87: {  	_ =	shalt  }
.Lfunc_end0:
.L_simem_size_0:
called_computation.3_lowered:
.L_overlay_start_0:
0x88: {  	s2 =	sld [smem:$0x3FD9]  }
0x89: {  	s3 =	sld [smem:$0x3FFE];
	_ =	sdelay $0x1  }
0x8a: {  	s1 =	srdreg.scid  }
0x8b: {  	s0 =	sand.u32 $0x1, s1  }
0x8c: {  	s16 =	sshll.u32 s0, $0xA;
	s2 =	sadd.s32 s3, s2  }
0x8d: {  	s2 =	sadd.s32 s2, s16  }
0x8e: {  	[smem:$0x3FC1] =	sst s2  }
0x8f: {  	_ = 	snop  }
0x90: {  	(tm) =	ssettm $0x1  }
0x91: {  	s17 =	sld [smem:$0x3FFB];
	_ =	sdelay $0x3  }
0x92: {  	_ =	strace s17  }
0x93: {  	s2 =	sld [smem:$0x3FFC];
	_ =	sdelay $0x3  }
0x94: {  	_ =	strace s2  }
0x95: {  	s2 =	sld [smem:$0x3FFD];
	_ =	sdelay $0x3  }
0x96: {  	_ =	strace s2  }
0x97: {  	_ =	strace $0x8FFFFFFF  }
0x98: {  	s18 =	sld [smem:$0x3FDB];
	_ =	sdelay $0x1  }
0x99: {  	s19 =	simm.s32 $_scs_section_size  }
0x9a: {  	s4 =	simm.s32 $_size__tile_overlayer_lowered;
	s5 =	simm.s32 $_tile_overlayer_lowered  }
0x9b: {  	s22 =	simm.s32 $0x1BFF;
	s21 =	sshll.u32 s5, $0x1;
	s2 =	sadd.s32 s19, s18  }
0x9c: {  	s6 =	simm.s32 $0x0;
	s20 =	sshll.u32 s4, $0x1;
	s4 =	sadd.s32 s21, s2  }
0x9d: {  	[timem:s6], [sflag:s22] =	dma.local [hbm:s4], s20  }
0x9e: {  	_ =	swait.ge [sflag:s22], s20  }
0x9f: {  	s3 =	ssub.s32 $0x0, s20;
	[sflag:s22] =	ssyncset.done $0x0  }
0xa0: {  	[sflag:s22] =	ssyncadd.s32 s3;
	_ =	sdelay $0x1  }
0xa1: {  	s23 =	simm.s32 $0x1B8B  }
0xa2: {  	_ =	swait.ge [sflag:s23], $0x1  }
0xa3: {  	[sflag:s23] =	ssyncset.done $0x0  }
0xa4: {  	s25 =	simm.s32 $0x1B8E;
	s24 =	sld [smem:$0x3FFE];
	[sflag:s23] =	ssyncadd.s32 $0xFFFFFFFF  }
0xa5: {  	s26 =	simm.s32 $execute0_lowered;
	[smem:$0x3FD2] =	sst s25  }
0xa6: {  	s4 =	sshll.u32 s26, $0x1;
	_ =	strace $0x8000004F;
	[dreg:$0x1] =	wrdreg $0xFFFFFFFF  }
0xa7: {  	s28 =	simm.s32 $_size_execute0_lowered;
	s2 =	sadd.s32 s2, s4;
	[dreg:$0x0] =	wrdreg $0x0  }
0xa8: {  	s4 =	sshll.u32 s28, $0x1;
	[dreg:$0x2] =	wrdreg s2  }
0xa9: {  	[dreg:$0x3] =	wrdreg s4  }
0xaa: {  	[dreg:$0x4] =	wrdreg $0xC0  }
0xab: {  	_ =	task [dreg:s6], $0x5FFFF  }
0xac: {  	[dreg:$0x1] =	wrdreg $0xFFFFFFFF  }
0xad: {  	[dreg:$0x0] =	wrdreg $0x60  }
0xae: {  	[dreg:$0x2] =	wrdreg s24  }
0xaf: {  	[dreg:$0x3] =	wrdreg $0xDB000  }
0xb0: {  	[dreg:$0x4] =	wrdreg $0x12B000  }
0xb1: {  	[dreg:$0x5] =	wrdreg $0x9  }
0xb2: {  	_ =	task.clear_ibuf [dreg:s6], $0x6FFFF;
	_ =	strace $0x9000004F  }
0xb3: {  	s29 =	simm.s32 $0x9;
	_ =	strace $0x80000051  }
0xb4: {  	_ =	swait.ge [sflag:s29], $0x1  }
0xb5: {  	[sflag:s29] =	ssyncadd.s32 $0xFFFFFFFF  }
0xb6: {  	_ =	strace $0x90000051  }
0xb7: {  	_ =	sfence  }
0xb8: {  	s30 =	sld [smem:$0x0];
	_ =	sdelay $0x2  }
0xb9: {  	s31 =	sshll.u32 s1, $0xD;
	s1 =	sshrl.u32 s1, $0x2  }
0xba: {  	s3 =	sand.u32 $0x4000, s31;
	s1 =	sadd.s32 s1, s30  }
0xbb: {  	s0 =	sor.u32 s3, s0;
	s1 =	sshll.u32 s1, $0x11  }
0xbc: {  	s0 =	sor.u32 s1, s0  }
0xbd: {  	s0 =	sadd.s32 $0x8F2B, s0  }
0xbe: {  	[sflag:s0] =	ssyncadd.remote.s32 $0x1  }
0xbf: {  	_ =	sfence.sel $0xFFFF  }
0xc0: {  	[dreg:$0x0] =	wrdreg $0xFFFFFFFF;
	(pc) =	sbr.abs _section_cstart, $3  }
0xc1: {  	[dreg:$0x1] =	wrdreg $0xFFFFFFFF  }
0xc2: {  	_ =	task.clear_ibuf [dreg:s6], $0x2FFFF;
	_ =	strace $0x9FFFFFFF  }
0xc3: {  	(tm) =	ssettm $0x7FFFFFFF  }
tec
execute0_lowered:
.L_overlay_start_1:
0x0: {  	(tag) =	ssettag $0x1  }
0x1: {  	s0 =	rddreg [dreg:$0x0]  }
0x2: {  	s2 =	rddreg [dreg:$0x1]  }
0x3: {  	s3 =	rddreg [dreg:$0x2];
	s1 =	srdreg.scid  }
0x4: {  	s8 =	stileid.u32;
	s4 =	simm.s32 $0x0;
	s28 =	simm.s32 $0x4F00  }
0x5: {  	s29 =	simm.s32 $0x5F00;
	s30 =	simm.s32 $0x1;
	s31 =	simm.s32 $0x7F00  }
0x6: {  	s1 =	sand.u32 $0x1, s1;
	s5 =	sshll.u32 s8, $0x1;
	[smem:$0x7FF] =	sst s4  }
0x7: {  	s6 =	sadd.s32 $0x3E600, s0;
	s8 =	smul.u32 $0xA000, s8;
	s5 =	sor.u32 s1, s5  }
0x8: {  	_ =	strace $0x80000050;
	s7 =	ssub.s32 $0x2, s1;
	s1 =	smul.u32 $0xA0000, s1  }
0x9: {  	s5 =	smul.u32 $0x9E0, s5;
	s9 =	sshrl.u32 s7, $0x1;
	s14 =	sshrl.u32 s8, $0x4  }
0xa: {  	s10 =	sshrl.u32 s8, $0x1;
	s19 =	sadd.s32 $0x2800, s8;
	s20 =	sadd.s32 $0x5000, s8  }
0xb: {  	s13 =	sadd.s32 s8, s3;
	s7 =	ssub.s32 s7, s9;
	s9 =	sadd.s32 s6, s14  }
0xc: {  	s15 =	sadd.s32 s10, s2;
	s16 =	sshrl.u32 s19, $0x4;
	s17 =	sshrl.u32 s19, $0x1  }
0xd: {  	s21 =	sshrl.u32 s20, $0x4;
	s22 =	sshrl.u32 s20, $0x1;
	s14 =	sadd.s32 s19, s3  }
0xe: {  	s23 =	sadd.s32 s8, s1;
	s24 =	sadd.s32 s1, s19;
	s25 =	sadd.s32 s1, s20  }
0xf: {  	s5 =	sadd.s32 s5, s0;
	s0 =	sadd.s32 $0x48600, s0;
	[dreg:$0x4] =	wrdreg s9  }
0x10: {  	[dreg:$0x5] =	wrdreg s15;
	s9 =	sadd.s32 s6, s16;
	s18 =	sadd.s32 s17, s2  }
0x11: {  	s10 =	sadd.s32 s22, s2;
	s15 =	sadd.s32 s20, s3;
	s26 =	sshrl.u32 s25, $0x4  }
0x12: {  	s22 =	smax.u32 s7, $0x1;
	s25 =	simm.s32 $0x9F00;
	[dreg:$0x6] =	wrdreg s9  }
0x13: {  	[dreg:$0x7] =	wrdreg s18;
	s9 =	sadd.s32 s6, s21;
	s21 =	sadd.s32 $0x7800, s8  }
0x14: {  	s17 =	sadd.s32 $0x2A00, s5;
	s5 =	sshrl.u32 s24, $0x4;
	s20 =	sadd.s32 s0, s26  }
0x15: {  	s24 =	simm.s32 $0x2;
	s26 =	simm.s32 $0x80;
	s11 =	sshrl.u32 s21, $0x4  }
0x16: {  	s12 =	sshrl.u32 s21, $0x1;
	s16 =	sadd.s32 s21, s3;
	s1 =	sadd.s32 s1, s21  }
0x17: {  	s19 =	sadd.s32 s0, s5;
	s11 =	sadd.s32 s6, s11;
	s12 =	sadd.s32 s12, s2  }
0x18: {  	s6 =	sshrl.u32 s23, $0x4;
	s1 =	sshrl.u32 s1, $0x4;
	s23 =	simm.s32 $0xC700  }
0x19: {  	v0 =	vimm.f32 $0.0e+00;
	s18 =	sadd.s32 s0, s6;
	s21 =	sadd.s32 s0, s1;
	s0 =	simm.s32 $0x0  }
.LBB2_1:
0x1a: {  	s1 =	rddreg [dreg:$0x4]  }
0x1b: {  	[tilespmem:s23], [sflag:$0x2] =	stream.linear.gather [hbm4b:s1+s4], $0x1400, $0x38;
	[tilespmem:$0x1CB00] =	vst v63  }
0x1c: {  	_ =	swait.ge [sflag:s24], $0x1400  }
0x1d: {  	[sflag:s24] =	ssyncset.done $0x0  }
0x1e: {  	s6 =	rddreg [dreg:$0x5];
	[sflag:s24] =	ssyncadd.s32 $0xFFFFEC00  }
0x1f: {  	[spmem:s6] =	stream.linear.scatter [tilespmem:s23], [sflag:$0x2], $0x1400, $0x38;
	[tilespmem:$0x1CB00] =	vst v63  }
0x20: {  	_ =	swait.ge [sflag:s24], $0x1400  }
0x21: {  	[sflag:s24] =	ssyncset.done $0x0  }
0x22: {  	s7 =	rddreg [dreg:$0x6];
	[sflag:s24] =	ssyncadd.s32 $0xFFFFEC00  }
0x23: {  	[tilespmem:s23], [sflag:$0x2] =	stream.linear.gather [hbm4b:s7+s4], $0x1400, $0x38;
	[tilespmem:$0x1CB00] =	vst v63  }
0x24: {  	_ =	swait.ge [sflag:s24], $0x1400  }
0x25: {  	[sflag:s24] =	ssyncset.done $0x0  }
0x26: {  	s8 =	rddreg [dreg:$0x7];
	[sflag:s24] =	ssyncadd.s32 $0xFFFFEC00  }
0x27: {  	[spmem:s8] =	stream.linear.scatter [tilespmem:s23], [sflag:$0x2], $0x1400, $0x38;
	[tilespmem:$0x1CB00] =	vst v63  }
0x28: {  	_ =	swait.ge [sflag:s24], $0x1400  }
0x29: {  	[sflag:s24] =	ssyncset.done $0x0  }
0x2a: {  	[sflag:s24] =	ssyncadd.s32 $0xFFFFEC00  }
0x2b: {  	[tilespmem:s23], [sflag:$0x2] =	stream.linear.gather [hbm4b:s9+s4], $0x1400, $0x38;
	[tilespmem:$0x1CB00] =	vst v63  }
0x2c: {  	_ =	swait.ge [sflag:s24], $0x1400  }
0x2d: {  	[sflag:s24] =	ssyncset.done $0x0  }
0x2e: {  	[sflag:s24] =	ssyncadd.s32 $0xFFFFEC00  }
0x2f: {  	[spmem:s10] =	stream.linear.scatter [tilespmem:s23], [sflag:$0x2], $0x1400, $0x38;
	[tilespmem:$0x1CB00] =	vst v63  }
0x30: {  	_ =	swait.ge [sflag:s24], $0x1400  }
0x31: {  	[sflag:s24] =	ssyncset.done $0x0  }
0x32: {  	[sflag:s24] =	ssyncadd.s32 $0xFFFFEC00  }
0x33: {  	[tilespmem:s23], [sflag:$0x2] =	stream.linear.gather [hbm4b:s11+s4], $0x1400, $0x38;
	[tilespmem:$0x1CB00] =	vst v63  }
0x34: {  	_ =	swait.ge [sflag:s24], $0x1400  }
0x35: {  	[sflag:s24] =	ssyncset.done $0x0  }
0x36: {  	[sflag:s24] =	ssyncadd.s32 $0xFFFFEC00  }
0x37: {  	[spmem:s12] =	stream.linear.scatter [tilespmem:s23], [sflag:$0x2], $0x1400, $0x38;
	[tilespmem:$0x1CB00] =	vst v63  }
0x38: {  	_ =	swait.ge [sflag:s24], $0x1400  }
0x39: {  	[sflag:s24] =	ssyncset.done $0x0  }
0x3a: {  	s5 =	simm.s32 $0x100;
	s1 =	simm.s32 $0x0;
	[sflag:s24] =	ssyncadd.s32 $0xFFFFEC00  }
.LBB2_2:
0x3b: {  	p0 =	sne.s32 s5, $0x9F00;
	[tilespmem:s1+$0x9F30] =	vst v0;
	s6 =	smov.u32 s5;
	s5 =	sadd.s32 $0x100, s5  }
.Ltmp0:
0x3c: {  	[tilespmem:s1+$0x9F20] =	vst v0;
	(pc) =	sbr.rel @p0 .LBB2_2-.Ltmp0, $3  }
0x3d: {  	[tilespmem:s1+$0x9F00] =	vst v0  }
0x3e: {  	[tilespmem:s1+$0x9F10] =	vst v0;
	_ =	sdelay $0x1  }
0x3f: {  	s1 =	sshra.s32 s6, $0x2  }
0x40: {  	[tilespmem:s1+$0x9F30] =	vst v0  }
0x41: {  	[tilespmem:s1+$0x9F20] =	vst v0  }
0x42: {  	[tilespmem:s1+$0x9F00] =	vst v0  }
0x43: {  	[tilespmem:s1+$0x9F10] =	vst v0  }
0x44: {  	[spmem:s13] =	stream.linear.scatter [tilespmem:s25], [sflag:$0x2], $0x2800, $0x38;
	[tilespmem:$0x1CB00] =	vst v63  }
0x45: {  	_ =	swait.ge [sflag:s24], $0x2800  }
0x46: {  	[sflag:s24] =	ssyncset.done $0x0  }
0x47: {  	[sflag:s24] =	ssyncadd.s32 $0xFFFFD800  }
0x48: {  	[spmem:s14] =	stream.linear.scatter [tilespmem:s25], [sflag:$0x2], $0x2800, $0x38;
	[tilespmem:$0x1CB00] =	vst v63  }
0x49: {  	_ =	swait.ge [sflag:s24], $0x2800  }
0x4a: {  	[sflag:s24] =	ssyncset.done $0x0  }
0x4b: {  	[sflag:s24] =	ssyncadd.s32 $0xFFFFD800  }
0x4c: {  	[spmem:s15] =	stream.linear.scatter [tilespmem:s25], [sflag:$0x2], $0x2800, $0x38;
	[tilespmem:$0x1CB00] =	vst v63  }
0x4d: {  	_ =	swait.ge [sflag:s24], $0x2800  }
0x4e: {  	[sflag:s24] =	ssyncset.done $0x0  }
0x4f: {  	[sflag:s24] =	ssyncadd.s32 $0xFFFFD800  }
0x50: {  	[spmem:s16] =	stream.linear.scatter [tilespmem:s25], [sflag:$0x2], $0x2800, $0x38;
	[tilespmem:$0x1CB00] =	vst v63  }
0x51: {  	_ =	swait.ge [sflag:s24], $0x2800  }
0x52: {  	[sflag:s24] =	ssyncset.done $0x0  }
0x53: {  	[sflag:s24] =	ssyncadd.s32 $0xFFFFD800  }
0x54: {  	[tilespmem:s4], [sflag:$0x2] =	stream.linear.gather [hbm4b:s17+s4], $0x4F00, $0x38;
	[tilespmem:$0x1CB00] =	vst v63  }
0x55: {  	_ =	swait.ge [sflag:s24], $0x4F00  }
0x56: {  	[sflag:s24] =	ssyncset.done $0x0  }
0x57: {  	[sflag:s24] =	ssyncadd.s32 $0xFFFFB100  }
0x58: {  	[bflag:$0x0] =	sbarrier.arrive $0xFFFF  }
0x59: {  	[tilespmem:s28], [sflag:$0x2] =	stream.indirect.gather [spmem:s2], $0x20, s4, s26, $0xb8;
	[tilespmem:$0x1CB00] =	vst v63  }
0x5a: {  	_ =	swait.ge [sflag:s24], $0x1000  }
0x5b: {  	[sflag:s24] =	ssyncset.done $0x0  }
0x5c: {  	s5 =	simm.s32 $0x4F80;
	[sflag:s24] =	ssyncadd.s32 $0xFFFFF000  }
0x5d: {  	v1 =	vld [tilespmem:s5+$0x60];
	_ =	sdelay $0x1  }
0x5e: {  	v2 =	vld [tilespmem:s5+$0xFFFFFFA0];
	_ =	sdelay $0x1  }
0x5f: {  	v3 =	vld [tilespmem:s5+$0xFFFFFFC0]  }
0x60: {  	s1 =	simm.s32 $0x6000;
	v4 =	vunpack.i.l.bf16.f32 v1  }
0x61: {  	v5 =	vld [tilespmem:s5+$0xFFFFFFE0];
	v1 =	vunpack.i.u.bf16.f32 v1;
	[tilespmem:s1+$0xC0] =	vst v4  }
0x62: {  	v6 =	vld [tilespmem:s5+$0xFFFFFF80];
	v4 =	vunpack.i.l.bf16.f32 v2;
	[tilespmem:s1+$0xD0] =	vst v1  }
0x63: {  	v1 =	vunpack.i.u.bf16.f32 v2;
	[tilespmem:s1+$0xFFFFFF40] =	vst v4  }
0x64: {  	v2 =	vld [tilespmem:s5+$0x70];
	v4 =	vunpack.i.l.bf16.f32 v3;
	[tilespmem:s1+$0xFFFFFF50] =	vst v1  }
0x65: {  	v1 =	vunpack.i.u.bf16.f32 v3;
	[tilespmem:s1+$0xFFFFFF80] =	vst v4  }
0x66: {  	v3 =	vld [tilespmem:s5+$0x0];
	v4 =	vunpack.i.l.bf16.f32 v5;
	[tilespmem:s1+$0xFFFFFF90] =	vst v1  }
0x67: {  	v1 =	vunpack.i.l.bf16.f32 v6;
	[tilespmem:s1+$0xFFFFFFC0] =	vst v4  }
0x68: {  	v6 =	vunpack.i.u.bf16.f32 v6;
	v4 =	vld [tilespmem:s5+$0x20];
	[tilespmem:s1+$0xFFFFFF00] =	vst v1  }
0x69: {  	[tilespmem:s1+$0xFFFFFF10] =	vst v6;
	v1 =	vunpack.i.u.bf16.f32 v2  }
0x6a: {  	v5 =	vunpack.i.u.bf16.f32 v5;
	[tilespmem:s1+$0xF0] =	vst v1;
	v1 =	vld [tilespmem:s5+$0x40]  }
0x6b: {  	[tilespmem:s1+$0xFFFFFFD0] =	vst v5;
	v6 =	vunpack.i.l.bf16.f32 v3  }
0x6c: {  	v5 =	vld [tilespmem:s5+$0xFFFFFF90];
	v3 =	vunpack.i.u.bf16.f32 v3;
	[tilespmem:s1+$0x0] =	vst v6  }
0x6d: {  	[tilespmem:s1+$0x10] =	vst v3;
	v6 =	vunpack.i.l.bf16.f32 v4  }
0x6e: {  	v3 =	vld [tilespmem:s5+$0xFFFFFFB0];
	v4 =	vunpack.i.u.bf16.f32 v4;
	[tilespmem:s1+$0x40] =	vst v6  }
0x6f: {  	[tilespmem:s1+$0x50] =	vst v4;
	v6 =	vunpack.i.l.bf16.f32 v1  }
0x70: {  	v4 =	vld [tilespmem:s5+$0xFFFFFFD0];
	v1 =	vunpack.i.u.bf16.f32 v1;
	[tilespmem:s1+$0x80] =	vst v6  }
0x71: {  	v6 =	vunpack.i.l.bf16.f32 v5;
	[tilespmem:s1+$0x90] =	vst v1  }
0x72: {  	v7 =	vld [tilespmem:s5+$0xFFFFFFF0];
	v1 =	vunpack.i.u.bf16.f32 v5;
	[tilespmem:s1+$0xFFFFFF20] =	vst v6  }
0x73: {  	v8 =	vld [tilespmem:s5+$0x30];
	v5 =	vunpack.i.l.bf16.f32 v3;
	[tilespmem:s1+$0xFFFFFF30] =	vst v1  }
0x74: {  	v6 =	vld [tilespmem:s5+$0x10];
	v1 =	vunpack.i.u.bf16.f32 v3;
	[tilespmem:s1+$0xFFFFFF60] =	vst v5  }
0x75: {  	v3 =	vunpack.i.l.bf16.f32 v4;
	v5 =	vld [tilespmem:s5+$0x50];
	[tilespmem:s1+$0xFFFFFF70] =	vst v1  }
0x76: {  	v1 =	vunpack.i.u.bf16.f32 v4;
	[tilespmem:s1+$0xFFFFFFA0] =	vst v3  }
0x77: {  	v3 =	vunpack.i.l.bf16.f32 v7;
	[tilespmem:s1+$0xFFFFFFB0] =	vst v1  }
0x78: {  	v4 =	vunpack.i.u.bf16.f32 v7;
	v1 =	vunpack.i.l.bf16.f32 v2;
	[tilespmem:s1+$0xFFFFFFE0] =	vst v3  }
0x79: {  	v2 =	vunpack.i.u.bf16.f32 v8;
	[tilespmem:s1+$0xFFFFFFF0] =	vst v4;
	v3 =	vunpack.i.u.bf16.f32 v6;
	v7 =	vunpack.i.l.bf16.f32 v6  }
0x7a: {  	s6 =	simm.s32 $0x5080;
	s5 =	simm.s32 $0x0;
	v6 =	vunpack.i.l.bf16.f32 v8;
	v4 =	vunpack.i.u.bf16.f32 v5;
	v5 =	vunpack.i.l.bf16.f32 v5;
	[tilespmem:s1+$0x20] =	vst v7  }
.LBB2_4:
0x7b: {  	v7 =	vld [tilespmem:s6+$0x60];
	[tilespmem:s1+$0x30] =	vst v3  }
0x7c: {  	s5 =	sadd.s32 $0x8, s5;
	v3 =	vld [tilespmem:s6+$0xFFFFFFA0];
	[tilespmem:s1+$0x60] =	vst v6  }
0x7d: {  	p0 =	slt.u32 s5, $0x78;
	v6 =	vld [tilespmem:s6+$0xFFFFFFC0];
	[tilespmem:s1+$0x70] =	vst v2  }
0x7e: {  	v2 =	vld [tilespmem:s6+$0xFFFFFFE0];
	[tilespmem:s1+$0xA0] =	vst v5  }
0x7f: {  	v5 =	vld [tilespmem:s6+$0x0];
	[tilespmem:s1+$0xB0] =	vst v4  }
0x80: {  	v4 =	vld [tilespmem:s6+$0x20];
	v8 =	vunpack.i.l.bf16.f32 v7;
	[tilespmem:s1+$0xE0] =	vst v1;
	s1 =	sadd.s32 $0x200, s1  }
0x81: {  	v7 =	vunpack.i.u.bf16.f32 v7;
	v1 =	vunpack.i.u.bf16.f32 v3;
	v3 =	vunpack.i.l.bf16.f32 v3;
	v9 =	vld [tilespmem:s6+$0x40];
	[tilespmem:s1+$0xC0] =	vst v8  }
0x82: {  	v8 =	vld [tilespmem:s6+$0xFFFFFF80];
	v10 =	vunpack.i.u.bf16.f32 v6;
	v6 =	vunpack.i.l.bf16.f32 v6;
	[tilespmem:s1+$0xD0] =	vst v7  }
0x83: {  	[tilespmem:s1+$0xFFFFFF40] =	vst v3;
	v3 =	vunpack.i.u.bf16.f32 v2;
	v2 =	vunpack.i.l.bf16.f32 v2;
	v7 =	vld [tilespmem:s6+$0x70]  }
0x84: {  	[tilespmem:s1+$0xFFFFFF50] =	vst v1;
	v11 =	vunpack.i.u.bf16.f32 v5;
	v5 =	vunpack.i.l.bf16.f32 v5  }
0x85: {  	v12 =	vld [tilespmem:s6+$0xFFFFFFB0];
	[tilespmem:s1+$0xFFFFFF80] =	vst v6;
	v6 =	vunpack.i.u.bf16.f32 v4;
	v4 =	vunpack.i.l.bf16.f32 v4  }
0x86: {  	[tilespmem:s1+$0xFFFFFF90] =	vst v10;
	v10 =	vunpack.i.u.bf16.f32 v9;
	v9 =	vunpack.i.l.bf16.f32 v9  }
0x87: {  	v13 =	vunpack.i.u.bf16.f32 v8;
	v1 =	vunpack.i.l.bf16.f32 v8;
	v8 =	vld [tilespmem:s6+$0xFFFFFFD0];
	[tilespmem:s1+$0xFFFFFFC0] =	vst v2  }
0x88: {  	[tilespmem:s1+$0xFFFFFF00] =	vst v1;
	v2 =	vunpack.i.u.bf16.f32 v7;
	v1 =	vunpack.i.l.bf16.f32 v7  }
0x89: {  	[tilespmem:s1+$0xF0] =	vst v2  }
0x8a: {  	[tilespmem:s1+$0xFFFFFF10] =	vst v13;
	v2 =	vunpack.i.u.bf16.f32 v12;
	v7 =	vunpack.i.l.bf16.f32 v12  }
0x8b: {  	v12 =	vld [tilespmem:s6+$0xFFFFFF90];
	[tilespmem:s1+$0xFFFFFFD0] =	vst v3  }
0x8c: {  	v13 =	vunpack.i.u.bf16.f32 v8;
	v8 =	vunpack.i.l.bf16.f32 v8;
	v3 =	vld [tilespmem:s6+$0xFFFFFFF0];
	[tilespmem:s1+$0x0] =	vst v5  }
0x8d: {  	[tilespmem:s1+$0x10] =	vst v11  }
0x8e: {  	v5 =	vld [tilespmem:s6+$0x10];
	[tilespmem:s1+$0x40] =	vst v4  }
0x8f: {  	[tilespmem:s1+$0x50] =	vst v6  }
0x90: {  	v4 =	vunpack.i.u.bf16.f32 v12;
	v6 =	vunpack.i.l.bf16.f32 v12;
	v11 =	vld [tilespmem:s6+$0x30];
	[tilespmem:s1+$0x80] =	vst v9  }
0x91: {  	v9 =	vunpack.i.u.bf16.f32 v3;
	v12 =	vunpack.i.l.bf16.f32 v3;
	[tilespmem:s1+$0x90] =	vst v10  }
0x92: {  	[tilespmem:s1+$0xFFFFFF20] =	vst v6;
	v10 =	vld [tilespmem:s6+$0x50]  }
0x93: {  	[tilespmem:s1+$0xFFFFFF30] =	vst v4;
	v3 =	vunpack.i.u.bf16.f32 v5;
	v14 =	vunpack.i.l.bf16.f32 v5  }
0x94: {  	[tilespmem:s1+$0xFFFFFF60] =	vst v7  }
0x95: {  	[tilespmem:s1+$0xFFFFFF70] =	vst v2;
	v2 =	vunpack.i.u.bf16.f32 v11;
	v6 =	vunpack.i.l.bf16.f32 v11  }
.Ltmp1:
0x96: {  	[tilespmem:s1+$0xFFFFFFA0] =	vst v8;
	(pc) =	sbr.rel @p0 .LBB2_4-.Ltmp1, $4  }
0x97: {  	[tilespmem:s1+$0xFFFFFFB0] =	vst v13;
	v4 =	vunpack.i.u.bf16.f32 v10;
	v5 =	vunpack.i.l.bf16.f32 v10  }
0x98: {  	[tilespmem:s1+$0xFFFFFFE0] =	vst v12  }
0x99: {  	[tilespmem:s1+$0xFFFFFFF0] =	vst v9  }
0x9a: {  	s6 =	sadd.s32 $0x100, s6;
	[tilespmem:s1+$0x20] =	vst v14  }
0x9b: {  	[tilespmem:s1+$0x30] =	vst v3  }
0x9c: {  	[tilespmem:s1+$0x60] =	vst v6  }
0x9d: {  	[tilespmem:s1+$0x70] =	vst v2  }
0x9e: {  	[tilespmem:s1+$0xA0] =	vst v5  }
0x9f: {  	[tilespmem:s1+$0xB0] =	vst v4  }
0xa0: {  	[tilespmem:s1+$0xE0] =	vst v1;
	s1 =	simm.s32 $0x0  }
0xa1: {  	[spmem:s3] =	stream.indirect.scatter.add.f32 [tilespmem:s29], [sflag:$0x1], $0x40, s26, s26, $0xb8;
	[tilespmem:$0x1CB00] =	vst v63  }
.LBB2_6:
0xa2: {  	s5 =	sshll.u32 s1, $0x9  }
0xa3: {  	s5 =	sand.u32 $0x3FFFFE00, s5  }
0xa4: {  	s6 =	sor.u32 $0x100, s5  }
0xa5: {  	[tilespmem:s28], [sflag:$0x2] =	stream.indirect.gather [spmem:s2], $0x20, s6, s26, $0xb8;
	[tilespmem:$0x1CB00] =	vst v63  }
0xa6: {  	_ =	swait.ge [sflag:s24], $0x1000  }
0xa7: {  	[sflag:s24] =	ssyncset.done $0x0  }
0xa8: {  	s7 =	simm.s32 $0x4F80;
	[sflag:s24] =	ssyncadd.s32 $0xFFFFF000  }
0xa9: {  	v1 =	vld [tilespmem:s7+$0x60];
	_ =	sdelay $0x1  }
0xaa: {  	v2 =	vld [tilespmem:s7+$0xFFFFFFA0];
	_ =	sdelay $0x1  }
0xab: {  	v3 =	vld [tilespmem:s7+$0xFFFFFFC0]  }
0xac: {  	s6 =	simm.s32 $0x8000;
	v4 =	vunpack.i.l.bf16.f32 v1  }
0xad: {  	v5 =	vld [tilespmem:s7+$0xFFFFFFE0];
	v1 =	vunpack.i.u.bf16.f32 v1;
	[tilespmem:s6+$0xC0] =	vst v4  }
0xae: {  	v6 =	vld [tilespmem:s7+$0xFFFFFF80];
	v4 =	vunpack.i.l.bf16.f32 v2;
	[tilespmem:s6+$0xD0] =	vst v1  }
0xaf: {  	v1 =	vunpack.i.u.bf16.f32 v2;
	[tilespmem:s6+$0xFFFFFF40] =	vst v4  }
0xb0: {  	v2 =	vld [tilespmem:s7+$0x70];
	v4 =	vunpack.i.l.bf16.f32 v3;
	[tilespmem:s6+$0xFFFFFF50] =	vst v1  }
0xb1: {  	v1 =	vunpack.i.u.bf16.f32 v3;
	[tilespmem:s6+$0xFFFFFF80] =	vst v4  }
0xb2: {  	v3 =	vld [tilespmem:s7+$0x0];
	v4 =	vunpack.i.l.bf16.f32 v5;
	[tilespmem:s6+$0xFFFFFF90] =	vst v1  }
0xb3: {  	v1 =	vunpack.i.l.bf16.f32 v6;
	[tilespmem:s6+$0xFFFFFFC0] =	vst v4  }
0xb4: {  	v6 =	vunpack.i.u.bf16.f32 v6;
	v4 =	vld [tilespmem:s7+$0x20];
	[tilespmem:s6+$0xFFFFFF00] =	vst v1  }
0xb5: {  	[tilespmem:s6+$0xFFFFFF10] =	vst v6;
	v1 =	vunpack.i.u.bf16.f32 v2  }
0xb6: {  	v5 =	vunpack.i.u.bf16.f32 v5;
	[tilespmem:s6+$0xF0] =	vst v1;
	v1 =	vld [tilespmem:s7+$0x40]  }
0xb7: {  	[tilespmem:s6+$0xFFFFFFD0] =	vst v5;
	v6 =	vunpack.i.l.bf16.f32 v3  }
0xb8: {  	v5 =	vld [tilespmem:s7+$0xFFFFFF90];
	v3 =	vunpack.i.u.bf16.f32 v3;
	[tilespmem:s6+$0x0] =	vst v6  }
0xb9: {  	[tilespmem:s6+$0x10] =	vst v3;
	v6 =	vunpack.i.l.bf16.f32 v4  }
0xba: {  	v3 =	vld [tilespmem:s7+$0xFFFFFFB0];
	v4 =	vunpack.i.u.bf16.f32 v4;
	[tilespmem:s6+$0x40] =	vst v6  }
0xbb: {  	[tilespmem:s6+$0x50] =	vst v4;
	v6 =	vunpack.i.l.bf16.f32 v1  }
0xbc: {  	v4 =	vld [tilespmem:s7+$0xFFFFFFD0];
	v1 =	vunpack.i.u.bf16.f32 v1;
	[tilespmem:s6+$0x80] =	vst v6  }
0xbd: {  	v6 =	vunpack.i.l.bf16.f32 v5;
	[tilespmem:s6+$0x90] =	vst v1  }
0xbe: {  	v7 =	vld [tilespmem:s7+$0xFFFFFFF0];
	v1 =	vunpack.i.u.bf16.f32 v5;
	[tilespmem:s6+$0xFFFFFF20] =	vst v6  }
0xbf: {  	v8 =	vld [tilespmem:s7+$0x30];
	v5 =	vunpack.i.l.bf16.f32 v3;
	[tilespmem:s6+$0xFFFFFF30] =	vst v1  }
0xc0: {  	v6 =	vld [tilespmem:s7+$0x10];
	v1 =	vunpack.i.u.bf16.f32 v3;
	[tilespmem:s6+$0xFFFFFF60] =	vst v5  }
0xc1: {  	v3 =	vunpack.i.l.bf16.f32 v4;
	v5 =	vld [tilespmem:s7+$0x50];
	[tilespmem:s6+$0xFFFFFF70] =	vst v1  }
0xc2: {  	v1 =	vunpack.i.u.bf16.f32 v4;
	[tilespmem:s6+$0xFFFFFFA0] =	vst v3  }
0xc3: {  	v3 =	vunpack.i.l.bf16.f32 v7;
	[tilespmem:s6+$0xFFFFFFB0] =	vst v1  }
0xc4: {  	v4 =	vunpack.i.u.bf16.f32 v7;
	v1 =	vunpack.i.l.bf16.f32 v2;
	[tilespmem:s6+$0xFFFFFFE0] =	vst v3  }
0xc5: {  	v2 =	vunpack.i.u.bf16.f32 v8;
	[tilespmem:s6+$0xFFFFFFF0] =	vst v4;
	v3 =	vunpack.i.u.bf16.f32 v6;
	v7 =	vunpack.i.l.bf16.f32 v6  }
0xc6: {  	s8 =	simm.s32 $0x5080;
	s7 =	simm.s32 $0x0;
	v6 =	vunpack.i.l.bf16.f32 v8;
	v4 =	vunpack.i.u.bf16.f32 v5;
	v5 =	vunpack.i.l.bf16.f32 v5;
	[tilespmem:s6+$0x20] =	vst v7  }
.LBB2_7:
0xc7: {  	v7 =	vld [tilespmem:s8+$0x60];
	[tilespmem:s6+$0x30] =	vst v3  }
0xc8: {  	s7 =	sadd.s32 $0x8, s7;
	v3 =	vld [tilespmem:s8+$0xFFFFFFA0];
	[tilespmem:s6+$0x60] =	vst v6  }
0xc9: {  	p0 =	slt.u32 s7, $0x78;
	v6 =	vld [tilespmem:s8+$0xFFFFFFC0];
	[tilespmem:s6+$0x70] =	vst v2  }
0xca: {  	v2 =	vld [tilespmem:s8+$0xFFFFFFE0];
	[tilespmem:s6+$0xA0] =	vst v5  }
0xcb: {  	v5 =	vld [tilespmem:s8+$0x0];
	[tilespmem:s6+$0xB0] =	vst v4  }
0xcc: {  	v4 =	vld [tilespmem:s8+$0x20];
	v8 =	vunpack.i.l.bf16.f32 v7;
	[tilespmem:s6+$0xE0] =	vst v1;
	s6 =	sadd.s32 $0x200, s6  }
0xcd: {  	v7 =	vunpack.i.u.bf16.f32 v7;
	v1 =	vunpack.i.u.bf16.f32 v3;
	v3 =	vunpack.i.l.bf16.f32 v3;
	v9 =	vld [tilespmem:s8+$0x40];
	[tilespmem:s6+$0xC0] =	vst v8  }
0xce: {  	v8 =	vld [tilespmem:s8+$0xFFFFFF80];
	v10 =	vunpack.i.u.bf16.f32 v6;
	v6 =	vunpack.i.l.bf16.f32 v6;
	[tilespmem:s6+$0xD0] =	vst v7  }
0xcf: {  	[tilespmem:s6+$0xFFFFFF40] =	vst v3;
	v3 =	vunpack.i.u.bf16.f32 v2;
	v2 =	vunpack.i.l.bf16.f32 v2;
	v7 =	vld [tilespmem:s8+$0x70]  }
0xd0: {  	[tilespmem:s6+$0xFFFFFF50] =	vst v1;
	v11 =	vunpack.i.u.bf16.f32 v5;
	v5 =	vunpack.i.l.bf16.f32 v5  }
0xd1: {  	v12 =	vld [tilespmem:s8+$0xFFFFFFB0];
	[tilespmem:s6+$0xFFFFFF80] =	vst v6;
	v6 =	vunpack.i.u.bf16.f32 v4;
	v4 =	vunpack.i.l.bf16.f32 v4  }
0xd2: {  	[tilespmem:s6+$0xFFFFFF90] =	vst v10;
	v10 =	vunpack.i.u.bf16.f32 v9;
	v9 =	vunpack.i.l.bf16.f32 v9  }
0xd3: {  	v13 =	vunpack.i.u.bf16.f32 v8;
	v1 =	vunpack.i.l.bf16.f32 v8;
	v8 =	vld [tilespmem:s8+$0xFFFFFFD0];
	[tilespmem:s6+$0xFFFFFFC0] =	vst v2  }
0xd4: {  	[tilespmem:s6+$0xFFFFFF00] =	vst v1;
	v2 =	vunpack.i.u.bf16.f32 v7;
	v1 =	vunpack.i.l.bf16.f32 v7  }
0xd5: {  	[tilespmem:s6+$0xF0] =	vst v2  }
0xd6: {  	[tilespmem:s6+$0xFFFFFF10] =	vst v13;
	v2 =	vunpack.i.u.bf16.f32 v12;
	v7 =	vunpack.i.l.bf16.f32 v12  }
0xd7: {  	v12 =	vld [tilespmem:s8+$0xFFFFFF90];
	[tilespmem:s6+$0xFFFFFFD0] =	vst v3  }
0xd8: {  	v13 =	vunpack.i.u.bf16.f32 v8;
	v8 =	vunpack.i.l.bf16.f32 v8;
	v3 =	vld [tilespmem:s8+$0xFFFFFFF0];
	[tilespmem:s6+$0x0] =	vst v5  }
0xd9: {  	[tilespmem:s6+$0x10] =	vst v11  }
0xda: {  	v5 =	vld [tilespmem:s8+$0x10];
	[tilespmem:s6+$0x40] =	vst v4  }
0xdb: {  	[tilespmem:s6+$0x50] =	vst v6  }
0xdc: {  	v4 =	vunpack.i.u.bf16.f32 v12;
	v6 =	vunpack.i.l.bf16.f32 v12;
	v11 =	vld [tilespmem:s8+$0x30];
	[tilespmem:s6+$0x80] =	vst v9  }
0xdd: {  	v9 =	vunpack.i.u.bf16.f32 v3;
	v12 =	vunpack.i.l.bf16.f32 v3;
	[tilespmem:s6+$0x90] =	vst v10  }
0xde: {  	[tilespmem:s6+$0xFFFFFF20] =	vst v6;
	v10 =	vld [tilespmem:s8+$0x50]  }
0xdf: {  	[tilespmem:s6+$0xFFFFFF30] =	vst v4;
	v3 =	vunpack.i.u.bf16.f32 v5;
	v14 =	vunpack.i.l.bf16.f32 v5  }
0xe0: {  	[tilespmem:s6+$0xFFFFFF60] =	vst v7  }
0xe1: {  	[tilespmem:s6+$0xFFFFFF70] =	vst v2;
	v2 =	vunpack.i.u.bf16.f32 v11;
	v6 =	vunpack.i.l.bf16.f32 v11  }
.Ltmp2:
0xe2: {  	[tilespmem:s6+$0xFFFFFFA0] =	vst v8;
	(pc) =	sbr.rel @p0 .LBB2_7-.Ltmp2, $4  }
0xe3: {  	[tilespmem:s6+$0xFFFFFFB0] =	vst v13;
	v4 =	vunpack.i.u.bf16.f32 v10;
	v5 =	vunpack.i.l.bf16.f32 v10  }
0xe4: {  	[tilespmem:s6+$0xFFFFFFE0] =	vst v12  }
0xe5: {  	[tilespmem:s6+$0xFFFFFFF0] =	vst v9  }
0xe6: {  	s8 =	sadd.s32 $0x100, s8;
	[tilespmem:s6+$0x20] =	vst v14  }
0xe7: {  	[tilespmem:s6+$0x30] =	vst v3  }
0xe8: {  	[tilespmem:s6+$0x60] =	vst v6  }
0xe9: {  	[tilespmem:s6+$0x70] =	vst v2  }
0xea: {  	[tilespmem:s6+$0xA0] =	vst v5  }
0xeb: {  	[tilespmem:s6+$0xB0] =	vst v4  }
0xec: {  	[tilespmem:s6+$0xE0] =	vst v1  }
0xed: {  	_ =	swait.ge [sflag:s30], $0x2000  }
0xee: {  	[sflag:s30] =	ssyncset.done $0x0  }
0xef: {  	s7 =	sadd.s32 $0x180, s5;
	[sflag:s30] =	ssyncadd.s32 $0xFFFFE000  }
0xf0: {  	[spmem:s3] =	stream.indirect.scatter.add.f32 [tilespmem:s31], [sflag:$0x1], $0x40, s7, s26, $0xb8;
	[tilespmem:$0x1CB00] =	vst v63  }
0xf1: {  	s8 =	sadd.s32 $0x200, s5  }
0xf2: {  	[tilespmem:s28], [sflag:$0x2] =	stream.indirect.gather [spmem:s2], $0x20, s8, s26, $0xb8;
	[tilespmem:$0x1CB00] =	vst v63  }
0xf3: {  	_ =	swait.ge [sflag:s24], $0x1000  }
0xf4: {  	[sflag:s24] =	ssyncset.done $0x0  }
0xf5: {  	s7 =	simm.s32 $0x4F80;
	[sflag:s24] =	ssyncadd.s32 $0xFFFFF000  }
0xf6: {  	v1 =	vld [tilespmem:s7+$0x60];
	_ =	sdelay $0x1  }
0xf7: {  	v2 =	vld [tilespmem:s7+$0xFFFFFFA0];
	_ =	sdelay $0x1  }
0xf8: {  	v3 =	vld [tilespmem:s7+$0xFFFFFFC0]  }
0xf9: {  	s6 =	simm.s32 $0x6000;
	v4 =	vunpack.i.l.bf16.f32 v1  }
0xfa: {  	v5 =	vld [tilespmem:s7+$0xFFFFFFE0];
	v1 =	vunpack.i.u.bf16.f32 v1;
	[tilespmem:s6+$0xC0] =	vst v4  }
0xfb: {  	v6 =	vld [tilespmem:s7+$0xFFFFFF80];
	v4 =	vunpack.i.l.bf16.f32 v2;
	[tilespmem:s6+$0xD0] =	vst v1  }
0xfc: {  	v1 =	vunpack.i.u.bf16.f32 v2;
	[tilespmem:s6+$0xFFFFFF40] =	vst v4  }
0xfd: {  	v2 =	vld [tilespmem:s7+$0x70];
	v4 =	vunpack.i.l.bf16.f32 v3;
	[tilespmem:s6+$0xFFFFFF50] =	vst v1  }
0xfe: {  	v1 =	vunpack.i.u.bf16.f32 v3;
	[tilespmem:s6+$0xFFFFFF80] =	vst v4  }
0xff: {  	v3 =	vld [tilespmem:s7+$0x0];
	v4 =	vunpack.i.l.bf16.f32 v5;
	[tilespmem:s6+$0xFFFFFF90] =	vst v1  }
0x100: {  	v1 =	vunpack.i.l.bf16.f32 v6;
	[tilespmem:s6+$0xFFFFFFC0] =	vst v4  }
0x101: {  	v6 =	vunpack.i.u.bf16.f32 v6;
	v4 =	vld [tilespmem:s7+$0x20];
	[tilespmem:s6+$0xFFFFFF00] =	vst v1  }
0x102: {  	[tilespmem:s6+$0xFFFFFF10] =	vst v6;
	v1 =	vunpack.i.u.bf16.f32 v2  }
0x103: {  	v5 =	vunpack.i.u.bf16.f32 v5;
	[tilespmem:s6+$0xF0] =	vst v1;
	v1 =	vld [tilespmem:s7+$0x40]  }
0x104: {  	[tilespmem:s6+$0xFFFFFFD0] =	vst v5;
	v6 =	vunpack.i.l.bf16.f32 v3  }
0x105: {  	v5 =	vld [tilespmem:s7+$0xFFFFFF90];
	v3 =	vunpack.i.u.bf16.f32 v3;
	[tilespmem:s6+$0x0] =	vst v6  }
0x106: {  	[tilespmem:s6+$0x10] =	vst v3;
	v6 =	vunpack.i.l.bf16.f32 v4  }
0x107: {  	v3 =	vld [tilespmem:s7+$0xFFFFFFB0];
	v4 =	vunpack.i.u.bf16.f32 v4;
	[tilespmem:s6+$0x40] =	vst v6  }
0x108: {  	[tilespmem:s6+$0x50] =	vst v4;
	v6 =	vunpack.i.l.bf16.f32 v1  }
0x109: {  	v4 =	vld [tilespmem:s7+$0xFFFFFFD0];
	v1 =	vunpack.i.u.bf16.f32 v1;
	[tilespmem:s6+$0x80] =	vst v6  }
0x10a: {  	v6 =	vunpack.i.l.bf16.f32 v5;
	[tilespmem:s6+$0x90] =	vst v1  }
0x10b: {  	v7 =	vld [tilespmem:s7+$0xFFFFFFF0];
	v1 =	vunpack.i.u.bf16.f32 v5;
	[tilespmem:s6+$0xFFFFFF20] =	vst v6  }
0x10c: {  	v8 =	vld [tilespmem:s7+$0x30];
	v5 =	vunpack.i.l.bf16.f32 v3;
	[tilespmem:s6+$0xFFFFFF30] =	vst v1  }
0x10d: {  	v6 =	vld [tilespmem:s7+$0x10];
	v1 =	vunpack.i.u.bf16.f32 v3;
	[tilespmem:s6+$0xFFFFFF60] =	vst v5  }
0x10e: {  	v3 =	vunpack.i.l.bf16.f32 v4;
	v5 =	vld [tilespmem:s7+$0x50];
	[tilespmem:s6+$0xFFFFFF70] =	vst v1  }
0x10f: {  	v1 =	vunpack.i.u.bf16.f32 v4;
	[tilespmem:s6+$0xFFFFFFA0] =	vst v3  }
0x110: {  	v3 =	vunpack.i.l.bf16.f32 v7;
	[tilespmem:s6+$0xFFFFFFB0] =	vst v1  }
0x111: {  	v4 =	vunpack.i.u.bf16.f32 v7;
	v1 =	vunpack.i.l.bf16.f32 v2;
	[tilespmem:s6+$0xFFFFFFE0] =	vst v3  }
0x112: {  	v2 =	vunpack.i.u.bf16.f32 v8;
	[tilespmem:s6+$0xFFFFFFF0] =	vst v4;
	v3 =	vunpack.i.u.bf16.f32 v6;
	v7 =	vunpack.i.l.bf16.f32 v6  }
0x113: {  	s8 =	simm.s32 $0x5080;
	s7 =	simm.s32 $0x0;
	v6 =	vunpack.i.l.bf16.f32 v8;
	v4 =	vunpack.i.u.bf16.f32 v5;
	v5 =	vunpack.i.l.bf16.f32 v5;
	[tilespmem:s6+$0x20] =	vst v7  }
.LBB2_9:
0x114: {  	v7 =	vld [tilespmem:s8+$0x60];
	[tilespmem:s6+$0x30] =	vst v3  }
0x115: {  	s7 =	sadd.s32 $0x8, s7;
	v3 =	vld [tilespmem:s8+$0xFFFFFFA0];
	[tilespmem:s6+$0x60] =	vst v6  }
0x116: {  	p0 =	slt.u32 s7, $0x78;
	v6 =	vld [tilespmem:s8+$0xFFFFFFC0];
	[tilespmem:s6+$0x70] =	vst v2  }
0x117: {  	v2 =	vld [tilespmem:s8+$0xFFFFFFE0];
	[tilespmem:s6+$0xA0] =	vst v5  }
0x118: {  	v5 =	vld [tilespmem:s8+$0x0];
	[tilespmem:s6+$0xB0] =	vst v4  }
0x119: {  	v4 =	vld [tilespmem:s8+$0x20];
	v8 =	vunpack.i.l.bf16.f32 v7;
	[tilespmem:s6+$0xE0] =	vst v1;
	s6 =	sadd.s32 $0x200, s6  }
0x11a: {  	v7 =	vunpack.i.u.bf16.f32 v7;
	v1 =	vunpack.i.u.bf16.f32 v3;
	v3 =	vunpack.i.l.bf16.f32 v3;
	v9 =	vld [tilespmem:s8+$0x40];
	[tilespmem:s6+$0xC0] =	vst v8  }
0x11b: {  	v8 =	vld [tilespmem:s8+$0xFFFFFF80];
	v10 =	vunpack.i.u.bf16.f32 v6;
	v6 =	vunpack.i.l.bf16.f32 v6;
	[tilespmem:s6+$0xD0] =	vst v7  }
0x11c: {  	[tilespmem:s6+$0xFFFFFF40] =	vst v3;
	v3 =	vunpack.i.u.bf16.f32 v2;
	v2 =	vunpack.i.l.bf16.f32 v2;
	v7 =	vld [tilespmem:s8+$0x70]  }
0x11d: {  	[tilespmem:s6+$0xFFFFFF50] =	vst v1;
	v11 =	vunpack.i.u.bf16.f32 v5;
	v5 =	vunpack.i.l.bf16.f32 v5  }
0x11e: {  	v12 =	vld [tilespmem:s8+$0xFFFFFFB0];
	[tilespmem:s6+$0xFFFFFF80] =	vst v6;
	v6 =	vunpack.i.u.bf16.f32 v4;
	v4 =	vunpack.i.l.bf16.f32 v4  }
0x11f: {  	[tilespmem:s6+$0xFFFFFF90] =	vst v10;
	v10 =	vunpack.i.u.bf16.f32 v9;
	v9 =	vunpack.i.l.bf16.f32 v9  }
0x120: {  	v13 =	vunpack.i.u.bf16.f32 v8;
	v1 =	vunpack.i.l.bf16.f32 v8;
	v8 =	vld [tilespmem:s8+$0xFFFFFFD0];
	[tilespmem:s6+$0xFFFFFFC0] =	vst v2  }
0x121: {  	[tilespmem:s6+$0xFFFFFF00] =	vst v1;
	v2 =	vunpack.i.u.bf16.f32 v7;
	v1 =	vunpack.i.l.bf16.f32 v7  }
0x122: {  	[tilespmem:s6+$0xF0] =	vst v2  }
0x123: {  	[tilespmem:s6+$0xFFFFFF10] =	vst v13;
	v2 =	vunpack.i.u.bf16.f32 v12;
	v7 =	vunpack.i.l.bf16.f32 v12  }
0x124: {  	v12 =	vld [tilespmem:s8+$0xFFFFFF90];
	[tilespmem:s6+$0xFFFFFFD0] =	vst v3  }
0x125: {  	v13 =	vunpack.i.u.bf16.f32 v8;
	v8 =	vunpack.i.l.bf16.f32 v8;
	v3 =	vld [tilespmem:s8+$0xFFFFFFF0];
	[tilespmem:s6+$0x0] =	vst v5  }
0x126: {  	[tilespmem:s6+$0x10] =	vst v11  }
0x127: {  	v5 =	vld [tilespmem:s8+$0x10];
	[tilespmem:s6+$0x40] =	vst v4  }
0x128: {  	[tilespmem:s6+$0x50] =	vst v6  }
0x129: {  	v4 =	vunpack.i.u.bf16.f32 v12;
	v6 =	vunpack.i.l.bf16.f32 v12;
	v11 =	vld [tilespmem:s8+$0x30];
	[tilespmem:s6+$0x80] =	vst v9  }
0x12a: {  	v9 =	vunpack.i.u.bf16.f32 v3;
	v12 =	vunpack.i.l.bf16.f32 v3;
	[tilespmem:s6+$0x90] =	vst v10  }
0x12b: {  	[tilespmem:s6+$0xFFFFFF20] =	vst v6;
	v10 =	vld [tilespmem:s8+$0x50]  }
0x12c: {  	[tilespmem:s6+$0xFFFFFF30] =	vst v4;
	v3 =	vunpack.i.u.bf16.f32 v5;
	v14 =	vunpack.i.l.bf16.f32 v5  }
0x12d: {  	[tilespmem:s6+$0xFFFFFF60] =	vst v7  }
0x12e: {  	[tilespmem:s6+$0xFFFFFF70] =	vst v2;
	v2 =	vunpack.i.u.bf16.f32 v11;
	v6 =	vunpack.i.l.bf16.f32 v11  }
.Ltmp3:
0x12f: {  	[tilespmem:s6+$0xFFFFFFA0] =	vst v8;
	(pc) =	sbr.rel @p0 .LBB2_9-.Ltmp3, $4  }
0x130: {  	[tilespmem:s6+$0xFFFFFFB0] =	vst v13;
	v4 =	vunpack.i.u.bf16.f32 v10;
	v5 =	vunpack.i.l.bf16.f32 v10  }
0x131: {  	[tilespmem:s6+$0xFFFFFFE0] =	vst v12  }
0x132: {  	[tilespmem:s6+$0xFFFFFFF0] =	vst v9  }
0x133: {  	s8 =	sadd.s32 $0x100, s8;
	[tilespmem:s6+$0x20] =	vst v14  }
0x134: {  	[tilespmem:s6+$0x30] =	vst v3  }
0x135: {  	[tilespmem:s6+$0x60] =	vst v6  }
0x136: {  	[tilespmem:s6+$0x70] =	vst v2  }
0x137: {  	[tilespmem:s6+$0xA0] =	vst v5;
	s1 =	sadd.s32 $0x1, s1  }
0x138: {  	[tilespmem:s6+$0xB0] =	vst v4;
	p0 =	sne.s32 s1, $0x27  }
.Ltmp4:
0x139: {  	[tilespmem:s6+$0xE0] =	vst v1;
	(pc) =	sbr.rel @p0 .LBB2_6-.Ltmp4, $4  }
0x13a: {  	_ =	swait.ge [sflag:s30], $0x2000  }
0x13b: {  	[sflag:s30] =	ssyncset.done $0x0  }
0x13c: {  	s5 =	sadd.s32 $0x280, s5;
	[sflag:s30] =	ssyncadd.s32 $0xFFFFE000  }
0x13d: {  	[spmem:s3] =	stream.indirect.scatter.add.f32 [tilespmem:s29], [sflag:$0x1], $0x40, s5, s26, $0xb8;
	[tilespmem:$0x1CB00] =	vst v63  }
0x13e: {  	_ =	swait.ge [sflag:s30], $0x2000  }
0x13f: {  	[sflag:s30] =	ssyncset.done $0x0  }
0x140: {  	[sflag:s30] =	ssyncadd.s32 $0xFFFFE000  }
0x141: {  	[bflag:$0x0] =	sbarrier.arrive $0xFFFF  }
0x142: {  	[tilespmem:s25], [sflag:$0x2] =	stream.linear.gather [spmem:s13], $0x2800, $0x38;
	[tilespmem:$0x1CB00] =	vst v63  }
0x143: {  	_ =	swait.ge [sflag:s24], $0x2800  }
0x144: {  	[sflag:s24] =	ssyncset.done $0x0  }
0x145: {  	s1 =	simm.s32 $0x9F20;
	[sflag:s24] =	ssyncadd.s32 $0xFFFFD800  }
0x146: {  	v1 =	vld [tilespmem:s1+$0xFFFFFFE0]  }
0x147: {  	v2 =	vld [tilespmem:s1+$0xFFFFFFF0];
	_ =	sdelay $0x4  }
0x148: {  	s6 =	simm.s32 $0x10;
	v1 =	vpack.i.f32.bf16 v2, v1  }
0x149: {  	[tilespmem:s6+$0xC6F0] =	vst v1  }
0x14a: {  	v1 =	vld [tilespmem:s1+$0x0]  }
0x14b: {  	s5 =	simm.s32 $0xC0;
	v2 =	vld [tilespmem:s1+$0x10]  }
.LBB2_12:
0x14c: {  	_ =	sdelay $0x2  }
0x14d: {  	p0 =	sne.s32 s5, $0x4FC0  }
0x14e: {  	s1 =	sadd.s32 $0x40, s1;
	s7 =	smov.u32 s5;
	s5 =	sadd.s32 $0x80, s5;
	v1 =	vpack.i.f32.bf16 v2, v1  }
0x14f: {  	[tilespmem:s6+$0xC700] =	vst v1  }
0x150: {  	v1 =	vld [tilespmem:s1+$0xFFFFFFE0]  }
0x151: {  	v2 =	vld [tilespmem:s1+$0xFFFFFFF0];
	_ =	sdelay $0x3  }
.Ltmp5:
0x152: {  	(pc) =	sbr.rel @p0 .LBB2_12-.Ltmp5, $4  }
0x153: {  	s6 =	sshra.s32 s7, $0x2;
	v1 =	vpack.i.f32.bf16 v2, v1  }
0x154: {  	[tilespmem:s6+$0xC6F0] =	vst v1  }
0x155: {  	v1 =	vld [tilespmem:s1+$0x0]  }
0x156: {  	v2 =	vld [tilespmem:s1+$0x10]  }
0x157: {  	_ =	sdelay $0x3  }
0x158: {  	v1 =	vpack.i.f32.bf16 v2, v1  }
0x159: {  	[tilespmem:s6+$0xC700] =	vst v1  }
0x15a: {  	[hbm4b:s18+s4] =	stream.linear.scatter [tilespmem:s23], [sflag:$0x2], $0x1400, $0x38;
	[tilespmem:$0x1CB00] =	vst v63  }
0x15b: {  	_ =	swait.ge [sflag:s24], $0x1400  }
0x15c: {  	[sflag:s24] =	ssyncset.done $0x0  }
0x15d: {  	[sflag:s24] =	ssyncadd.s32 $0xFFFFEC00  }
0x15e: {  	[tilespmem:s25], [sflag:$0x2] =	stream.linear.gather [spmem:s14], $0x2800, $0x38;
	[tilespmem:$0x1CB00] =	vst v63  }
0x15f: {  	_ =	swait.ge [sflag:s24], $0x2800  }
0x160: {  	[sflag:s24] =	ssyncset.done $0x0  }
0x161: {  	s1 =	simm.s32 $0x9F20;
	[sflag:s24] =	ssyncadd.s32 $0xFFFFD800  }
0x162: {  	v1 =	vld [tilespmem:s1+$0xFFFFFFE0]  }
0x163: {  	v2 =	vld [tilespmem:s1+$0xFFFFFFF0];
	_ =	sdelay $0x4  }
0x164: {  	s6 =	simm.s32 $0x10;
	v1 =	vpack.i.f32.bf16 v2, v1  }
0x165: {  	[tilespmem:s6+$0xC6F0] =	vst v1  }
0x166: {  	v1 =	vld [tilespmem:s1+$0x0]  }
0x167: {  	s5 =	simm.s32 $0xC0;
	v2 =	vld [tilespmem:s1+$0x10]  }
.LBB2_14:
0x168: {  	_ =	sdelay $0x2  }
0x169: {  	p0 =	sne.s32 s5, $0x4FC0  }
0x16a: {  	s1 =	sadd.s32 $0x40, s1;
	s7 =	smov.u32 s5;
	s5 =	sadd.s32 $0x80, s5;
	v1 =	vpack.i.f32.bf16 v2, v1  }
0x16b: {  	[tilespmem:s6+$0xC700] =	vst v1  }
0x16c: {  	v1 =	vld [tilespmem:s1+$0xFFFFFFE0]  }
0x16d: {  	v2 =	vld [tilespmem:s1+$0xFFFFFFF0];
	_ =	sdelay $0x3  }
.Ltmp6:
0x16e: {  	(pc) =	sbr.rel @p0 .LBB2_14-.Ltmp6, $4  }
0x16f: {  	s6 =	sshra.s32 s7, $0x2;
	v1 =	vpack.i.f32.bf16 v2, v1  }
0x170: {  	[tilespmem:s6+$0xC6F0] =	vst v1  }
0x171: {  	v1 =	vld [tilespmem:s1+$0x0]  }
0x172: {  	v2 =	vld [tilespmem:s1+$0x10]  }
0x173: {  	_ =	sdelay $0x3  }
0x174: {  	v1 =	vpack.i.f32.bf16 v2, v1  }
0x175: {  	[tilespmem:s6+$0xC700] =	vst v1  }
0x176: {  	[hbm4b:s19+s4] =	stream.linear.scatter [tilespmem:s23], [sflag:$0x2], $0x1400, $0x38;
	[tilespmem:$0x1CB00] =	vst v63  }
0x177: {  	_ =	swait.ge [sflag:s24], $0x1400  }
0x178: {  	[sflag:s24] =	ssyncset.done $0x0  }
0x179: {  	[sflag:s24] =	ssyncadd.s32 $0xFFFFEC00  }
0x17a: {  	[tilespmem:s25], [sflag:$0x2] =	stream.linear.gather [spmem:s15], $0x2800, $0x38;
	[tilespmem:$0x1CB00] =	vst v63  }
0x17b: {  	_ =	swait.ge [sflag:s24], $0x2800  }
0x17c: {  	[sflag:s24] =	ssyncset.done $0x0  }
0x17d: {  	s1 =	simm.s32 $0x9F20;
	[sflag:s24] =	ssyncadd.s32 $0xFFFFD800  }
0x17e: {  	v1 =	vld [tilespmem:s1+$0xFFFFFFE0]  }
0x17f: {  	v2 =	vld [tilespmem:s1+$0xFFFFFFF0];
	_ =	sdelay $0x4  }
0x180: {  	s6 =	simm.s32 $0x10;
	v1 =	vpack.i.f32.bf16 v2, v1  }
0x181: {  	[tilespmem:s6+$0xC6F0] =	vst v1  }
0x182: {  	v1 =	vld [tilespmem:s1+$0x0]  }
0x183: {  	s5 =	simm.s32 $0xC0;
	v2 =	vld [tilespmem:s1+$0x10]  }
.LBB2_16:
0x184: {  	_ =	sdelay $0x2  }
0x185: {  	p0 =	sne.s32 s5, $0x4FC0  }
0x186: {  	s1 =	sadd.s32 $0x40, s1;
	s7 =	smov.u32 s5;
	s5 =	sadd.s32 $0x80, s5;
	v1 =	vpack.i.f32.bf16 v2, v1  }
0x187: {  	[tilespmem:s6+$0xC700] =	vst v1  }
0x188: {  	v1 =	vld [tilespmem:s1+$0xFFFFFFE0]  }
0x189: {  	v2 =	vld [tilespmem:s1+$0xFFFFFFF0];
	_ =	sdelay $0x3  }
.Ltmp7:
0x18a: {  	(pc) =	sbr.rel @p0 .LBB2_16-.Ltmp7, $4  }
0x18b: {  	s6 =	sshra.s32 s7, $0x2;
	v1 =	vpack.i.f32.bf16 v2, v1  }
0x18c: {  	[tilespmem:s6+$0xC6F0] =	vst v1  }
0x18d: {  	v1 =	vld [tilespmem:s1+$0x0]  }
0x18e: {  	v2 =	vld [tilespmem:s1+$0x10]  }
0x18f: {  	_ =	sdelay $0x3  }
0x190: {  	v1 =	vpack.i.f32.bf16 v2, v1  }
0x191: {  	[tilespmem:s6+$0xC700] =	vst v1  }
0x192: {  	[hbm4b:s20+s4] =	stream.linear.scatter [tilespmem:s23], [sflag:$0x2], $0x1400, $0x38;
	[tilespmem:$0x1CB00] =	vst v63  }
0x193: {  	_ =	swait.ge [sflag:s24], $0x1400  }
0x194: {  	[sflag:s24] =	ssyncset.done $0x0  }
0x195: {  	[sflag:s24] =	ssyncadd.s32 $0xFFFFEC00  }
0x196: {  	[tilespmem:s25], [sflag:$0x2] =	stream.linear.gather [spmem:s16], $0x2800, $0x38;
	[tilespmem:$0x1CB00] =	vst v63  }
0x197: {  	_ =	swait.ge [sflag:s24], $0x2800  }
0x198: {  	[sflag:s24] =	ssyncset.done $0x0  }
0x199: {  	s1 =	simm.s32 $0x9F20;
	[sflag:s24] =	ssyncadd.s32 $0xFFFFD800  }
0x19a: {  	v1 =	vld [tilespmem:s1+$0xFFFFFFE0]  }
0x19b: {  	v2 =	vld [tilespmem:s1+$0xFFFFFFF0];
	_ =	sdelay $0x4  }
0x19c: {  	s6 =	simm.s32 $0x10;
	v1 =	vpack.i.f32.bf16 v2, v1  }
0x19d: {  	[tilespmem:s6+$0xC6F0] =	vst v1  }
0x19e: {  	v1 =	vld [tilespmem:s1+$0x0]  }
0x19f: {  	s5 =	simm.s32 $0xC0;
	v2 =	vld [tilespmem:s1+$0x10]  }
.LBB2_18:
0x1a0: {  	_ =	sdelay $0x2  }
0x1a1: {  	p0 =	sne.s32 s5, $0x4FC0  }
0x1a2: {  	s1 =	sadd.s32 $0x40, s1;
	s7 =	smov.u32 s5;
	s5 =	sadd.s32 $0x80, s5;
	v1 =	vpack.i.f32.bf16 v2, v1  }
0x1a3: {  	[tilespmem:s6+$0xC700] =	vst v1  }
0x1a4: {  	v1 =	vld [tilespmem:s1+$0xFFFFFFE0]  }
0x1a5: {  	v2 =	vld [tilespmem:s1+$0xFFFFFFF0];
	_ =	sdelay $0x3  }
.Ltmp8:
0x1a6: {  	(pc) =	sbr.rel @p0 .LBB2_18-.Ltmp8, $4  }
0x1a7: {  	s6 =	sshra.s32 s7, $0x2;
	v1 =	vpack.i.f32.bf16 v2, v1  }
0x1a8: {  	[tilespmem:s6+$0xC6F0] =	vst v1  }
0x1a9: {  	v1 =	vld [tilespmem:s1+$0x0]  }
0x1aa: {  	v2 =	vld [tilespmem:s1+$0x10]  }
0x1ab: {  	_ =	sdelay $0x2  }
0x1ac: {  	s0 =	sadd.s32 $0x1, s0  }
0x1ad: {  	p0 =	sne.s32 s0, s22;
	v1 =	vpack.i.f32.bf16 v2, v1  }
.Ltmp9:
0x1ae: {  	[tilespmem:s6+$0xC700] =	vst v1;
	(pc) =	sbr.rel @p0 .LBB2_1-.Ltmp9, $4  }
0x1af: {  	[hbm4b:s21+s4] =	stream.linear.scatter [tilespmem:s23], [sflag:$0x2], $0x1400, $0x38;
	[tilespmem:$0x1CB00] =	vst v63  }
0x1b0: {  	_ =	swait.ge [sflag:s24], $0x1400  }
0x1b1: {  	[sflag:s24] =	ssyncset.done $0x0  }
0x1b2: {  	[sflag:s24] =	ssyncadd.s32 $0xFFFFEC00  }
0x1b3: {  	_ =	sfence.sel $0x180000  }
0x1b4: {  	[bflag:$0x0] =	sbarrier.arrive $0xFFFF  }
0x1b5: {  	_ =	strace $0x90000050  }
0x1b6: {  	s0 =	stileid.u32;
	[bflag:$0x2] =	sbarrier.arrive $0xFFFF  }
0x1b7: {  	p0 =	sne.s32 s0, $0x0;
	s0 =	rddreg [dreg:$0x3]  }
0x1b8: {  	s0 =	sadd.s32 @!p0 $0x100000, s0  }
0x1b9: {  	[sflag:s0] =	ssyncadd.tile.s32 @!p0 $0x1;
	_ =	shalt  }
.Lfunc_end2:
_tile_overlayer_lowered:
.L_overlay_start_2:
0x1ba: {  	(tag) =	ssettag $0x2  }
0x1bb: {  	s0 =	rddreg [dreg:$0x0];
	s2 =	stileid.u32  }
0x1bc: {  	s1 =	rddreg [dreg:$0x1];
	p0 =	sne.s32 s2, $0x0  }
0x1bd: {  	s3 =	rddreg [dreg:$0x2];
	[bflag:$0x3] =	sbarrier.arrive $0xFFFF;
	s2 =	simm.s32 @!p0 $0x1C02  }
0x1be: {  	[timem:s3], [sflag:s2] =	dma.local @!p0 [hbm:s0], s1  }
0x1bf: {  	s0 =	simm.s32 @!p0 $0x2  }
0x1c0: {  	_ =	swait.ge @!p0 [sflag:s0], s1  }
0x1c1: {  	s1 =	ssub.s32 @!p0 $0x0, s1;
	[sflag:s0] =	ssyncset.done @!p0 $0x0  }
0x1c2: {  	[sflag:s0] =	ssyncadd.s32 @!p0 s1  }
0x1c3: {  	[bflag:$0x3] =	sbarrier.arrive $0xFFFF  }
0x1c4: {  	_ =	shalt  }

</sc_bundles>
